<compile_context>
chip_gen: v7x
topology: tpu7x:2x2x1
jax: 0.10.2.dev20260603
libtpu: 0.0.44.dev20260713+nightly
codegen_flags: <defaults>
</compile_context>

<pallas_src>
import functools
import jax
import jax.numpy as jnp
from jax import lax
from jax.experimental import pallas as pl
from jax.experimental.pallas import tpu as pltpu
from jax.experimental.pallas import tpu_sc as plsc

_ALPHA = 0.75
_GAMMA = 2.0
_DICE_WEIGHT = 0.5
_SMOOTH = 1e-06

_ROWS = 4096
_COLS = 1024
_N = _ROWS * _COLS
_K = _N // 4
_NCHUNK = 16

_NW = 32
_PER_W = _N // _NW
_SCROWS = 32
_SCCHUNK = _SCROWS * 512
_NSCCHUNK = _PER_W // _SCCHUNK
_L = 16

_HI_BINS = 1 << 16
_LO_BINS = 1 << 15


def _focal_kernel(pred_ref, target_ref, bits_ref, dice_ref):
    i = pl.program_id(0)
    p = pred_ref[...]
    t = target_ref[...]
    bce = jnp.maximum(p, 0.0) - p * t + jnp.log1p(jnp.exp(-jnp.abs(p)))
    prob = jax.nn.sigmoid(p)
    om = jnp.where(t > 0.5, 1.0 - prob, prob)
    alpha_t = t * _ALPHA + (1.0 - t) * (1.0 - _ALPHA)
    focal = alpha_t * (om * om) * bce
    bits_ref[...] = lax.bitcast_convert_type(focal, jnp.int32)

    s_prob = jnp.sum(prob)
    s_tgt = jnp.sum(t)
    s_int = jnp.sum(prob * t)

    @pl.when(i == 0)
    def _():
        dice_ref[0] = s_prob
        dice_ref[1] = s_tgt
        dice_ref[2] = s_int

    @pl.when(i > 0)
    def _():
        dice_ref[0] += s_prob
        dice_ref[1] += s_tgt
        dice_ref[2] += s_int


def _tc_focal(pred4, target4):
    return pl.pallas_call(
        _focal_kernel,
        grid=(_NCHUNK,),
        in_specs=[
            pl.BlockSpec((16 // _NCHUNK, 1, 512, 512), lambda i: (i, 0, 0, 0)),
            pl.BlockSpec((16 // _NCHUNK, 1, 512, 512), lambda i: (i, 0, 0, 0)),
        ],
        out_specs=[
            pl.BlockSpec((16 // _NCHUNK, 1, 512, 512), lambda i: (i, 0, 0, 0)),
            pl.BlockSpec(memory_space=pltpu.SMEM),
        ],
        out_shape=[
            jax.ShapeDtypeStruct((16, 1, 512, 512), jnp.int32),
            jax.ShapeDtypeStruct((3,), jnp.float32),
        ],
    )(pred4, target4)


def _sc_mesh():
    return plsc.VectorSubcoreMesh(core_axis_name="c", subcore_axis_name="s")


_SC_PARAMS = pltpu.CompilerParams(needs_layout_passes=False)


def _chunk_src(bits_hbm, wid, c):
    img = wid // 2
    r0 = (wid % 2) * 256 + c * _SCROWS
    return bits_hbm.at[img, 0, pl.ds(r0, _SCROWS), :]


def _sc_hist_a(bits4):

    @functools.partial(
        pl.kernel,
        mesh=_sc_mesh(),
        compiler_params=_SC_PARAMS,
        out_type=jax.ShapeDtypeStruct((_NW, _HI_BINS), jnp.int32),
        scratch_types=[
            pltpu.VMEM((_SCROWS, 512), jnp.int32),
            pltpu.VMEM((_SCROWS, 512), jnp.int32),
            pltpu.VMEM((_HI_BINS,), jnp.int32),
            pltpu.SemaphoreType.DMA((2,)),
        ],
    )
    def k(bits_hbm, hist_hbm, buf0, buf1, hist, sem):
        wid = lax.axis_index("s") * 2 + lax.axis_index("c")
        zeros = jnp.zeros((_L,), jnp.int32)
        ones = jnp.ones((_L,), jnp.int32)
        bufs = [buf0, buf1]

        copies = [None, None]
        copies[0] = pltpu.async_copy(_chunk_src(bits_hbm, wid, 0), buf0,
                                     sem.at[0])

        @plsc.parallel_loop(0, _HI_BINS, step=_L, unroll=8)
        def _(i):
            hist[pl.ds(i, _L)] = zeros

        for c in range(_NSCCHUNK):
            b = c % 2
            if c + 1 < _NSCCHUNK:
                nb = (c + 1) % 2
                copies[nb] = pltpu.async_copy(
                    _chunk_src(bits_hbm, wid, c + 1), bufs[nb], sem.at[nb])
            copies[b].wait()
            cur = bufs[b]

            @plsc.parallel_loop(0, _SCCHUNK, step=_L, unroll=16)
            def _(i):
                v = cur[i >> 9, pl.ds(i & 511, _L)]
                idx = lax.shift_right_logical(v, 15)
                plsc.addupdate_scatter(hist, [idx], ones)

        pltpu.sync_copy(hist, hist_hbm.at[wid])

    return k(bits4)


def _tc_select_bin(histA):

    def k(h_ref, out_ref):
        h = jnp.sum(h_ref[...], axis=0).reshape(512, 128)
        r_iota = lax.broadcasted_iota(jnp.int32, (512, 128), 0)
        c_iota = lax.broadcasted_iota(jnp.int32, (512, 128), 1)
        bin_idx = r_iota * 128 + c_iota

        def cnt_ge(m):
            return jnp.sum(jnp.where(bin_idx >= m, h, 0))

        def body(_, carry):
            lo, hi = carry
            mid = lo + (hi - lo + 1) // 2
            big = cnt_ge(mid) >= _K
            return jnp.where(big, mid, lo), jnp.where(big, hi, mid - 1)

        B, _ = lax.fori_loop(0, 17, body, (jnp.int32(0), jnp.int32(_HI_BINS - 1)))
        out_ref[0] = B
        out_ref[1] = cnt_ge(B + 1)

    return pl.pallas_call(
        k,
        out_specs=pl.BlockSpec(memory_space=pltpu.SMEM),
        out_shape=jax.ShapeDtypeStruct((2,), jnp.int32),
    )(histA)


def _sc_hist_b(bits3, b_vec):

    @functools.partial(
        pl.kernel,
        mesh=_sc_mesh(),
        compiler_params=_SC_PARAMS,
        out_type=[
            jax.ShapeDtypeStruct((_NW, _LO_BINS), jnp.int32),
            jax.ShapeDtypeStruct((_NW, _L), jnp.float32),
        ],
        scratch_types=[
            pltpu.VMEM((_SCROWS, 512), jnp.int32),
            pltpu.VMEM((_SCROWS, 512), jnp.int32),
            pltpu.VMEM((_LO_BINS,), jnp.int32),
            pltpu.VMEM((_L,), jnp.int32),
            pltpu.VMEM((_L,), jnp.float32),
            pltpu.SemaphoreType.DMA((2,)),
        ],
    )
    def k(bits_hbm, b_hbm, hist_hbm, sum_hbm, buf0, buf1, hist, bbuf, acc, sem):
        wid = lax.axis_index("s") * 2 + lax.axis_index("c")
        zeros = jnp.zeros((_L,), jnp.int32)
        ones = jnp.ones((_L,), jnp.int32)
        fz = jnp.zeros((_L,), jnp.float32)
        bufs = [buf0, buf1]

        copies = [None, None]
        copies[0] = pltpu.async_copy(_chunk_src(bits_hbm, wid, 0), buf0,
                                     sem.at[0])

        pltpu.sync_copy(b_hbm, bbuf)
        bv = bbuf[...]

        @plsc.parallel_loop(0, _LO_BINS, step=_L, unroll=8)
        def _(i):
            hist[pl.ds(i, _L)] = zeros

        total = fz
        for c in range(_NSCCHUNK):
            b = c % 2
            if c + 1 < _NSCCHUNK:
                nb = (c + 1) % 2
                copies[nb] = pltpu.async_copy(
                    _chunk_src(bits_hbm, wid, c + 1), bufs[nb], sem.at[nb])
            copies[b].wait()
            cur = bufs[b]

            @plsc.parallel_loop(0, _SCCHUNK, step=_L, unroll=16, carry=fz)
            def sub(i, s):
                v = cur[i >> 9, pl.ds(i & 511, _L)]
                top = lax.shift_right_logical(v, 15)
                low = v & 0x7FFF
                m_b = top == bv
                plsc.addupdate_scatter(hist, [low], ones, mask=m_b)
                m_a = top > bv
                f = plsc.bitcast(v, jnp.float32)
                return s + jnp.where(m_a, f, fz)

            total = total + sub

        pltpu.sync_copy(hist, hist_hbm.at[wid])
        acc[...] = total
        pltpu.sync_copy(acc, sum_hbm.at[wid])

    return k(bits3, b_vec)


def _tc_final(histB, sums, sel, dice):

    def k(h_ref, s_ref, sel_ref, dice_ref, out_ref):
        B = sel_ref[0]
        count_above = sel_ref[1]
        r = _K - count_above

        h = jnp.sum(h_ref[...], axis=0).reshape(256, 128)
        r_iota = lax.broadcasted_iota(jnp.int32, (256, 128), 0)
        c_iota = lax.broadcasted_iota(jnp.int32, (256, 128), 1)
        j_idx = r_iota * 128 + c_iota

        def cnt_ge(m):
            return jnp.sum(jnp.where(j_idx >= m, h, 0))

        def body(_, carry):
            lo, hi = carry
            mid = lo + (hi - lo + 1) // 2
            big = cnt_ge(mid) >= r
            return jnp.where(big, mid, lo), jnp.where(big, hi, mid - 1)

        jstar, _ = lax.fori_loop(0, 16, body,
                                 (jnp.int32(0), jnp.int32(_LO_BINS - 1)))
        cnt_gt_in_b = cnt_ge(jstar + 1)

        vals = lax.bitcast_convert_type(B * _LO_BINS + j_idx, jnp.float32)
        sum_gt_in_b = jnp.sum(
            jnp.where(j_idx > jstar, vals * h.astype(jnp.float32), 0.0))
        t_val = lax.bitcast_convert_type(B * _LO_BINS + jstar, jnp.float32)

        sum_above = jnp.sum(s_ref[...])
        n_t = (_K - count_above - cnt_gt_in_b).astype(jnp.float32)
        focal_loss = (sum_above + sum_gt_in_b + t_val * n_t) / _K

        dice_loss = 1.0 - (2.0 * dice_ref[2] + _SMOOTH) / (
            dice_ref[0] + dice_ref[1] + _SMOOTH)
        out_ref[0] = _DICE_WEIGHT * dice_loss + (1.0 - _DICE_WEIGHT) * focal_loss

    return pl.pallas_call(
        k,
        in_specs=[
            pl.BlockSpec((_NW, _LO_BINS), lambda: (0, 0)),
            pl.BlockSpec((_NW, _L), lambda: (0, 0)),
            pl.BlockSpec(memory_space=pltpu.SMEM),
            pl.BlockSpec(memory_space=pltpu.SMEM),
        ],
        out_specs=pl.BlockSpec(memory_space=pltpu.SMEM),
        out_shape=jax.ShapeDtypeStruct((1,), jnp.float32),
    )(histB, sums, sel, dice)


def kernel(pred, target):
    bits, dice = _tc_focal(pred, target)
    histA = _sc_hist_a(bits)
    sel = _tc_select_bin(histA)
    b_vec = jnp.broadcast_to(sel[0:1], (_L,))
    histB, sums = _sc_hist_b(bits, b_vec)
    return _tc_final(histB, sums, sel, dice)[0]

# --- scband reference (transcript-rebuilt; emitter-appended) ---
"""Pipeline reference for scband-ohemfocal-dice-loss-45320494907952 (READ-ONLY COPY).

The authoritative reference and input builder live on the scoring server;
editing this copy changes nothing except your own understanding.
"""

import jax, jax.numpy as jnp
import numpy as np

ALPHA = 0.75
GAMMA = 2.0
DICE_WEIGHT = 0.5
OHEM_RATIO = 0.25
SMOOTH = 1e-06


def setup_inputs(seed: int = 0) -> dict:
    key = jax.random.key(seed)
    k1, k2 = jax.random.split(key)
    pred = jax.random.normal(k1, (16, 1, 512, 512), dtype=jnp.float32)
    target = jax.random.randint(k2, (16, 1, 512, 512), 0, 2).astype(jnp.float32)
    return {"pred": pred, "target": target}


def reference(pred, target):
    # binary_cross_entropy_with_logits, reduction='none' (numerically stable form)
    bce = jnp.maximum(pred, 0.0) - pred * target + jnp.log1p(jnp.exp(-jnp.abs(pred)))
    pt = jnp.exp(-bce)
    alpha_t = target * ALPHA + (1.0 - target) * (1.0 - ALPHA)
    focal_loss_map = alpha_t * (1.0 - pt) ** GAMMA * bce
    num_pixels = focal_loss_map.size
    num_hard = max(int(num_pixels * OHEM_RATIO), 1)
    focal_loss_flat = focal_loss_map.reshape(-1)
    hard_losses, _ = jax.lax.top_k(focal_loss_flat, num_hard)
    focal_loss = jnp.mean(hard_losses)
    pred_prob = jax.nn.sigmoid(pred)
    pred_flat = pred_prob.reshape(-1)
    target_flat = target.reshape(-1)
    intersection = jnp.sum(pred_flat * target_flat)
    dice_loss = 1.0 - (2.0 * intersection + SMOOTH) / (jnp.sum(pred_flat) + jnp.sum(target_flat) + SMOOTH)
    total_loss = DICE_WEIGHT * dice_loss + (1.0 - DICE_WEIGHT) * focal_loss
    return total_loss

if __name__ == "__main__":
    import jax
    _d = setup_inputs()
    print(jax.jit(kernel)(*tuple(_d.values())))

</pallas_src>

<mosaic_0001>
#map = affine_map<(d0, d1) -> (0, 0, 0, 0)>
#map1 = affine_map<(d0, d1) -> (0)>
#map2 = affine_map<(d0, d1) -> (0, 0)>
module attributes {stable_mosaic.version = 14 : i64} {
  func.func @k(%arg0: i32, %arg1: i32, %arg2: memref<16x1x512x512xi32, #tpu.memory_space<hbm>>, %arg3: memref<16xi32, #tpu.memory_space<hbm>>, %arg4: memref<32x32768xi32, #tpu.memory_space<hbm>>, %arg5: memref<32x16xf32, #tpu.memory_space<hbm>>, %arg6: memref<32x512xi32, #tpu.memory_space<vmem>>, %arg7: memref<32x512xi32, #tpu.memory_space<vmem>>, %arg8: memref<32768xi32, #tpu.memory_space<vmem>>, %arg9: memref<16xi32, #tpu.memory_space<vmem>>, %arg10: memref<16xf32, #tpu.memory_space<vmem>>, %arg11: memref<2x!tpu.dma_semaphore, #tpu.memory_space<semaphore_mem>>) attributes {dimension_semantics = [#tpu.dimension_semantics<core_parallel>, #tpu.dimension_semantics<subcore_parallel>], iteration_bounds = array<i64: 2, 16>, scalar_prefetch = 0 : i64, scratch_operands = 6 : i64, tpu.core_type = #tpu.core_type<sc_vector_subcore>, window_params = [{transform_indices = #map}, {transform_indices = #map1}, {transform_indices = #map2}, {transform_indices = #map2}]} {
    %mul3A = arith.constant 2 : i32
    %mul3A_0 = arith.muli %arg1, %mul3A : i32
    %add3A = arith.addi %mul3A_0, %arg0 : i32
    %broadcast_in_dim3A = arith.constant 0 : i32
    %broadcast_in_dim3A_1 = vector.broadcast %broadcast_in_dim3A : i32 to vector<16xi32>
    %broadcast_in_dim3A_2 = arith.constant 1 : i32
    %broadcast_in_dim3A_3 = vector.broadcast %broadcast_in_dim3A_2 : i32 to vector<16xi32>
    %broadcast_in_dim3A_4 = arith.constant 0.000000e+00 : f32
    %broadcast_in_dim3A_5 = vector.broadcast %broadcast_in_dim3A_4 : f32 to vector<16xf32>
    %jit3A = arith.constant 2 : i32
    %div3A = arith.divsi %add3A, %jit3A : i32
    %sign3A = arith.constant 0 : i32
    %sign3A_6 = arith.cmpi sgt, %add3A, %sign3A : i32
    %sign3A_7 = arith.extui %sign3A_6 : i1 to i32
    %sign3A_8 = arith.constant 0 : i32
    %sign3A_9 = arith.cmpi slt, %add3A, %sign3A_8 : i32
    %sign3A_10 = arith.extui %sign3A_9 : i1 to i32
    %sign3A_11 = arith.subi %sign3A_7, %sign3A_10 : i32
    %sign3A_12 = arith.constant 0 : i32
    %sign3A_13 = arith.cmpi sgt, %jit3A, %sign3A_12 : i32
    %sign3A_14 = arith.extui %sign3A_13 : i1 to i32
    %sign3A_15 = arith.constant 0 : i32
    %sign3A_16 = arith.cmpi slt, %jit3A, %sign3A_15 : i32
    %sign3A_17 = arith.extui %sign3A_16 : i1 to i32
    %sign3A_18 = arith.subi %sign3A_14, %sign3A_17 : i32
    %ne3A = arith.cmpi ne, %sign3A_11, %sign3A_18 : i32
    %rem3A = arith.remsi %add3A, %jit3A : i32
    %ne3A_19 = arith.constant 0 : i32
    %ne3A_20 = arith.cmpi ne, %rem3A, %ne3A_19 : i32
    %and3A = arith.andi %ne3A, %ne3A_20 : i1
    %sub3A = arith.constant 1 : i32
    %sub3A_21 = arith.subi %div3A, %sub3A : i32
    %select_n3A = arith.select %and3A, %sub3A_21, %div3A : i32
    %jit3A_22 = arith.constant 2 : i32
    %eq3A = arith.constant 0 : i32
    %eq3A_23 = arith.cmpi eq, %jit3A_22, %eq3A : i32
    %jit3A_24 = arith.constant 1 : i32
    %select_n3A_25 = arith.select %eq3A_23, %jit3A_24, %jit3A_22 : i32
    %rem3A_26 = arith.remsi %add3A, %select_n3A_25 : i32
    %ne3A_27 = arith.constant 0 : i32
    %ne3A_28 = arith.cmpi ne, %rem3A_26, %ne3A_27 : i32
    %lt3A = arith.constant 0 : i32
    %lt3A_29 = arith.cmpi slt, %rem3A_26, %lt3A : i32
    %lt3A_30 = arith.constant 0 : i32
    %lt3A_31 = arith.cmpi slt, %select_n3A_25, %lt3A_30 : i32
    %ne3A_32 = arith.xori %lt3A_29, %lt3A_31 : i1
    %and3A_33 = arith.andi %ne3A_32, %ne3A_28 : i1
    %add3A_34 = arith.addi %rem3A_26, %select_n3A_25 : i32
    %select_n3A_35 = arith.select %and3A_33, %add3A_34, %rem3A_26 : i32
    %mul3A_36 = arith.constant 256 : i32
    %mul3A_37 = arith.muli %select_n3A_35, %mul3A_36 : i32
    %add3A_38 = arith.constant 0 : i32
    %add3A_39 = arith.addi %mul3A_37, %add3A_38 : i32
    %dma_start3A = arith.constant 0 : i32
    %dma_start3A_40 = arith.constant 0 : i32
    %dma_start3A_41 = arith.constant 0 : i32
    %dma_start3A_42 = tpu.memref_slice %arg2[%select_n3A, %dma_start3A, %add3A_39, %dma_start3A_41] : memref<16x1x512x512xi32, #tpu.memory_space<hbm>> -> memref<1x1x32x512xi32, #tpu.memory_space<hbm>>
    %dma_start3A_43 = tpu.memref_squeeze %dma_start3A_42 : memref<1x1x32x512xi32, #tpu.memory_space<hbm>> -> memref<32x512xi32, #tpu.memory_space<hbm>>
    %dma_start3A_44 = tpu.memref_slice %arg11[%dma_start3A_40] : memref<2x!tpu.dma_semaphore, #tpu.memory_space<semaphore_mem>> -> memref<1x!tpu.dma_semaphore, #tpu.memory_space<semaphore_mem>>
    %dma_start3A_45 = tpu.memref_squeeze %dma_start3A_44 : memref<1x!tpu.dma_semaphore, #tpu.memory_space<semaphore_mem>> -> memref<!tpu.dma_semaphore, #tpu.memory_space<semaphore_mem>>
    %dma_start3A_46 = arith.constant 0 : i32
    %dma_start3A_47 = tpu.memref_slice %arg2[%select_n3A, %dma_start3A, %add3A_39, %dma_start3A_46] : memref<16x1x512x512xi32, #tpu.memory_space<hbm>> -> memref<1x1x32x512xi32, #tpu.memory_space<hbm>>
    %dma_start3A_48 = tpu.memref_squeeze %dma_start3A_47 : memref<1x1x32x512xi32, #tpu.memory_space<hbm>> -> memref<32x512xi32, #tpu.memory_space<hbm>>
    tpu.enqueue_dma source(%dma_start3A_48 : memref<32x512xi32, #tpu.memory_space<hbm>>) target(%arg6 : memref<32x512xi32, #tpu.memory_space<vmem>>) target_semaphore(%dma_start3A_45 : memref<!tpu.dma_semaphore, #tpu.memory_space<semaphore_mem>>)
    "tpu.region"() ({
      %run_scoped3A = tpu.sem_alloc : memref<!tpu.dma_semaphore, #tpu.memory_space<semaphore_mem>>
      tpu.enqueue_dma source(%arg3 : memref<16xi32, #tpu.memory_space<hbm>>) target(%arg9 : memref<16xi32, #tpu.memory_space<vmem>>) target_semaphore(%run_scoped3A : memref<!tpu.dma_semaphore, #tpu.memory_space<semaphore_mem>>)
      tpu.wait_dma2 semaphore(%run_scoped3A : memref<!tpu.dma_semaphore, #tpu.memory_space<semaphore_mem>>) src(%arg3 : memref<16xi32, #tpu.memory_space<hbm>>) dst(%arg9 : memref<16xi32, #tpu.memory_space<vmem>>)
      tpu.yield
    }) : () -> ()
    %get3A = arith.constant 0 : index
    %get3A_49 = tpu.vector_load %arg9[%get3A] {strides = array<i32>} : memref<16xi32, #tpu.memory_space<vmem>>, vector<16xi32>,
    %parallel_loop3A = arith.constant 0 : i32
    %parallel_loop3A_50 = arith.constant 32768 : i32
    %parallel_loop3A_51 = arith.constant 16 : i32
    scf.for %parallel_loop3A_550 = %parallel_loop3A to %parallel_loop3A_50 step %parallel_loop3A_51  : i32 {
      %parallel_loop3A_551 = arith.index_cast %parallel_loop3A_550 : i32 to index
      %parallel_loop3A_552 = tpu.vector_load %arg8[%parallel_loop3A_551] {strides = array<i32>} : memref<32768xi32, #tpu.memory_space<vmem>>, vector<16xi32>,
      tpu.vector_store %arg8[%parallel_loop3A_551], %broadcast_in_dim3A_1 {strides = array<i32>} : memref<32768xi32, #tpu.memory_space<vmem>>, vector<16xi32>,
    } {sc.loop_unroll_factor = 8 : i64, sc.parallel_access}
    %jit3A_52 = arith.constant 2 : i32
    %div3A_53 = arith.divsi %add3A, %jit3A_52 : i32
    %sign3A_54 = arith.constant 0 : i32
    %sign3A_55 = arith.cmpi sgt, %add3A, %sign3A_54 : i32
    %sign3A_56 = arith.extui %sign3A_55 : i1 to i32
    %sign3A_57 = arith.constant 0 : i32
    %sign3A_58 = arith.cmpi slt, %add3A, %sign3A_57 : i32
    %sign3A_59 = arith.extui %sign3A_58 : i1 to i32
    %sign3A_60 = arith.subi %sign3A_56, %sign3A_59 : i32
    %sign3A_61 = arith.constant 0 : i32
    %sign3A_62 = arith.cmpi sgt, %jit3A_52, %sign3A_61 : i32
    %sign3A_63 = arith.extui %sign3A_62 : i1 to i32
    %sign3A_64 = arith.constant 0 : i32
    %sign3A_65 = arith.cmpi slt, %jit3A_52, %sign3A_64 : i32
    %sign3A_66 = arith.extui %sign3A_65 : i1 to i32
    %sign3A_67 = arith.subi %sign3A_63, %sign3A_66 : i32
    %ne3A_68 = arith.cmpi ne, %sign3A_60, %sign3A_67 : i32
    %rem3A_69 = arith.remsi %add3A, %jit3A_52 : i32
    %ne3A_70 = arith.constant 0 : i32
    %ne3A_71 = arith.cmpi ne, %rem3A_69, %ne3A_70 : i32
    %and3A_72 = arith.andi %ne3A_68, %ne3A_71 : i1
    %sub3A_73 = arith.constant 1 : i32
    %sub3A_74 = arith.subi %div3A_53, %sub3A_73 : i32
    %select_n3A_75 = arith.select %and3A_72, %sub3A_74, %div3A_53 : i32
    %jit3A_76 = arith.constant 2 : i32
    %eq3A_77 = arith.constant 0 : i32
    %eq3A_78 = arith.cmpi eq, %jit3A_76, %eq3A_77 : i32
    %jit3A_79 = arith.constant 1 : i32
    %select_n3A_80 = arith.select %eq3A_78, %jit3A_79, %jit3A_76 : i32
    %rem3A_81 = arith.remsi %add3A, %select_n3A_80 : i32
    %ne3A_82 = arith.constant 0 : i32
    %ne3A_83 = arith.cmpi ne, %rem3A_81, %ne3A_82 : i32
    %lt3A_84 = arith.constant 0 : i32
    %lt3A_85 = arith.cmpi slt, %rem3A_81, %lt3A_84 : i32
    %lt3A_86 = arith.constant 0 : i32
    %lt3A_87 = arith.cmpi slt, %select_n3A_80, %lt3A_86 : i32
    %ne3A_88 = arith.xori %lt3A_85, %lt3A_87 : i1
    %and3A_89 = arith.andi %ne3A_88, %ne3A_83 : i1
    %add3A_90 = arith.addi %rem3A_81, %select_n3A_80 : i32
    %select_n3A_91 = arith.select %and3A_89, %add3A_90, %rem3A_81 : i32
    %mul3A_92 = arith.constant 256 : i32
    %mul3A_93 = arith.muli %select_n3A_91, %mul3A_92 : i32
    %add3A_94 = arith.constant 32 : i32
    %add3A_95 = arith.addi %mul3A_93, %add3A_94 : i32
    %dma_start3A_96 = arith.constant 0 : i32
    %dma_start3A_97 = arith.constant 1 : i32
    %dma_start3A_98 = arith.constant 0 : i32
    %dma_start3A_99 = tpu.memref_slice %arg2[%select_n3A_75, %dma_start3A_96, %add3A_95, %dma_start3A_98] : memref<16x1x512x512xi32, #tpu.memory_space<hbm>> -> memref<1x1x32x512xi32, #tpu.memory_space<hbm>>
    %dma_start3A_100 = tpu.memref_squeeze %dma_start3A_99 : memref<1x1x32x512xi32, #tpu.memory_space<hbm>> -> memref<32x512xi32, #tpu.memory_space<hbm>>
    %dma_start3A_101 = tpu.memref_slice %arg11[%dma_start3A_97] : memref<2x!tpu.dma_semaphore, #tpu.memory_space<semaphore_mem>> -> memref<1x!tpu.dma_semaphore, #tpu.memory_space<semaphore_mem>>
    %dma_start3A_102 = tpu.memref_squeeze %dma_start3A_101 : memref<1x!tpu.dma_semaphore, #tpu.memory_space<semaphore_mem>> -> memref<!tpu.dma_semaphore, #tpu.memory_space<semaphore_mem>>
    %dma_start3A_103 = arith.constant 0 : i32
    %dma_start3A_104 = tpu.memref_slice %arg2[%select_n3A_75, %dma_start3A_96, %add3A_95, %dma_start3A_103] : memref<16x1x512x512xi32, #tpu.memory_space<hbm>> -> memref<1x1x32x512xi32, #tpu.memory_space<hbm>>
    %dma_start3A_105 = tpu.memref_squeeze %dma_start3A_104 : memref<1x1x32x512xi32, #tpu.memory_space<hbm>> -> memref<32x512xi32, #tpu.memory_space<hbm>>
    tpu.enqueue_dma source(%dma_start3A_105 : memref<32x512xi32, #tpu.memory_space<hbm>>) target(%arg7 : memref<32x512xi32, #tpu.memory_space<vmem>>) target_semaphore(%dma_start3A_102 : memref<!tpu.dma_semaphore, #tpu.memory_space<semaphore_mem>>)
    %dma_wait3A = arith.constant 0 : i32
    %dma_wait3A_106 = arith.constant 0 : i32
    %dma_wait3A_107 = arith.constant 0 : i32
    %dma_wait3A_108 = tpu.memref_slice %arg2[%select_n3A, %dma_wait3A, %add3A_39, %dma_wait3A_107] : memref<16x1x512x512xi32, #tpu.memory_space<hbm>> -> memref<1x1x32x512xi32, #tpu.memory_space<hbm>>
    %dma_wait3A_109 = tpu.memref_squeeze %dma_wait3A_108 : memref<1x1x32x512xi32, #tpu.memory_space<hbm>> -> memref<32x512xi32, #tpu.memory_space<hbm>>
    %dma_wait3A_110 = tpu.memref_slice %arg11[%dma_wait3A_106] : memref<2x!tpu.dma_semaphore, #tpu.memory_space<semaphore_mem>> -> memref<1x!tpu.dma_semaphore, #tpu.memory_space<semaphore_mem>>
    %dma_wait3A_111 = tpu.memref_squeeze %dma_wait3A_110 : memref<1x!tpu.dma_semaphore, #tpu.memory_space<semaphore_mem>> -> memref<!tpu.dma_semaphore, #tpu.memory_space<semaphore_mem>>
    %dma_wait3A_112 = arith.constant 0 : i32
    %dma_wait3A_113 = tpu.memref_slice %arg2[%select_n3A, %dma_wait3A, %add3A_39, %dma_wait3A_112] : memref<16x1x512x512xi32, #tpu.memory_space<hbm>> -> memref<1x1x32x512xi32, #tpu.memory_space<hbm>>
    %dma_wait3A_114 = tpu.memref_squeeze %dma_wait3A_113 : memref<1x1x32x512xi32, #tpu.memory_space<hbm>> -> memref<32x512xi32, #tpu.memory_space<hbm>>
    tpu.wait_dma2 semaphore(%dma_wait3A_111 : memref<!tpu.dma_semaphore, #tpu.memory_space<semaphore_mem>>) src(%dma_wait3A_114 : memref<32x512xi32, #tpu.memory_space<hbm>>) dst(%arg6 : memref<32x512xi32, #tpu.memory_space<vmem>>)
    %parallel_loop3A_115 = arith.constant 0 : i32
    %parallel_loop3A_116 = arith.constant 16384 : i32
    %parallel_loop3A_117 = arith.constant 16 : i32
    %parallel_loop3A_118 = scf.for %parallel_loop3A_550 = %parallel_loop3A_115 to %parallel_loop3A_116 step %parallel_loop3A_117 iter_args(%parallel_loop3A_551 = %broadcast_in_dim3A_5) -> (vector<16xf32>)  : i32 {
      %parallel_loop3A_552 = arith.constant 9 : i32
      %parallel_loop3A_553 = arith.shrsi %parallel_loop3A_550, %parallel_loop3A_552 : i32
      %parallel_loop3A_554 = arith.constant 511 : i32
      %parallel_loop3A_555 = arith.andi %parallel_loop3A_550, %parallel_loop3A_554 : i32
      %parallel_loop3A_556 = arith.index_cast %parallel_loop3A_553 : i32 to index
      %parallel_loop3A_557 = arith.index_cast %parallel_loop3A_555 : i32 to index
      %parallel_loop3A_558 = tpu.vector_load %arg6[%parallel_loop3A_556, %parallel_loop3A_557] {strides = array<i32>} : memref<32x512xi32, #tpu.memory_space<vmem>>, vector<16xi32>,
      %parallel_loop3A_559 = arith.constant 15 : i32
      %parallel_loop3A_560 = vector.broadcast %parallel_loop3A_559 : i32 to vector<16xi32>
      %parallel_loop3A_561 = arith.shrui %parallel_loop3A_558, %parallel_loop3A_560 : vector<16xi32>
      %parallel_loop3A_562 = arith.constant 32767 : i32
      %parallel_loop3A_563 = vector.broadcast %parallel_loop3A_562 : i32 to vector<16xi32>
      %parallel_loop3A_564 = arith.andi %parallel_loop3A_558, %parallel_loop3A_563 : vector<16xi32>
      %parallel_loop3A_565 = arith.cmpi eq, %parallel_loop3A_561, %get3A_49 : vector<16xi32>
      tpu.vector_store_idx %arg8[%parallel_loop3A_564], %broadcast_in_dim3A_3 masked %parallel_loop3A_565 {add = true} : memref<32768xi32, #tpu.memory_space<vmem>>[vector<16xi32>], vector<16xi32>, vector<16xi1>
      %parallel_loop3A_566 = arith.cmpi sgt, %parallel_loop3A_561, %get3A_49 : vector<16xi32>
      %parallel_loop3A_567 = vector.bitcast %parallel_loop3A_558 : vector<16xi32> to vector<16xf32>
      %parallel_loop3A_568 = arith.select %parallel_loop3A_566, %parallel_loop3A_567, %broadcast_in_dim3A_5 : vector<16xi1>, vector<16xf32>
      %parallel_loop3A_569 = arith.addf %parallel_loop3A_551, %parallel_loop3A_568 : vector<16xf32>
      scf.yield %parallel_loop3A_569 : vector<16xf32>
    } {sc.loop_unroll_factor = 16 : i64, sc.parallel_access}
    %add3A_119 = arith.addf %broadcast_in_dim3A_5, %parallel_loop3A_118 : vector<16xf32>
    %jit3A_120 = arith.constant 2 : i32
    %div3A_121 = arith.divsi %add3A, %jit3A_120 : i32
    %sign3A_122 = arith.constant 0 : i32
    %sign3A_123 = arith.cmpi sgt, %add3A, %sign3A_122 : i32
    %sign3A_124 = arith.extui %sign3A_123 : i1 to i32
    %sign3A_125 = arith.constant 0 : i32
    %sign3A_126 = arith.cmpi slt, %add3A, %sign3A_125 : i32
    %sign3A_127 = arith.extui %sign3A_126 : i1 to i32
    %sign3A_128 = arith.subi %sign3A_124, %sign3A_127 : i32
    %sign3A_129 = arith.constant 0 : i32
    %sign3A_130 = arith.cmpi sgt, %jit3A_120, %sign3A_129 : i32
    %sign3A_131 = arith.extui %sign3A_130 : i1 to i32
    %sign3A_132 = arith.constant 0 : i32
    %sign3A_133 = arith.cmpi slt, %jit3A_120, %sign3A_132 : i32
    %sign3A_134 = arith.extui %sign3A_133 : i1 to i32
    %sign3A_135 = arith.subi %sign3A_131, %sign3A_134 : i32
    %ne3A_136 = arith.cmpi ne, %sign3A_128, %sign3A_135 : i32
    %rem3A_137 = arith.remsi %add3A, %jit3A_120 : i32
    %ne3A_138 = arith.constant 0 : i32
    %ne3A_139 = arith.cmpi ne, %rem3A_137, %ne3A_138 : i32
    %and3A_140 = arith.andi %ne3A_136, %ne3A_139 : i1
    %sub3A_141 = arith.constant 1 : i32
    %sub3A_142 = arith.subi %div3A_121, %sub3A_141 : i32
    %select_n3A_143 = arith.select %and3A_140, %sub3A_142, %div3A_121 : i32
    %jit3A_144 = arith.constant 2 : i32
    %eq3A_145 = arith.constant 0 : i32
    %eq3A_146 = arith.cmpi eq, %jit3A_144, %eq3A_145 : i32
    %jit3A_147 = arith.constant 1 : i32
    %select_n3A_148 = arith.select %eq3A_146, %jit3A_147, %jit3A_144 : i32
    %rem3A_149 = arith.remsi %add3A, %select_n3A_148 : i32
    %ne3A_150 = arith.constant 0 : i32
    %ne3A_151 = arith.cmpi ne, %rem3A_149, %ne3A_150 : i32
    %lt3A_152 = arith.constant 0 : i32
    %lt3A_153 = arith.cmpi slt, %rem3A_149, %lt3A_152 : i32
    %lt3A_154 = arith.constant 0 : i32
    %lt3A_155 = arith.cmpi slt, %select_n3A_148, %lt3A_154 : i32
    %ne3A_156 = arith.xori %lt3A_153, %lt3A_155 : i1
    %and3A_157 = arith.andi %ne3A_156, %ne3A_151 : i1
    %add3A_158 = arith.addi %rem3A_149, %select_n3A_148 : i32
    %select_n3A_159 = arith.select %and3A_157, %add3A_158, %rem3A_149 : i32
    %mul3A_160 = arith.constant 256 : i32
    %mul3A_161 = arith.muli %select_n3A_159, %mul3A_160 : i32
    %add3A_162 = arith.constant 64 : i32
    %add3A_163 = arith.addi %mul3A_161, %add3A_162 : i32
    %dma_start3A_164 = arith.constant 0 : i32
    %dma_start3A_165 = arith.constant 0 : i32
    %dma_start3A_166 = arith.constant 0 : i32
    %dma_start3A_167 = tpu.memref_slice %arg2[%select_n3A_143, %dma_start3A_164, %add3A_163, %dma_start3A_166] : memref<16x1x512x512xi32, #tpu.memory_space<hbm>> -> memref<1x1x32x512xi32, #tpu.memory_space<hbm>>
    %dma_start3A_168 = tpu.memref_squeeze %dma_start3A_167 : memref<1x1x32x512xi32, #tpu.memory_space<hbm>> -> memref<32x512xi32, #tpu.memory_space<hbm>>
    %dma_start3A_169 = tpu.memref_slice %arg11[%dma_start3A_165] : memref<2x!tpu.dma_semaphore, #tpu.memory_space<semaphore_mem>> -> memref<1x!tpu.dma_semaphore, #tpu.memory_space<semaphore_mem>>
    %dma_start3A_170 = tpu.memref_squeeze %dma_start3A_169 : memref<1x!tpu.dma_semaphore, #tpu.memory_space<semaphore_mem>> -> memref<!tpu.dma_semaphore, #tpu.memory_space<semaphore_mem>>
    %dma_start3A_171 = arith.constant 0 : i32
    %dma_start3A_172 = tpu.memref_slice %arg2[%select_n3A_143, %dma_start3A_164, %add3A_163, %dma_start3A_171] : memref<16x1x512x512xi32, #tpu.memory_space<hbm>> -> memref<1x1x32x512xi32, #tpu.memory_space<hbm>>
    %dma_start3A_173 = tpu.memref_squeeze %dma_start3A_172 : memref<1x1x32x512xi32, #tpu.memory_space<hbm>> -> memref<32x512xi32, #tpu.memory_space<hbm>>
    tpu.enqueue_dma source(%dma_start3A_173 : memref<32x512xi32, #tpu.memory_space<hbm>>) target(%arg6 : memref<32x512xi32, #tpu.memory_space<vmem>>) target_semaphore(%dma_start3A_170 : memref<!tpu.dma_semaphore, #tpu.memory_space<semaphore_mem>>)
    %dma_wait3A_174 = arith.constant 0 : i32
    %dma_wait3A_175 = arith.constant 1 : i32
    %dma_wait3A_176 = arith.constant 0 : i32
    %dma_wait3A_177 = tpu.memref_slice %arg2[%select_n3A_75, %dma_wait3A_174, %add3A_95, %dma_wait3A_176] : memref<16x1x512x512xi32, #tpu.memory_space<hbm>> -> memref<1x1x32x512xi32, #tpu.memory_space<hbm>>
    %dma_wait3A_178 = tpu.memref_squeeze %dma_wait3A_177 : memref<1x1x32x512xi32, #tpu.memory_space<hbm>> -> memref<32x512xi32, #tpu.memory_space<hbm>>
    %dma_wait3A_179 = tpu.memref_slice %arg11[%dma_wait3A_175] : memref<2x!tpu.dma_semaphore, #tpu.memory_space<semaphore_mem>> -> memref<1x!tpu.dma_semaphore, #tpu.memory_space<semaphore_mem>>
    %dma_wait3A_180 = tpu.memref_squeeze %dma_wait3A_179 : memref<1x!tpu.dma_semaphore, #tpu.memory_space<semaphore_mem>> -> memref<!tpu.dma_semaphore, #tpu.memory_space<semaphore_mem>>
    %dma_wait3A_181 = arith.constant 0 : i32
    %dma_wait3A_182 = tpu.memref_slice %arg2[%select_n3A_75, %dma_wait3A_174, %add3A_95, %dma_wait3A_181] : memref<16x1x512x512xi32, #tpu.memory_space<hbm>> -> memref<1x1x32x512xi32, #tpu.memory_space<hbm>>
    %dma_wait3A_183 = tpu.memref_squeeze %dma_wait3A_182 : memref<1x1x32x512xi32, #tpu.memory_space<hbm>> -> memref<32x512xi32, #tpu.memory_space<hbm>>
    tpu.wait_dma2 semaphore(%dma_wait3A_180 : memref<!tpu.dma_semaphore, #tpu.memory_space<semaphore_mem>>) src(%dma_wait3A_183 : memref<32x512xi32, #tpu.memory_space<hbm>>) dst(%arg7 : memref<32x512xi32, #tpu.memory_space<vmem>>)
    %parallel_loop3A_184 = arith.constant 0 : i32
    %parallel_loop3A_185 = arith.constant 16384 : i32
    %parallel_loop3A_186 = arith.constant 16 : i32
    %parallel_loop3A_187 = scf.for %parallel_loop3A_550 = %parallel_loop3A_184 to %parallel_loop3A_185 step %parallel_loop3A_186 iter_args(%parallel_loop3A_551 = %broadcast_in_dim3A_5) -> (vector<16xf32>)  : i32 {
      %parallel_loop3A_552 = arith.constant 9 : i32
      %parallel_loop3A_553 = arith.shrsi %parallel_loop3A_550, %parallel_loop3A_552 : i32
      %parallel_loop3A_554 = arith.constant 511 : i32
      %parallel_loop3A_555 = arith.andi %parallel_loop3A_550, %parallel_loop3A_554 : i32
      %parallel_loop3A_556 = arith.index_cast %parallel_loop3A_553 : i32 to index
      %parallel_loop3A_557 = arith.index_cast %parallel_loop3A_555 : i32 to index
      %parallel_loop3A_558 = tpu.vector_load %arg7[%parallel_loop3A_556, %parallel_loop3A_557] {strides = array<i32>} : memref<32x512xi32, #tpu.memory_space<vmem>>, vector<16xi32>,
      %parallel_loop3A_559 = arith.constant 15 : i32
      %parallel_loop3A_560 = vector.broadcast %parallel_loop3A_559 : i32 to vector<16xi32>
      %parallel_loop3A_561 = arith.shrui %parallel_loop3A_558, %parallel_loop3A_560 : vector<16xi32>
      %parallel_loop3A_562 = arith.constant 32767 : i32
      %parallel_loop3A_563 = vector.broadcast %parallel_loop3A_562 : i32 to vector<16xi32>
      %parallel_loop3A_564 = arith.andi %parallel_loop3A_558, %parallel_loop3A_563 : vector<16xi32>
      %parallel_loop3A_565 = arith.cmpi eq, %parallel_loop3A_561, %get3A_49 : vector<16xi32>
      tpu.vector_store_idx %arg8[%parallel_loop3A_564], %broadcast_in_dim3A_3 masked %parallel_loop3A_565 {add = true} : memref<32768xi32, #tpu.memory_space<vmem>>[vector<16xi32>], vector<16xi32>, vector<16xi1>
      %parallel_loop3A_566 = arith.cmpi sgt, %parallel_loop3A_561, %get3A_49 : vector<16xi32>
      %parallel_loop3A_567 = vector.bitcast %parallel_loop3A_558 : vector<16xi32> to vector<16xf32>
      %parallel_loop3A_568 = arith.select %parallel_loop3A_566, %parallel_loop3A_567, %broadcast_in_dim3A_5 : vector<16xi1>, vector<16xf32>
      %parallel_loop3A_569 = arith.addf %parallel_loop3A_551, %parallel_loop3A_568 : vector<16xf32>
      scf.yield %parallel_loop3A_569 : vector<16xf32>
    } {sc.loop_unroll_factor = 16 : i64, sc.parallel_access}
    %add3A_188 = arith.addf %add3A_119, %parallel_loop3A_187 : vector<16xf32>
    %jit3A_189 = arith.constant 2 : i32
    %div3A_190 = arith.divsi %add3A, %jit3A_189 : i32
    %sign3A_191 = arith.constant 0 : i32
    %sign3A_192 = arith.cmpi sgt, %add3A, %sign3A_191 : i32
    %sign3A_193 = arith.extui %sign3A_192 : i1 to i32
    %sign3A_194 = arith.constant 0 : i32
    %sign3A_195 = arith.cmpi slt, %add3A, %sign3A_194 : i32
    %sign3A_196 = arith.extui %sign3A_195 : i1 to i32
    %sign3A_197 = arith.subi %sign3A_193, %sign3A_196 : i32
    %sign3A_198 = arith.constant 0 : i32
    %sign3A_199 = arith.cmpi sgt, %jit3A_189, %sign3A_198 : i32
    %sign3A_200 = arith.extui %sign3A_199 : i1 to i32
    %sign3A_201 = arith.constant 0 : i32
    %sign3A_202 = arith.cmpi slt, %jit3A_189, %sign3A_201 : i32
    %sign3A_203 = arith.extui %sign3A_202 : i1 to i32
    %sign3A_204 = arith.subi %sign3A_200, %sign3A_203 : i32
    %ne3A_205 = arith.cmpi ne, %sign3A_197, %sign3A_204 : i32
    %rem3A_206 = arith.remsi %add3A, %jit3A_189 : i32
    %ne3A_207 = arith.constant 0 : i32
    %ne3A_208 = arith.cmpi ne, %rem3A_206, %ne3A_207 : i32
    %and3A_209 = arith.andi %ne3A_205, %ne3A_208 : i1
    %sub3A_210 = arith.constant 1 : i32
    %sub3A_211 = arith.subi %div3A_190, %sub3A_210 : i32
    %select_n3A_212 = arith.select %and3A_209, %sub3A_211, %div3A_190 : i32
    %jit3A_213 = arith.constant 2 : i32
    %eq3A_214 = arith.constant 0 : i32
    %eq3A_215 = arith.cmpi eq, %jit3A_213, %eq3A_214 : i32
    %jit3A_216 = arith.constant 1 : i32
    %select_n3A_217 = arith.select %eq3A_215, %jit3A_216, %jit3A_213 : i32
    %rem3A_218 = arith.remsi %add3A, %select_n3A_217 : i32
    %ne3A_219 = arith.constant 0 : i32
    %ne3A_220 = arith.cmpi ne, %rem3A_218, %ne3A_219 : i32
    %lt3A_221 = arith.constant 0 : i32
    %lt3A_222 = arith.cmpi slt, %rem3A_218, %lt3A_221 : i32
    %lt3A_223 = arith.constant 0 : i32
    %lt3A_224 = arith.cmpi slt, %select_n3A_217, %lt3A_223 : i32
    %ne3A_225 = arith.xori %lt3A_222, %lt3A_224 : i1
    %and3A_226 = arith.andi %ne3A_225, %ne3A_220 : i1
    %add3A_227 = arith.addi %rem3A_218, %select_n3A_217 : i32
    %select_n3A_228 = arith.select %and3A_226, %add3A_227, %rem3A_218 : i32
    %mul3A_229 = arith.constant 256 : i32
    %mul3A_230 = arith.muli %select_n3A_228, %mul3A_229 : i32
    %add3A_231 = arith.constant 96 : i32
    %add3A_232 = arith.addi %mul3A_230, %add3A_231 : i32
    %dma_start3A_233 = arith.constant 0 : i32
    %dma_start3A_234 = arith.constant 1 : i32
    %dma_start3A_235 = arith.constant 0 : i32
    %dma_start3A_236 = tpu.memref_slice %arg2[%select_n3A_212, %dma_start3A_233, %add3A_232, %dma_start3A_235] : memref<16x1x512x512xi32, #tpu.memory_space<hbm>> -> memref<1x1x32x512xi32, #tpu.memory_space<hbm>>
    %dma_start3A_237 = tpu.memref_squeeze %dma_start3A_236 : memref<1x1x32x512xi32, #tpu.memory_space<hbm>> -> memref<32x512xi32, #tpu.memory_space<hbm>>
    %dma_start3A_238 = tpu.memref_slice %arg11[%dma_start3A_234] : memref<2x!tpu.dma_semaphore, #tpu.memory_space<semaphore_mem>> -> memref<1x!tpu.dma_semaphore, #tpu.memory_space<semaphore_mem>>
    %dma_start3A_239 = tpu.memref_squeeze %dma_start3A_238 : memref<1x!tpu.dma_semaphore, #tpu.memory_space<semaphore_mem>> -> memref<!tpu.dma_semaphore, #tpu.memory_space<semaphore_mem>>
    %dma_start3A_240 = arith.constant 0 : i32
    %dma_start3A_241 = tpu.memref_slice %arg2[%select_n3A_212, %dma_start3A_233, %add3A_232, %dma_start3A_240] : memref<16x1x512x512xi32, #tpu.memory_space<hbm>> -> memref<1x1x32x512xi32, #tpu.memory_space<hbm>>
    %dma_start3A_242 = tpu.memref_squeeze %dma_start3A_241 : memref<1x1x32x512xi32, #tpu.memory_space<hbm>> -> memref<32x512xi32, #tpu.memory_space<hbm>>
    tpu.enqueue_dma source(%dma_start3A_242 : memref<32x512xi32, #tpu.memory_space<hbm>>) target(%arg7 : memref<32x512xi32, #tpu.memory_space<vmem>>) target_semaphore(%dma_start3A_239 : memref<!tpu.dma_semaphore, #tpu.memory_space<semaphore_mem>>)
    %dma_wait3A_243 = arith.constant 0 : i32
    %dma_wait3A_244 = arith.constant 0 : i32
    %dma_wait3A_245 = arith.constant 0 : i32
    %dma_wait3A_246 = tpu.memref_slice %arg2[%select_n3A_143, %dma_wait3A_243, %add3A_163, %dma_wait3A_245] : memref<16x1x512x512xi32, #tpu.memory_space<hbm>> -> memref<1x1x32x512xi32, #tpu.memory_space<hbm>>
    %dma_wait3A_247 = tpu.memref_squeeze %dma_wait3A_246 : memref<1x1x32x512xi32, #tpu.memory_space<hbm>> -> memref<32x512xi32, #tpu.memory_space<hbm>>
    %dma_wait3A_248 = tpu.memref_slice %arg11[%dma_wait3A_244] : memref<2x!tpu.dma_semaphore, #tpu.memory_space<semaphore_mem>> -> memref<1x!tpu.dma_semaphore, #tpu.memory_space<semaphore_mem>>
    %dma_wait3A_249 = tpu.memref_squeeze %dma_wait3A_248 : memref<1x!tpu.dma_semaphore, #tpu.memory_space<semaphore_mem>> -> memref<!tpu.dma_semaphore, #tpu.memory_space<semaphore_mem>>
    %dma_wait3A_250 = arith.constant 0 : i32
    %dma_wait3A_251 = tpu.memref_slice %arg2[%select_n3A_143, %dma_wait3A_243, %add3A_163, %dma_wait3A_250] : memref<16x1x512x512xi32, #tpu.memory_space<hbm>> -> memref<1x1x32x512xi32, #tpu.memory_space<hbm>>
    %dma_wait3A_252 = tpu.memref_squeeze %dma_wait3A_251 : memref<1x1x32x512xi32, #tpu.memory_space<hbm>> -> memref<32x512xi32, #tpu.memory_space<hbm>>
    tpu.wait_dma2 semaphore(%dma_wait3A_249 : memref<!tpu.dma_semaphore, #tpu.memory_space<semaphore_mem>>) src(%dma_wait3A_252 : memref<32x512xi32, #tpu.memory_space<hbm>>) dst(%arg6 : memref<32x512xi32, #tpu.memory_space<vmem>>)
    %parallel_loop3A_253 = arith.constant 0 : i32
    %parallel_loop3A_254 = arith.constant 16384 : i32
    %parallel_loop3A_255 = arith.constant 16 : i32
    %parallel_loop3A_256 = scf.for %parallel_loop3A_550 = %parallel_loop3A_253 to %parallel_loop3A_254 step %parallel_loop3A_255 iter_args(%parallel_loop3A_551 = %broadcast_in_dim3A_5) -> (vector<16xf32>)  : i32 {
      %parallel_loop3A_552 = arith.constant 9 : i32
      %parallel_loop3A_553 = arith.shrsi %parallel_loop3A_550, %parallel_loop3A_552 : i32
      %parallel_loop3A_554 = arith.constant 511 : i32
      %parallel_loop3A_555 = arith.andi %parallel_loop3A_550, %parallel_loop3A_554 : i32
      %parallel_loop3A_556 = arith.index_cast %parallel_loop3A_553 : i32 to index
      %parallel_loop3A_557 = arith.index_cast %parallel_loop3A_555 : i32 to index
      %parallel_loop3A_558 = tpu.vector_load %arg6[%parallel_loop3A_556, %parallel_loop3A_557] {strides = array<i32>} : memref<32x512xi32, #tpu.memory_space<vmem>>, vector<16xi32>,
      %parallel_loop3A_559 = arith.constant 15 : i32
      %parallel_loop3A_560 = vector.broadcast %parallel_loop3A_559 : i32 to vector<16xi32>
      %parallel_loop3A_561 = arith.shrui %parallel_loop3A_558, %parallel_loop3A_560 : vector<16xi32>
      %parallel_loop3A_562 = arith.constant 32767 : i32
      %parallel_loop3A_563 = vector.broadcast %parallel_loop3A_562 : i32 to vector<16xi32>
      %parallel_loop3A_564 = arith.andi %parallel_loop3A_558, %parallel_loop3A_563 : vector<16xi32>
      %parallel_loop3A_565 = arith.cmpi eq, %parallel_loop3A_561, %get3A_49 : vector<16xi32>
      tpu.vector_store_idx %arg8[%parallel_loop3A_564], %broadcast_in_dim3A_3 masked %parallel_loop3A_565 {add = true} : memref<32768xi32, #tpu.memory_space<vmem>>[vector<16xi32>], vector<16xi32>, vector<16xi1>
      %parallel_loop3A_566 = arith.cmpi sgt, %parallel_loop3A_561, %get3A_49 : vector<16xi32>
      %parallel_loop3A_567 = vector.bitcast %parallel_loop3A_558 : vector<16xi32> to vector<16xf32>
      %parallel_loop3A_568 = arith.select %parallel_loop3A_566, %parallel_loop3A_567, %broadcast_in_dim3A_5 : vector<16xi1>, vector<16xf32>
      %parallel_loop3A_569 = arith.addf %parallel_loop3A_551, %parallel_loop3A_568 : vector<16xf32>
      scf.yield %parallel_loop3A_569 : vector<16xf32>
    } {sc.loop_unroll_factor = 16 : i64, sc.parallel_access}
    %add3A_257 = arith.addf %add3A_188, %parallel_loop3A_256 : vector<16xf32>
    %jit3A_258 = arith.constant 2 : i32
    %div3A_259 = arith.divsi %add3A, %jit3A_258 : i32
    %sign3A_260 = arith.constant 0 : i32
    %sign3A_261 = arith.cmpi sgt, %add3A, %sign3A_260 : i32
    %sign3A_262 = arith.extui %sign3A_261 : i1 to i32
    %sign3A_263 = arith.constant 0 : i32
    %sign3A_264 = arith.cmpi slt, %add3A, %sign3A_263 : i32
    %sign3A_265 = arith.extui %sign3A_264 : i1 to i32
    %sign3A_266 = arith.subi %sign3A_262, %sign3A_265 : i32
    %sign3A_267 = arith.constant 0 : i32
    %sign3A_268 = arith.cmpi sgt, %jit3A_258, %sign3A_267 : i32
    %sign3A_269 = arith.extui %sign3A_268 : i1 to i32
    %sign3A_270 = arith.constant 0 : i32
    %sign3A_271 = arith.cmpi slt, %jit3A_258, %sign3A_270 : i32
    %sign3A_272 = arith.extui %sign3A_271 : i1 to i32
    %sign3A_273 = arith.subi %sign3A_269, %sign3A_272 : i32
    %ne3A_274 = arith.cmpi ne, %sign3A_266, %sign3A_273 : i32
    %rem3A_275 = arith.remsi %add3A, %jit3A_258 : i32
    %ne3A_276 = arith.constant 0 : i32
    %ne3A_277 = arith.cmpi ne, %rem3A_275, %ne3A_276 : i32
    %and3A_278 = arith.andi %ne3A_274, %ne3A_277 : i1
    %sub3A_279 = arith.constant 1 : i32
    %sub3A_280 = arith.subi %div3A_259, %sub3A_279 : i32
    %select_n3A_281 = arith.select %and3A_278, %sub3A_280, %div3A_259 : i32
    %jit3A_282 = arith.constant 2 : i32
    %eq3A_283 = arith.constant 0 : i32
    %eq3A_284 = arith.cmpi eq, %jit3A_282, %eq3A_283 : i32
    %jit3A_285 = arith.constant 1 : i32
    %select_n3A_286 = arith.select %eq3A_284, %jit3A_285, %jit3A_282 : i32
    %rem3A_287 = arith.remsi %add3A, %select_n3A_286 : i32
    %ne3A_288 = arith.constant 0 : i32
    %ne3A_289 = arith.cmpi ne, %rem3A_287, %ne3A_288 : i32
    %lt3A_290 = arith.constant 0 : i32
    %lt3A_291 = arith.cmpi slt, %rem3A_287, %lt3A_290 : i32
    %lt3A_292 = arith.constant 0 : i32
    %lt3A_293 = arith.cmpi slt, %select_n3A_286, %lt3A_292 : i32
    %ne3A_294 = arith.xori %lt3A_291, %lt3A_293 : i1
    %and3A_295 = arith.andi %ne3A_294, %ne3A_289 : i1
    %add3A_296 = arith.addi %rem3A_287, %select_n3A_286 : i32
    %select_n3A_297 = arith.select %and3A_295, %add3A_296, %rem3A_287 : i32
    %mul3A_298 = arith.constant 256 : i32
    %mul3A_299 = arith.muli %select_n3A_297, %mul3A_298 : i32
    %add3A_300 = arith.constant 128 : i32
    %add3A_301 = arith.addi %mul3A_299, %add3A_300 : i32
    %dma_start3A_302 = arith.constant 0 : i32
    %dma_start3A_303 = arith.constant 0 : i32
    %dma_start3A_304 = arith.constant 0 : i32
    %dma_start3A_305 = tpu.memref_slice %arg2[%select_n3A_281, %dma_start3A_302, %add3A_301, %dma_start3A_304] : memref<16x1x512x512xi32, #tpu.memory_space<hbm>> -> memref<1x1x32x512xi32, #tpu.memory_space<hbm>>
    %dma_start3A_306 = tpu.memref_squeeze %dma_start3A_305 : memref<1x1x32x512xi32, #tpu.memory_space<hbm>> -> memref<32x512xi32, #tpu.memory_space<hbm>>
    %dma_start3A_307 = tpu.memref_slice %arg11[%dma_start3A_303] : memref<2x!tpu.dma_semaphore, #tpu.memory_space<semaphore_mem>> -> memref<1x!tpu.dma_semaphore, #tpu.memory_space<semaphore_mem>>
    %dma_start3A_308 = tpu.memref_squeeze %dma_start3A_307 : memref<1x!tpu.dma_semaphore, #tpu.memory_space<semaphore_mem>> -> memref<!tpu.dma_semaphore, #tpu.memory_space<semaphore_mem>>
    %dma_start3A_309 = arith.constant 0 : i32
    %dma_start3A_310 = tpu.memref_slice %arg2[%select_n3A_281, %dma_start3A_302, %add3A_301, %dma_start3A_309] : memref<16x1x512x512xi32, #tpu.memory_space<hbm>> -> memref<1x1x32x512xi32, #tpu.memory_space<hbm>>
    %dma_start3A_311 = tpu.memref_squeeze %dma_start3A_310 : memref<1x1x32x512xi32, #tpu.memory_space<hbm>> -> memref<32x512xi32, #tpu.memory_space<hbm>>
    tpu.enqueue_dma source(%dma_start3A_311 : memref<32x512xi32, #tpu.memory_space<hbm>>) target(%arg6 : memref<32x512xi32, #tpu.memory_space<vmem>>) target_semaphore(%dma_start3A_308 : memref<!tpu.dma_semaphore, #tpu.memory_space<semaphore_mem>>)
    %dma_wait3A_312 = arith.constant 0 : i32
    %dma_wait3A_313 = arith.constant 1 : i32
    %dma_wait3A_314 = arith.constant 0 : i32
    %dma_wait3A_315 = tpu.memref_slice %arg2[%select_n3A_212, %dma_wait3A_312, %add3A_232, %dma_wait3A_314] : memref<16x1x512x512xi32, #tpu.memory_space<hbm>> -> memref<1x1x32x512xi32, #tpu.memory_space<hbm>>
    %dma_wait3A_316 = tpu.memref_squeeze %dma_wait3A_315 : memref<1x1x32x512xi32, #tpu.memory_space<hbm>> -> memref<32x512xi32, #tpu.memory_space<hbm>>
    %dma_wait3A_317 = tpu.memref_slice %arg11[%dma_wait3A_313] : memref<2x!tpu.dma_semaphore, #tpu.memory_space<semaphore_mem>> -> memref<1x!tpu.dma_semaphore, #tpu.memory_space<semaphore_mem>>
    %dma_wait3A_318 = tpu.memref_squeeze %dma_wait3A_317 : memref<1x!tpu.dma_semaphore, #tpu.memory_space<semaphore_mem>> -> memref<!tpu.dma_semaphore, #tpu.memory_space<semaphore_mem>>
    %dma_wait3A_319 = arith.constant 0 : i32
    %dma_wait3A_320 = tpu.memref_slice %arg2[%select_n3A_212, %dma_wait3A_312, %add3A_232, %dma_wait3A_319] : memref<16x1x512x512xi32, #tpu.memory_space<hbm>> -> memref<1x1x32x512xi32, #tpu.memory_space<hbm>>
    %dma_wait3A_321 = tpu.memref_squeeze %dma_wait3A_320 : memref<1x1x32x512xi32, #tpu.memory_space<hbm>> -> memref<32x512xi32, #tpu.memory_space<hbm>>
    tpu.wait_dma2 semaphore(%dma_wait3A_318 : memref<!tpu.dma_semaphore, #tpu.memory_space<semaphore_mem>>) src(%dma_wait3A_321 : memref<32x512xi32, #tpu.memory_space<hbm>>) dst(%arg7 : memref<32x512xi32, #tpu.memory_space<vmem>>)
    %parallel_loop3A_322 = arith.constant 0 : i32
    %parallel_loop3A_323 = arith.constant 16384 : i32
    %parallel_loop3A_324 = arith.constant 16 : i32
    %parallel_loop3A_325 = scf.for %parallel_loop3A_550 = %parallel_loop3A_322 to %parallel_loop3A_323 step %parallel_loop3A_324 iter_args(%parallel_loop3A_551 = %broadcast_in_dim3A_5) -> (vector<16xf32>)  : i32 {
      %parallel_loop3A_552 = arith.constant 9 : i32
      %parallel_loop3A_553 = arith.shrsi %parallel_loop3A_550, %parallel_loop3A_552 : i32
      %parallel_loop3A_554 = arith.constant 511 : i32
      %parallel_loop3A_555 = arith.andi %parallel_loop3A_550, %parallel_loop3A_554 : i32
      %parallel_loop3A_556 = arith.index_cast %parallel_loop3A_553 : i32 to index
      %parallel_loop3A_557 = arith.index_cast %parallel_loop3A_555 : i32 to index
      %parallel_loop3A_558 = tpu.vector_load %arg7[%parallel_loop3A_556, %parallel_loop3A_557] {strides = array<i32>} : memref<32x512xi32, #tpu.memory_space<vmem>>, vector<16xi32>,
      %parallel_loop3A_559 = arith.constant 15 : i32
      %parallel_loop3A_560 = vector.broadcast %parallel_loop3A_559 : i32 to vector<16xi32>
      %parallel_loop3A_561 = arith.shrui %parallel_loop3A_558, %parallel_loop3A_560 : vector<16xi32>
      %parallel_loop3A_562 = arith.constant 32767 : i32
      %parallel_loop3A_563 = vector.broadcast %parallel_loop3A_562 : i32 to vector<16xi32>
      %parallel_loop3A_564 = arith.andi %parallel_loop3A_558, %parallel_loop3A_563 : vector<16xi32>
      %parallel_loop3A_565 = arith.cmpi eq, %parallel_loop3A_561, %get3A_49 : vector<16xi32>
      tpu.vector_store_idx %arg8[%parallel_loop3A_564], %broadcast_in_dim3A_3 masked %parallel_loop3A_565 {add = true} : memref<32768xi32, #tpu.memory_space<vmem>>[vector<16xi32>], vector<16xi32>, vector<16xi1>
      %parallel_loop3A_566 = arith.cmpi sgt, %parallel_loop3A_561, %get3A_49 : vector<16xi32>
      %parallel_loop3A_567 = vector.bitcast %parallel_loop3A_558 : vector<16xi32> to vector<16xf32>
      %parallel_loop3A_568 = arith.select %parallel_loop3A_566, %parallel_loop3A_567, %broadcast_in_dim3A_5 : vector<16xi1>, vector<16xf32>
      %parallel_loop3A_569 = arith.addf %parallel_loop3A_551, %parallel_loop3A_568 : vector<16xf32>
      scf.yield %parallel_loop3A_569 : vector<16xf32>
    } {sc.loop_unroll_factor = 16 : i64, sc.parallel_access}
    %add3A_326 = arith.addf %add3A_257, %parallel_loop3A_325 : vector<16xf32>
    %jit3A_327 = arith.constant 2 : i32
    %div3A_328 = arith.divsi %add3A, %jit3A_327 : i32
    %sign3A_329 = arith.constant 0 : i32
    %sign3A_330 = arith.cmpi sgt, %add3A, %sign3A_329 : i32
    %sign3A_331 = arith.extui %sign3A_330 : i1 to i32
    %sign3A_332 = arith.constant 0 : i32
    %sign3A_333 = arith.cmpi slt, %add3A, %sign3A_332 : i32
    %sign3A_334 = arith.extui %sign3A_333 : i1 to i32
    %sign3A_335 = arith.subi %sign3A_331, %sign3A_334 : i32
    %sign3A_336 = arith.constant 0 : i32
    %sign3A_337 = arith.cmpi sgt, %jit3A_327, %sign3A_336 : i32
    %sign3A_338 = arith.extui %sign3A_337 : i1 to i32
    %sign3A_339 = arith.constant 0 : i32
    %sign3A_340 = arith.cmpi slt, %jit3A_327, %sign3A_339 : i32
    %sign3A_341 = arith.extui %sign3A_340 : i1 to i32
    %sign3A_342 = arith.subi %sign3A_338, %sign3A_341 : i32
    %ne3A_343 = arith.cmpi ne, %sign3A_335, %sign3A_342 : i32
    %rem3A_344 = arith.remsi %add3A, %jit3A_327 : i32
    %ne3A_345 = arith.constant 0 : i32
    %ne3A_346 = arith.cmpi ne, %rem3A_344, %ne3A_345 : i32
    %and3A_347 = arith.andi %ne3A_343, %ne3A_346 : i1
    %sub3A_348 = arith.constant 1 : i32
    %sub3A_349 = arith.subi %div3A_328, %sub3A_348 : i32
    %select_n3A_350 = arith.select %and3A_347, %sub3A_349, %div3A_328 : i32
    %jit3A_351 = arith.constant 2 : i32
    %eq3A_352 = arith.constant 0 : i32
    %eq3A_353 = arith.cmpi eq, %jit3A_351, %eq3A_352 : i32
    %jit3A_354 = arith.constant 1 : i32
    %select_n3A_355 = arith.select %eq3A_353, %jit3A_354, %jit3A_351 : i32
    %rem3A_356 = arith.remsi %add3A, %select_n3A_355 : i32
    %ne3A_357 = arith.constant 0 : i32
    %ne3A_358 = arith.cmpi ne, %rem3A_356, %ne3A_357 : i32
    %lt3A_359 = arith.constant 0 : i32
    %lt3A_360 = arith.cmpi slt, %rem3A_356, %lt3A_359 : i32
    %lt3A_361 = arith.constant 0 : i32
    %lt3A_362 = arith.cmpi slt, %select_n3A_355, %lt3A_361 : i32
    %ne3A_363 = arith.xori %lt3A_360, %lt3A_362 : i1
    %and3A_364 = arith.andi %ne3A_363, %ne3A_358 : i1
    %add3A_365 = arith.addi %rem3A_356, %select_n3A_355 : i32
    %select_n3A_366 = arith.select %and3A_364, %add3A_365, %rem3A_356 : i32
    %mul3A_367 = arith.constant 256 : i32
    %mul3A_368 = arith.muli %select_n3A_366, %mul3A_367 : i32
    %add3A_369 = arith.constant 160 : i32
    %add3A_370 = arith.addi %mul3A_368, %add3A_369 : i32
    %dma_start3A_371 = arith.constant 0 : i32
    %dma_start3A_372 = arith.constant 1 : i32
    %dma_start3A_373 = arith.constant 0 : i32
    %dma_start3A_374 = tpu.memref_slice %arg2[%select_n3A_350, %dma_start3A_371, %add3A_370, %dma_start3A_373] : memref<16x1x512x512xi32, #tpu.memory_space<hbm>> -> memref<1x1x32x512xi32, #tpu.memory_space<hbm>>
    %dma_start3A_375 = tpu.memref_squeeze %dma_start3A_374 : memref<1x1x32x512xi32, #tpu.memory_space<hbm>> -> memref<32x512xi32, #tpu.memory_space<hbm>>
    %dma_start3A_376 = tpu.memref_slice %arg11[%dma_start3A_372] : memref<2x!tpu.dma_semaphore, #tpu.memory_space<semaphore_mem>> -> memref<1x!tpu.dma_semaphore, #tpu.memory_space<semaphore_mem>>
    %dma_start3A_377 = tpu.memref_squeeze %dma_start3A_376 : memref<1x!tpu.dma_semaphore, #tpu.memory_space<semaphore_mem>> -> memref<!tpu.dma_semaphore, #tpu.memory_space<semaphore_mem>>
    %dma_start3A_378 = arith.constant 0 : i32
    %dma_start3A_379 = tpu.memref_slice %arg2[%select_n3A_350, %dma_start3A_371, %add3A_370, %dma_start3A_378] : memref<16x1x512x512xi32, #tpu.memory_space<hbm>> -> memref<1x1x32x512xi32, #tpu.memory_space<hbm>>
    %dma_start3A_380 = tpu.memref_squeeze %dma_start3A_379 : memref<1x1x32x512xi32, #tpu.memory_space<hbm>> -> memref<32x512xi32, #tpu.memory_space<hbm>>
    tpu.enqueue_dma source(%dma_start3A_380 : memref<32x512xi32, #tpu.memory_space<hbm>>) target(%arg7 : memref<32x512xi32, #tpu.memory_space<vmem>>) target_semaphore(%dma_start3A_377 : memref<!tpu.dma_semaphore, #tpu.memory_space<semaphore_mem>>)
    %dma_wait3A_381 = arith.constant 0 : i32
    %dma_wait3A_382 = arith.constant 0 : i32
    %dma_wait3A_383 = arith.constant 0 : i32
    %dma_wait3A_384 = tpu.memref_slice %arg2[%select_n3A_281, %dma_wait3A_381, %add3A_301, %dma_wait3A_383] : memref<16x1x512x512xi32, #tpu.memory_space<hbm>> -> memref<1x1x32x512xi32, #tpu.memory_space<hbm>>
    %dma_wait3A_385 = tpu.memref_squeeze %dma_wait3A_384 : memref<1x1x32x512xi32, #tpu.memory_space<hbm>> -> memref<32x512xi32, #tpu.memory_space<hbm>>
    %dma_wait3A_386 = tpu.memref_slice %arg11[%dma_wait3A_382] : memref<2x!tpu.dma_semaphore, #tpu.memory_space<semaphore_mem>> -> memref<1x!tpu.dma_semaphore, #tpu.memory_space<semaphore_mem>>
    %dma_wait3A_387 = tpu.memref_squeeze %dma_wait3A_386 : memref<1x!tpu.dma_semaphore, #tpu.memory_space<semaphore_mem>> -> memref<!tpu.dma_semaphore, #tpu.memory_space<semaphore_mem>>
    %dma_wait3A_388 = arith.constant 0 : i32
    %dma_wait3A_389 = tpu.memref_slice %arg2[%select_n3A_281, %dma_wait3A_381, %add3A_301, %dma_wait3A_388] : memref<16x1x512x512xi32, #tpu.memory_space<hbm>> -> memref<1x1x32x512xi32, #tpu.memory_space<hbm>>
    %dma_wait3A_390 = tpu.memref_squeeze %dma_wait3A_389 : memref<1x1x32x512xi32, #tpu.memory_space<hbm>> -> memref<32x512xi32, #tpu.memory_space<hbm>>
    tpu.wait_dma2 semaphore(%dma_wait3A_387 : memref<!tpu.dma_semaphore, #tpu.memory_space<semaphore_mem>>) src(%dma_wait3A_390 : memref<32x512xi32, #tpu.memory_space<hbm>>) dst(%arg6 : memref<32x512xi32, #tpu.memory_space<vmem>>)
    %parallel_loop3A_391 = arith.constant 0 : i32
    %parallel_loop3A_392 = arith.constant 16384 : i32
    %parallel_loop3A_393 = arith.constant 16 : i32
    %parallel_loop3A_394 = scf.for %parallel_loop3A_550 = %parallel_loop3A_391 to %parallel_loop3A_392 step %parallel_loop3A_393 iter_args(%parallel_loop3A_551 = %broadcast_in_dim3A_5) -> (vector<16xf32>)  : i32 {
      %parallel_loop3A_552 = arith.constant 9 : i32
      %parallel_loop3A_553 = arith.shrsi %parallel_loop3A_550, %parallel_loop3A_552 : i32
      %parallel_loop3A_554 = arith.constant 511 : i32
      %parallel_loop3A_555 = arith.andi %parallel_loop3A_550, %parallel_loop3A_554 : i32
      %parallel_loop3A_556 = arith.index_cast %parallel_loop3A_553 : i32 to index
      %parallel_loop3A_557 = arith.index_cast %parallel_loop3A_555 : i32 to index
      %parallel_loop3A_558 = tpu.vector_load %arg6[%parallel_loop3A_556, %parallel_loop3A_557] {strides = array<i32>} : memref<32x512xi32, #tpu.memory_space<vmem>>, vector<16xi32>,
      %parallel_loop3A_559 = arith.constant 15 : i32
      %parallel_loop3A_560 = vector.broadcast %parallel_loop3A_559 : i32 to vector<16xi32>
      %parallel_loop3A_561 = arith.shrui %parallel_loop3A_558, %parallel_loop3A_560 : vector<16xi32>
      %parallel_loop3A_562 = arith.constant 32767 : i32
      %parallel_loop3A_563 = vector.broadcast %parallel_loop3A_562 : i32 to vector<16xi32>
      %parallel_loop3A_564 = arith.andi %parallel_loop3A_558, %parallel_loop3A_563 : vector<16xi32>
      %parallel_loop3A_565 = arith.cmpi eq, %parallel_loop3A_561, %get3A_49 : vector<16xi32>
      tpu.vector_store_idx %arg8[%parallel_loop3A_564], %broadcast_in_dim3A_3 masked %parallel_loop3A_565 {add = true} : memref<32768xi32, #tpu.memory_space<vmem>>[vector<16xi32>], vector<16xi32>, vector<16xi1>
      %parallel_loop3A_566 = arith.cmpi sgt, %parallel_loop3A_561, %get3A_49 : vector<16xi32>
      %parallel_loop3A_567 = vector.bitcast %parallel_loop3A_558 : vector<16xi32> to vector<16xf32>
      %parallel_loop3A_568 = arith.select %parallel_loop3A_566, %parallel_loop3A_567, %broadcast_in_dim3A_5 : vector<16xi1>, vector<16xf32>
      %parallel_loop3A_569 = arith.addf %parallel_loop3A_551, %parallel_loop3A_568 : vector<16xf32>
      scf.yield %parallel_loop3A_569 : vector<16xf32>
    } {sc.loop_unroll_factor = 16 : i64, sc.parallel_access}
    %add3A_395 = arith.addf %add3A_326, %parallel_loop3A_394 : vector<16xf32>
    %jit3A_396 = arith.constant 2 : i32
    %div3A_397 = arith.divsi %add3A, %jit3A_396 : i32
    %sign3A_398 = arith.constant 0 : i32
    %sign3A_399 = arith.cmpi sgt, %add3A, %sign3A_398 : i32
    %sign3A_400 = arith.extui %sign3A_399 : i1 to i32
    %sign3A_401 = arith.constant 0 : i32
    %sign3A_402 = arith.cmpi slt, %add3A, %sign3A_401 : i32
    %sign3A_403 = arith.extui %sign3A_402 : i1 to i32
    %sign3A_404 = arith.subi %sign3A_400, %sign3A_403 : i32
    %sign3A_405 = arith.constant 0 : i32
    %sign3A_406 = arith.cmpi sgt, %jit3A_396, %sign3A_405 : i32
    %sign3A_407 = arith.extui %sign3A_406 : i1 to i32
    %sign3A_408 = arith.constant 0 : i32
    %sign3A_409 = arith.cmpi slt, %jit3A_396, %sign3A_408 : i32
    %sign3A_410 = arith.extui %sign3A_409 : i1 to i32
    %sign3A_411 = arith.subi %sign3A_407, %sign3A_410 : i32
    %ne3A_412 = arith.cmpi ne, %sign3A_404, %sign3A_411 : i32
    %rem3A_413 = arith.remsi %add3A, %jit3A_396 : i32
    %ne3A_414 = arith.constant 0 : i32
    %ne3A_415 = arith.cmpi ne, %rem3A_413, %ne3A_414 : i32
    %and3A_416 = arith.andi %ne3A_412, %ne3A_415 : i1
    %sub3A_417 = arith.constant 1 : i32
    %sub3A_418 = arith.subi %div3A_397, %sub3A_417 : i32
    %select_n3A_419 = arith.select %and3A_416, %sub3A_418, %div3A_397 : i32
    %jit3A_420 = arith.constant 2 : i32
    %eq3A_421 = arith.constant 0 : i32
    %eq3A_422 = arith.cmpi eq, %jit3A_420, %eq3A_421 : i32
    %jit3A_423 = arith.constant 1 : i32
    %select_n3A_424 = arith.select %eq3A_422, %jit3A_423, %jit3A_420 : i32
    %rem3A_425 = arith.remsi %add3A, %select_n3A_424 : i32
    %ne3A_426 = arith.constant 0 : i32
    %ne3A_427 = arith.cmpi ne, %rem3A_425, %ne3A_426 : i32
    %lt3A_428 = arith.constant 0 : i32
    %lt3A_429 = arith.cmpi slt, %rem3A_425, %lt3A_428 : i32
    %lt3A_430 = arith.constant 0 : i32
    %lt3A_431 = arith.cmpi slt, %select_n3A_424, %lt3A_430 : i32
    %ne3A_432 = arith.xori %lt3A_429, %lt3A_431 : i1
    %and3A_433 = arith.andi %ne3A_432, %ne3A_427 : i1
    %add3A_434 = arith.addi %rem3A_425, %select_n3A_424 : i32
    %select_n3A_435 = arith.select %and3A_433, %add3A_434, %rem3A_425 : i32
    %mul3A_436 = arith.constant 256 : i32
    %mul3A_437 = arith.muli %select_n3A_435, %mul3A_436 : i32
    %add3A_438 = arith.constant 192 : i32
    %add3A_439 = arith.addi %mul3A_437, %add3A_438 : i32
    %dma_start3A_440 = arith.constant 0 : i32
    %dma_start3A_441 = arith.constant 0 : i32
    %dma_start3A_442 = arith.constant 0 : i32
    %dma_start3A_443 = tpu.memref_slice %arg2[%select_n3A_419, %dma_start3A_440, %add3A_439, %dma_start3A_442] : memref<16x1x512x512xi32, #tpu.memory_space<hbm>> -> memref<1x1x32x512xi32, #tpu.memory_space<hbm>>
    %dma_start3A_444 = tpu.memref_squeeze %dma_start3A_443 : memref<1x1x32x512xi32, #tpu.memory_space<hbm>> -> memref<32x512xi32, #tpu.memory_space<hbm>>
    %dma_start3A_445 = tpu.memref_slice %arg11[%dma_start3A_441] : memref<2x!tpu.dma_semaphore, #tpu.memory_space<semaphore_mem>> -> memref<1x!tpu.dma_semaphore, #tpu.memory_space<semaphore_mem>>
    %dma_start3A_446 = tpu.memref_squeeze %dma_start3A_445 : memref<1x!tpu.dma_semaphore, #tpu.memory_space<semaphore_mem>> -> memref<!tpu.dma_semaphore, #tpu.memory_space<semaphore_mem>>
    %dma_start3A_447 = arith.constant 0 : i32
    %dma_start3A_448 = tpu.memref_slice %arg2[%select_n3A_419, %dma_start3A_440, %add3A_439, %dma_start3A_447] : memref<16x1x512x512xi32, #tpu.memory_space<hbm>> -> memref<1x1x32x512xi32, #tpu.memory_space<hbm>>
    %dma_start3A_449 = tpu.memref_squeeze %dma_start3A_448 : memref<1x1x32x512xi32, #tpu.memory_space<hbm>> -> memref<32x512xi32, #tpu.memory_space<hbm>>
    tpu.enqueue_dma source(%dma_start3A_449 : memref<32x512xi32, #tpu.memory_space<hbm>>) target(%arg6 : memref<32x512xi32, #tpu.memory_space<vmem>>) target_semaphore(%dma_start3A_446 : memref<!tpu.dma_semaphore, #tpu.memory_space<semaphore_mem>>)
    %dma_wait3A_450 = arith.constant 0 : i32
    %dma_wait3A_451 = arith.constant 1 : i32
    %dma_wait3A_452 = arith.constant 0 : i32
    %dma_wait3A_453 = tpu.memref_slice %arg2[%select_n3A_350, %dma_wait3A_450, %add3A_370, %dma_wait3A_452] : memref<16x1x512x512xi32, #tpu.memory_space<hbm>> -> memref<1x1x32x512xi32, #tpu.memory_space<hbm>>
    %dma_wait3A_454 = tpu.memref_squeeze %dma_wait3A_453 : memref<1x1x32x512xi32, #tpu.memory_space<hbm>> -> memref<32x512xi32, #tpu.memory_space<hbm>>
    %dma_wait3A_455 = tpu.memref_slice %arg11[%dma_wait3A_451] : memref<2x!tpu.dma_semaphore, #tpu.memory_space<semaphore_mem>> -> memref<1x!tpu.dma_semaphore, #tpu.memory_space<semaphore_mem>>
    %dma_wait3A_456 = tpu.memref_squeeze %dma_wait3A_455 : memref<1x!tpu.dma_semaphore, #tpu.memory_space<semaphore_mem>> -> memref<!tpu.dma_semaphore, #tpu.memory_space<semaphore_mem>>
    %dma_wait3A_457 = arith.constant 0 : i32
    %dma_wait3A_458 = tpu.memref_slice %arg2[%select_n3A_350, %dma_wait3A_450, %add3A_370, %dma_wait3A_457] : memref<16x1x512x512xi32, #tpu.memory_space<hbm>> -> memref<1x1x32x512xi32, #tpu.memory_space<hbm>>
    %dma_wait3A_459 = tpu.memref_squeeze %dma_wait3A_458 : memref<1x1x32x512xi32, #tpu.memory_space<hbm>> -> memref<32x512xi32, #tpu.memory_space<hbm>>
    tpu.wait_dma2 semaphore(%dma_wait3A_456 : memref<!tpu.dma_semaphore, #tpu.memory_space<semaphore_mem>>) src(%dma_wait3A_459 : memref<32x512xi32, #tpu.memory_space<hbm>>) dst(%arg7 : memref<32x512xi32, #tpu.memory_space<vmem>>)
    %parallel_loop3A_460 = arith.constant 0 : i32
    %parallel_loop3A_461 = arith.constant 16384 : i32
    %parallel_loop3A_462 = arith.constant 16 : i32
    %parallel_loop3A_463 = scf.for %parallel_loop3A_550 = %parallel_loop3A_460 to %parallel_loop3A_461 step %parallel_loop3A_462 iter_args(%parallel_loop3A_551 = %broadcast_in_dim3A_5) -> (vector<16xf32>)  : i32 {
      %parallel_loop3A_552 = arith.constant 9 : i32
      %parallel_loop3A_553 = arith.shrsi %parallel_loop3A_550, %parallel_loop3A_552 : i32
      %parallel_loop3A_554 = arith.constant 511 : i32
      %parallel_loop3A_555 = arith.andi %parallel_loop3A_550, %parallel_loop3A_554 : i32
      %parallel_loop3A_556 = arith.index_cast %parallel_loop3A_553 : i32 to index
      %parallel_loop3A_557 = arith.index_cast %parallel_loop3A_555 : i32 to index
      %parallel_loop3A_558 = tpu.vector_load %arg7[%parallel_loop3A_556, %parallel_loop3A_557] {strides = array<i32>} : memref<32x512xi32, #tpu.memory_space<vmem>>, vector<16xi32>,
      %parallel_loop3A_559 = arith.constant 15 : i32
      %parallel_loop3A_560 = vector.broadcast %parallel_loop3A_559 : i32 to vector<16xi32>
      %parallel_loop3A_561 = arith.shrui %parallel_loop3A_558, %parallel_loop3A_560 : vector<16xi32>
      %parallel_loop3A_562 = arith.constant 32767 : i32
      %parallel_loop3A_563 = vector.broadcast %parallel_loop3A_562 : i32 to vector<16xi32>
      %parallel_loop3A_564 = arith.andi %parallel_loop3A_558, %parallel_loop3A_563 : vector<16xi32>
      %parallel_loop3A_565 = arith.cmpi eq, %parallel_loop3A_561, %get3A_49 : vector<16xi32>
      tpu.vector_store_idx %arg8[%parallel_loop3A_564], %broadcast_in_dim3A_3 masked %parallel_loop3A_565 {add = true} : memref<32768xi32, #tpu.memory_space<vmem>>[vector<16xi32>], vector<16xi32>, vector<16xi1>
      %parallel_loop3A_566 = arith.cmpi sgt, %parallel_loop3A_561, %get3A_49 : vector<16xi32>
      %parallel_loop3A_567 = vector.bitcast %parallel_loop3A_558 : vector<16xi32> to vector<16xf32>
      %parallel_loop3A_568 = arith.select %parallel_loop3A_566, %parallel_loop3A_567, %broadcast_in_dim3A_5 : vector<16xi1>, vector<16xf32>
      %parallel_loop3A_569 = arith.addf %parallel_loop3A_551, %parallel_loop3A_568 : vector<16xf32>
      scf.yield %parallel_loop3A_569 : vector<16xf32>
    } {sc.loop_unroll_factor = 16 : i64, sc.parallel_access}
    %add3A_464 = arith.addf %add3A_395, %parallel_loop3A_463 : vector<16xf32>
    %jit3A_465 = arith.constant 2 : i32
    %div3A_466 = arith.divsi %add3A, %jit3A_465 : i32
    %sign3A_467 = arith.constant 0 : i32
    %sign3A_468 = arith.cmpi sgt, %add3A, %sign3A_467 : i32
    %sign3A_469 = arith.extui %sign3A_468 : i1 to i32
    %sign3A_470 = arith.constant 0 : i32
    %sign3A_471 = arith.cmpi slt, %add3A, %sign3A_470 : i32
    %sign3A_472 = arith.extui %sign3A_471 : i1 to i32
    %sign3A_473 = arith.subi %sign3A_469, %sign3A_472 : i32
    %sign3A_474 = arith.constant 0 : i32
    %sign3A_475 = arith.cmpi sgt, %jit3A_465, %sign3A_474 : i32
    %sign3A_476 = arith.extui %sign3A_475 : i1 to i32
    %sign3A_477 = arith.constant 0 : i32
    %sign3A_478 = arith.cmpi slt, %jit3A_465, %sign3A_477 : i32
    %sign3A_479 = arith.extui %sign3A_478 : i1 to i32
    %sign3A_480 = arith.subi %sign3A_476, %sign3A_479 : i32
    %ne3A_481 = arith.cmpi ne, %sign3A_473, %sign3A_480 : i32
    %rem3A_482 = arith.remsi %add3A, %jit3A_465 : i32
    %ne3A_483 = arith.constant 0 : i32
    %ne3A_484 = arith.cmpi ne, %rem3A_482, %ne3A_483 : i32
    %and3A_485 = arith.andi %ne3A_481, %ne3A_484 : i1
    %sub3A_486 = arith.constant 1 : i32
    %sub3A_487 = arith.subi %div3A_466, %sub3A_486 : i32
    %select_n3A_488 = arith.select %and3A_485, %sub3A_487, %div3A_466 : i32
    %jit3A_489 = arith.constant 2 : i32
    %eq3A_490 = arith.constant 0 : i32
    %eq3A_491 = arith.cmpi eq, %jit3A_489, %eq3A_490 : i32
    %jit3A_492 = arith.constant 1 : i32
    %select_n3A_493 = arith.select %eq3A_491, %jit3A_492, %jit3A_489 : i32
    %rem3A_494 = arith.remsi %add3A, %select_n3A_493 : i32
    %ne3A_495 = arith.constant 0 : i32
    %ne3A_496 = arith.cmpi ne, %rem3A_494, %ne3A_495 : i32
    %lt3A_497 = arith.constant 0 : i32
    %lt3A_498 = arith.cmpi slt, %rem3A_494, %lt3A_497 : i32
    %lt3A_499 = arith.constant 0 : i32
    %lt3A_500 = arith.cmpi slt, %select_n3A_493, %lt3A_499 : i32
    %ne3A_501 = arith.xori %lt3A_498, %lt3A_500 : i1
    %and3A_502 = arith.andi %ne3A_501, %ne3A_496 : i1
    %add3A_503 = arith.addi %rem3A_494, %select_n3A_493 : i32
    %select_n3A_504 = arith.select %and3A_502, %add3A_503, %rem3A_494 : i32
    %mul3A_505 = arith.constant 256 : i32
    %mul3A_506 = arith.muli %select_n3A_504, %mul3A_505 : i32
    %add3A_507 = arith.constant 224 : i32
    %add3A_508 = arith.addi %mul3A_506, %add3A_507 : i32
    %dma_start3A_509 = arith.constant 0 : i32
    %dma_start3A_510 = arith.constant 1 : i32
    %dma_start3A_511 = arith.constant 0 : i32
    %dma_start3A_512 = tpu.memref_slice %arg2[%select_n3A_488, %dma_start3A_509, %add3A_508, %dma_start3A_511] : memref<16x1x512x512xi32, #tpu.memory_space<hbm>> -> memref<1x1x32x512xi32, #tpu.memory_space<hbm>>
    %dma_start3A_513 = tpu.memref_squeeze %dma_start3A_512 : memref<1x1x32x512xi32, #tpu.memory_space<hbm>> -> memref<32x512xi32, #tpu.memory_space<hbm>>
    %dma_start3A_514 = tpu.memref_slice %arg11[%dma_start3A_510] : memref<2x!tpu.dma_semaphore, #tpu.memory_space<semaphore_mem>> -> memref<1x!tpu.dma_semaphore, #tpu.memory_space<semaphore_mem>>
    %dma_start3A_515 = tpu.memref_squeeze %dma_start3A_514 : memref<1x!tpu.dma_semaphore, #tpu.memory_space<semaphore_mem>> -> memref<!tpu.dma_semaphore, #tpu.memory_space<semaphore_mem>>
    %dma_start3A_516 = arith.constant 0 : i32
    %dma_start3A_517 = tpu.memref_slice %arg2[%select_n3A_488, %dma_start3A_509, %add3A_508, %dma_start3A_516] : memref<16x1x512x512xi32, #tpu.memory_space<hbm>> -> memref<1x1x32x512xi32, #tpu.memory_space<hbm>>
    %dma_start3A_518 = tpu.memref_squeeze %dma_start3A_517 : memref<1x1x32x512xi32, #tpu.memory_space<hbm>> -> memref<32x512xi32, #tpu.memory_space<hbm>>
    tpu.enqueue_dma source(%dma_start3A_518 : memref<32x512xi32, #tpu.memory_space<hbm>>) target(%arg7 : memref<32x512xi32, #tpu.memory_space<vmem>>) target_semaphore(%dma_start3A_515 : memref<!tpu.dma_semaphore, #tpu.memory_space<semaphore_mem>>)
    %dma_wait3A_519 = arith.constant 0 : i32
    %dma_wait3A_520 = arith.constant 0 : i32
    %dma_wait3A_521 = arith.constant 0 : i32
    %dma_wait3A_522 = tpu.memref_slice %arg2[%select_n3A_419, %dma_wait3A_519, %add3A_439, %dma_wait3A_521] : memref<16x1x512x512xi32, #tpu.memory_space<hbm>> -> memref<1x1x32x512xi32, #tpu.memory_space<hbm>>
    %dma_wait3A_523 = tpu.memref_squeeze %dma_wait3A_522 : memref<1x1x32x512xi32, #tpu.memory_space<hbm>> -> memref<32x512xi32, #tpu.memory_space<hbm>>
    %dma_wait3A_524 = tpu.memref_slice %arg11[%dma_wait3A_520] : memref<2x!tpu.dma_semaphore, #tpu.memory_space<semaphore_mem>> -> memref<1x!tpu.dma_semaphore, #tpu.memory_space<semaphore_mem>>
    %dma_wait3A_525 = tpu.memref_squeeze %dma_wait3A_524 : memref<1x!tpu.dma_semaphore, #tpu.memory_space<semaphore_mem>> -> memref<!tpu.dma_semaphore, #tpu.memory_space<semaphore_mem>>
    %dma_wait3A_526 = arith.constant 0 : i32
    %dma_wait3A_527 = tpu.memref_slice %arg2[%select_n3A_419, %dma_wait3A_519, %add3A_439, %dma_wait3A_526] : memref<16x1x512x512xi32, #tpu.memory_space<hbm>> -> memref<1x1x32x512xi32, #tpu.memory_space<hbm>>
    %dma_wait3A_528 = tpu.memref_squeeze %dma_wait3A_527 : memref<1x1x32x512xi32, #tpu.memory_space<hbm>> -> memref<32x512xi32, #tpu.memory_space<hbm>>
    tpu.wait_dma2 semaphore(%dma_wait3A_525 : memref<!tpu.dma_semaphore, #tpu.memory_space<semaphore_mem>>) src(%dma_wait3A_528 : memref<32x512xi32, #tpu.memory_space<hbm>>) dst(%arg6 : memref<32x512xi32, #tpu.memory_space<vmem>>)
    %parallel_loop3A_529 = arith.constant 0 : i32
    %parallel_loop3A_530 = arith.constant 16384 : i32
    %parallel_loop3A_531 = arith.constant 16 : i32
    %parallel_loop3A_532 = scf.for %parallel_loop3A_550 = %parallel_loop3A_529 to %parallel_loop3A_530 step %parallel_loop3A_531 iter_args(%parallel_loop3A_551 = %broadcast_in_dim3A_5) -> (vector<16xf32>)  : i32 {
      %parallel_loop3A_552 = arith.constant 9 : i32
      %parallel_loop3A_553 = arith.shrsi %parallel_loop3A_550, %parallel_loop3A_552 : i32
      %parallel_loop3A_554 = arith.constant 511 : i32
      %parallel_loop3A_555 = arith.andi %parallel_loop3A_550, %parallel_loop3A_554 : i32
      %parallel_loop3A_556 = arith.index_cast %parallel_loop3A_553 : i32 to index
      %parallel_loop3A_557 = arith.index_cast %parallel_loop3A_555 : i32 to index
      %parallel_loop3A_558 = tpu.vector_load %arg6[%parallel_loop3A_556, %parallel_loop3A_557] {strides = array<i32>} : memref<32x512xi32, #tpu.memory_space<vmem>>, vector<16xi32>,
      %parallel_loop3A_559 = arith.constant 15 : i32
      %parallel_loop3A_560 = vector.broadcast %parallel_loop3A_559 : i32 to vector<16xi32>
      %parallel_loop3A_561 = arith.shrui %parallel_loop3A_558, %parallel_loop3A_560 : vector<16xi32>
      %parallel_loop3A_562 = arith.constant 32767 : i32
      %parallel_loop3A_563 = vector.broadcast %parallel_loop3A_562 : i32 to vector<16xi32>
      %parallel_loop3A_564 = arith.andi %parallel_loop3A_558, %parallel_loop3A_563 : vector<16xi32>
      %parallel_loop3A_565 = arith.cmpi eq, %parallel_loop3A_561, %get3A_49 : vector<16xi32>
      tpu.vector_store_idx %arg8[%parallel_loop3A_564], %broadcast_in_dim3A_3 masked %parallel_loop3A_565 {add = true} : memref<32768xi32, #tpu.memory_space<vmem>>[vector<16xi32>], vector<16xi32>, vector<16xi1>
      %parallel_loop3A_566 = arith.cmpi sgt, %parallel_loop3A_561, %get3A_49 : vector<16xi32>
      %parallel_loop3A_567 = vector.bitcast %parallel_loop3A_558 : vector<16xi32> to vector<16xf32>
      %parallel_loop3A_568 = arith.select %parallel_loop3A_566, %parallel_loop3A_567, %broadcast_in_dim3A_5 : vector<16xi1>, vector<16xf32>
      %parallel_loop3A_569 = arith.addf %parallel_loop3A_551, %parallel_loop3A_568 : vector<16xf32>
      scf.yield %parallel_loop3A_569 : vector<16xf32>
    } {sc.loop_unroll_factor = 16 : i64, sc.parallel_access}
    %add3A_533 = arith.addf %add3A_464, %parallel_loop3A_532 : vector<16xf32>
    %dma_wait3A_534 = arith.constant 0 : i32
    %dma_wait3A_535 = arith.constant 1 : i32
    %dma_wait3A_536 = arith.constant 0 : i32
    %dma_wait3A_537 = tpu.memref_slice %arg2[%select_n3A_488, %dma_wait3A_534, %add3A_508, %dma_wait3A_536] : memref<16x1x512x512xi32, #tpu.memory_space<hbm>> -> memref<1x1x32x512xi32, #tpu.memory_space<hbm>>
    %dma_wait3A_538 = tpu.memref_squeeze %dma_wait3A_537 : memref<1x1x32x512xi32, #tpu.memory_space<hbm>> -> memref<32x512xi32, #tpu.memory_space<hbm>>
    %dma_wait3A_539 = tpu.memref_slice %arg11[%dma_wait3A_535] : memref<2x!tpu.dma_semaphore, #tpu.memory_space<semaphore_mem>> -> memref<1x!tpu.dma_semaphore, #tpu.memory_space<semaphore_mem>>
    %dma_wait3A_540 = tpu.memref_squeeze %dma_wait3A_539 : memref<1x!tpu.dma_semaphore, #tpu.memory_space<semaphore_mem>> -> memref<!tpu.dma_semaphore, #tpu.memory_space<semaphore_mem>>
    %dma_wait3A_541 = arith.constant 0 : i32
    %dma_wait3A_542 = tpu.memref_slice %arg2[%select_n3A_488, %dma_wait3A_534, %add3A_508, %dma_wait3A_541] : memref<16x1x512x512xi32, #tpu.memory_space<hbm>> -> memref<1x1x32x512xi32, #tpu.memory_space<hbm>>
    %dma_wait3A_543 = tpu.memref_squeeze %dma_wait3A_542 : memref<1x1x32x512xi32, #tpu.memory_space<hbm>> -> memref<32x512xi32, #tpu.memory_space<hbm>>
    tpu.wait_dma2 semaphore(%dma_wait3A_540 : memref<!tpu.dma_semaphore, #tpu.memory_space<semaphore_mem>>) src(%dma_wait3A_543 : memref<32x512xi32, #tpu.memory_space<hbm>>) dst(%arg7 : memref<32x512xi32, #tpu.memory_space<vmem>>)
    %parallel_loop3A_544 = arith.constant 0 : i32
    %parallel_loop3A_545 = arith.constant 16384 : i32
    %parallel_loop3A_546 = arith.constant 16 : i32
    %parallel_loop3A_547 = scf.for %parallel_loop3A_550 = %parallel_loop3A_544 to %parallel_loop3A_545 step %parallel_loop3A_546 iter_args(%parallel_loop3A_551 = %broadcast_in_dim3A_5) -> (vector<16xf32>)  : i32 {
      %parallel_loop3A_552 = arith.constant 9 : i32
      %parallel_loop3A_553 = arith.shrsi %parallel_loop3A_550, %parallel_loop3A_552 : i32
      %parallel_loop3A_554 = arith.constant 511 : i32
      %parallel_loop3A_555 = arith.andi %parallel_loop3A_550, %parallel_loop3A_554 : i32
      %parallel_loop3A_556 = arith.index_cast %parallel_loop3A_553 : i32 to index
      %parallel_loop3A_557 = arith.index_cast %parallel_loop3A_555 : i32 to index
      %parallel_loop3A_558 = tpu.vector_load %arg7[%parallel_loop3A_556, %parallel_loop3A_557] {strides = array<i32>} : memref<32x512xi32, #tpu.memory_space<vmem>>, vector<16xi32>,
      %parallel_loop3A_559 = arith.constant 15 : i32
      %parallel_loop3A_560 = vector.broadcast %parallel_loop3A_559 : i32 to vector<16xi32>
      %parallel_loop3A_561 = arith.shrui %parallel_loop3A_558, %parallel_loop3A_560 : vector<16xi32>
      %parallel_loop3A_562 = arith.constant 32767 : i32
      %parallel_loop3A_563 = vector.broadcast %parallel_loop3A_562 : i32 to vector<16xi32>
      %parallel_loop3A_564 = arith.andi %parallel_loop3A_558, %parallel_loop3A_563 : vector<16xi32>
      %parallel_loop3A_565 = arith.cmpi eq, %parallel_loop3A_561, %get3A_49 : vector<16xi32>
      tpu.vector_store_idx %arg8[%parallel_loop3A_564], %broadcast_in_dim3A_3 masked %parallel_loop3A_565 {add = true} : memref<32768xi32, #tpu.memory_space<vmem>>[vector<16xi32>], vector<16xi32>, vector<16xi1>
      %parallel_loop3A_566 = arith.cmpi sgt, %parallel_loop3A_561, %get3A_49 : vector<16xi32>
      %parallel_loop3A_567 = vector.bitcast %parallel_loop3A_558 : vector<16xi32> to vector<16xf32>
      %parallel_loop3A_568 = arith.select %parallel_loop3A_566, %parallel_loop3A_567, %broadcast_in_dim3A_5 : vector<16xi1>, vector<16xf32>
      %parallel_loop3A_569 = arith.addf %parallel_loop3A_551, %parallel_loop3A_568 : vector<16xf32>
      scf.yield %parallel_loop3A_569 : vector<16xf32>
    } {sc.loop_unroll_factor = 16 : i64, sc.parallel_access}
    %add3A_548 = arith.addf %add3A_533, %parallel_loop3A_547 : vector<16xf32>
    "tpu.region"() ({
      %run_scoped3A = tpu.sem_alloc : memref<!tpu.dma_semaphore, #tpu.memory_space<semaphore_mem>>
      %dma_start3A_550 = arith.constant 0 : i32
      %dma_start3A_551 = tpu.memref_slice %arg4[%add3A, %dma_start3A_550] : memref<32x32768xi32, #tpu.memory_space<hbm>> -> memref<1x32768xi32, #tpu.memory_space<hbm>>
      %dma_start3A_552 = tpu.memref_squeeze %dma_start3A_551 : memref<1x32768xi32, #tpu.memory_space<hbm>> -> memref<32768xi32, #tpu.memory_space<hbm>>
      %dma_start3A_553 = arith.constant 0 : i32
      %dma_start3A_554 = tpu.memref_slice %arg4[%add3A, %dma_start3A_553] : memref<32x32768xi32, #tpu.memory_space<hbm>> -> memref<1x32768xi32, #tpu.memory_space<hbm>>
      %dma_start3A_555 = tpu.memref_squeeze %dma_start3A_554 : memref<1x32768xi32, #tpu.memory_space<hbm>> -> memref<32768xi32, #tpu.memory_space<hbm>>
      tpu.enqueue_dma source(%arg8 : memref<32768xi32, #tpu.memory_space<vmem>>) target(%dma_start3A_555 : memref<32768xi32, #tpu.memory_space<hbm>>) target_semaphore(%run_scoped3A : memref<!tpu.dma_semaphore, #tpu.memory_space<semaphore_mem>>)
      %dma_wait3A_556 = arith.constant 0 : i32
      %dma_wait3A_557 = tpu.memref_slice %arg4[%add3A, %dma_wait3A_556] : memref<32x32768xi32, #tpu.memory_space<hbm>> -> memref<1x32768xi32, #tpu.memory_space<hbm>>
      %dma_wait3A_558 = tpu.memref_squeeze %dma_wait3A_557 : memref<1x32768xi32, #tpu.memory_space<hbm>> -> memref<32768xi32, #tpu.memory_space<hbm>>
      %dma_wait3A_559 = arith.constant 0 : i32
      %dma_wait3A_560 = tpu.memref_slice %arg4[%add3A, %dma_wait3A_559] : memref<32x32768xi32, #tpu.memory_space<hbm>> -> memref<1x32768xi32, #tpu.memory_space<hbm>>
      %dma_wait3A_561 = tpu.memref_squeeze %dma_wait3A_560 : memref<1x32768xi32, #tpu.memory_space<hbm>> -> memref<32768xi32, #tpu.memory_space<hbm>>
      tpu.wait_dma2 semaphore(%run_scoped3A : memref<!tpu.dma_semaphore, #tpu.memory_space<semaphore_mem>>) src(%arg8 : memref<32768xi32, #tpu.memory_space<vmem>>) dst(%dma_wait3A_561 : memref<32768xi32, #tpu.memory_space<hbm>>)
      tpu.yield
    }) : () -> ()
    %swap3A = arith.constant 0 : index
    %swap3A_549 = tpu.vector_load %arg10[%swap3A] {strides = array<i32>} : memref<16xf32, #tpu.memory_space<vmem>>, vector<16xf32>,
    tpu.vector_store %arg10[%swap3A], %add3A_548 {strides = array<i32>} : memref<16xf32, #tpu.memory_space<vmem>>, vector<16xf32>,
    "tpu.region"() ({
      %run_scoped3A = tpu.sem_alloc : memref<!tpu.dma_semaphore, #tpu.memory_space<semaphore_mem>>
      %dma_start3A_550 = arith.constant 0 : i32
      %dma_start3A_551 = tpu.memref_slice %arg5[%add3A, %dma_start3A_550] : memref<32x16xf32, #tpu.memory_space<hbm>> -> memref<1x16xf32, #tpu.memory_space<hbm>>
      %dma_start3A_552 = tpu.memref_squeeze %dma_start3A_551 : memref<1x16xf32, #tpu.memory_space<hbm>> -> memref<16xf32, #tpu.memory_space<hbm>>
      %dma_start3A_553 = arith.constant 0 : i32
      %dma_start3A_554 = tpu.memref_slice %arg5[%add3A, %dma_start3A_553] : memref<32x16xf32, #tpu.memory_space<hbm>> -> memref<1x16xf32, #tpu.memory_space<hbm>>
      %dma_start3A_555 = tpu.memref_squeeze %dma_start3A_554 : memref<1x16xf32, #tpu.memory_space<hbm>> -> memref<16xf32, #tpu.memory_space<hbm>>
      tpu.enqueue_dma source(%arg10 : memref<16xf32, #tpu.memory_space<vmem>>) target(%dma_start3A_555 : memref<16xf32, #tpu.memory_space<hbm>>) target_semaphore(%run_scoped3A : memref<!tpu.dma_semaphore, #tpu.memory_space<semaphore_mem>>)
      %dma_wait3A_556 = arith.constant 0 : i32
      %dma_wait3A_557 = tpu.memref_slice %arg5[%add3A, %dma_wait3A_556] : memref<32x16xf32, #tpu.memory_space<hbm>> -> memref<1x16xf32, #tpu.memory_space<hbm>>
      %dma_wait3A_558 = tpu.memref_squeeze %dma_wait3A_557 : memref<1x16xf32, #tpu.memory_space<hbm>> -> memref<16xf32, #tpu.memory_space<hbm>>
      %dma_wait3A_559 = arith.constant 0 : i32
      %dma_wait3A_560 = tpu.memref_slice %arg5[%add3A, %dma_wait3A_559] : memref<32x16xf32, #tpu.memory_space<hbm>> -> memref<1x16xf32, #tpu.memory_space<hbm>>
      %dma_wait3A_561 = tpu.memref_squeeze %dma_wait3A_560 : memref<1x16xf32, #tpu.memory_space<hbm>> -> memref<16xf32, #tpu.memory_space<hbm>>
      tpu.wait_dma2 semaphore(%run_scoped3A : memref<!tpu.dma_semaphore, #tpu.memory_space<semaphore_mem>>) src(%arg10 : memref<16xf32, #tpu.memory_space<vmem>>) dst(%dma_wait3A_561 : memref<16xf32, #tpu.memory_space<hbm>>)
      tpu.yield
    }) : () -> ()
    return
  }
}

#map = affine_map<(d0, d1) -> (0, 0, 0, 0)>
#map1 = affine_map<(d0, d1) -> (0, 0)>
module attributes {stable_mosaic.version = 14 : i64} {
  func.func @k(%arg0: i32, %arg1: i32, %arg2: memref<16x1x512x512xi32, #tpu.memory_space<hbm>>, %arg3: memref<32x65536xi32, #tpu.memory_space<hbm>>, %arg4: memref<32x512xi32, #tpu.memory_space<vmem>>, %arg5: memref<32x512xi32, #tpu.memory_space<vmem>>, %arg6: memref<65536xi32, #tpu.memory_space<vmem>>, %arg7: memref<2x!tpu.dma_semaphore, #tpu.memory_space<semaphore_mem>>) attributes {dimension_semantics = [#tpu.dimension_semantics<core_parallel>, #tpu.dimension_semantics<subcore_parallel>], iteration_bounds = array<i64: 2, 16>, scalar_prefetch = 0 : i64, scratch_operands = 4 : i64, tpu.core_type = #tpu.core_type<sc_vector_subcore>, window_params = [{transform_indices = #map}, {transform_indices = #map1}]} {
    %mul3A = arith.constant 2 : i32
    %mul3A_0 = arith.muli %arg1, %mul3A : i32
    %add3A = arith.addi %mul3A_0, %arg0 : i32
    %broadcast_in_dim3A = arith.constant 0 : i32
    %broadcast_in_dim3A_1 = vector.broadcast %broadcast_in_dim3A : i32 to vector<16xi32>
    %broadcast_in_dim3A_2 = arith.constant 1 : i32
    %broadcast_in_dim3A_3 = vector.broadcast %broadcast_in_dim3A_2 : i32 to vector<16xi32>
    %jit3A = arith.constant 2 : i32
    %div3A = arith.divsi %add3A, %jit3A : i32
    %sign3A = arith.constant 0 : i32
    %sign3A_4 = arith.cmpi sgt, %add3A, %sign3A : i32
    %sign3A_5 = arith.extui %sign3A_4 : i1 to i32
    %sign3A_6 = arith.constant 0 : i32
    %sign3A_7 = arith.cmpi slt, %add3A, %sign3A_6 : i32
    %sign3A_8 = arith.extui %sign3A_7 : i1 to i32
    %sign3A_9 = arith.subi %sign3A_5, %sign3A_8 : i32
    %sign3A_10 = arith.constant 0 : i32
    %sign3A_11 = arith.cmpi sgt, %jit3A, %sign3A_10 : i32
    %sign3A_12 = arith.extui %sign3A_11 : i1 to i32
    %sign3A_13 = arith.constant 0 : i32
    %sign3A_14 = arith.cmpi slt, %jit3A, %sign3A_13 : i32
    %sign3A_15 = arith.extui %sign3A_14 : i1 to i32
    %sign3A_16 = arith.subi %sign3A_12, %sign3A_15 : i32
    %ne3A = arith.cmpi ne, %sign3A_9, %sign3A_16 : i32
    %rem3A = arith.remsi %add3A, %jit3A : i32
    %ne3A_17 = arith.constant 0 : i32
    %ne3A_18 = arith.cmpi ne, %rem3A, %ne3A_17 : i32
    %and3A = arith.andi %ne3A, %ne3A_18 : i1
    %sub3A = arith.constant 1 : i32
    %sub3A_19 = arith.subi %div3A, %sub3A : i32
    %select_n3A = arith.select %and3A, %sub3A_19, %div3A : i32
    %jit3A_20 = arith.constant 2 : i32
    %eq3A = arith.constant 0 : i32
    %eq3A_21 = arith.cmpi eq, %jit3A_20, %eq3A : i32
    %jit3A_22 = arith.constant 1 : i32
    %select_n3A_23 = arith.select %eq3A_21, %jit3A_22, %jit3A_20 : i32
    %rem3A_24 = arith.remsi %add3A, %select_n3A_23 : i32
    %ne3A_25 = arith.constant 0 : i32
    %ne3A_26 = arith.cmpi ne, %rem3A_24, %ne3A_25 : i32
    %lt3A = arith.constant 0 : i32
    %lt3A_27 = arith.cmpi slt, %rem3A_24, %lt3A : i32
    %lt3A_28 = arith.constant 0 : i32
    %lt3A_29 = arith.cmpi slt, %select_n3A_23, %lt3A_28 : i32
    %ne3A_30 = arith.xori %lt3A_27, %lt3A_29 : i1
    %and3A_31 = arith.andi %ne3A_30, %ne3A_26 : i1
    %add3A_32 = arith.addi %rem3A_24, %select_n3A_23 : i32
    %select_n3A_33 = arith.select %and3A_31, %add3A_32, %rem3A_24 : i32
    %mul3A_34 = arith.constant 256 : i32
    %mul3A_35 = arith.muli %select_n3A_33, %mul3A_34 : i32
    %add3A_36 = arith.constant 0 : i32
    %add3A_37 = arith.addi %mul3A_35, %add3A_36 : i32
    %dma_start3A = arith.constant 0 : i32
    %dma_start3A_38 = arith.constant 0 : i32
    %dma_start3A_39 = arith.constant 0 : i32
    %dma_start3A_40 = tpu.memref_slice %arg2[%select_n3A, %dma_start3A, %add3A_37, %dma_start3A_39] : memref<16x1x512x512xi32, #tpu.memory_space<hbm>> -> memref<1x1x32x512xi32, #tpu.memory_space<hbm>>
    %dma_start3A_41 = tpu.memref_squeeze %dma_start3A_40 : memref<1x1x32x512xi32, #tpu.memory_space<hbm>> -> memref<32x512xi32, #tpu.memory_space<hbm>>
    %dma_start3A_42 = tpu.memref_slice %arg7[%dma_start3A_38] : memref<2x!tpu.dma_semaphore, #tpu.memory_space<semaphore_mem>> -> memref<1x!tpu.dma_semaphore, #tpu.memory_space<semaphore_mem>>
    %dma_start3A_43 = tpu.memref_squeeze %dma_start3A_42 : memref<1x!tpu.dma_semaphore, #tpu.memory_space<semaphore_mem>> -> memref<!tpu.dma_semaphore, #tpu.memory_space<semaphore_mem>>
    %dma_start3A_44 = arith.constant 0 : i32
    %dma_start3A_45 = tpu.memref_slice %arg2[%select_n3A, %dma_start3A, %add3A_37, %dma_start3A_44] : memref<16x1x512x512xi32, #tpu.memory_space<hbm>> -> memref<1x1x32x512xi32, #tpu.memory_space<hbm>>
    %dma_start3A_46 = tpu.memref_squeeze %dma_start3A_45 : memref<1x1x32x512xi32, #tpu.memory_space<hbm>> -> memref<32x512xi32, #tpu.memory_space<hbm>>
    tpu.enqueue_dma source(%dma_start3A_46 : memref<32x512xi32, #tpu.memory_space<hbm>>) target(%arg4 : memref<32x512xi32, #tpu.memory_space<vmem>>) target_semaphore(%dma_start3A_43 : memref<!tpu.dma_semaphore, #tpu.memory_space<semaphore_mem>>)
    %parallel_loop3A = arith.constant 0 : i32
    %parallel_loop3A_47 = arith.constant 65536 : i32
    %parallel_loop3A_48 = arith.constant 16 : i32
    scf.for %parallel_loop3A_530 = %parallel_loop3A to %parallel_loop3A_47 step %parallel_loop3A_48  : i32 {
      %parallel_loop3A_531 = arith.index_cast %parallel_loop3A_530 : i32 to index
      %parallel_loop3A_532 = tpu.vector_load %arg6[%parallel_loop3A_531] {strides = array<i32>} : memref<65536xi32, #tpu.memory_space<vmem>>, vector<16xi32>,
      tpu.vector_store %arg6[%parallel_loop3A_531], %broadcast_in_dim3A_1 {strides = array<i32>} : memref<65536xi32, #tpu.memory_space<vmem>>, vector<16xi32>,
    } {sc.loop_unroll_factor = 8 : i64, sc.parallel_access}
    %jit3A_49 = arith.constant 2 : i32
    %div3A_50 = arith.divsi %add3A, %jit3A_49 : i32
    %sign3A_51 = arith.constant 0 : i32
    %sign3A_52 = arith.cmpi sgt, %add3A, %sign3A_51 : i32
    %sign3A_53 = arith.extui %sign3A_52 : i1 to i32
    %sign3A_54 = arith.constant 0 : i32
    %sign3A_55 = arith.cmpi slt, %add3A, %sign3A_54 : i32
    %sign3A_56 = arith.extui %sign3A_55 : i1 to i32
    %sign3A_57 = arith.subi %sign3A_53, %sign3A_56 : i32
    %sign3A_58 = arith.constant 0 : i32
    %sign3A_59 = arith.cmpi sgt, %jit3A_49, %sign3A_58 : i32
    %sign3A_60 = arith.extui %sign3A_59 : i1 to i32
    %sign3A_61 = arith.constant 0 : i32
    %sign3A_62 = arith.cmpi slt, %jit3A_49, %sign3A_61 : i32
    %sign3A_63 = arith.extui %sign3A_62 : i1 to i32
    %sign3A_64 = arith.subi %sign3A_60, %sign3A_63 : i32
    %ne3A_65 = arith.cmpi ne, %sign3A_57, %sign3A_64 : i32
    %rem3A_66 = arith.remsi %add3A, %jit3A_49 : i32
    %ne3A_67 = arith.constant 0 : i32
    %ne3A_68 = arith.cmpi ne, %rem3A_66, %ne3A_67 : i32
    %and3A_69 = arith.andi %ne3A_65, %ne3A_68 : i1
    %sub3A_70 = arith.constant 1 : i32
    %sub3A_71 = arith.subi %div3A_50, %sub3A_70 : i32
    %select_n3A_72 = arith.select %and3A_69, %sub3A_71, %div3A_50 : i32
    %jit3A_73 = arith.constant 2 : i32
    %eq3A_74 = arith.constant 0 : i32
    %eq3A_75 = arith.cmpi eq, %jit3A_73, %eq3A_74 : i32
    %jit3A_76 = arith.constant 1 : i32
    %select_n3A_77 = arith.select %eq3A_75, %jit3A_76, %jit3A_73 : i32
    %rem3A_78 = arith.remsi %add3A, %select_n3A_77 : i32
    %ne3A_79 = arith.constant 0 : i32
    %ne3A_80 = arith.cmpi ne, %rem3A_78, %ne3A_79 : i32
    %lt3A_81 = arith.constant 0 : i32
    %lt3A_82 = arith.cmpi slt, %rem3A_78, %lt3A_81 : i32
    %lt3A_83 = arith.constant 0 : i32
    %lt3A_84 = arith.cmpi slt, %select_n3A_77, %lt3A_83 : i32
    %ne3A_85 = arith.xori %lt3A_82, %lt3A_84 : i1
    %and3A_86 = arith.andi %ne3A_85, %ne3A_80 : i1
    %add3A_87 = arith.addi %rem3A_78, %select_n3A_77 : i32
    %select_n3A_88 = arith.select %and3A_86, %add3A_87, %rem3A_78 : i32
    %mul3A_89 = arith.constant 256 : i32
    %mul3A_90 = arith.muli %select_n3A_88, %mul3A_89 : i32
    %add3A_91 = arith.constant 32 : i32
    %add3A_92 = arith.addi %mul3A_90, %add3A_91 : i32
    %dma_start3A_93 = arith.constant 0 : i32
    %dma_start3A_94 = arith.constant 1 : i32
    %dma_start3A_95 = arith.constant 0 : i32
    %dma_start3A_96 = tpu.memref_slice %arg2[%select_n3A_72, %dma_start3A_93, %add3A_92, %dma_start3A_95] : memref<16x1x512x512xi32, #tpu.memory_space<hbm>> -> memref<1x1x32x512xi32, #tpu.memory_space<hbm>>
    %dma_start3A_97 = tpu.memref_squeeze %dma_start3A_96 : memref<1x1x32x512xi32, #tpu.memory_space<hbm>> -> memref<32x512xi32, #tpu.memory_space<hbm>>
    %dma_start3A_98 = tpu.memref_slice %arg7[%dma_start3A_94] : memref<2x!tpu.dma_semaphore, #tpu.memory_space<semaphore_mem>> -> memref<1x!tpu.dma_semaphore, #tpu.memory_space<semaphore_mem>>
    %dma_start3A_99 = tpu.memref_squeeze %dma_start3A_98 : memref<1x!tpu.dma_semaphore, #tpu.memory_space<semaphore_mem>> -> memref<!tpu.dma_semaphore, #tpu.memory_space<semaphore_mem>>
    %dma_start3A_100 = arith.constant 0 : i32
    %dma_start3A_101 = tpu.memref_slice %arg2[%select_n3A_72, %dma_start3A_93, %add3A_92, %dma_start3A_100] : memref<16x1x512x512xi32, #tpu.memory_space<hbm>> -> memref<1x1x32x512xi32, #tpu.memory_space<hbm>>
    %dma_start3A_102 = tpu.memref_squeeze %dma_start3A_101 : memref<1x1x32x512xi32, #tpu.memory_space<hbm>> -> memref<32x512xi32, #tpu.memory_space<hbm>>
    tpu.enqueue_dma source(%dma_start3A_102 : memref<32x512xi32, #tpu.memory_space<hbm>>) target(%arg5 : memref<32x512xi32, #tpu.memory_space<vmem>>) target_semaphore(%dma_start3A_99 : memref<!tpu.dma_semaphore, #tpu.memory_space<semaphore_mem>>)
    %dma_wait3A = arith.constant 0 : i32
    %dma_wait3A_103 = arith.constant 0 : i32
    %dma_wait3A_104 = arith.constant 0 : i32
    %dma_wait3A_105 = tpu.memref_slice %arg2[%select_n3A, %dma_wait3A, %add3A_37, %dma_wait3A_104] : memref<16x1x512x512xi32, #tpu.memory_space<hbm>> -> memref<1x1x32x512xi32, #tpu.memory_space<hbm>>
    %dma_wait3A_106 = tpu.memref_squeeze %dma_wait3A_105 : memref<1x1x32x512xi32, #tpu.memory_space<hbm>> -> memref<32x512xi32, #tpu.memory_space<hbm>>
    %dma_wait3A_107 = tpu.memref_slice %arg7[%dma_wait3A_103] : memref<2x!tpu.dma_semaphore, #tpu.memory_space<semaphore_mem>> -> memref<1x!tpu.dma_semaphore, #tpu.memory_space<semaphore_mem>>
    %dma_wait3A_108 = tpu.memref_squeeze %dma_wait3A_107 : memref<1x!tpu.dma_semaphore, #tpu.memory_space<semaphore_mem>> -> memref<!tpu.dma_semaphore, #tpu.memory_space<semaphore_mem>>
    %dma_wait3A_109 = arith.constant 0 : i32
    %dma_wait3A_110 = tpu.memref_slice %arg2[%select_n3A, %dma_wait3A, %add3A_37, %dma_wait3A_109] : memref<16x1x512x512xi32, #tpu.memory_space<hbm>> -> memref<1x1x32x512xi32, #tpu.memory_space<hbm>>
    %dma_wait3A_111 = tpu.memref_squeeze %dma_wait3A_110 : memref<1x1x32x512xi32, #tpu.memory_space<hbm>> -> memref<32x512xi32, #tpu.memory_space<hbm>>
    tpu.wait_dma2 semaphore(%dma_wait3A_108 : memref<!tpu.dma_semaphore, #tpu.memory_space<semaphore_mem>>) src(%dma_wait3A_111 : memref<32x512xi32, #tpu.memory_space<hbm>>) dst(%arg4 : memref<32x512xi32, #tpu.memory_space<vmem>>)
    %parallel_loop3A_112 = arith.constant 0 : i32
    %parallel_loop3A_113 = arith.constant 16384 : i32
    %parallel_loop3A_114 = arith.constant 16 : i32
    scf.for %parallel_loop3A_530 = %parallel_loop3A_112 to %parallel_loop3A_113 step %parallel_loop3A_114  : i32 {
      %parallel_loop3A_531 = arith.constant 9 : i32
      %parallel_loop3A_532 = arith.shrsi %parallel_loop3A_530, %parallel_loop3A_531 : i32
      %parallel_loop3A_533 = arith.constant 511 : i32
      %parallel_loop3A_534 = arith.andi %parallel_loop3A_530, %parallel_loop3A_533 : i32
      %parallel_loop3A_535 = arith.index_cast %parallel_loop3A_532 : i32 to index
      %parallel_loop3A_536 = arith.index_cast %parallel_loop3A_534 : i32 to index
      %parallel_loop3A_537 = tpu.vector_load %arg4[%parallel_loop3A_535, %parallel_loop3A_536] {strides = array<i32>} : memref<32x512xi32, #tpu.memory_space<vmem>>, vector<16xi32>,
      %parallel_loop3A_538 = arith.constant 15 : i32
      %parallel_loop3A_539 = vector.broadcast %parallel_loop3A_538 : i32 to vector<16xi32>
      %parallel_loop3A_540 = arith.shrui %parallel_loop3A_537, %parallel_loop3A_539 : vector<16xi32>
      tpu.vector_store_idx %arg6[%parallel_loop3A_540], %broadcast_in_dim3A_3 {add = true} : memref<65536xi32, #tpu.memory_space<vmem>>[vector<16xi32>], vector<16xi32>,
    } {sc.loop_unroll_factor = 16 : i64, sc.parallel_access}
    %jit3A_115 = arith.constant 2 : i32
    %div3A_116 = arith.divsi %add3A, %jit3A_115 : i32
    %sign3A_117 = arith.constant 0 : i32
    %sign3A_118 = arith.cmpi sgt, %add3A, %sign3A_117 : i32
    %sign3A_119 = arith.extui %sign3A_118 : i1 to i32
    %sign3A_120 = arith.constant 0 : i32
    %sign3A_121 = arith.cmpi slt, %add3A, %sign3A_120 : i32
    %sign3A_122 = arith.extui %sign3A_121 : i1 to i32
    %sign3A_123 = arith.subi %sign3A_119, %sign3A_122 : i32
    %sign3A_124 = arith.constant 0 : i32
    %sign3A_125 = arith.cmpi sgt, %jit3A_115, %sign3A_124 : i32
    %sign3A_126 = arith.extui %sign3A_125 : i1 to i32
    %sign3A_127 = arith.constant 0 : i32
    %sign3A_128 = arith.cmpi slt, %jit3A_115, %sign3A_127 : i32
    %sign3A_129 = arith.extui %sign3A_128 : i1 to i32
    %sign3A_130 = arith.subi %sign3A_126, %sign3A_129 : i32
    %ne3A_131 = arith.cmpi ne, %sign3A_123, %sign3A_130 : i32
    %rem3A_132 = arith.remsi %add3A, %jit3A_115 : i32
    %ne3A_133 = arith.constant 0 : i32
    %ne3A_134 = arith.cmpi ne, %rem3A_132, %ne3A_133 : i32
    %and3A_135 = arith.andi %ne3A_131, %ne3A_134 : i1
    %sub3A_136 = arith.constant 1 : i32
    %sub3A_137 = arith.subi %div3A_116, %sub3A_136 : i32
    %select_n3A_138 = arith.select %and3A_135, %sub3A_137, %div3A_116 : i32
    %jit3A_139 = arith.constant 2 : i32
    %eq3A_140 = arith.constant 0 : i32
    %eq3A_141 = arith.cmpi eq, %jit3A_139, %eq3A_140 : i32
    %jit3A_142 = arith.constant 1 : i32
    %select_n3A_143 = arith.select %eq3A_141, %jit3A_142, %jit3A_139 : i32
    %rem3A_144 = arith.remsi %add3A, %select_n3A_143 : i32
    %ne3A_145 = arith.constant 0 : i32
    %ne3A_146 = arith.cmpi ne, %rem3A_144, %ne3A_145 : i32
    %lt3A_147 = arith.constant 0 : i32
    %lt3A_148 = arith.cmpi slt, %rem3A_144, %lt3A_147 : i32
    %lt3A_149 = arith.constant 0 : i32
    %lt3A_150 = arith.cmpi slt, %select_n3A_143, %lt3A_149 : i32
    %ne3A_151 = arith.xori %lt3A_148, %lt3A_150 : i1
    %and3A_152 = arith.andi %ne3A_151, %ne3A_146 : i1
    %add3A_153 = arith.addi %rem3A_144, %select_n3A_143 : i32
    %select_n3A_154 = arith.select %and3A_152, %add3A_153, %rem3A_144 : i32
    %mul3A_155 = arith.constant 256 : i32
    %mul3A_156 = arith.muli %select_n3A_154, %mul3A_155 : i32
    %add3A_157 = arith.constant 64 : i32
    %add3A_158 = arith.addi %mul3A_156, %add3A_157 : i32
    %dma_start3A_159 = arith.constant 0 : i32
    %dma_start3A_160 = arith.constant 0 : i32
    %dma_start3A_161 = arith.constant 0 : i32
    %dma_start3A_162 = tpu.memref_slice %arg2[%select_n3A_138, %dma_start3A_159, %add3A_158, %dma_start3A_161] : memref<16x1x512x512xi32, #tpu.memory_space<hbm>> -> memref<1x1x32x512xi32, #tpu.memory_space<hbm>>
    %dma_start3A_163 = tpu.memref_squeeze %dma_start3A_162 : memref<1x1x32x512xi32, #tpu.memory_space<hbm>> -> memref<32x512xi32, #tpu.memory_space<hbm>>
    %dma_start3A_164 = tpu.memref_slice %arg7[%dma_start3A_160] : memref<2x!tpu.dma_semaphore, #tpu.memory_space<semaphore_mem>> -> memref<1x!tpu.dma_semaphore, #tpu.memory_space<semaphore_mem>>
    %dma_start3A_165 = tpu.memref_squeeze %dma_start3A_164 : memref<1x!tpu.dma_semaphore, #tpu.memory_space<semaphore_mem>> -> memref<!tpu.dma_semaphore, #tpu.memory_space<semaphore_mem>>
    %dma_start3A_166 = arith.constant 0 : i32
    %dma_start3A_167 = tpu.memref_slice %arg2[%select_n3A_138, %dma_start3A_159, %add3A_158, %dma_start3A_166] : memref<16x1x512x512xi32, #tpu.memory_space<hbm>> -> memref<1x1x32x512xi32, #tpu.memory_space<hbm>>
    %dma_start3A_168 = tpu.memref_squeeze %dma_start3A_167 : memref<1x1x32x512xi32, #tpu.memory_space<hbm>> -> memref<32x512xi32, #tpu.memory_space<hbm>>
    tpu.enqueue_dma source(%dma_start3A_168 : memref<32x512xi32, #tpu.memory_space<hbm>>) target(%arg4 : memref<32x512xi32, #tpu.memory_space<vmem>>) target_semaphore(%dma_start3A_165 : memref<!tpu.dma_semaphore, #tpu.memory_space<semaphore_mem>>)
    %dma_wait3A_169 = arith.constant 0 : i32
    %dma_wait3A_170 = arith.constant 1 : i32
    %dma_wait3A_171 = arith.constant 0 : i32
    %dma_wait3A_172 = tpu.memref_slice %arg2[%select_n3A_72, %dma_wait3A_169, %add3A_92, %dma_wait3A_171] : memref<16x1x512x512xi32, #tpu.memory_space<hbm>> -> memref<1x1x32x512xi32, #tpu.memory_space<hbm>>
    %dma_wait3A_173 = tpu.memref_squeeze %dma_wait3A_172 : memref<1x1x32x512xi32, #tpu.memory_space<hbm>> -> memref<32x512xi32, #tpu.memory_space<hbm>>
    %dma_wait3A_174 = tpu.memref_slice %arg7[%dma_wait3A_170] : memref<2x!tpu.dma_semaphore, #tpu.memory_space<semaphore_mem>> -> memref<1x!tpu.dma_semaphore, #tpu.memory_space<semaphore_mem>>
    %dma_wait3A_175 = tpu.memref_squeeze %dma_wait3A_174 : memref<1x!tpu.dma_semaphore, #tpu.memory_space<semaphore_mem>> -> memref<!tpu.dma_semaphore, #tpu.memory_space<semaphore_mem>>
    %dma_wait3A_176 = arith.constant 0 : i32
    %dma_wait3A_177 = tpu.memref_slice %arg2[%select_n3A_72, %dma_wait3A_169, %add3A_92, %dma_wait3A_176] : memref<16x1x512x512xi32, #tpu.memory_space<hbm>> -> memref<1x1x32x512xi32, #tpu.memory_space<hbm>>
    %dma_wait3A_178 = tpu.memref_squeeze %dma_wait3A_177 : memref<1x1x32x512xi32, #tpu.memory_space<hbm>> -> memref<32x512xi32, #tpu.memory_space<hbm>>
    tpu.wait_dma2 semaphore(%dma_wait3A_175 : memref<!tpu.dma_semaphore, #tpu.memory_space<semaphore_mem>>) src(%dma_wait3A_178 : memref<32x512xi32, #tpu.memory_space<hbm>>) dst(%arg5 : memref<32x512xi32, #tpu.memory_space<vmem>>)
    %parallel_loop3A_179 = arith.constant 0 : i32
    %parallel_loop3A_180 = arith.constant 16384 : i32
    %parallel_loop3A_181 = arith.constant 16 : i32
    scf.for %parallel_loop3A_530 = %parallel_loop3A_179 to %parallel_loop3A_180 step %parallel_loop3A_181  : i32 {
      %parallel_loop3A_531 = arith.constant 9 : i32
      %parallel_loop3A_532 = arith.shrsi %parallel_loop3A_530, %parallel_loop3A_531 : i32
      %parallel_loop3A_533 = arith.constant 511 : i32
      %parallel_loop3A_534 = arith.andi %parallel_loop3A_530, %parallel_loop3A_533 : i32
      %parallel_loop3A_535 = arith.index_cast %parallel_loop3A_532 : i32 to index
      %parallel_loop3A_536 = arith.index_cast %parallel_loop3A_534 : i32 to index
      %parallel_loop3A_537 = tpu.vector_load %arg5[%parallel_loop3A_535, %parallel_loop3A_536] {strides = array<i32>} : memref<32x512xi32, #tpu.memory_space<vmem>>, vector<16xi32>,
      %parallel_loop3A_538 = arith.constant 15 : i32
      %parallel_loop3A_539 = vector.broadcast %parallel_loop3A_538 : i32 to vector<16xi32>
      %parallel_loop3A_540 = arith.shrui %parallel_loop3A_537, %parallel_loop3A_539 : vector<16xi32>
      tpu.vector_store_idx %arg6[%parallel_loop3A_540], %broadcast_in_dim3A_3 {add = true} : memref<65536xi32, #tpu.memory_space<vmem>>[vector<16xi32>], vector<16xi32>,
    } {sc.loop_unroll_factor = 16 : i64, sc.parallel_access}
    %jit3A_182 = arith.constant 2 : i32
    %div3A_183 = arith.divsi %add3A, %jit3A_182 : i32
    %sign3A_184 = arith.constant 0 : i32
    %sign3A_185 = arith.cmpi sgt, %add3A, %sign3A_184 : i32
    %sign3A_186 = arith.extui %sign3A_185 : i1 to i32
    %sign3A_187 = arith.constant 0 : i32
    %sign3A_188 = arith.cmpi slt, %add3A, %sign3A_187 : i32
    %sign3A_189 = arith.extui %sign3A_188 : i1 to i32
    %sign3A_190 = arith.subi %sign3A_186, %sign3A_189 : i32
    %sign3A_191 = arith.constant 0 : i32
    %sign3A_192 = arith.cmpi sgt, %jit3A_182, %sign3A_191 : i32
    %sign3A_193 = arith.extui %sign3A_192 : i1 to i32
    %sign3A_194 = arith.constant 0 : i32
    %sign3A_195 = arith.cmpi slt, %jit3A_182, %sign3A_194 : i32
    %sign3A_196 = arith.extui %sign3A_195 : i1 to i32
    %sign3A_197 = arith.subi %sign3A_193, %sign3A_196 : i32
    %ne3A_198 = arith.cmpi ne, %sign3A_190, %sign3A_197 : i32
    %rem3A_199 = arith.remsi %add3A, %jit3A_182 : i32
    %ne3A_200 = arith.constant 0 : i32
    %ne3A_201 = arith.cmpi ne, %rem3A_199, %ne3A_200 : i32
    %and3A_202 = arith.andi %ne3A_198, %ne3A_201 : i1
    %sub3A_203 = arith.constant 1 : i32
    %sub3A_204 = arith.subi %div3A_183, %sub3A_203 : i32
    %select_n3A_205 = arith.select %and3A_202, %sub3A_204, %div3A_183 : i32
    %jit3A_206 = arith.constant 2 : i32
    %eq3A_207 = arith.constant 0 : i32
    %eq3A_208 = arith.cmpi eq, %jit3A_206, %eq3A_207 : i32
    %jit3A_209 = arith.constant 1 : i32
    %select_n3A_210 = arith.select %eq3A_208, %jit3A_209, %jit3A_206 : i32
    %rem3A_211 = arith.remsi %add3A, %select_n3A_210 : i32
    %ne3A_212 = arith.constant 0 : i32
    %ne3A_213 = arith.cmpi ne, %rem3A_211, %ne3A_212 : i32
    %lt3A_214 = arith.constant 0 : i32
    %lt3A_215 = arith.cmpi slt, %rem3A_211, %lt3A_214 : i32
    %lt3A_216 = arith.constant 0 : i32
    %lt3A_217 = arith.cmpi slt, %select_n3A_210, %lt3A_216 : i32
    %ne3A_218 = arith.xori %lt3A_215, %lt3A_217 : i1
    %and3A_219 = arith.andi %ne3A_218, %ne3A_213 : i1
    %add3A_220 = arith.addi %rem3A_211, %select_n3A_210 : i32
    %select_n3A_221 = arith.select %and3A_219, %add3A_220, %rem3A_211 : i32
    %mul3A_222 = arith.constant 256 : i32
    %mul3A_223 = arith.muli %select_n3A_221, %mul3A_222 : i32
    %add3A_224 = arith.constant 96 : i32
    %add3A_225 = arith.addi %mul3A_223, %add3A_224 : i32
    %dma_start3A_226 = arith.constant 0 : i32
    %dma_start3A_227 = arith.constant 1 : i32
    %dma_start3A_228 = arith.constant 0 : i32
    %dma_start3A_229 = tpu.memref_slice %arg2[%select_n3A_205, %dma_start3A_226, %add3A_225, %dma_start3A_228] : memref<16x1x512x512xi32, #tpu.memory_space<hbm>> -> memref<1x1x32x512xi32, #tpu.memory_space<hbm>>
    %dma_start3A_230 = tpu.memref_squeeze %dma_start3A_229 : memref<1x1x32x512xi32, #tpu.memory_space<hbm>> -> memref<32x512xi32, #tpu.memory_space<hbm>>
    %dma_start3A_231 = tpu.memref_slice %arg7[%dma_start3A_227] : memref<2x!tpu.dma_semaphore, #tpu.memory_space<semaphore_mem>> -> memref<1x!tpu.dma_semaphore, #tpu.memory_space<semaphore_mem>>
    %dma_start3A_232 = tpu.memref_squeeze %dma_start3A_231 : memref<1x!tpu.dma_semaphore, #tpu.memory_space<semaphore_mem>> -> memref<!tpu.dma_semaphore, #tpu.memory_space<semaphore_mem>>
    %dma_start3A_233 = arith.constant 0 : i32
    %dma_start3A_234 = tpu.memref_slice %arg2[%select_n3A_205, %dma_start3A_226, %add3A_225, %dma_start3A_233] : memref<16x1x512x512xi32, #tpu.memory_space<hbm>> -> memref<1x1x32x512xi32, #tpu.memory_space<hbm>>
    %dma_start3A_235 = tpu.memref_squeeze %dma_start3A_234 : memref<1x1x32x512xi32, #tpu.memory_space<hbm>> -> memref<32x512xi32, #tpu.memory_space<hbm>>
    tpu.enqueue_dma source(%dma_start3A_235 : memref<32x512xi32, #tpu.memory_space<hbm>>) target(%arg5 : memref<32x512xi32, #tpu.memory_space<vmem>>) target_semaphore(%dma_start3A_232 : memref<!tpu.dma_semaphore, #tpu.memory_space<semaphore_mem>>)
    %dma_wait3A_236 = arith.constant 0 : i32
    %dma_wait3A_237 = arith.constant 0 : i32
    %dma_wait3A_238 = arith.constant 0 : i32
    %dma_wait3A_239 = tpu.memref_slice %arg2[%select_n3A_138, %dma_wait3A_236, %add3A_158, %dma_wait3A_238] : memref<16x1x512x512xi32, #tpu.memory_space<hbm>> -> memref<1x1x32x512xi32, #tpu.memory_space<hbm>>
    %dma_wait3A_240 = tpu.memref_squeeze %dma_wait3A_239 : memref<1x1x32x512xi32, #tpu.memory_space<hbm>> -> memref<32x512xi32, #tpu.memory_space<hbm>>
    %dma_wait3A_241 = tpu.memref_slice %arg7[%dma_wait3A_237] : memref<2x!tpu.dma_semaphore, #tpu.memory_space<semaphore_mem>> -> memref<1x!tpu.dma_semaphore, #tpu.memory_space<semaphore_mem>>
    %dma_wait3A_242 = tpu.memref_squeeze %dma_wait3A_241 : memref<1x!tpu.dma_semaphore, #tpu.memory_space<semaphore_mem>> -> memref<!tpu.dma_semaphore, #tpu.memory_space<semaphore_mem>>
    %dma_wait3A_243 = arith.constant 0 : i32
    %dma_wait3A_244 = tpu.memref_slice %arg2[%select_n3A_138, %dma_wait3A_236, %add3A_158, %dma_wait3A_243] : memref<16x1x512x512xi32, #tpu.memory_space<hbm>> -> memref<1x1x32x512xi32, #tpu.memory_space<hbm>>
    %dma_wait3A_245 = tpu.memref_squeeze %dma_wait3A_244 : memref<1x1x32x512xi32, #tpu.memory_space<hbm>> -> memref<32x512xi32, #tpu.memory_space<hbm>>
    tpu.wait_dma2 semaphore(%dma_wait3A_242 : memref<!tpu.dma_semaphore, #tpu.memory_space<semaphore_mem>>) src(%dma_wait3A_245 : memref<32x512xi32, #tpu.memory_space<hbm>>) dst(%arg4 : memref<32x512xi32, #tpu.memory_space<vmem>>)
    %parallel_loop3A_246 = arith.constant 0 : i32
    %parallel_loop3A_247 = arith.constant 16384 : i32
    %parallel_loop3A_248 = arith.constant 16 : i32
    scf.for %parallel_loop3A_530 = %parallel_loop3A_246 to %parallel_loop3A_247 step %parallel_loop3A_248  : i32 {
      %parallel_loop3A_531 = arith.constant 9 : i32
      %parallel_loop3A_532 = arith.shrsi %parallel_loop3A_530, %parallel_loop3A_531 : i32
      %parallel_loop3A_533 = arith.constant 511 : i32
      %parallel_loop3A_534 = arith.andi %parallel_loop3A_530, %parallel_loop3A_533 : i32
      %parallel_loop3A_535 = arith.index_cast %parallel_loop3A_532 : i32 to index
      %parallel_loop3A_536 = arith.index_cast %parallel_loop3A_534 : i32 to index
      %parallel_loop3A_537 = tpu.vector_load %arg4[%parallel_loop3A_535, %parallel_loop3A_536] {strides = array<i32>} : memref<32x512xi32, #tpu.memory_space<vmem>>, vector<16xi32>,
      %parallel_loop3A_538 = arith.constant 15 : i32
      %parallel_loop3A_539 = vector.broadcast %parallel_loop3A_538 : i32 to vector<16xi32>
      %parallel_loop3A_540 = arith.shrui %parallel_loop3A_537, %parallel_loop3A_539 : vector<16xi32>
      tpu.vector_store_idx %arg6[%parallel_loop3A_540], %broadcast_in_dim3A_3 {add = true} : memref<65536xi32, #tpu.memory_space<vmem>>[vector<16xi32>], vector<16xi32>,
    } {sc.loop_unroll_factor = 16 : i64, sc.parallel_access}
    %jit3A_249 = arith.constant 2 : i32
    %div3A_250 = arith.divsi %add3A, %jit3A_249 : i32
    %sign3A_251 = arith.constant 0 : i32
    %sign3A_252 = arith.cmpi sgt, %add3A, %sign3A_251 : i32
    %sign3A_253 = arith.extui %sign3A_252 : i1 to i32
    %sign3A_254 = arith.constant 0 : i32
    %sign3A_255 = arith.cmpi slt, %add3A, %sign3A_254 : i32
    %sign3A_256 = arith.extui %sign3A_255 : i1 to i32
    %sign3A_257 = arith.subi %sign3A_253, %sign3A_256 : i32
    %sign3A_258 = arith.constant 0 : i32
    %sign3A_259 = arith.cmpi sgt, %jit3A_249, %sign3A_258 : i32
    %sign3A_260 = arith.extui %sign3A_259 : i1 to i32
    %sign3A_261 = arith.constant 0 : i32
    %sign3A_262 = arith.cmpi slt, %jit3A_249, %sign3A_261 : i32
    %sign3A_263 = arith.extui %sign3A_262 : i1 to i32
    %sign3A_264 = arith.subi %sign3A_260, %sign3A_263 : i32
    %ne3A_265 = arith.cmpi ne, %sign3A_257, %sign3A_264 : i32
    %rem3A_266 = arith.remsi %add3A, %jit3A_249 : i32
    %ne3A_267 = arith.constant 0 : i32
    %ne3A_268 = arith.cmpi ne, %rem3A_266, %ne3A_267 : i32
    %and3A_269 = arith.andi %ne3A_265, %ne3A_268 : i1
    %sub3A_270 = arith.constant 1 : i32
    %sub3A_271 = arith.subi %div3A_250, %sub3A_270 : i32
    %select_n3A_272 = arith.select %and3A_269, %sub3A_271, %div3A_250 : i32
    %jit3A_273 = arith.constant 2 : i32
    %eq3A_274 = arith.constant 0 : i32
    %eq3A_275 = arith.cmpi eq, %jit3A_273, %eq3A_274 : i32
    %jit3A_276 = arith.constant 1 : i32
    %select_n3A_277 = arith.select %eq3A_275, %jit3A_276, %jit3A_273 : i32
    %rem3A_278 = arith.remsi %add3A, %select_n3A_277 : i32
    %ne3A_279 = arith.constant 0 : i32
    %ne3A_280 = arith.cmpi ne, %rem3A_278, %ne3A_279 : i32
    %lt3A_281 = arith.constant 0 : i32
    %lt3A_282 = arith.cmpi slt, %rem3A_278, %lt3A_281 : i32
    %lt3A_283 = arith.constant 0 : i32
    %lt3A_284 = arith.cmpi slt, %select_n3A_277, %lt3A_283 : i32
    %ne3A_285 = arith.xori %lt3A_282, %lt3A_284 : i1
    %and3A_286 = arith.andi %ne3A_285, %ne3A_280 : i1
    %add3A_287 = arith.addi %rem3A_278, %select_n3A_277 : i32
    %select_n3A_288 = arith.select %and3A_286, %add3A_287, %rem3A_278 : i32
    %mul3A_289 = arith.constant 256 : i32
    %mul3A_290 = arith.muli %select_n3A_288, %mul3A_289 : i32
    %add3A_291 = arith.constant 128 : i32
    %add3A_292 = arith.addi %mul3A_290, %add3A_291 : i32
    %dma_start3A_293 = arith.constant 0 : i32
    %dma_start3A_294 = arith.constant 0 : i32
    %dma_start3A_295 = arith.constant 0 : i32
    %dma_start3A_296 = tpu.memref_slice %arg2[%select_n3A_272, %dma_start3A_293, %add3A_292, %dma_start3A_295] : memref<16x1x512x512xi32, #tpu.memory_space<hbm>> -> memref<1x1x32x512xi32, #tpu.memory_space<hbm>>
    %dma_start3A_297 = tpu.memref_squeeze %dma_start3A_296 : memref<1x1x32x512xi32, #tpu.memory_space<hbm>> -> memref<32x512xi32, #tpu.memory_space<hbm>>
    %dma_start3A_298 = tpu.memref_slice %arg7[%dma_start3A_294] : memref<2x!tpu.dma_semaphore, #tpu.memory_space<semaphore_mem>> -> memref<1x!tpu.dma_semaphore, #tpu.memory_space<semaphore_mem>>
    %dma_start3A_299 = tpu.memref_squeeze %dma_start3A_298 : memref<1x!tpu.dma_semaphore, #tpu.memory_space<semaphore_mem>> -> memref<!tpu.dma_semaphore, #tpu.memory_space<semaphore_mem>>
    %dma_start3A_300 = arith.constant 0 : i32
    %dma_start3A_301 = tpu.memref_slice %arg2[%select_n3A_272, %dma_start3A_293, %add3A_292, %dma_start3A_300] : memref<16x1x512x512xi32, #tpu.memory_space<hbm>> -> memref<1x1x32x512xi32, #tpu.memory_space<hbm>>
    %dma_start3A_302 = tpu.memref_squeeze %dma_start3A_301 : memref<1x1x32x512xi32, #tpu.memory_space<hbm>> -> memref<32x512xi32, #tpu.memory_space<hbm>>
    tpu.enqueue_dma source(%dma_start3A_302 : memref<32x512xi32, #tpu.memory_space<hbm>>) target(%arg4 : memref<32x512xi32, #tpu.memory_space<vmem>>) target_semaphore(%dma_start3A_299 : memref<!tpu.dma_semaphore, #tpu.memory_space<semaphore_mem>>)
    %dma_wait3A_303 = arith.constant 0 : i32
    %dma_wait3A_304 = arith.constant 1 : i32
    %dma_wait3A_305 = arith.constant 0 : i32
    %dma_wait3A_306 = tpu.memref_slice %arg2[%select_n3A_205, %dma_wait3A_303, %add3A_225, %dma_wait3A_305] : memref<16x1x512x512xi32, #tpu.memory_space<hbm>> -> memref<1x1x32x512xi32, #tpu.memory_space<hbm>>
    %dma_wait3A_307 = tpu.memref_squeeze %dma_wait3A_306 : memref<1x1x32x512xi32, #tpu.memory_space<hbm>> -> memref<32x512xi32, #tpu.memory_space<hbm>>
    %dma_wait3A_308 = tpu.memref_slice %arg7[%dma_wait3A_304] : memref<2x!tpu.dma_semaphore, #tpu.memory_space<semaphore_mem>> -> memref<1x!tpu.dma_semaphore, #tpu.memory_space<semaphore_mem>>
    %dma_wait3A_309 = tpu.memref_squeeze %dma_wait3A_308 : memref<1x!tpu.dma_semaphore, #tpu.memory_space<semaphore_mem>> -> memref<!tpu.dma_semaphore, #tpu.memory_space<semaphore_mem>>
    %dma_wait3A_310 = arith.constant 0 : i32
    %dma_wait3A_311 = tpu.memref_slice %arg2[%select_n3A_205, %dma_wait3A_303, %add3A_225, %dma_wait3A_310] : memref<16x1x512x512xi32, #tpu.memory_space<hbm>> -> memref<1x1x32x512xi32, #tpu.memory_space<hbm>>
    %dma_wait3A_312 = tpu.memref_squeeze %dma_wait3A_311 : memref<1x1x32x512xi32, #tpu.memory_space<hbm>> -> memref<32x512xi32, #tpu.memory_space<hbm>>
    tpu.wait_dma2 semaphore(%dma_wait3A_309 : memref<!tpu.dma_semaphore, #tpu.memory_space<semaphore_mem>>) src(%dma_wait3A_312 : memref<32x512xi32, #tpu.memory_space<hbm>>) dst(%arg5 : memref<32x512xi32, #tpu.memory_space<vmem>>)
    %parallel_loop3A_313 = arith.constant 0 : i32
    %parallel_loop3A_314 = arith.constant 16384 : i32
    %parallel_loop3A_315 = arith.constant 16 : i32
    scf.for %parallel_loop3A_530 = %parallel_loop3A_313 to %parallel_loop3A_314 step %parallel_loop3A_315  : i32 {
      %parallel_loop3A_531 = arith.constant 9 : i32
      %parallel_loop3A_532 = arith.shrsi %parallel_loop3A_530, %parallel_loop3A_531 : i32
      %parallel_loop3A_533 = arith.constant 511 : i32
      %parallel_loop3A_534 = arith.andi %parallel_loop3A_530, %parallel_loop3A_533 : i32
      %parallel_loop3A_535 = arith.index_cast %parallel_loop3A_532 : i32 to index
      %parallel_loop3A_536 = arith.index_cast %parallel_loop3A_534 : i32 to index
      %parallel_loop3A_537 = tpu.vector_load %arg5[%parallel_loop3A_535, %parallel_loop3A_536] {strides = array<i32>} : memref<32x512xi32, #tpu.memory_space<vmem>>, vector<16xi32>,
      %parallel_loop3A_538 = arith.constant 15 : i32
      %parallel_loop3A_539 = vector.broadcast %parallel_loop3A_538 : i32 to vector<16xi32>
      %parallel_loop3A_540 = arith.shrui %parallel_loop3A_537, %parallel_loop3A_539 : vector<16xi32>
      tpu.vector_store_idx %arg6[%parallel_loop3A_540], %broadcast_in_dim3A_3 {add = true} : memref<65536xi32, #tpu.memory_space<vmem>>[vector<16xi32>], vector<16xi32>,
    } {sc.loop_unroll_factor = 16 : i64, sc.parallel_access}
    %jit3A_316 = arith.constant 2 : i32
    %div3A_317 = arith.divsi %add3A, %jit3A_316 : i32
    %sign3A_318 = arith.constant 0 : i32
    %sign3A_319 = arith.cmpi sgt, %add3A, %sign3A_318 : i32
    %sign3A_320 = arith.extui %sign3A_319 : i1 to i32
    %sign3A_321 = arith.constant 0 : i32
    %sign3A_322 = arith.cmpi slt, %add3A, %sign3A_321 : i32
    %sign3A_323 = arith.extui %sign3A_322 : i1 to i32
    %sign3A_324 = arith.subi %sign3A_320, %sign3A_323 : i32
    %sign3A_325 = arith.constant 0 : i32
    %sign3A_326 = arith.cmpi sgt, %jit3A_316, %sign3A_325 : i32
    %sign3A_327 = arith.extui %sign3A_326 : i1 to i32
    %sign3A_328 = arith.constant 0 : i32
    %sign3A_329 = arith.cmpi slt, %jit3A_316, %sign3A_328 : i32
    %sign3A_330 = arith.extui %sign3A_329 : i1 to i32
    %sign3A_331 = arith.subi %sign3A_327, %sign3A_330 : i32
    %ne3A_332 = arith.cmpi ne, %sign3A_324, %sign3A_331 : i32
    %rem3A_333 = arith.remsi %add3A, %jit3A_316 : i32
    %ne3A_334 = arith.constant 0 : i32
    %ne3A_335 = arith.cmpi ne, %rem3A_333, %ne3A_334 : i32
    %and3A_336 = arith.andi %ne3A_332, %ne3A_335 : i1
    %sub3A_337 = arith.constant 1 : i32
    %sub3A_338 = arith.subi %div3A_317, %sub3A_337 : i32
    %select_n3A_339 = arith.select %and3A_336, %sub3A_338, %div3A_317 : i32
    %jit3A_340 = arith.constant 2 : i32
    %eq3A_341 = arith.constant 0 : i32
    %eq3A_342 = arith.cmpi eq, %jit3A_340, %eq3A_341 : i32
    %jit3A_343 = arith.constant 1 : i32
    %select_n3A_344 = arith.select %eq3A_342, %jit3A_343, %jit3A_340 : i32
    %rem3A_345 = arith.remsi %add3A, %select_n3A_344 : i32
    %ne3A_346 = arith.constant 0 : i32
    %ne3A_347 = arith.cmpi ne, %rem3A_345, %ne3A_346 : i32
    %lt3A_348 = arith.constant 0 : i32
    %lt3A_349 = arith.cmpi slt, %rem3A_345, %lt3A_348 : i32
    %lt3A_350 = arith.constant 0 : i32
    %lt3A_351 = arith.cmpi slt, %select_n3A_344, %lt3A_350 : i32
    %ne3A_352 = arith.xori %lt3A_349, %lt3A_351 : i1
    %and3A_353 = arith.andi %ne3A_352, %ne3A_347 : i1
    %add3A_354 = arith.addi %rem3A_345, %select_n3A_344 : i32
    %select_n3A_355 = arith.select %and3A_353, %add3A_354, %rem3A_345 : i32
    %mul3A_356 = arith.constant 256 : i32
    %mul3A_357 = arith.muli %select_n3A_355, %mul3A_356 : i32
    %add3A_358 = arith.constant 160 : i32
    %add3A_359 = arith.addi %mul3A_357, %add3A_358 : i32
    %dma_start3A_360 = arith.constant 0 : i32
    %dma_start3A_361 = arith.constant 1 : i32
    %dma_start3A_362 = arith.constant 0 : i32
    %dma_start3A_363 = tpu.memref_slice %arg2[%select_n3A_339, %dma_start3A_360, %add3A_359, %dma_start3A_362] : memref<16x1x512x512xi32, #tpu.memory_space<hbm>> -> memref<1x1x32x512xi32, #tpu.memory_space<hbm>>
    %dma_start3A_364 = tpu.memref_squeeze %dma_start3A_363 : memref<1x1x32x512xi32, #tpu.memory_space<hbm>> -> memref<32x512xi32, #tpu.memory_space<hbm>>
    %dma_start3A_365 = tpu.memref_slice %arg7[%dma_start3A_361] : memref<2x!tpu.dma_semaphore, #tpu.memory_space<semaphore_mem>> -> memref<1x!tpu.dma_semaphore, #tpu.memory_space<semaphore_mem>>
    %dma_start3A_366 = tpu.memref_squeeze %dma_start3A_365 : memref<1x!tpu.dma_semaphore, #tpu.memory_space<semaphore_mem>> -> memref<!tpu.dma_semaphore, #tpu.memory_space<semaphore_mem>>
    %dma_start3A_367 = arith.constant 0 : i32
    %dma_start3A_368 = tpu.memref_slice %arg2[%select_n3A_339, %dma_start3A_360, %add3A_359, %dma_start3A_367] : memref<16x1x512x512xi32, #tpu.memory_space<hbm>> -> memref<1x1x32x512xi32, #tpu.memory_space<hbm>>
    %dma_start3A_369 = tpu.memref_squeeze %dma_start3A_368 : memref<1x1x32x512xi32, #tpu.memory_space<hbm>> -> memref<32x512xi32, #tpu.memory_space<hbm>>
    tpu.enqueue_dma source(%dma_start3A_369 : memref<32x512xi32, #tpu.memory_space<hbm>>) target(%arg5 : memref<32x512xi32, #tpu.memory_space<vmem>>) target_semaphore(%dma_start3A_366 : memref<!tpu.dma_semaphore, #tpu.memory_space<semaphore_mem>>)
    %dma_wait3A_370 = arith.constant 0 : i32
    %dma_wait3A_371 = arith.constant 0 : i32
    %dma_wait3A_372 = arith.constant 0 : i32
    %dma_wait3A_373 = tpu.memref_slice %arg2[%select_n3A_272, %dma_wait3A_370, %add3A_292, %dma_wait3A_372] : memref<16x1x512x512xi32, #tpu.memory_space<hbm>> -> memref<1x1x32x512xi32, #tpu.memory_space<hbm>>
    %dma_wait3A_374 = tpu.memref_squeeze %dma_wait3A_373 : memref<1x1x32x512xi32, #tpu.memory_space<hbm>> -> memref<32x512xi32, #tpu.memory_space<hbm>>
    %dma_wait3A_375 = tpu.memref_slice %arg7[%dma_wait3A_371] : memref<2x!tpu.dma_semaphore, #tpu.memory_space<semaphore_mem>> -> memref<1x!tpu.dma_semaphore, #tpu.memory_space<semaphore_mem>>
    %dma_wait3A_376 = tpu.memref_squeeze %dma_wait3A_375 : memref<1x!tpu.dma_semaphore, #tpu.memory_space<semaphore_mem>> -> memref<!tpu.dma_semaphore, #tpu.memory_space<semaphore_mem>>
    %dma_wait3A_377 = arith.constant 0 : i32
    %dma_wait3A_378 = tpu.memref_slice %arg2[%select_n3A_272, %dma_wait3A_370, %add3A_292, %dma_wait3A_377] : memref<16x1x512x512xi32, #tpu.memory_space<hbm>> -> memref<1x1x32x512xi32, #tpu.memory_space<hbm>>
    %dma_wait3A_379 = tpu.memref_squeeze %dma_wait3A_378 : memref<1x1x32x512xi32, #tpu.memory_space<hbm>> -> memref<32x512xi32, #tpu.memory_space<hbm>>
    tpu.wait_dma2 semaphore(%dma_wait3A_376 : memref<!tpu.dma_semaphore, #tpu.memory_space<semaphore_mem>>) src(%dma_wait3A_379 : memref<32x512xi32, #tpu.memory_space<hbm>>) dst(%arg4 : memref<32x512xi32, #tpu.memory_space<vmem>>)
    %parallel_loop3A_380 = arith.constant 0 : i32
    %parallel_loop3A_381 = arith.constant 16384 : i32
    %parallel_loop3A_382 = arith.constant 16 : i32
    scf.for %parallel_loop3A_530 = %parallel_loop3A_380 to %parallel_loop3A_381 step %parallel_loop3A_382  : i32 {
      %parallel_loop3A_531 = arith.constant 9 : i32
      %parallel_loop3A_532 = arith.shrsi %parallel_loop3A_530, %parallel_loop3A_531 : i32
      %parallel_loop3A_533 = arith.constant 511 : i32
      %parallel_loop3A_534 = arith.andi %parallel_loop3A_530, %parallel_loop3A_533 : i32
      %parallel_loop3A_535 = arith.index_cast %parallel_loop3A_532 : i32 to index
      %parallel_loop3A_536 = arith.index_cast %parallel_loop3A_534 : i32 to index
      %parallel_loop3A_537 = tpu.vector_load %arg4[%parallel_loop3A_535, %parallel_loop3A_536] {strides = array<i32>} : memref<32x512xi32, #tpu.memory_space<vmem>>, vector<16xi32>,
      %parallel_loop3A_538 = arith.constant 15 : i32
      %parallel_loop3A_539 = vector.broadcast %parallel_loop3A_538 : i32 to vector<16xi32>
      %parallel_loop3A_540 = arith.shrui %parallel_loop3A_537, %parallel_loop3A_539 : vector<16xi32>
      tpu.vector_store_idx %arg6[%parallel_loop3A_540], %broadcast_in_dim3A_3 {add = true} : memref<65536xi32, #tpu.memory_space<vmem>>[vector<16xi32>], vector<16xi32>,
    } {sc.loop_unroll_factor = 16 : i64, sc.parallel_access}
    %jit3A_383 = arith.constant 2 : i32
    %div3A_384 = arith.divsi %add3A, %jit3A_383 : i32
    %sign3A_385 = arith.constant 0 : i32
    %sign3A_386 = arith.cmpi sgt, %add3A, %sign3A_385 : i32
    %sign3A_387 = arith.extui %sign3A_386 : i1 to i32
    %sign3A_388 = arith.constant 0 : i32
    %sign3A_389 = arith.cmpi slt, %add3A, %sign3A_388 : i32
    %sign3A_390 = arith.extui %sign3A_389 : i1 to i32
    %sign3A_391 = arith.subi %sign3A_387, %sign3A_390 : i32
    %sign3A_392 = arith.constant 0 : i32
    %sign3A_393 = arith.cmpi sgt, %jit3A_383, %sign3A_392 : i32
    %sign3A_394 = arith.extui %sign3A_393 : i1 to i32
    %sign3A_395 = arith.constant 0 : i32
    %sign3A_396 = arith.cmpi slt, %jit3A_383, %sign3A_395 : i32
    %sign3A_397 = arith.extui %sign3A_396 : i1 to i32
    %sign3A_398 = arith.subi %sign3A_394, %sign3A_397 : i32
    %ne3A_399 = arith.cmpi ne, %sign3A_391, %sign3A_398 : i32
    %rem3A_400 = arith.remsi %add3A, %jit3A_383 : i32
    %ne3A_401 = arith.constant 0 : i32
    %ne3A_402 = arith.cmpi ne, %rem3A_400, %ne3A_401 : i32
    %and3A_403 = arith.andi %ne3A_399, %ne3A_402 : i1
    %sub3A_404 = arith.constant 1 : i32
    %sub3A_405 = arith.subi %div3A_384, %sub3A_404 : i32
    %select_n3A_406 = arith.select %and3A_403, %sub3A_405, %div3A_384 : i32
    %jit3A_407 = arith.constant 2 : i32
    %eq3A_408 = arith.constant 0 : i32
    %eq3A_409 = arith.cmpi eq, %jit3A_407, %eq3A_408 : i32
    %jit3A_410 = arith.constant 1 : i32
    %select_n3A_411 = arith.select %eq3A_409, %jit3A_410, %jit3A_407 : i32
    %rem3A_412 = arith.remsi %add3A, %select_n3A_411 : i32
    %ne3A_413 = arith.constant 0 : i32
    %ne3A_414 = arith.cmpi ne, %rem3A_412, %ne3A_413 : i32
    %lt3A_415 = arith.constant 0 : i32
    %lt3A_416 = arith.cmpi slt, %rem3A_412, %lt3A_415 : i32
    %lt3A_417 = arith.constant 0 : i32
    %lt3A_418 = arith.cmpi slt, %select_n3A_411, %lt3A_417 : i32
    %ne3A_419 = arith.xori %lt3A_416, %lt3A_418 : i1
    %and3A_420 = arith.andi %ne3A_419, %ne3A_414 : i1
    %add3A_421 = arith.addi %rem3A_412, %select_n3A_411 : i32
    %select_n3A_422 = arith.select %and3A_420, %add3A_421, %rem3A_412 : i32
    %mul3A_423 = arith.constant 256 : i32
    %mul3A_424 = arith.muli %select_n3A_422, %mul3A_423 : i32
    %add3A_425 = arith.constant 192 : i32
    %add3A_426 = arith.addi %mul3A_424, %add3A_425 : i32
    %dma_start3A_427 = arith.constant 0 : i32
    %dma_start3A_428 = arith.constant 0 : i32
    %dma_start3A_429 = arith.constant 0 : i32
    %dma_start3A_430 = tpu.memref_slice %arg2[%select_n3A_406, %dma_start3A_427, %add3A_426, %dma_start3A_429] : memref<16x1x512x512xi32, #tpu.memory_space<hbm>> -> memref<1x1x32x512xi32, #tpu.memory_space<hbm>>
    %dma_start3A_431 = tpu.memref_squeeze %dma_start3A_430 : memref<1x1x32x512xi32, #tpu.memory_space<hbm>> -> memref<32x512xi32, #tpu.memory_space<hbm>>
    %dma_start3A_432 = tpu.memref_slice %arg7[%dma_start3A_428] : memref<2x!tpu.dma_semaphore, #tpu.memory_space<semaphore_mem>> -> memref<1x!tpu.dma_semaphore, #tpu.memory_space<semaphore_mem>>
    %dma_start3A_433 = tpu.memref_squeeze %dma_start3A_432 : memref<1x!tpu.dma_semaphore, #tpu.memory_space<semaphore_mem>> -> memref<!tpu.dma_semaphore, #tpu.memory_space<semaphore_mem>>
    %dma_start3A_434 = arith.constant 0 : i32
    %dma_start3A_435 = tpu.memref_slice %arg2[%select_n3A_406, %dma_start3A_427, %add3A_426, %dma_start3A_434] : memref<16x1x512x512xi32, #tpu.memory_space<hbm>> -> memref<1x1x32x512xi32, #tpu.memory_space<hbm>>
    %dma_start3A_436 = tpu.memref_squeeze %dma_start3A_435 : memref<1x1x32x512xi32, #tpu.memory_space<hbm>> -> memref<32x512xi32, #tpu.memory_space<hbm>>
    tpu.enqueue_dma source(%dma_start3A_436 : memref<32x512xi32, #tpu.memory_space<hbm>>) target(%arg4 : memref<32x512xi32, #tpu.memory_space<vmem>>) target_semaphore(%dma_start3A_433 : memref<!tpu.dma_semaphore, #tpu.memory_space<semaphore_mem>>)
    %dma_wait3A_437 = arith.constant 0 : i32
    %dma_wait3A_438 = arith.constant 1 : i32
    %dma_wait3A_439 = arith.constant 0 : i32
    %dma_wait3A_440 = tpu.memref_slice %arg2[%select_n3A_339, %dma_wait3A_437, %add3A_359, %dma_wait3A_439] : memref<16x1x512x512xi32, #tpu.memory_space<hbm>> -> memref<1x1x32x512xi32, #tpu.memory_space<hbm>>
    %dma_wait3A_441 = tpu.memref_squeeze %dma_wait3A_440 : memref<1x1x32x512xi32, #tpu.memory_space<hbm>> -> memref<32x512xi32, #tpu.memory_space<hbm>>
    %dma_wait3A_442 = tpu.memref_slice %arg7[%dma_wait3A_438] : memref<2x!tpu.dma_semaphore, #tpu.memory_space<semaphore_mem>> -> memref<1x!tpu.dma_semaphore, #tpu.memory_space<semaphore_mem>>
    %dma_wait3A_443 = tpu.memref_squeeze %dma_wait3A_442 : memref<1x!tpu.dma_semaphore, #tpu.memory_space<semaphore_mem>> -> memref<!tpu.dma_semaphore, #tpu.memory_space<semaphore_mem>>
    %dma_wait3A_444 = arith.constant 0 : i32
    %dma_wait3A_445 = tpu.memref_slice %arg2[%select_n3A_339, %dma_wait3A_437, %add3A_359, %dma_wait3A_444] : memref<16x1x512x512xi32, #tpu.memory_space<hbm>> -> memref<1x1x32x512xi32, #tpu.memory_space<hbm>>
    %dma_wait3A_446 = tpu.memref_squeeze %dma_wait3A_445 : memref<1x1x32x512xi32, #tpu.memory_space<hbm>> -> memref<32x512xi32, #tpu.memory_space<hbm>>
    tpu.wait_dma2 semaphore(%dma_wait3A_443 : memref<!tpu.dma_semaphore, #tpu.memory_space<semaphore_mem>>) src(%dma_wait3A_446 : memref<32x512xi32, #tpu.memory_space<hbm>>) dst(%arg5 : memref<32x512xi32, #tpu.memory_space<vmem>>)
    %parallel_loop3A_447 = arith.constant 0 : i32
    %parallel_loop3A_448 = arith.constant 16384 : i32
    %parallel_loop3A_449 = arith.constant 16 : i32
    scf.for %parallel_loop3A_530 = %parallel_loop3A_447 to %parallel_loop3A_448 step %parallel_loop3A_449  : i32 {
      %parallel_loop3A_531 = arith.constant 9 : i32
      %parallel_loop3A_532 = arith.shrsi %parallel_loop3A_530, %parallel_loop3A_531 : i32
      %parallel_loop3A_533 = arith.constant 511 : i32
      %parallel_loop3A_534 = arith.andi %parallel_loop3A_530, %parallel_loop3A_533 : i32
      %parallel_loop3A_535 = arith.index_cast %parallel_loop3A_532 : i32 to index
      %parallel_loop3A_536 = arith.index_cast %parallel_loop3A_534 : i32 to index
      %parallel_loop3A_537 = tpu.vector_load %arg5[%parallel_loop3A_535, %parallel_loop3A_536] {strides = array<i32>} : memref<32x512xi32, #tpu.memory_space<vmem>>, vector<16xi32>,
      %parallel_loop3A_538 = arith.constant 15 : i32
      %parallel_loop3A_539 = vector.broadcast %parallel_loop3A_538 : i32 to vector<16xi32>
      %parallel_loop3A_540 = arith.shrui %parallel_loop3A_537, %parallel_loop3A_539 : vector<16xi32>
      tpu.vector_store_idx %arg6[%parallel_loop3A_540], %broadcast_in_dim3A_3 {add = true} : memref<65536xi32, #tpu.memory_space<vmem>>[vector<16xi32>], vector<16xi32>,
    } {sc.loop_unroll_factor = 16 : i64, sc.parallel_access}
    %jit3A_450 = arith.constant 2 : i32
    %div3A_451 = arith.divsi %add3A, %jit3A_450 : i32
    %sign3A_452 = arith.constant 0 : i32
    %sign3A_453 = arith.cmpi sgt, %add3A, %sign3A_452 : i32
    %sign3A_454 = arith.extui %sign3A_453 : i1 to i32
    %sign3A_455 = arith.constant 0 : i32
    %sign3A_456 = arith.cmpi slt, %add3A, %sign3A_455 : i32
    %sign3A_457 = arith.extui %sign3A_456 : i1 to i32
    %sign3A_458 = arith.subi %sign3A_454, %sign3A_457 : i32
    %sign3A_459 = arith.constant 0 : i32
    %sign3A_460 = arith.cmpi sgt, %jit3A_450, %sign3A_459 : i32
    %sign3A_461 = arith.extui %sign3A_460 : i1 to i32
    %sign3A_462 = arith.constant 0 : i32
    %sign3A_463 = arith.cmpi slt, %jit3A_450, %sign3A_462 : i32
    %sign3A_464 = arith.extui %sign3A_463 : i1 to i32
    %sign3A_465 = arith.subi %sign3A_461, %sign3A_464 : i32
    %ne3A_466 = arith.cmpi ne, %sign3A_458, %sign3A_465 : i32
    %rem3A_467 = arith.remsi %add3A, %jit3A_450 : i32
    %ne3A_468 = arith.constant 0 : i32
    %ne3A_469 = arith.cmpi ne, %rem3A_467, %ne3A_468 : i32
    %and3A_470 = arith.andi %ne3A_466, %ne3A_469 : i1
    %sub3A_471 = arith.constant 1 : i32
    %sub3A_472 = arith.subi %div3A_451, %sub3A_471 : i32
    %select_n3A_473 = arith.select %and3A_470, %sub3A_472, %div3A_451 : i32
    %jit3A_474 = arith.constant 2 : i32
    %eq3A_475 = arith.constant 0 : i32
    %eq3A_476 = arith.cmpi eq, %jit3A_474, %eq3A_475 : i32
    %jit3A_477 = arith.constant 1 : i32
    %select_n3A_478 = arith.select %eq3A_476, %jit3A_477, %jit3A_474 : i32
    %rem3A_479 = arith.remsi %add3A, %select_n3A_478 : i32
    %ne3A_480 = arith.constant 0 : i32
    %ne3A_481 = arith.cmpi ne, %rem3A_479, %ne3A_480 : i32
    %lt3A_482 = arith.constant 0 : i32
    %lt3A_483 = arith.cmpi slt, %rem3A_479, %lt3A_482 : i32
    %lt3A_484 = arith.constant 0 : i32
    %lt3A_485 = arith.cmpi slt, %select_n3A_478, %lt3A_484 : i32
    %ne3A_486 = arith.xori %lt3A_483, %lt3A_485 : i1
    %and3A_487 = arith.andi %ne3A_486, %ne3A_481 : i1
    %add3A_488 = arith.addi %rem3A_479, %select_n3A_478 : i32
    %select_n3A_489 = arith.select %and3A_487, %add3A_488, %rem3A_479 : i32
    %mul3A_490 = arith.constant 256 : i32
    %mul3A_491 = arith.muli %select_n3A_489, %mul3A_490 : i32
    %add3A_492 = arith.constant 224 : i32
    %add3A_493 = arith.addi %mul3A_491, %add3A_492 : i32
    %dma_start3A_494 = arith.constant 0 : i32
    %dma_start3A_495 = arith.constant 1 : i32
    %dma_start3A_496 = arith.constant 0 : i32
    %dma_start3A_497 = tpu.memref_slice %arg2[%select_n3A_473, %dma_start3A_494, %add3A_493, %dma_start3A_496] : memref<16x1x512x512xi32, #tpu.memory_space<hbm>> -> memref<1x1x32x512xi32, #tpu.memory_space<hbm>>
    %dma_start3A_498 = tpu.memref_squeeze %dma_start3A_497 : memref<1x1x32x512xi32, #tpu.memory_space<hbm>> -> memref<32x512xi32, #tpu.memory_space<hbm>>
    %dma_start3A_499 = tpu.memref_slice %arg7[%dma_start3A_495] : memref<2x!tpu.dma_semaphore, #tpu.memory_space<semaphore_mem>> -> memref<1x!tpu.dma_semaphore, #tpu.memory_space<semaphore_mem>>
    %dma_start3A_500 = tpu.memref_squeeze %dma_start3A_499 : memref<1x!tpu.dma_semaphore, #tpu.memory_space<semaphore_mem>> -> memref<!tpu.dma_semaphore, #tpu.memory_space<semaphore_mem>>
    %dma_start3A_501 = arith.constant 0 : i32
    %dma_start3A_502 = tpu.memref_slice %arg2[%select_n3A_473, %dma_start3A_494, %add3A_493, %dma_start3A_501] : memref<16x1x512x512xi32, #tpu.memory_space<hbm>> -> memref<1x1x32x512xi32, #tpu.memory_space<hbm>>
    %dma_start3A_503 = tpu.memref_squeeze %dma_start3A_502 : memref<1x1x32x512xi32, #tpu.memory_space<hbm>> -> memref<32x512xi32, #tpu.memory_space<hbm>>
    tpu.enqueue_dma source(%dma_start3A_503 : memref<32x512xi32, #tpu.memory_space<hbm>>) target(%arg5 : memref<32x512xi32, #tpu.memory_space<vmem>>) target_semaphore(%dma_start3A_500 : memref<!tpu.dma_semaphore, #tpu.memory_space<semaphore_mem>>)
    %dma_wait3A_504 = arith.constant 0 : i32
    %dma_wait3A_505 = arith.constant 0 : i32
    %dma_wait3A_506 = arith.constant 0 : i32
    %dma_wait3A_507 = tpu.memref_slice %arg2[%select_n3A_406, %dma_wait3A_504, %add3A_426, %dma_wait3A_506] : memref<16x1x512x512xi32, #tpu.memory_space<hbm>> -> memref<1x1x32x512xi32, #tpu.memory_space<hbm>>
    %dma_wait3A_508 = tpu.memref_squeeze %dma_wait3A_507 : memref<1x1x32x512xi32, #tpu.memory_space<hbm>> -> memref<32x512xi32, #tpu.memory_space<hbm>>
    %dma_wait3A_509 = tpu.memref_slice %arg7[%dma_wait3A_505] : memref<2x!tpu.dma_semaphore, #tpu.memory_space<semaphore_mem>> -> memref<1x!tpu.dma_semaphore, #tpu.memory_space<semaphore_mem>>
    %dma_wait3A_510 = tpu.memref_squeeze %dma_wait3A_509 : memref<1x!tpu.dma_semaphore, #tpu.memory_space<semaphore_mem>> -> memref<!tpu.dma_semaphore, #tpu.memory_space<semaphore_mem>>
    %dma_wait3A_511 = arith.constant 0 : i32
    %dma_wait3A_512 = tpu.memref_slice %arg2[%select_n3A_406, %dma_wait3A_504, %add3A_426, %dma_wait3A_511] : memref<16x1x512x512xi32, #tpu.memory_space<hbm>> -> memref<1x1x32x512xi32, #tpu.memory_space<hbm>>
    %dma_wait3A_513 = tpu.memref_squeeze %dma_wait3A_512 : memref<1x1x32x512xi32, #tpu.memory_space<hbm>> -> memref<32x512xi32, #tpu.memory_space<hbm>>
    tpu.wait_dma2 semaphore(%dma_wait3A_510 : memref<!tpu.dma_semaphore, #tpu.memory_space<semaphore_mem>>) src(%dma_wait3A_513 : memref<32x512xi32, #tpu.memory_space<hbm>>) dst(%arg4 : memref<32x512xi32, #tpu.memory_space<vmem>>)
    %parallel_loop3A_514 = arith.constant 0 : i32
    %parallel_loop3A_515 = arith.constant 16384 : i32
    %parallel_loop3A_516 = arith.constant 16 : i32
    scf.for %parallel_loop3A_530 = %parallel_loop3A_514 to %parallel_loop3A_515 step %parallel_loop3A_516  : i32 {
      %parallel_loop3A_531 = arith.constant 9 : i32
      %parallel_loop3A_532 = arith.shrsi %parallel_loop3A_530, %parallel_loop3A_531 : i32
      %parallel_loop3A_533 = arith.constant 511 : i32
      %parallel_loop3A_534 = arith.andi %parallel_loop3A_530, %parallel_loop3A_533 : i32
      %parallel_loop3A_535 = arith.index_cast %parallel_loop3A_532 : i32 to index
      %parallel_loop3A_536 = arith.index_cast %parallel_loop3A_534 : i32 to index
      %parallel_loop3A_537 = tpu.vector_load %arg4[%parallel_loop3A_535, %parallel_loop3A_536] {strides = array<i32>} : memref<32x512xi32, #tpu.memory_space<vmem>>, vector<16xi32>,
      %parallel_loop3A_538 = arith.constant 15 : i32
      %parallel_loop3A_539 = vector.broadcast %parallel_loop3A_538 : i32 to vector<16xi32>
      %parallel_loop3A_540 = arith.shrui %parallel_loop3A_537, %parallel_loop3A_539 : vector<16xi32>
      tpu.vector_store_idx %arg6[%parallel_loop3A_540], %broadcast_in_dim3A_3 {add = true} : memref<65536xi32, #tpu.memory_space<vmem>>[vector<16xi32>], vector<16xi32>,
    } {sc.loop_unroll_factor = 16 : i64, sc.parallel_access}
    %dma_wait3A_517 = arith.constant 0 : i32
    %dma_wait3A_518 = arith.constant 1 : i32
    %dma_wait3A_519 = arith.constant 0 : i32
    %dma_wait3A_520 = tpu.memref_slice %arg2[%select_n3A_473, %dma_wait3A_517, %add3A_493, %dma_wait3A_519] : memref<16x1x512x512xi32, #tpu.memory_space<hbm>> -> memref<1x1x32x512xi32, #tpu.memory_space<hbm>>
    %dma_wait3A_521 = tpu.memref_squeeze %dma_wait3A_520 : memref<1x1x32x512xi32, #tpu.memory_space<hbm>> -> memref<32x512xi32, #tpu.memory_space<hbm>>
    %dma_wait3A_522 = tpu.memref_slice %arg7[%dma_wait3A_518] : memref<2x!tpu.dma_semaphore, #tpu.memory_space<semaphore_mem>> -> memref<1x!tpu.dma_semaphore, #tpu.memory_space<semaphore_mem>>
    %dma_wait3A_523 = tpu.memref_squeeze %dma_wait3A_522 : memref<1x!tpu.dma_semaphore, #tpu.memory_space<semaphore_mem>> -> memref<!tpu.dma_semaphore, #tpu.memory_space<semaphore_mem>>
    %dma_wait3A_524 = arith.constant 0 : i32
    %dma_wait3A_525 = tpu.memref_slice %arg2[%select_n3A_473, %dma_wait3A_517, %add3A_493, %dma_wait3A_524] : memref<16x1x512x512xi32, #tpu.memory_space<hbm>> -> memref<1x1x32x512xi32, #tpu.memory_space<hbm>>
    %dma_wait3A_526 = tpu.memref_squeeze %dma_wait3A_525 : memref<1x1x32x512xi32, #tpu.memory_space<hbm>> -> memref<32x512xi32, #tpu.memory_space<hbm>>
    tpu.wait_dma2 semaphore(%dma_wait3A_523 : memref<!tpu.dma_semaphore, #tpu.memory_space<semaphore_mem>>) src(%dma_wait3A_526 : memref<32x512xi32, #tpu.memory_space<hbm>>) dst(%arg5 : memref<32x512xi32, #tpu.memory_space<vmem>>)
    %parallel_loop3A_527 = arith.constant 0 : i32
    %parallel_loop3A_528 = arith.constant 16384 : i32
    %parallel_loop3A_529 = arith.constant 16 : i32
    scf.for %parallel_loop3A_530 = %parallel_loop3A_527 to %parallel_loop3A_528 step %parallel_loop3A_529  : i32 {
      %parallel_loop3A_531 = arith.constant 9 : i32
      %parallel_loop3A_532 = arith.shrsi %parallel_loop3A_530, %parallel_loop3A_531 : i32
      %parallel_loop3A_533 = arith.constant 511 : i32
      %parallel_loop3A_534 = arith.andi %parallel_loop3A_530, %parallel_loop3A_533 : i32
      %parallel_loop3A_535 = arith.index_cast %parallel_loop3A_532 : i32 to index
      %parallel_loop3A_536 = arith.index_cast %parallel_loop3A_534 : i32 to index
      %parallel_loop3A_537 = tpu.vector_load %arg5[%parallel_loop3A_535, %parallel_loop3A_536] {strides = array<i32>} : memref<32x512xi32, #tpu.memory_space<vmem>>, vector<16xi32>,
      %parallel_loop3A_538 = arith.constant 15 : i32
      %parallel_loop3A_539 = vector.broadcast %parallel_loop3A_538 : i32 to vector<16xi32>
      %parallel_loop3A_540 = arith.shrui %parallel_loop3A_537, %parallel_loop3A_539 : vector<16xi32>
      tpu.vector_store_idx %arg6[%parallel_loop3A_540], %broadcast_in_dim3A_3 {add = true} : memref<65536xi32, #tpu.memory_space<vmem>>[vector<16xi32>], vector<16xi32>,
    } {sc.loop_unroll_factor = 16 : i64, sc.parallel_access}
    "tpu.region"() ({
      %run_scoped3A = tpu.sem_alloc : memref<!tpu.dma_semaphore, #tpu.memory_space<semaphore_mem>>
      %dma_start3A_530 = arith.constant 0 : i32
      %dma_start3A_531 = tpu.memref_slice %arg3[%add3A, %dma_start3A_530] : memref<32x65536xi32, #tpu.memory_space<hbm>> -> memref<1x65536xi32, #tpu.memory_space<hbm>>
      %dma_start3A_532 = tpu.memref_squeeze %dma_start3A_531 : memref<1x65536xi32, #tpu.memory_space<hbm>> -> memref<65536xi32, #tpu.memory_space<hbm>>
      %dma_start3A_533 = arith.constant 0 : i32
      %dma_start3A_534 = tpu.memref_slice %arg3[%add3A, %dma_start3A_533] : memref<32x65536xi32, #tpu.memory_space<hbm>> -> memref<1x65536xi32, #tpu.memory_space<hbm>>
      %dma_start3A_535 = tpu.memref_squeeze %dma_start3A_534 : memref<1x65536xi32, #tpu.memory_space<hbm>> -> memref<65536xi32, #tpu.memory_space<hbm>>
      tpu.enqueue_dma source(%arg6 : memref<65536xi32, #tpu.memory_space<vmem>>) target(%dma_start3A_535 : memref<65536xi32, #tpu.memory_space<hbm>>) target_semaphore(%run_scoped3A : memref<!tpu.dma_semaphore, #tpu.memory_space<semaphore_mem>>)
      %dma_wait3A_536 = arith.constant 0 : i32
      %dma_wait3A_537 = tpu.memref_slice %arg3[%add3A, %dma_wait3A_536] : memref<32x65536xi32, #tpu.memory_space<hbm>> -> memref<1x65536xi32, #tpu.memory_space<hbm>>
      %dma_wait3A_538 = tpu.memref_squeeze %dma_wait3A_537 : memref<1x65536xi32, #tpu.memory_space<hbm>> -> memref<65536xi32, #tpu.memory_space<hbm>>
      %dma_wait3A_539 = arith.constant 0 : i32
      %dma_wait3A_540 = tpu.memref_slice %arg3[%add3A, %dma_wait3A_539] : memref<32x65536xi32, #tpu.memory_space<hbm>> -> memref<1x65536xi32, #tpu.memory_space<hbm>>
      %dma_wait3A_541 = tpu.memref_squeeze %dma_wait3A_540 : memref<1x65536xi32, #tpu.memory_space<hbm>> -> memref<65536xi32, #tpu.memory_space<hbm>>
      tpu.wait_dma2 semaphore(%run_scoped3A : memref<!tpu.dma_semaphore, #tpu.memory_space<semaphore_mem>>) src(%arg6 : memref<65536xi32, #tpu.memory_space<vmem>>) dst(%dma_wait3A_541 : memref<65536xi32, #tpu.memory_space<hbm>>)
      tpu.yield
    }) : () -> ()
    return
  }
}

module attributes {stable_mosaic.version = 14 : i64} {
  func.func @k(%arg0: memref<32x32768xi32, #tpu.memory_space<vmem>>, %arg1: memref<32x16xf32, #tpu.memory_space<vmem>>, %arg2: memref<2xi32, #tpu.memory_space<smem>>, %arg3: memref<3xf32, #tpu.memory_space<smem>>, %arg4: memref<1xf32, #tpu.memory_space<smem>>) attributes {dimension_semantics = [], scalar_prefetch = 0 : i64, scratch_operands = 0 : i64, tpu.core_type = #tpu.core_type<tc>} {
    %get3A = arith.constant 0 : index
    %get3A_0 = memref.load %arg2[%get3A] : memref<2xi32, #tpu.memory_space<smem>>
    %get3A_1 = arith.constant 1 : index
    %get3A_2 = memref.load %arg2[%get3A_1] : memref<2xi32, #tpu.memory_space<smem>>
    %sub3A = arith.constant 1048576 : i32
    %sub3A_3 = arith.subi %sub3A, %get3A_2 : i32
    %get3A_4 = arith.constant 0 : index
    %get3A_5 = arith.constant 0 : index
    %get3A_6 = vector.load %arg0[%get3A_4, %get3A_5] : memref<32x32768xi32, #tpu.memory_space<vmem>>, vector<32x32768xi32>
    %reduce_sum3A = arith.constant dense<0> : vector<32768xi32>
    %reduce_sum3A_7 = vector.multi_reduction <add>, %get3A_6, %reduce_sum3A [0] : vector<32x32768xi32> to vector<32768xi32>
    %reshape3A = vector.shape_cast %reduce_sum3A_7 : vector<32768xi32> to vector<256x128xi32>
    %iota3A = tpu.iota {dimensions = array<i32: 0>} : vector<256x128xi32>
    %iota3A_8 = tpu.iota {dimensions = array<i32: 1>} : vector<256x128xi32>
    %mul3A = arith.constant 128 : i32
    %mul3A_9 = vector.broadcast %mul3A : i32 to vector<256x128xi32>
    %mul3A_10 = arith.muli %iota3A, %mul3A_9 : vector<256x128xi32>
    %add3A = arith.addi %mul3A_10, %iota3A_8 : vector<256x128xi32>
    %scan3A = arith.constant 0 : i32
    %scan3A_11 = arith.constant 32767 : i32
    %scan3A_12 = arith.constant 0 : i32
    %scan3A_13 = arith.constant 16 : i32
    %scan3A_14 = arith.addi %scan3A_12, %scan3A_13 : i32
    %scan3A_15 = arith.constant 1 : i32
    %scan3A_16:2 = scf.for %scan3A_81 = %scan3A_12 to %scan3A_14 step %scan3A_15 iter_args(%scan3A_82 = %scan3A, %scan3A_83 = %scan3A_11) -> (i32, i32)  : i32 {
      %sub3A_84 = arith.subi %scan3A_83, %scan3A_82 : i32
      %add3A_85 = arith.constant 1 : i32
      %add3A_86 = arith.addi %sub3A_84, %add3A_85 : i32
      %jit3A_87 = arith.constant 2 : i32
      %div3A_88 = arith.divsi %add3A_86, %jit3A_87 : i32
      %sign3A = arith.constant 0 : i32
      %sign3A_89 = arith.cmpi sgt, %add3A_86, %sign3A : i32
      %sign3A_90 = arith.extui %sign3A_89 : i1 to i32
      %sign3A_91 = arith.constant 0 : i32
      %sign3A_92 = arith.cmpi slt, %add3A_86, %sign3A_91 : i32
      %sign3A_93 = arith.extui %sign3A_92 : i1 to i32
      %sign3A_94 = arith.subi %sign3A_90, %sign3A_93 : i32
      %sign3A_95 = arith.constant 0 : i32
      %sign3A_96 = arith.cmpi sgt, %jit3A_87, %sign3A_95 : i32
      %sign3A_97 = arith.extui %sign3A_96 : i1 to i32
      %sign3A_98 = arith.constant 0 : i32
      %sign3A_99 = arith.cmpi slt, %jit3A_87, %sign3A_98 : i32
      %sign3A_100 = arith.extui %sign3A_99 : i1 to i32
      %sign3A_101 = arith.subi %sign3A_97, %sign3A_100 : i32
      %ne3A = arith.cmpi ne, %sign3A_94, %sign3A_101 : i32
      %rem3A = arith.remsi %add3A_86, %jit3A_87 : i32
      %ne3A_102 = arith.constant 0 : i32
      %ne3A_103 = arith.cmpi ne, %rem3A, %ne3A_102 : i32
      %and3A = arith.andi %ne3A, %ne3A_103 : i1
      %sub3A_104 = arith.constant 1 : i32
      %sub3A_105 = arith.subi %div3A_88, %sub3A_104 : i32
      %select_n3A_106 = arith.select %and3A, %sub3A_105, %div3A_88 : i32
      %add3A_107 = arith.addi %scan3A_82, %select_n3A_106 : i32
      %ge3A_108 = vector.broadcast %add3A_107 : i32 to vector<256x128xi32>
      %ge3A_109 = arith.cmpi sge, %add3A, %ge3A_108 : vector<256x128xi32>
      %jit3A_110 = arith.constant 0 : i32
      %broadcast_in_dim3A_111 = vector.broadcast %jit3A_110 : i32 to vector<256x128xi32>
      %select_n3A_112 = arith.select %ge3A_109, %reshape3A, %broadcast_in_dim3A_111 : vector<256x128xi1>, vector<256x128xi32>
      %reduce_sum3A_113 = vector.shape_cast %select_n3A_112 : vector<256x128xi32> to vector<1x256x128xi32>
      %reduce_sum3A_114 = arith.constant dense<0> : vector<1xi32>
      %reduce_sum3A_115 = vector.multi_reduction <add>, %reduce_sum3A_113, %reduce_sum3A_114 [1, 2] : vector<1x256x128xi32> to vector<1xi32>
      %reduce_sum3A_116 = vector.shape_cast %reduce_sum3A_115 : vector<1xi32> to vector<1x1x1xi32>
      %reduce_sum3A_117 = vector.extract %reduce_sum3A_116[0, 0, 0] : i32 from vector<1x1x1xi32>
      %ge3A_118 = arith.cmpi sge, %reduce_sum3A_117, %sub3A_3 : i32
      %select_n3A_119 = arith.select %ge3A_118, %add3A_107, %scan3A_82 : i32
      %sub3A_120 = arith.constant 1 : i32
      %sub3A_121 = arith.subi %add3A_107, %sub3A_120 : i32
      %select_n3A_122 = arith.select %ge3A_118, %scan3A_83, %sub3A_121 : i32
      scf.yield %select_n3A_119, %select_n3A_122 : i32, i32
    }
    %add3A_17 = arith.constant 1 : i32
    %add3A_18 = arith.addi %scan3A_16#0, %add3A_17 : i32
    %ge3A = vector.broadcast %add3A_18 : i32 to vector<256x128xi32>
    %ge3A_19 = arith.cmpi sge, %add3A, %ge3A : vector<256x128xi32>
    %jit3A = arith.constant 0 : i32
    %broadcast_in_dim3A = vector.broadcast %jit3A : i32 to vector<256x128xi32>
    %select_n3A = arith.select %ge3A_19, %reshape3A, %broadcast_in_dim3A : vector<256x128xi1>, vector<256x128xi32>
    %reduce_sum3A_20 = vector.shape_cast %select_n3A : vector<256x128xi32> to vector<1x256x128xi32>
    %reduce_sum3A_21 = arith.constant dense<0> : vector<1xi32>
    %reduce_sum3A_22 = vector.multi_reduction <add>, %reduce_sum3A_20, %reduce_sum3A_21 [1, 2] : vector<1x256x128xi32> to vector<1xi32>
    %reduce_sum3A_23 = vector.shape_cast %reduce_sum3A_22 : vector<1xi32> to vector<1x1x1xi32>
    %reduce_sum3A_24 = vector.extract %reduce_sum3A_23[0, 0, 0] : i32 from vector<1x1x1xi32>
    %mul3A_25 = arith.constant 32768 : i32
    %mul3A_26 = arith.muli %get3A_0, %mul3A_25 : i32
    %add3A_27 = vector.broadcast %mul3A_26 : i32 to vector<256x128xi32>
    %add3A_28 = arith.addi %add3A_27, %add3A : vector<256x128xi32>
    %bitcast_convert_type3A = tpu.bitcast %add3A_28 : vector<256x128xi32> -> vector<256x128xf32>
    %gt3A = vector.broadcast %scan3A_16#0 : i32 to vector<256x128xi32>
    %gt3A_29 = arith.cmpi sgt, %add3A, %gt3A : vector<256x128xi32>
    %convert_element_type3A = arith.sitofp %reshape3A : vector<256x128xi32> to vector<256x128xf32>
    %mul3A_30 = arith.mulf %bitcast_convert_type3A, %convert_element_type3A : vector<256x128xf32>
    %jit3A_31 = arith.constant 0.000000e+00 : f32
    %broadcast_in_dim3A_32 = vector.broadcast %jit3A_31 : f32 to vector<256x128xf32>
    %select_n3A_33 = arith.select %gt3A_29, %mul3A_30, %broadcast_in_dim3A_32 : vector<256x128xi1>, vector<256x128xf32>
    %reduce_sum3A_34 = vector.shape_cast %select_n3A_33 : vector<256x128xf32> to vector<1x256x128xf32>
    %reduce_sum3A_35 = arith.constant dense<0.000000e+00> : vector<1xf32>
    %reduce_sum3A_36 = vector.multi_reduction <add>, %reduce_sum3A_34, %reduce_sum3A_35 [1, 2] : vector<1x256x128xf32> to vector<1xf32>
    %reduce_sum3A_37 = vector.shape_cast %reduce_sum3A_36 : vector<1xf32> to vector<1x1x1xf32>
    %reduce_sum3A_38 = vector.extract %reduce_sum3A_37[0, 0, 0] : f32 from vector<1x1x1xf32>
    %mul3A_39 = arith.constant 32768 : i32
    %mul3A_40 = arith.muli %get3A_0, %mul3A_39 : i32
    %add3A_41 = arith.addi %mul3A_40, %scan3A_16#0 : i32
    %bitcast_convert_type3A_42 = arith.bitcast %add3A_41 : i32 to f32
    %get3A_43 = arith.constant 0 : index
    %get3A_44 = arith.constant 0 : index
    %get3A_45 = vector.load %arg1[%get3A_43, %get3A_44] : memref<32x16xf32, #tpu.memory_space<vmem>>, vector<32x16xf32>
    %reduce_sum3A_46 = vector.shape_cast %get3A_45 : vector<32x16xf32> to vector<1x32x16xf32>
    %reduce_sum3A_47 = arith.constant dense<0.000000e+00> : vector<1xf32>
    %reduce_sum3A_48 = vector.multi_reduction <add>, %reduce_sum3A_46, %reduce_sum3A_47 [1, 2] : vector<1x32x16xf32> to vector<1xf32>
    %reduce_sum3A_49 = vector.shape_cast %reduce_sum3A_48 : vector<1xf32> to vector<1x1x1xf32>
    %reduce_sum3A_50 = vector.extract %reduce_sum3A_49[0, 0, 0] : f32 from vector<1x1x1xf32>
    %sub3A_51 = arith.constant 1048576 : i32
    %sub3A_52 = arith.subi %sub3A_51, %get3A_2 : i32
    %sub3A_53 = arith.subi %sub3A_52, %reduce_sum3A_24 : i32
    %convert_element_type3A_54 = arith.sitofp %sub3A_53 : i32 to f32
    %add3A_55 = arith.addf %reduce_sum3A_50, %reduce_sum3A_38 : f32
    %mul3A_56 = arith.mulf %bitcast_convert_type3A_42, %convert_element_type3A_54 : f32
    %add3A_57 = arith.addf %add3A_55, %mul3A_56 : f32
    %div3A = arith.constant 0x49800000 : f32
    %div3A_58 = arith.divf %add3A_57, %div3A : f32
    %get3A_59 = arith.constant 2 : index
    %get3A_60 = memref.load %arg3[%get3A_59] : memref<3xf32, #tpu.memory_space<smem>>
    %mul3A_61 = arith.constant 2.000000e+00 : f32
    %mul3A_62 = arith.mulf %mul3A_61, %get3A_60 : f32
    %add3A_63 = arith.constant 9.99999997E-7 : f32
    %add3A_64 = arith.addf %mul3A_62, %add3A_63 : f32
    %get3A_65 = arith.constant 0 : index
    %get3A_66 = memref.load %arg3[%get3A_65] : memref<3xf32, #tpu.memory_space<smem>>
    %get3A_67 = arith.constant 1 : index
    %get3A_68 = memref.load %arg3[%get3A_67] : memref<3xf32, #tpu.memory_space<smem>>
    %add3A_69 = arith.addf %get3A_66, %get3A_68 : f32
    %add3A_70 = arith.constant 9.99999997E-7 : f32
    %add3A_71 = arith.addf %add3A_69, %add3A_70 : f32
    %div3A_72 = arith.divf %add3A_64, %add3A_71 : f32
    %sub3A_73 = arith.constant 1.000000e+00 : f32
    %sub3A_74 = arith.subf %sub3A_73, %div3A_72 : f32
    %mul3A_75 = arith.constant 5.000000e-01 : f32
    %mul3A_76 = arith.mulf %mul3A_75, %sub3A_74 : f32
    %mul3A_77 = arith.constant 5.000000e-01 : f32
    %mul3A_78 = arith.mulf %mul3A_77, %div3A_58 : f32
    %add3A_79 = arith.addf %mul3A_76, %mul3A_78 : f32
    %swap3A = arith.constant 0 : index
    %swap3A_80 = memref.load %arg4[%swap3A] : memref<1xf32, #tpu.memory_space<smem>>
    memref.store %add3A_79, %arg4[%swap3A] : memref<1xf32, #tpu.memory_space<smem>>
    return
  }
}

module attributes {stable_mosaic.version = 14 : i64} {
  func.func @_focal_kernel(%arg0: i32, %arg1: memref<1x1x512x512xf32, #tpu.memory_space<vmem>>, %arg2: memref<1x1x512x512xf32, #tpu.memory_space<vmem>>, %arg3: memref<1x1x512x512xi32, #tpu.memory_space<vmem>>, %arg4: memref<3xf32, #tpu.memory_space<smem>>) attributes {dimension_semantics = [#tpu.dimension_semantics<arbitrary>], iteration_bounds = array<i64: 16>, scalar_prefetch = 0 : i64, scratch_operands = 0 : i64, tpu.core_type = #tpu.core_type<tc>, window_params = [{transform_indices = @transform_0, window_bounds = array<i64: 1, 1, 512, 512>}, {transform_indices = @transform_1, window_bounds = array<i64: 1, 1, 512, 512>}, {transform_indices = @transform_2, window_bounds = array<i64: 1, 1, 512, 512>}, {transform_indices = @transform_3, window_bounds = array<i64: 3>}]} {
    %get3A = arith.constant 0 : index
    %get3A_0 = arith.constant 0 : index
    %get3A_1 = arith.constant 0 : index
    %get3A_2 = arith.constant 0 : index
    %get3A_3 = vector.load %arg1[%get3A, %get3A_0, %get3A_1, %get3A_2] : memref<1x1x512x512xf32, #tpu.memory_space<vmem>>, vector<1x1x512x512xf32>
    %get3A_4 = arith.constant 0 : index
    %get3A_5 = arith.constant 0 : index
    %get3A_6 = arith.constant 0 : index
    %get3A_7 = arith.constant 0 : index
    %get3A_8 = vector.load %arg2[%get3A_4, %get3A_5, %get3A_6, %get3A_7] : memref<1x1x512x512xf32, #tpu.memory_space<vmem>>, vector<1x1x512x512xf32>
    %max3A = arith.constant 0.000000e+00 : f32
    %max3A_9 = vector.broadcast %max3A : f32 to vector<1x1x512x512xf32>
    %max3A_10 = arith.maximumf %get3A_3, %max3A_9 : vector<1x1x512x512xf32>
    %mul3A = arith.mulf %get3A_3, %get3A_8 : vector<1x1x512x512xf32>
    %sub3A = arith.subf %max3A_10, %mul3A : vector<1x1x512x512xf32>
    %abs3A = math.absf %get3A_3 : vector<1x1x512x512xf32>
    %neg3A = arith.constant 0.000000e+00 : f32
    %neg3A_11 = vector.broadcast %neg3A : f32 to vector<1x1x512x512xf32>
    %neg3A_12 = arith.subf %neg3A_11, %abs3A : vector<1x1x512x512xf32>
    %exp3A = math.exp %neg3A_12 : vector<1x1x512x512xf32>
    %log1p3A = math.log1p %exp3A : vector<1x1x512x512xf32>
    %add3A = arith.addf %sub3A, %log1p3A : vector<1x1x512x512xf32>
    %logistic3A = arith.negf %get3A_3 : vector<1x1x512x512xf32>
    %logistic3A_13 = math.exp %logistic3A : vector<1x1x512x512xf32>
    %logistic3A_14 = arith.constant 1.000000e+00 : f32
    %logistic3A_15 = vector.broadcast %logistic3A_14 : f32 to vector<1x1x512x512xf32>
    %logistic3A_16 = arith.addf %logistic3A_15, %logistic3A_13 : vector<1x1x512x512xf32>
    %logistic3A_17 = arith.divf %logistic3A_15, %logistic3A_16 : vector<1x1x512x512xf32>
    %gt3A = arith.constant 5.000000e-01 : f32
    %gt3A_18 = vector.broadcast %gt3A : f32 to vector<1x1x512x512xf32>
    %gt3A_19 = arith.cmpf ogt, %get3A_8, %gt3A_18 : vector<1x1x512x512xf32>
    %sub3A_20 = arith.constant 1.000000e+00 : f32
    %sub3A_21 = vector.broadcast %sub3A_20 : f32 to vector<1x1x512x512xf32>
    %sub3A_22 = arith.subf %sub3A_21, %logistic3A_17 : vector<1x1x512x512xf32>
    %select_n3A = arith.select %gt3A_19, %sub3A_22, %logistic3A_17 : vector<1x1x512x512xi1>, vector<1x1x512x512xf32>
    %mul3A_23 = arith.constant 7.500000e-01 : f32
    %mul3A_24 = vector.broadcast %mul3A_23 : f32 to vector<1x1x512x512xf32>
    %mul3A_25 = arith.mulf %get3A_8, %mul3A_24 : vector<1x1x512x512xf32>
    %sub3A_26 = arith.constant 1.000000e+00 : f32
    %sub3A_27 = vector.broadcast %sub3A_26 : f32 to vector<1x1x512x512xf32>
    %sub3A_28 = arith.subf %sub3A_27, %get3A_8 : vector<1x1x512x512xf32>
    %mul3A_29 = arith.constant 2.500000e-01 : f32
    %mul3A_30 = vector.broadcast %mul3A_29 : f32 to vector<1x1x512x512xf32>
    %mul3A_31 = arith.mulf %sub3A_28, %mul3A_30 : vector<1x1x512x512xf32>
    %add3A_32 = arith.addf %mul3A_25, %mul3A_31 : vector<1x1x512x512xf32>
    %mul3A_33 = arith.mulf %select_n3A, %select_n3A : vector<1x1x512x512xf32>
    %mul3A_34 = arith.mulf %add3A_32, %mul3A_33 : vector<1x1x512x512xf32>
    %mul3A_35 = arith.mulf %mul3A_34, %add3A : vector<1x1x512x512xf32>
    %bitcast_convert_type3A = tpu.bitcast %mul3A_35 : vector<1x1x512x512xf32> -> vector<1x1x512x512xi32>
    %swap3A = arith.constant 0 : index
    %swap3A_36 = arith.constant 0 : index
    %swap3A_37 = arith.constant 0 : index
    %swap3A_38 = arith.constant 0 : index
    %swap3A_39 = vector.load %arg3[%swap3A, %swap3A_36, %swap3A_37, %swap3A_38] : memref<1x1x512x512xi32, #tpu.memory_space<vmem>>, vector<1x1x512x512xi32>
    tpu.vector_store %arg3[%swap3A, %swap3A_36, %swap3A_37, %swap3A_38], %bitcast_convert_type3A {strides = array<i32>} : memref<1x1x512x512xi32, #tpu.memory_space<vmem>>, vector<1x1x512x512xi32>,
    %reduce_sum3A = vector.shape_cast %logistic3A_17 : vector<1x1x512x512xf32> to vector<1x1x1x512x512xf32>
    %reduce_sum3A_40 = arith.constant dense<0.000000e+00> : vector<1xf32>
    %reduce_sum3A_41 = vector.multi_reduction <add>, %reduce_sum3A, %reduce_sum3A_40 [1, 2, 3, 4] : vector<1x1x1x512x512xf32> to vector<1xf32>
    %reduce_sum3A_42 = vector.shape_cast %reduce_sum3A_41 : vector<1xf32> to vector<1x1x1x1x1xf32>
    %reduce_sum3A_43 = vector.extract %reduce_sum3A_42[0, 0, 0, 0, 0] : f32 from vector<1x1x1x1x1xf32>
    %reduce_sum3A_44 = vector.shape_cast %get3A_8 : vector<1x1x512x512xf32> to vector<1x1x1x512x512xf32>
    %reduce_sum3A_45 = arith.constant dense<0.000000e+00> : vector<1xf32>
    %reduce_sum3A_46 = vector.multi_reduction <add>, %reduce_sum3A_44, %reduce_sum3A_45 [1, 2, 3, 4] : vector<1x1x1x512x512xf32> to vector<1xf32>
    %reduce_sum3A_47 = vector.shape_cast %reduce_sum3A_46 : vector<1xf32> to vector<1x1x1x1x1xf32>
    %reduce_sum3A_48 = vector.extract %reduce_sum3A_47[0, 0, 0, 0, 0] : f32 from vector<1x1x1x1x1xf32>
    %mul3A_49 = arith.mulf %logistic3A_17, %get3A_8 : vector<1x1x512x512xf32>
    %reduce_sum3A_50 = vector.shape_cast %mul3A_49 : vector<1x1x512x512xf32> to vector<1x1x1x512x512xf32>
    %reduce_sum3A_51 = arith.constant dense<0.000000e+00> : vector<1xf32>
    %reduce_sum3A_52 = vector.multi_reduction <add>, %reduce_sum3A_50, %reduce_sum3A_51 [1, 2, 3, 4] : vector<1x1x1x512x512xf32> to vector<1xf32>
    %reduce_sum3A_53 = vector.shape_cast %reduce_sum3A_52 : vector<1xf32> to vector<1x1x1x1x1xf32>
    %reduce_sum3A_54 = vector.extract %reduce_sum3A_53[0, 0, 0, 0, 0] : f32 from vector<1x1x1x1x1xf32>
    %eq3A = arith.constant 0 : i32
    %eq3A_55 = arith.cmpi eq, %arg0, %eq3A : i32
    %convert_element_type3A = arith.extui %eq3A_55 : i1 to i32
    %cond3A = arith.constant 0 : i32
    %cond3A_56 = arith.cmpi ne, %convert_element_type3A, %cond3A : i32
    scf.if %cond3A_56 {
      %swap3A_62 = arith.constant 0 : index
      %swap3A_63 = memref.load %arg4[%swap3A_62] : memref<3xf32, #tpu.memory_space<smem>>
      memref.store %reduce_sum3A_43, %arg4[%swap3A_62] : memref<3xf32, #tpu.memory_space<smem>>
      %swap3A_64 = arith.constant 1 : index
      %swap3A_65 = memref.load %arg4[%swap3A_64] : memref<3xf32, #tpu.memory_space<smem>>
      memref.store %reduce_sum3A_48, %arg4[%swap3A_64] : memref<3xf32, #tpu.memory_space<smem>>
      %swap3A_66 = arith.constant 2 : index
      %swap3A_67 = memref.load %arg4[%swap3A_66] : memref<3xf32, #tpu.memory_space<smem>>
      memref.store %reduce_sum3A_54, %arg4[%swap3A_66] : memref<3xf32, #tpu.memory_space<smem>>
    } else {
    }
    %gt3A_57 = arith.constant 0 : i32
    %gt3A_58 = arith.cmpi sgt, %arg0, %gt3A_57 : i32
    %convert_element_type3A_59 = arith.extui %gt3A_58 : i1 to i32
    %cond3A_60 = arith.constant 0 : i32
    %cond3A_61 = arith.cmpi ne, %convert_element_type3A_59, %cond3A_60 : i32
    scf.if %cond3A_61 {
      %get3A_62 = arith.constant 0 : index
      %get3A_63 = memref.load %arg4[%get3A_62] : memref<3xf32, #tpu.memory_space<smem>>
      %add3A_64 = arith.addf %get3A_63, %reduce_sum3A_43 : f32
      %swap3A_65 = arith.constant 0 : index
      %swap3A_66 = memref.load %arg4[%swap3A_65] : memref<3xf32, #tpu.memory_space<smem>>
      memref.store %add3A_64, %arg4[%swap3A_65] : memref<3xf32, #tpu.memory_space<smem>>
      %get3A_67 = arith.constant 1 : index
      %get3A_68 = memref.load %arg4[%get3A_67] : memref<3xf32, #tpu.memory_space<smem>>
      %add3A_69 = arith.addf %get3A_68, %reduce_sum3A_48 : f32
      %swap3A_70 = arith.constant 1 : index
      %swap3A_71 = memref.load %arg4[%swap3A_70] : memref<3xf32, #tpu.memory_space<smem>>
      memref.store %add3A_69, %arg4[%swap3A_70] : memref<3xf32, #tpu.memory_space<smem>>
      %get3A_72 = arith.constant 2 : index
      %get3A_73 = memref.load %arg4[%get3A_72] : memref<3xf32, #tpu.memory_space<smem>>
      %add3A_74 = arith.addf %get3A_73, %reduce_sum3A_54 : f32
      %swap3A_75 = arith.constant 2 : index
      %swap3A_76 = memref.load %arg4[%swap3A_75] : memref<3xf32, #tpu.memory_space<smem>>
      memref.store %add3A_74, %arg4[%swap3A_75] : memref<3xf32, #tpu.memory_space<smem>>
    } else {
    }
    return
  }
  func.func @transform_0(%arg0: i32) -> (i32, i32, i32, i32) {
    %c0_i32 = arith.constant 0 : i32
    %c0_i32_0 = arith.constant 0 : i32
    %c0_i32_1 = arith.constant 0 : i32
    %c0_i32_2 = arith.constant 0 : i32
    return %arg0, %c0_i32, %c0_i32_0, %c0_i32_1 : i32, i32, i32, i32
  }
  func.func @transform_1(%arg0: i32) -> (i32, i32, i32, i32) {
    %c0_i32 = arith.constant 0 : i32
    %c0_i32_0 = arith.constant 0 : i32
    %c0_i32_1 = arith.constant 0 : i32
    %c0_i32_2 = arith.constant 0 : i32
    return %arg0, %c0_i32, %c0_i32_0, %c0_i32_1 : i32, i32, i32, i32
  }
  func.func @transform_2(%arg0: i32) -> (i32, i32, i32, i32) {
    %c0_i32 = arith.constant 0 : i32
    %c0_i32_0 = arith.constant 0 : i32
    %c0_i32_1 = arith.constant 0 : i32
    %c0_i32_2 = arith.constant 0 : i32
    return %arg0, %c0_i32, %c0_i32_0, %c0_i32_1 : i32, i32, i32, i32
  }
  func.func @transform_3(%arg0: i32) -> i32 {
    %c0_i32 = arith.constant 0 : i32
    %c0_i32_0 = arith.constant 0 : i32
    return %c0_i32 : i32
  }
}

module attributes {stable_mosaic.version = 14 : i64} {
  func.func @k(%arg0: memref<32x65536xi32, #tpu.memory_space<vmem>>, %arg1: memref<2xi32, #tpu.memory_space<smem>>) attributes {dimension_semantics = [], scalar_prefetch = 0 : i64, scratch_operands = 0 : i64, tpu.core_type = #tpu.core_type<tc>} {
    %get3A = arith.constant 0 : index
    %get3A_0 = arith.constant 0 : index
    %get3A_1 = vector.load %arg0[%get3A, %get3A_0] : memref<32x65536xi32, #tpu.memory_space<vmem>>, vector<32x65536xi32>
    %reduce_sum3A = arith.constant dense<0> : vector<65536xi32>
    %reduce_sum3A_2 = vector.multi_reduction <add>, %get3A_1, %reduce_sum3A [0] : vector<32x65536xi32> to vector<65536xi32>
    %reshape3A = vector.shape_cast %reduce_sum3A_2 : vector<65536xi32> to vector<512x128xi32>
    %iota3A = tpu.iota {dimensions = array<i32: 0>} : vector<512x128xi32>
    %iota3A_3 = tpu.iota {dimensions = array<i32: 1>} : vector<512x128xi32>
    %mul3A = arith.constant 128 : i32
    %mul3A_4 = vector.broadcast %mul3A : i32 to vector<512x128xi32>
    %mul3A_5 = arith.muli %iota3A, %mul3A_4 : vector<512x128xi32>
    %add3A = arith.addi %mul3A_5, %iota3A_3 : vector<512x128xi32>
    %scan3A = arith.constant 0 : i32
    %scan3A_6 = arith.constant 65535 : i32
    %scan3A_7 = arith.constant 0 : i32
    %scan3A_8 = arith.constant 17 : i32
    %scan3A_9 = arith.addi %scan3A_7, %scan3A_8 : i32
    %scan3A_10 = arith.constant 1 : i32
    %scan3A_11:2 = scf.for %scan3A_23 = %scan3A_7 to %scan3A_9 step %scan3A_10 iter_args(%scan3A_24 = %scan3A, %scan3A_25 = %scan3A_6) -> (i32, i32)  : i32 {
      %sub3A = arith.subi %scan3A_25, %scan3A_24 : i32
      %add3A_26 = arith.constant 1 : i32
      %add3A_27 = arith.addi %sub3A, %add3A_26 : i32
      %jit3A_28 = arith.constant 2 : i32
      %div3A = arith.divsi %add3A_27, %jit3A_28 : i32
      %sign3A = arith.constant 0 : i32
      %sign3A_29 = arith.cmpi sgt, %add3A_27, %sign3A : i32
      %sign3A_30 = arith.extui %sign3A_29 : i1 to i32
      %sign3A_31 = arith.constant 0 : i32
      %sign3A_32 = arith.cmpi slt, %add3A_27, %sign3A_31 : i32
      %sign3A_33 = arith.extui %sign3A_32 : i1 to i32
      %sign3A_34 = arith.subi %sign3A_30, %sign3A_33 : i32
      %sign3A_35 = arith.constant 0 : i32
      %sign3A_36 = arith.cmpi sgt, %jit3A_28, %sign3A_35 : i32
      %sign3A_37 = arith.extui %sign3A_36 : i1 to i32
      %sign3A_38 = arith.constant 0 : i32
      %sign3A_39 = arith.cmpi slt, %jit3A_28, %sign3A_38 : i32
      %sign3A_40 = arith.extui %sign3A_39 : i1 to i32
      %sign3A_41 = arith.subi %sign3A_37, %sign3A_40 : i32
      %ne3A = arith.cmpi ne, %sign3A_34, %sign3A_41 : i32
      %rem3A = arith.remsi %add3A_27, %jit3A_28 : i32
      %ne3A_42 = arith.constant 0 : i32
      %ne3A_43 = arith.cmpi ne, %rem3A, %ne3A_42 : i32
      %and3A = arith.andi %ne3A, %ne3A_43 : i1
      %sub3A_44 = arith.constant 1 : i32
      %sub3A_45 = arith.subi %div3A, %sub3A_44 : i32
      %select_n3A_46 = arith.select %and3A, %sub3A_45, %div3A : i32
      %add3A_47 = arith.addi %scan3A_24, %select_n3A_46 : i32
      %ge3A_48 = vector.broadcast %add3A_47 : i32 to vector<512x128xi32>
      %ge3A_49 = arith.cmpi sge, %add3A, %ge3A_48 : vector<512x128xi32>
      %jit3A_50 = arith.constant 0 : i32
      %broadcast_in_dim3A_51 = vector.broadcast %jit3A_50 : i32 to vector<512x128xi32>
      %select_n3A_52 = arith.select %ge3A_49, %reshape3A, %broadcast_in_dim3A_51 : vector<512x128xi1>, vector<512x128xi32>
      %reduce_sum3A_53 = vector.shape_cast %select_n3A_52 : vector<512x128xi32> to vector<1x512x128xi32>
      %reduce_sum3A_54 = arith.constant dense<0> : vector<1xi32>
      %reduce_sum3A_55 = vector.multi_reduction <add>, %reduce_sum3A_53, %reduce_sum3A_54 [1, 2] : vector<1x512x128xi32> to vector<1xi32>
      %reduce_sum3A_56 = vector.shape_cast %reduce_sum3A_55 : vector<1xi32> to vector<1x1x1xi32>
      %reduce_sum3A_57 = vector.extract %reduce_sum3A_56[0, 0, 0] : i32 from vector<1x1x1xi32>
      %ge3A_58 = arith.constant 1048576 : i32
      %ge3A_59 = arith.cmpi sge, %reduce_sum3A_57, %ge3A_58 : i32
      %select_n3A_60 = arith.select %ge3A_59, %add3A_47, %scan3A_24 : i32
      %sub3A_61 = arith.constant 1 : i32
      %sub3A_62 = arith.subi %add3A_47, %sub3A_61 : i32
      %select_n3A_63 = arith.select %ge3A_59, %scan3A_25, %sub3A_62 : i32
      scf.yield %select_n3A_60, %select_n3A_63 : i32, i32
    }
    %swap3A = arith.constant 0 : index
    %swap3A_12 = memref.load %arg1[%swap3A] : memref<2xi32, #tpu.memory_space<smem>>
    memref.store %scan3A_11#0, %arg1[%swap3A] : memref<2xi32, #tpu.memory_space<smem>>
    %add3A_13 = arith.constant 1 : i32
    %add3A_14 = arith.addi %scan3A_11#0, %add3A_13 : i32
    %ge3A = vector.broadcast %add3A_14 : i32 to vector<512x128xi32>
    %ge3A_15 = arith.cmpi sge, %add3A, %ge3A : vector<512x128xi32>
    %jit3A = arith.constant 0 : i32
    %broadcast_in_dim3A = vector.broadcast %jit3A : i32 to vector<512x128xi32>
    %select_n3A = arith.select %ge3A_15, %reshape3A, %broadcast_in_dim3A : vector<512x128xi1>, vector<512x128xi32>
    %reduce_sum3A_16 = vector.shape_cast %select_n3A : vector<512x128xi32> to vector<1x512x128xi32>
    %reduce_sum3A_17 = arith.constant dense<0> : vector<1xi32>
    %reduce_sum3A_18 = vector.multi_reduction <add>, %reduce_sum3A_16, %reduce_sum3A_17 [1, 2] : vector<1x512x128xi32> to vector<1xi32>
    %reduce_sum3A_19 = vector.shape_cast %reduce_sum3A_18 : vector<1xi32> to vector<1x1x1xi32>
    %reduce_sum3A_20 = vector.extract %reduce_sum3A_19[0, 0, 0] : i32 from vector<1x1x1xi32>
    %swap3A_21 = arith.constant 1 : index
    %swap3A_22 = memref.load %arg1[%swap3A_21] : memref<2xi32, #tpu.memory_space<smem>>
    memref.store %reduce_sum3A_20, %arg1[%swap3A_21] : memref<2xi32, #tpu.memory_space<smem>>
    return
  }
}

</mosaic_0001>

<sc_bundles>
// kernel: kernel.10.cloned.1.call-start
scs
__scs_entry_jumppad:
0x0: {  	(pc) =	sbr.rel $0x88, $3  }
0x1: {  	(tag) =	ssettag $0x0;
	lr =	simm.s32 $0x1  }
0x2: {  	[smem:$0x3F9F] =	sst lr;
	_ =	strace $0xD0000000  }
0x3: {  	_ = 	snop  }
0x4: {  	_ = 	snop  }
0x5: {  	_ = 	snop  }
0x6: {  	_ = 	snop  }
0x7: {  	_ = 	snop  }
__scs_overlays_trampoline_lowered:
0x8: {  	[smem:$0x3FAE] =	sst s0  }
0x9: {  	[smem:$0x3FAF] =	sst s1  }
0xa: {  	[smem:$0x3FB0] =	sst s2  }
0xb: {  	[smem:$0x3FB1] =	sst s3  }
0xc: {  	[smem:$0x3FB2] =	sst s4  }
0xd: {  	[smem:$0x3FB3] =	sst s5  }
0xe: {  	[smem:$0x3FB4] =	sst s6  }
0xf: {  	[smem:$0x3FB5] =	sst s7  }
0x10: {  	[smem:$0x3FB6] =	sst s8  }
0x11: {  	[smem:$0x3FB7] =	sst s9;
	s0 =	simm.s32 @!p0 $0x0  }
0x12: {  	s1 =	sld [smem:$0x3F9D];
	s0 =	simm.s32 @p0 $0x1  }
0x13: {  	[smem:$0x3FB8] =	sst s0;
	s0 =	simm.s32 @!p1 $0x0  }
0x14: {  	s2 =	sld [smem:$0x3F9C];
	s0 =	simm.s32 @p1 $0x1  }
0x15: {  	[smem:$0x3FB9] =	sst s0;
	s0 =	simm.s32 @!p2 $0x0  }
0x16: {  	s3 =	sld [smem:$0x3FDB];
	s0 =	simm.s32 @p2 $0x1  }
0x17: {  	s4 =	simm.s32 $0x1BF5;
	[smem:$0x3FBB] =	sst s0  }
0x18: {  	s0 =	sld [smem:$0x3F9E];
	_ =	swait.ge [sflag:s4], $0x0  }
0x19: {  	s7 =	sld [smem:$0x3F9F]  }
0x1a: {  	s8 =	sadd.s32 $0xFFFFE003, lr  }
0x1b: {  	s9 =	sadd.s32 $0xFFFFFEF7, lr;
	s5 =	simm.s32 $0xFFFFFFFF;
	p2 =	slt.u32 s8, $0xFFFFF086  }
0x1c: {  	p1 =	slt.u32 s9, $0xF7A;
	s5 =	simm.s32 @!p2 $0x0  }
0x1d: {  	s5 =	simm.s32 @p1 $0x1;
	p0 =	seq.s32 s7, s2  }
0x1e: {  	s7 =	smul.u32 @!p0 $0xF7A, s2;
	p2 =	seq.s32 @!p0 s5, $0x0  }
0x1f: {  	s9 =	smul.u32 $0xF7A, s1;
	s8 =	simm.s32 @!p0 $0x1BF5;
	p2 =	por !p2, p0  }
0x20: {  	[sflag:s8] =	ssyncset.s32 @!p0 $0xFFFFF086;
	s6 =	sadd.s32 @!p0 s3, s7;
	s7 =	simm.s32 @!p0 $0x108  }
0x21: {  	s3 =	sadd.s32 s3, s9;
	s6 =	sadd.s32 @!p0 $0x88, s6;
	s7 =	simm.s32 @p2 $0x1082  }
0x22: {  	[simem:s7], [sflag:s8] =	dma.local @!p0 [hbm:s6], $0xF7A  }
0x23: {  	s9 =	sor.u32 $0xD0000000, s2;
	s6 =	simm.s32 $0x108;
	_ =	swait.ge @!p0 [sflag:s8], $0x0  }
0x24: {  	s3 =	sadd.s32 $0x88, s3;
	s6 =	simm.s32 @!p1 $0x1082;
	[sflag:s4] =	ssyncset.s32 $0xFFFFF086  }
0x25: {  	[simem:s6], [sflag:s4] =	dma.local [hbm:s3], $0xF7A  }
0x26: {  	[smem:$0x3F9F] =	sst s1;
	(tag) =	ssettag s2;
	_ =	strace s9  }
0x27: {  	s1 =	sld [smem:$0x3FAF]  }
0x28: {  	s2 =	sld [smem:$0x3FB0]  }
0x29: {  	s4 =	sld [smem:$0x3FB2]  }
0x2a: {  	p0 =	seq.s32 s5, $0x0;
	s5 =	sld [smem:$0x3FB3]  }
0x2b: {  	s6 =	sld [smem:$0x3FB4]  }
0x2c: {  	s7 =	sld [smem:$0x3FB5]  }
0x2d: {  	s3 =	simm.s32 $0x108;
	s8 =	sld [smem:$0x3FB6]  }
0x2e: {  	s3 =	simm.s32 @!p0 $0x1082;
	s9 =	sld [smem:$0x3FB7]  }
0x2f: {  	lr =	sadd.s32 s0, s3;
	s0 =	sld [smem:$0x3FAE]  }
0x30: {  	s3 =	sld [smem:$0x3FB1]  }
0x31: {  	[smem:$0x3FBA] =	sst s10  }
0x32: {  	s10 =	sld [smem:$0x3FB8];
	_ =	sdelay $0x3  }
0x33: {  	p0 =	seq.s32 s10, $0x1;
	s10 =	sld [smem:$0x3FBA];
	_ =	sdelay $0x3  }
0x34: {  	[smem:$0x3FBA] =	sst s10  }
0x35: {  	s10 =	sld [smem:$0x3FB9];
	_ =	sdelay $0x3  }
0x36: {  	p1 =	seq.s32 s10, $0x1;
	s10 =	sld [smem:$0x3FBA];
	_ =	sdelay $0x3  }
0x37: {  	[smem:$0x3FBA] =	sst s10  }
0x38: {  	s10 =	sld [smem:$0x3FBB]  }
0x39: {  	_ = 	snop;
	(pc) =	sbr.ind lr, $3  }
0x3a: {  	_ = 	snop  }
0x3b: {  	_ = 	snop  }
0x3c: {  	p2 =	seq.s32 s10, $0x1;
	s10 =	sld [smem:$0x3FBA]  }
0x3d: {  	_ =	shalt  }
0x3e: {  	_ =	shalt  }
0x3f: {  	_ =	shalt  }
0x40: {  	_ =	shalt  }
0x41: {  	_ =	shalt  }
0x42: {  	_ =	shalt  }
0x43: {  	_ =	shalt  }
0x44: {  	_ =	shalt  }
0x45: {  	_ =	shalt  }
0x46: {  	_ =	shalt  }
0x47: {  	_ =	shalt  }
0x48: {  	_ =	shalt  }
0x49: {  	_ =	shalt  }
0x4a: {  	_ =	shalt  }
0x4b: {  	_ =	shalt  }
0x4c: {  	_ =	shalt  }
0x4d: {  	_ =	shalt  }
0x4e: {  	_ =	shalt  }
0x4f: {  	_ =	shalt  }
0x50: {  	_ =	shalt  }
0x51: {  	_ =	shalt  }
0x52: {  	_ =	shalt  }
0x53: {  	_ =	shalt  }
0x54: {  	_ =	shalt  }
0x55: {  	_ =	shalt  }
0x56: {  	_ =	shalt  }
0x57: {  	_ =	shalt  }
0x58: {  	_ =	shalt  }
0x59: {  	_ =	shalt  }
0x5a: {  	_ =	shalt  }
0x5b: {  	_ =	shalt  }
0x5c: {  	_ =	shalt  }
0x5d: {  	_ =	shalt  }
0x5e: {  	_ =	shalt  }
0x5f: {  	_ =	shalt  }
0x60: {  	_ =	shalt  }
0x61: {  	_ =	shalt  }
0x62: {  	_ =	shalt  }
0x63: {  	_ =	shalt  }
0x64: {  	_ =	shalt  }
0x65: {  	_ =	shalt  }
0x66: {  	_ =	shalt  }
0x67: {  	_ =	shalt  }
0x68: {  	_ =	shalt  }
0x69: {  	_ =	shalt  }
0x6a: {  	_ =	shalt  }
0x6b: {  	_ =	shalt  }
0x6c: {  	_ =	shalt  }
0x6d: {  	_ =	shalt  }
0x6e: {  	_ =	shalt  }
0x6f: {  	_ =	shalt  }
0x70: {  	_ =	shalt  }
0x71: {  	_ =	shalt  }
0x72: {  	_ =	shalt  }
0x73: {  	_ =	shalt  }
0x74: {  	_ =	shalt  }
0x75: {  	_ =	shalt  }
0x76: {  	_ =	shalt  }
0x77: {  	_ =	shalt  }
0x78: {  	_ =	shalt  }
0x79: {  	_ =	shalt  }
0x7a: {  	_ =	shalt  }
0x7b: {  	_ =	shalt  }
0x7c: {  	_ =	shalt  }
0x7d: {  	_ =	shalt  }
0x7e: {  	_ =	shalt  }
0x7f: {  	_ =	shalt  }
0x80: {  	_ =	shalt  }
0x81: {  	_ =	shalt  }
0x82: {  	_ =	shalt  }
0x83: {  	_ =	shalt  }
0x84: {  	_ =	shalt  }
0x85: {  	_ =	shalt  }
0x86: {  	_ =	shalt  }
0x87: {  	_ =	shalt  }
.Lfunc_end0:
.L_simem_size_0:
called_computation.1_lowered:
.L_overlay_start_0:
0x88: {  	s2 =	sld [smem:$0x3FD9]  }
0x89: {  	s3 =	sld [smem:$0x3FFE];
	_ =	sdelay $0x1  }
0x8a: {  	s1 =	srdreg.scid  }
0x8b: {  	s0 =	sand.u32 $0x1, s1  }
0x8c: {  	s17 =	sshll.u32 s0, $0xA;
	s2 =	sadd.s32 s3, s2  }
0x8d: {  	s2 =	sadd.s32 s2, s17  }
0x8e: {  	[smem:$0x3FC6] =	sst s2  }
0x8f: {  	_ = 	snop  }
0x90: {  	s2 =	sld [smem:$0x3FD0];
	(tm) =	ssettm $0x1  }
0x91: {  	s18 =	sld [smem:$0x3FFB];
	_ =	sdelay $0x3  }
0x92: {  	_ =	strace s18  }
0x93: {  	s3 =	sld [smem:$0x3FFC];
	_ =	sdelay $0x3  }
0x94: {  	_ =	strace s3  }
0x95: {  	s3 =	sld [smem:$0x3FFD];
	_ =	sdelay $0x3  }
0x96: {  	_ =	strace s3  }
0x97: {  	_ =	strace $0x8FFFFFFF  }
0x98: {  	s19 =	sld [smem:$0x3FDB];
	_ =	sdelay $0x1  }
0x99: {  	s4 =	simm.s32 $_scs_section_size  }
0x9a: {  	s5 =	simm.s32 $_size__tile_overlayer_lowered;
	s6 =	simm.s32 $_tile_overlayer_lowered  }
0x9b: {  	s22 =	simm.s32 $0x1BFF;
	s21 =	sshll.u32 s6, $0x1;
	s3 =	sadd.s32 s4, s19  }
0x9c: {  	s7 =	simm.s32 $0x0;
	s20 =	sshll.u32 s5, $0x1;
	s5 =	sadd.s32 s21, s3  }
0x9d: {  	[timem:s7], [sflag:s22] =	dma.local [hbm:s5], s20  }
0x9e: {  	_ =	swait.ge [sflag:s22], s20  }
0x9f: {  	s4 =	ssub.s32 $0x0, s20;
	[sflag:s22] =	ssyncset.done $0x0  }
0xa0: {  	[sflag:s22] =	ssyncadd.s32 s4;
	_ =	sdelay $0x1  }
0xa1: {  	s23 =	simm.s32 $0x1B8B  }
0xa2: {  	_ =	swait.ge [sflag:s23], $0x1  }
0xa3: {  	[sflag:s23] =	ssyncset.done $0x0  }
0xa4: {  	s25 =	simm.s32 $0x1B8E;
	s24 =	sld [smem:$0x3FFE];
	[sflag:s23] =	ssyncadd.s32 $0xFFFFFFFF  }
0xa5: {  	s26 =	simm.s32 $execute0_lowered;
	[smem:$0x3FD2] =	sst s25  }
0xa6: {  	s5 =	sshll.u32 s26, $0x1;
	_ =	strace $0x80000049;
	[dreg:$0x1] =	wrdreg $0xFFFFFFFF  }
0xa7: {  	s28 =	simm.s32 $_size_execute0_lowered;
	s3 =	sadd.s32 s3, s5;
	[dreg:$0x0] =	wrdreg $0x0  }
0xa8: {  	s5 =	sshll.u32 s28, $0x1;
	[dreg:$0x2] =	wrdreg s3  }
0xa9: {  	[dreg:$0x3] =	wrdreg s5  }
0xaa: {  	[dreg:$0x4] =	wrdreg $0xC0  }
0xab: {  	_ =	task [dreg:s7], $0x5FFFF  }
0xac: {  	[dreg:$0x1] =	wrdreg $0xFFFFFFFF  }
0xad: {  	[dreg:$0x0] =	wrdreg $0x60  }
0xae: {  	[dreg:$0x2] =	wrdreg s24  }
0xaf: {  	[dreg:$0x3] =	wrdreg s2  }
0xb0: {  	[dreg:$0x4] =	wrdreg $0x9  }
0xb1: {  	_ =	task.clear_ibuf [dreg:s7], $0x5FFFF;
	_ =	strace $0x90000049  }
0xb2: {  	s29 =	simm.s32 $0x9;
	_ =	strace $0x8000004B  }
0xb3: {  	_ =	swait.ge [sflag:s29], $0x1  }
0xb4: {  	[sflag:s29] =	ssyncadd.s32 $0xFFFFFFFF  }
0xb5: {  	_ =	strace $0x9000004B  }
0xb6: {  	_ =	sfence  }
0xb7: {  	s30 =	sld [smem:$0x0];
	_ =	sdelay $0x2  }
0xb8: {  	s31 =	sshll.u32 s1, $0xD;
	s1 =	sshrl.u32 s1, $0x2  }
0xb9: {  	s3 =	sand.u32 $0x4000, s31;
	s1 =	sadd.s32 s1, s30  }
0xba: {  	s0 =	sor.u32 s3, s0;
	s1 =	sshll.u32 s1, $0x11  }
0xbb: {  	s0 =	sor.u32 s1, s0  }
0xbc: {  	s0 =	sadd.s32 $0x8F2B, s0  }
0xbd: {  	[sflag:s0] =	ssyncadd.remote.s32 $0x1  }
0xbe: {  	_ =	sfence.sel $0xFFFF  }
0xbf: {  	[dreg:$0x0] =	wrdreg $0xFFFFFFFF;
	(pc) =	sbr.abs _section_cstart, $3  }
0xc0: {  	[dreg:$0x1] =	wrdreg $0xFFFFFFFF  }
0xc1: {  	_ =	task.clear_ibuf [dreg:s7], $0x2FFFF;
	_ =	strace $0x9FFFFFFF  }
0xc2: {  	(tm) =	ssettm $0x7FFFFFFF  }
0xc3: {  	_ =	shalt  }
tec
execute0_lowered:
.L_overlay_start_1:
0x0: {  	(tag) =	ssettag $0x1  }
0x1: {  	s1 =	srdreg.scid  }
0x2: {  	s0 =	stileid.u32;
	s7 =	rddreg [dreg:$0x0]  }
0x3: {  	s4 =	simm.s32 $0x1;
	s2 =	rddreg [dreg:$0x1];
	s3 =	simm.s32 $0x0  }
0x4: {  	s16 =	simm.s32 $0x10000;
	s17 =	simm.s32 $0x3;
	s18 =	simm.s32 $0x4000  }
0x5: {  	s19 =	simm.s32 $0x8000;
	s20 =	simm.s32 $0x2;
	s21 =	simm.s32 $0x80  }
0x6: {  	s22 =	simm.s32 $0x400;
	s5 =	sand.u32 $0x1, s1;
	s28 =	sshll.u32 s0, $0x1  }
0x7: {  	s23 =	simm.s32 $0x10080;
	s24 =	simm.s32 $0x0;
	s6 =	sor.u32 s5, s28  }
0x8: {  	[smem:$0x7FF] =	sst s3;
	p1 =	seq.s32 s5, $0x1;
	p0 =	seq.s32 s6, $0x0  }
0x9: {  	s29 =	sshrl.u32 s0, $0x2;
	s9 =	sshll.u32 s5, $0x11;
	p0 =	por !p0, !p1  }
0xa: {  	_ =	strace $0x8000004A;
	s10 =	sshll.u32 s29, $0x12;
	p0 =	por !p0, !p0  }
0xb: {  	s5 =	ssub.s32 $0x2, s5;
	s6 =	sshll.u32 s6, $0x7;
	s4 =	simm.s32 @!p0 $0x0  }
0xc: {  	s31 =	sshrl.u32 s5, $0x1;
	s6 =	sand.u32 $0x380, s6;
	s4 =	ssub.s32 s0, s4  }
0xd: {  	s15 =	ssub.s32 s5, s31;
	s30 =	sor.u32 s10, s6;
	s8 =	sshll.u32 s4, $0x12  }
0xe: {  	s15 =	smax.u32 s15, $0x1;
	s8 =	sor.u32 s9, s8;
	s9 =	sshll.u32 s29, $0xA  }
0xf: {  	s4 =	simm.s32 $0x1;
	s8 =	sshrl.u32 s8, $0x3;
	s6 =	sor.u32 s9, s6  }
0x10: {  	s12 =	sadd.s32 s8, s7;
	s8 =	sshrl.u32 s30, $0x3;
	s6 =	sshrl.u32 s6, $0x3  }
0x11: {  	s13 =	sadd.s32 s8, s7;
	s14 =	sadd.s32 s6, s7;
	s5 =	sadd.s32 $0x1600, s12  }
0x12: {  	s6 =	sadd.s32 $0x1E00, s12;
	s7 =	sadd.s32 $0x2600, s12;
	s8 =	sadd.s32 $0x2E00, s12  }
0x13: {  	s9 =	sadd.s32 $0x3600, s12;
	s10 =	sadd.s32 $0x3E00, s12;
	s11 =	sadd.s32 $0x4600, s12  }
0x14: {  	v0 =	vimm.s32 $0x0;
	v1 =	vimm.s32 $0x1;
	s12 =	sadd.s32 $0x4E00, s12;
	s13 =	sadd.s32 $0x81600, s13;
	s14 =	sadd.s32 $0xA1600, s14  }
.LBB2_1:
0x15: {  	[tilespmem:s3], [sflag:$0x1] =	stream.linear.gather [hbm4b:s5+s3], $0x4000, $0x38;
	[tilespmem:$0x10100] =	vst v63  }
0x16: {  	_ = 	snop  }
0x17: {  	[tilespmem:s16], [sflag:$0x3] =	stream.linear.gather [hbm4b:s2+s3], $0x80, $0x38;
	[tilespmem:$0x10100] =	vst v63  }
0x18: {  	_ =	swait.ge [sflag:s17], $0x80  }
0x19: {  	[sflag:s17] =	ssyncset.done $0x0  }
0x1a: {  	s25 =	simm.s32 $0x8040;
	[sflag:s17] =	ssyncadd.s32 $0xFFFFFF80  }
0x1b: {  	v2 =	vld [tilespmem:$0x10000];
	[tilespmem:s25+$0xFFFFFFC0] =	vst v0  }
0x1c: {  	[tilespmem:s25+$0x30] =	vst v0  }
0x1d: {  	[tilespmem:s25+$0x20] =	vst v0  }
0x1e: {  	[tilespmem:s25+$0x10] =	vst v0  }
0x1f: {  	[tilespmem:s25+$0x0] =	vst v0  }
0x20: {  	[tilespmem:s25+$0xFFFFFFF0] =	vst v0  }
0x21: {  	s26 =	simm.s32 $0x0;
	[tilespmem:s25+$0xFFFFFFE0] =	vst v0  }
.LBB2_2:
0x22: {  	s26 =	sadd.s32 $0x80, s26;
	[tilespmem:s25+$0xFFFFFFD0] =	vst v0;
	s25 =	sadd.s32 $0x80, s25  }
0x23: {  	[tilespmem:s25+$0xFFFFFFC0] =	vst v0;
	p0 =	slt.u32 s26, $0x7F80  }
0x24: {  	[tilespmem:s25+$0x30] =	vst v0  }
.Ltmp0:
0x25: {  	[tilespmem:s25+$0x20] =	vst v0;
	(pc) =	sbr.rel @p0 .LBB2_2-.Ltmp0, $4  }
0x26: {  	[tilespmem:s25+$0x10] =	vst v0  }
0x27: {  	[tilespmem:s25+$0x0] =	vst v0  }
0x28: {  	[tilespmem:s25+$0xFFFFFFF0] =	vst v0  }
0x29: {  	[tilespmem:s25+$0xFFFFFFE0] =	vst v0  }
0x2a: {  	[tilespmem:s25+$0xFFFFFFD0] =	vst v0;
	s25 =	simm.s32 $0x0;
	s26 =	simm.s32 $0x0  }
0x2b: {  	[tilespmem:s18], [sflag:$0x2] =	stream.linear.gather [hbm4b:s6+s25], $0x4000, $0x38;
	[tilespmem:$0x10100] =	vst v63  }
0x2c: {  	s28 =	sand.u32 $0x3000, s26;
	s29 =	sand.u32 $0x800, s25;
	_ =	swait.ge [sflag:s4], $0x4000  }
0x2d: {  	s30 =	sand.u32 $0x380, s25;
	s28 =	sor.u32 s29, s28;
	[sflag:s4] =	ssyncset.done $0x0  }
0x2e: {  	s28 =	sor.u32 s30, s28;
	[sflag:s4] =	ssyncadd.s32 $0xFFFFC000  }
0x2f: {  	v3 =	vld [tilespmem:s28+$0x0];
	_ =	sdelay $0x1  }
0x30: {  	v4 =	vld [tilespmem:s28+$0x10]  }
0x31: {  	v5 =	vld [tilespmem:s28+$0x20];
	_ =	sdelay $0x1  }
0x32: {  	v6 =	vimm.f32 $0.0e+00;
	v7 =	vshrl.u32 v3, $0xF  }
0x33: {  	v8 =	vand.u32 $0x7FFF, v3;
	vm0 =	veq.s32 v7, v2;
	vm1 =	vgt.s32 v7, v2;
	v7 =	vld [tilespmem:s28+$0x30]  }
0x34: {  	v9 =	vshrl.u32 v4, $0xF;
	v10 =	vand.u32 $0x7FFF, v4;
	v3 =	vnsel vm1, $0x0, v3  }
0x35: {  	v11 =	vand.u32 $0x7FFF, v5;
	vm2 =	vgt.s32 v9, v2;
	v3 =	vadd.f32 v3, v6;
	v6 =	vld [tilespmem:s28+$0x40]  }
0x36: {  	vm1 =	veq.s32 v9, v2;
	v4 =	vnsel vm2, $0x0, v4;
	v9 =	vshrl.u32 v5, $0xF  }
0x37: {  	vm2 =	veq.s32 v9, v2;
	vm3 =	vgt.s32 v9, v2;
	v3 =	vadd.f32 v4, v3;
	v4 =	vld [tilespmem:s28+$0x50]  }
0x38: {  	v5 =	vnsel vm3, $0x0, v5;
	v9 =	vshrl.u32 v7, $0xF;
	v12 =	vand.u32 $0x7FFF, v7  }
0x39: {  	v3 =	vadd.f32 v5, v3;
	vm3 =	veq.s32 v9, v2;
	vm4 =	vgt.s32 v9, v2;
	v5 =	vld [tilespmem:s28+$0x60]  }
0x3a: {  	[tilespmem:v8+s19+$0x0] =	vst.idx.add.s32.msk vm0, v1;
	v7 =	vnsel vm4, $0x0, v7;
	v8 =	vshrl.u32 v6, $0xF;
	v9 =	vand.u32 $0x7FFF, v6  }
0x3b: {  	v3 =	vadd.f32 v7, v3;
	vm0 =	veq.s32 v8, v2;
	vm12 =	vgt.s32 v8, v2;
	v7 =	vld [tilespmem:s28+$0x70]  }
0x3c: {  	[tilespmem:v10+s19+$0x0] =	vst.idx.add.s32.msk vm1, v1;
	v6 =	vnsel vm12, $0x0, v6;
	v8 =	vshrl.u32 v4, $0xF;
	v10 =	vand.u32 $0x7FFF, v4  }
0x3d: {  	v3 =	vadd.f32 v6, v3;
	vm13 =	veq.s32 v8, v2;
	vm1 =	vgt.s32 v8, v2;
	v6 =	vld [tilespmem:s28+$0x400]  }
0x3e: {  	[tilespmem:v11+s19+$0x0] =	vst.idx.add.s32.msk vm2, v1;
	v4 =	vnsel vm1, $0x0, v4;
	v8 =	vshrl.u32 v5, $0xF;
	v11 =	vand.u32 $0x7FFF, v5  }
0x3f: {  	v3 =	vadd.f32 v4, v3;
	vm2 =	veq.s32 v8, v2;
	vm1 =	vgt.s32 v8, v2;
	v4 =	vld [tilespmem:s28+$0x410]  }
0x40: {  	[tilespmem:v12+s19+$0x0] =	vst.idx.add.s32.msk vm3, v1;
	v5 =	vnsel vm1, $0x0, v5;
	v8 =	vshrl.u32 v7, $0xF;
	v12 =	vand.u32 $0x7FFF, v7  }
0x41: {  	v13 =	vld [tilespmem:s28+$0x420];
	v3 =	vadd.f32 v5, v3;
	vm3 =	veq.s32 v8, v2;
	vm1 =	vgt.s32 v8, v2  }
0x42: {  	[tilespmem:v9+s19+$0x0] =	vst.idx.add.s32.msk vm0, v1;
	v5 =	vnsel vm1, $0x0, v7;
	v8 =	vshrl.u32 v6, $0xF;
	v7 =	vand.u32 $0x7FFF, v6  }
0x43: {  	v3 =	vadd.f32 v5, v3;
	vm1 =	veq.s32 v8, v2;
	vm0 =	vgt.s32 v8, v2;
	v5 =	vld [tilespmem:s28+$0x430]  }
0x44: {  	[tilespmem:v10+s19+$0x0] =	vst.idx.add.s32.msk vm13, v1;
	v8 =	vnsel vm0, $0x0, v6;
	v9 =	vshrl.u32 v4, $0xF;
	v6 =	vand.u32 $0x7FFF, v4  }
0x45: {  	v10 =	vadd.f32 v8, v3;
	vm0 =	veq.s32 v9, v2;
	vm14 =	vgt.s32 v9, v2;
	v3 =	vld [tilespmem:s28+$0x440]  }
0x46: {  	[tilespmem:v11+s19+$0x0] =	vst.idx.add.s32.msk vm2, v1;
	v9 =	vshrl.u32 v13, $0xF;
	v8 =	vand.u32 $0x7FFF, v13;
	v4 =	vnsel vm14, $0x0, v4  }
0x47: {  	vm2 =	veq.s32 v9, v2;
	vm15 =	vgt.s32 v9, v2;
	v10 =	vadd.f32 v4, v10;
	v4 =	vld [tilespmem:s28+$0x450]  }
0x48: {  	s29 =	simm.s32 $0x0;
	[tilespmem:v12+s19+$0x0] =	vst.idx.add.s32.msk vm3, v1;
	v12 =	vnsel vm15, $0x0, v13;
	v11 =	vshrl.u32 v5, $0xF;
	v9 =	vand.u32 $0x7FFF, v5  }
.LBB2_4:
0x49: {  	s26 =	sadd.s32 $0x100, s26;
	v10 =	vadd.f32 v12, v10;
	vm3 =	veq.s32 v11, v2;
	vm4 =	vgt.s32 v11, v2;
	v11 =	vld [tilespmem:s28+$0x460];
	s25 =	sadd.s32 $0x800, s25  }
0x4a: {  	s29 =	sadd.s32 $0x40, s29;
	s30 =	sand.u32 $0x3000, s26;
	s31 =	sand.u32 $0x800, s25;
	[tilespmem:v7+s19+$0x0] =	vst.idx.add.s32.msk vm1, v1;
	v5 =	vnsel vm4, $0x0, v5;
	v7 =	vshrl.u32 v3, $0xF;
	v12 =	vand.u32 $0x7FFF, v3  }
0x4b: {  	s1 =	sand.u32 $0x380, s29;
	p0 =	slt.u32 s26, $0x3F00;
	s30 =	sor.u32 s31, s30;
	v5 =	vadd.f32 v5, v10;
	vm1 =	veq.s32 v7, v2;
	vm4 =	vgt.s32 v7, v2;
	v7 =	vld [tilespmem:s28+$0x470]  }
0x4c: {  	s28 =	sor.u32 s1, s30;
	[tilespmem:v6+s19+$0x0] =	vst.idx.add.s32.msk vm0, v1;
	v3 =	vnsel vm4, $0x0, v3;
	v6 =	vshrl.u32 v4, $0xF;
	v10 =	vand.u32 $0x7FFF, v4  }
0x4d: {  	v13 =	vld [tilespmem:s28+$0x0];
	v3 =	vadd.f32 v3, v5;
	vm0 =	veq.s32 v6, v2;
	vm4 =	vgt.s32 v6, v2  }
0x4e: {  	[tilespmem:v8+s19+$0x0] =	vst.idx.add.s32.msk vm2, v1;
	v4 =	vnsel vm4, $0x0, v4;
	v5 =	vshrl.u32 v11, $0xF;
	v6 =	vand.u32 $0x7FFF, v11  }
0x4f: {  	v8 =	vld [tilespmem:s28+$0x10];
	v3 =	vadd.f32 v4, v3;
	vm2 =	veq.s32 v5, v2;
	vm4 =	vgt.s32 v5, v2  }
0x50: {  	[tilespmem:v9+s19+$0x0] =	vst.idx.add.s32.msk vm3, v1;
	v4 =	vnsel vm4, $0x0, v11;
	v5 =	vshrl.u32 v7, $0xF;
	v9 =	vand.u32 $0x7FFF, v7  }
0x51: {  	v11 =	vld [tilespmem:s28+$0x20];
	v3 =	vadd.f32 v4, v3;
	vm3 =	veq.s32 v5, v2;
	vm4 =	vgt.s32 v5, v2  }
0x52: {  	v4 =	vshrl.u32 v13, $0xF;
	v5 =	vand.u32 $0x7FFF, v13;
	[tilespmem:v12+s19+$0x0] =	vst.idx.add.s32.msk vm1, v1;
	v7 =	vnsel vm4, $0x0, v7  }
0x53: {  	vm1 =	veq.s32 v4, v2;
	vm4 =	vgt.s32 v4, v2;
	v4 =	vld [tilespmem:s28+$0x30];
	v3 =	vadd.f32 v7, v3  }
0x54: {  	v7 =	vnsel vm4, $0x0, v13;
	v12 =	vshrl.u32 v8, $0xF;
	v13 =	vand.u32 $0x7FFF, v8;
	[tilespmem:v10+s19+$0x0] =	vst.idx.add.s32.msk vm0, v1  }
0x55: {  	v3 =	vadd.f32 v7, v3;
	vm0 =	veq.s32 v12, v2;
	vm4 =	vgt.s32 v12, v2;
	v7 =	vld [tilespmem:s28+$0x40]  }
0x56: {  	v8 =	vnsel vm4, $0x0, v8;
	v10 =	vshrl.u32 v11, $0xF;
	v12 =	vand.u32 $0x7FFF, v11;
	[tilespmem:v6+s19+$0x0] =	vst.idx.add.s32.msk vm2, v1  }
0x57: {  	v3 =	vadd.f32 v8, v3;
	vm2 =	veq.s32 v10, v2;
	vm4 =	vgt.s32 v10, v2;
	v6 =	vld [tilespmem:s28+$0x50]  }
0x58: {  	v8 =	vnsel vm4, $0x0, v11;
	v10 =	vshrl.u32 v4, $0xF;
	v11 =	vand.u32 $0x7FFF, v4;
	[tilespmem:v9+s19+$0x0] =	vst.idx.add.s32.msk vm3, v1  }
0x59: {  	v3 =	vadd.f32 v8, v3;
	vm3 =	veq.s32 v10, v2;
	vm4 =	vgt.s32 v10, v2;
	v8 =	vld [tilespmem:s28+$0x60]  }
0x5a: {  	[tilespmem:v5+s19+$0x0] =	vst.idx.add.s32.msk vm1, v1;
	v4 =	vnsel vm4, $0x0, v4;
	v5 =	vshrl.u32 v7, $0xF;
	v9 =	vand.u32 $0x7FFF, v7  }
0x5b: {  	v3 =	vadd.f32 v4, v3;
	vm1 =	veq.s32 v5, v2;
	vm4 =	vgt.s32 v5, v2;
	v4 =	vld [tilespmem:s28+$0x70]  }
0x5c: {  	[tilespmem:v13+s19+$0x0] =	vst.idx.add.s32.msk vm0, v1;
	v5 =	vnsel vm4, $0x0, v7;
	v7 =	vshrl.u32 v6, $0xF;
	v10 =	vand.u32 $0x7FFF, v6  }
0x5d: {  	v3 =	vadd.f32 v5, v3;
	vm0 =	veq.s32 v7, v2;
	vm4 =	vgt.s32 v7, v2;
	v13 =	vld [tilespmem:s28+$0x400]  }
0x5e: {  	[tilespmem:v12+s19+$0x0] =	vst.idx.add.s32.msk vm2, v1;
	v5 =	vnsel vm4, $0x0, v6;
	v6 =	vshrl.u32 v8, $0xF;
	v12 =	vand.u32 $0x7FFF, v8  }
0x5f: {  	v3 =	vadd.f32 v5, v3;
	vm2 =	veq.s32 v6, v2;
	vm4 =	vgt.s32 v6, v2;
	v14 =	vld [tilespmem:s28+$0x410]  }
0x60: {  	[tilespmem:v11+s19+$0x0] =	vst.idx.add.s32.msk vm3, v1;
	v5 =	vnsel vm4, $0x0, v8;
	v6 =	vshrl.u32 v4, $0xF;
	v11 =	vand.u32 $0x7FFF, v4  }
0x61: {  	v3 =	vadd.f32 v5, v3;
	vm3 =	veq.s32 v6, v2;
	vm4 =	vgt.s32 v6, v2;
	v15 =	vld [tilespmem:s28+$0x420]  }
0x62: {  	[tilespmem:v9+s19+$0x0] =	vst.idx.add.s32.msk vm1, v1;
	v4 =	vnsel vm4, $0x0, v4;
	v5 =	vshrl.u32 v13, $0xF;
	v7 =	vand.u32 $0x7FFF, v13  }
0x63: {  	v3 =	vadd.f32 v4, v3;
	vm1 =	veq.s32 v5, v2;
	vm4 =	vgt.s32 v5, v2;
	v5 =	vld [tilespmem:s28+$0x430]  }
.Ltmp1:
0x64: {  	[tilespmem:v10+s19+$0x0] =	vst.idx.add.s32.msk vm0, v1;
	v4 =	vnsel vm4, $0x0, v13;
	v8 =	vshrl.u32 v14, $0xF;
	v6 =	vand.u32 $0x7FFF, v14;
	(pc) =	sbr.rel @p0 .LBB2_4-.Ltmp1, $4  }
0x65: {  	v4 =	vadd.f32 v4, v3;
	vm0 =	veq.s32 v8, v2;
	vm4 =	vgt.s32 v8, v2;
	v3 =	vld [tilespmem:s28+$0x440]  }
0x66: {  	[tilespmem:v12+s19+$0x0] =	vst.idx.add.s32.msk vm2, v1;
	v9 =	vnsel vm4, $0x0, v14;
	v12 =	vshrl.u32 v15, $0xF;
	v8 =	vand.u32 $0x7FFF, v15  }
0x67: {  	v10 =	vadd.f32 v9, v4;
	vm2 =	veq.s32 v12, v2;
	vm4 =	vgt.s32 v12, v2;
	v4 =	vld [tilespmem:s28+$0x450]  }
0x68: {  	[tilespmem:v11+s19+$0x0] =	vst.idx.add.s32.msk vm3, v1;
	v12 =	vnsel vm4, $0x0, v15;
	v11 =	vshrl.u32 v5, $0xF;
	v9 =	vand.u32 $0x7FFF, v5  }
0x69: {  	v13 =	vld [tilespmem:s28+$0x460]  }
0x6a: {  	v14 =	vld [tilespmem:s28+$0x470];
	_ =	sdelay $0x1  }
0x6b: {  	vm3 =	veq.s32 v11, v2;
	v15 =	vshrl.u32 v3, $0xF  }
0x6c: {  	vm4 =	veq.s32 v15, v2;
	v16 =	vshrl.u32 v4, $0xF  }
0x6d: {  	v17 =	vand.u32 $0x7FFF, v3;
	vm5 =	veq.s32 v16, v2;
	v18 =	vshrl.u32 v13, $0xF  }
0x6e: {  	[tilespmem:v7+s19+$0x0] =	vst.idx.add.s32.msk vm1, v1;
	v7 =	vand.u32 $0x7FFF, v4;
	v19 =	vshrl.u32 v14, $0xF;
	vm1 =	veq.s32 v18, v2  }
0x6f: {  	[tilespmem:v6+s19+$0x0] =	vst.idx.add.s32.msk vm0, v1;
	v6 =	vand.u32 $0x7FFF, v13;
	vm0 =	veq.s32 v19, v2  }
0x70: {  	[tilespmem:v8+s19+$0x0] =	vst.idx.add.s32.msk vm2, v1;
	v8 =	vand.u32 $0x7FFF, v14  }
0x71: {  	[tilespmem:v9+s19+$0x0] =	vst.idx.add.s32.msk vm3, v1  }
0x72: {  	[tilespmem:v17+s19+$0x0] =	vst.idx.add.s32.msk vm4, v1  }
0x73: {  	[tilespmem:v7+s19+$0x0] =	vst.idx.add.s32.msk vm5, v1  }
0x74: {  	[tilespmem:v6+s19+$0x0] =	vst.idx.add.s32.msk vm1, v1  }
0x75: {  	s25 =	simm.s32 $0x0;
	s26 =	simm.s32 $0x0;
	[tilespmem:v8+s19+$0x0] =	vst.idx.add.s32.msk vm0, v1;
	v6 =	vadd.f32 v12, v10;
	vm0 =	vgt.s32 v11, v2  }
0x76: {  	[tilespmem:s25], [sflag:$0x1] =	stream.linear.gather [hbm4b:s7+s25], $0x4000, $0x38;
	v5 =	vnsel vm0, $0x0, v5;
	[tilespmem:$0x10100] =	vst v63  }
0x77: {  	s1 =	sand.u32 $0x3000, s26;
	s28 =	sand.u32 $0x800, s25;
	vm0 =	vgt.s32 v15, v2;
	v5 =	vadd.f32 v5, v6;
	_ =	swait.ge [sflag:s20], $0x4000  }
0x78: {  	s29 =	sand.u32 $0x380, s25;
	s1 =	sor.u32 s28, s1;
	v3 =	vnsel vm0, $0x0, v3;
	[sflag:s20] =	ssyncset.done $0x0  }
0x79: {  	s28 =	sor.u32 s29, s1;
	vm0 =	vgt.s32 v16, v2;
	v3 =	vadd.f32 v3, v5;
	[sflag:s20] =	ssyncadd.s32 $0xFFFFC000  }
0x7a: {  	v4 =	vnsel vm0, $0x0, v4;
	v5 =	vld [tilespmem:s28+$0x4000]  }
0x7b: {  	vm0 =	vgt.s32 v18, v2;
	v3 =	vadd.f32 v4, v3  }
0x7c: {  	v6 =	vld [tilespmem:s28+$0x4010];
	v4 =	vnsel vm0, $0x0, v13  }
0x7d: {  	v7 =	vld [tilespmem:s28+$0x4020];
	vm0 =	vgt.s32 v19, v2;
	v3 =	vadd.f32 v4, v3  }
0x7e: {  	v4 =	vnsel vm0, $0x0, v14  }
0x7f: {  	v3 =	vadd.f32 v4, v3;
	v4 =	vimm.f32 $0.0e+00;
	v8 =	vshrl.u32 v5, $0xF  }
0x80: {  	v9 =	vand.u32 $0x7FFF, v5;
	vm0 =	veq.s32 v8, v2;
	vm1 =	vgt.s32 v8, v2;
	v8 =	vld [tilespmem:s28+$0x4030]  }
0x81: {  	v10 =	vshrl.u32 v6, $0xF;
	v11 =	vand.u32 $0x7FFF, v6;
	v5 =	vnsel vm1, $0x0, v5  }
0x82: {  	v12 =	vand.u32 $0x7FFF, v7;
	vm2 =	vgt.s32 v10, v2;
	v4 =	vadd.f32 v5, v4;
	v5 =	vld [tilespmem:s28+$0x4040]  }
0x83: {  	vm1 =	veq.s32 v10, v2;
	v6 =	vnsel vm2, $0x0, v6;
	v10 =	vshrl.u32 v7, $0xF  }
0x84: {  	vm2 =	veq.s32 v10, v2;
	vm3 =	vgt.s32 v10, v2;
	v4 =	vadd.f32 v6, v4;
	v6 =	vld [tilespmem:s28+$0x4050]  }
0x85: {  	v7 =	vnsel vm3, $0x0, v7;
	v10 =	vshrl.u32 v8, $0xF;
	v13 =	vand.u32 $0x7FFF, v8  }
0x86: {  	v4 =	vadd.f32 v7, v4;
	vm3 =	veq.s32 v10, v2;
	vm11 =	vgt.s32 v10, v2;
	v7 =	vld [tilespmem:s28+$0x4060]  }
0x87: {  	[tilespmem:v9+s19+$0x0] =	vst.idx.add.s32.msk vm0, v1;
	v8 =	vnsel vm11, $0x0, v8;
	v9 =	vshrl.u32 v5, $0xF;
	v10 =	vand.u32 $0x7FFF, v5  }
0x88: {  	v4 =	vadd.f32 v8, v4;
	vm0 =	veq.s32 v9, v2;
	vm12 =	vgt.s32 v9, v2;
	v8 =	vld [tilespmem:s28+$0x4070]  }
0x89: {  	[tilespmem:v11+s19+$0x0] =	vst.idx.add.s32.msk vm1, v1;
	v5 =	vnsel vm12, $0x0, v5;
	v9 =	vshrl.u32 v6, $0xF;
	v11 =	vand.u32 $0x7FFF, v6  }
0x8a: {  	v4 =	vadd.f32 v5, v4;
	vm13 =	veq.s32 v9, v2;
	vm1 =	vgt.s32 v9, v2;
	v5 =	vld [tilespmem:s28+$0x4400]  }
0x8b: {  	[tilespmem:v12+s19+$0x0] =	vst.idx.add.s32.msk vm2, v1;
	v6 =	vnsel vm1, $0x0, v6;
	v9 =	vshrl.u32 v7, $0xF;
	v12 =	vand.u32 $0x7FFF, v7  }
0x8c: {  	v4 =	vadd.f32 v6, v4;
	vm2 =	veq.s32 v9, v2;
	vm1 =	vgt.s32 v9, v2;
	v9 =	vld [tilespmem:s28+$0x4410]  }
0x8d: {  	[tilespmem:v13+s19+$0x0] =	vst.idx.add.s32.msk vm3, v1;
	v6 =	vnsel vm1, $0x0, v7;
	v7 =	vshrl.u32 v8, $0xF;
	v13 =	vand.u32 $0x7FFF, v8  }
0x8e: {  	v14 =	vld [tilespmem:s28+$0x4420];
	v4 =	vadd.f32 v6, v4;
	vm3 =	veq.s32 v7, v2;
	vm1 =	vgt.s32 v7, v2  }
0x8f: {  	[tilespmem:v10+s19+$0x0] =	vst.idx.add.s32.msk vm0, v1;
	v6 =	vnsel vm1, $0x0, v8;
	v7 =	vshrl.u32 v5, $0xF;
	v8 =	vand.u32 $0x7FFF, v5  }
0x90: {  	v4 =	vadd.f32 v6, v4;
	vm1 =	veq.s32 v7, v2;
	vm0 =	vgt.s32 v7, v2;
	v6 =	vld [tilespmem:s28+$0x4430]  }
0x91: {  	[tilespmem:v11+s19+$0x0] =	vst.idx.add.s32.msk vm13, v1;
	v5 =	vnsel vm0, $0x0, v5;
	v10 =	vshrl.u32 v9, $0xF;
	v7 =	vand.u32 $0x7FFF, v9  }
0x92: {  	v5 =	vadd.f32 v5, v4;
	vm0 =	veq.s32 v10, v2;
	vm14 =	vgt.s32 v10, v2;
	v4 =	vld [tilespmem:s28+$0x4440]  }
0x93: {  	[tilespmem:v12+s19+$0x0] =	vst.idx.add.s32.msk vm2, v1;
	v12 =	vshrl.u32 v14, $0xF;
	v10 =	vnsel vm14, $0x0, v9;
	v9 =	vand.u32 $0x7FFF, v14  }
0x94: {  	vm2 =	veq.s32 v12, v2;
	vm15 =	vgt.s32 v12, v2;
	v11 =	vadd.f32 v10, v5;
	v5 =	vld [tilespmem:s28+$0x4450]  }
0x95: {  	s29 =	simm.s32 $0x0;
	[tilespmem:v13+s19+$0x0] =	vst.idx.add.s32.msk vm3, v1;
	v13 =	vnsel vm15, $0x0, v14;
	v12 =	vshrl.u32 v6, $0xF;
	v10 =	vand.u32 $0x7FFF, v6  }
.LBB2_6:
0x96: {  	s26 =	sadd.s32 $0x100, s26;
	v11 =	vadd.f32 v13, v11;
	vm3 =	veq.s32 v12, v2;
	vm4 =	vgt.s32 v12, v2;
	v12 =	vld [tilespmem:s28+$0x4460];
	s25 =	sadd.s32 $0x800, s25  }
0x97: {  	s29 =	sadd.s32 $0x40, s29;
	s1 =	sand.u32 $0x3000, s26;
	s30 =	sand.u32 $0x800, s25;
	[tilespmem:v8+s19+$0x0] =	vst.idx.add.s32.msk vm1, v1;
	v6 =	vnsel vm4, $0x0, v6;
	v8 =	vshrl.u32 v4, $0xF;
	v13 =	vand.u32 $0x7FFF, v4  }
0x98: {  	s31 =	sand.u32 $0x380, s29;
	p0 =	slt.u32 s26, $0x3F00;
	s1 =	sor.u32 s30, s1;
	v6 =	vadd.f32 v6, v11;
	vm1 =	veq.s32 v8, v2;
	vm4 =	vgt.s32 v8, v2;
	v8 =	vld [tilespmem:s28+$0x4470]  }
0x99: {  	s28 =	sor.u32 s31, s1;
	[tilespmem:v7+s19+$0x0] =	vst.idx.add.s32.msk vm0, v1;
	v4 =	vnsel vm4, $0x0, v4;
	v7 =	vshrl.u32 v5, $0xF;
	v11 =	vand.u32 $0x7FFF, v5  }
0x9a: {  	v14 =	vld [tilespmem:s28+$0x4000];
	v4 =	vadd.f32 v4, v6;
	vm0 =	veq.s32 v7, v2;
	vm4 =	vgt.s32 v7, v2  }
0x9b: {  	[tilespmem:v9+s19+$0x0] =	vst.idx.add.s32.msk vm2, v1;
	v5 =	vnsel vm4, $0x0, v5;
	v6 =	vshrl.u32 v12, $0xF;
	v7 =	vand.u32 $0x7FFF, v12  }
0x9c: {  	v9 =	vld [tilespmem:s28+$0x4010];
	v4 =	vadd.f32 v5, v4;
	vm2 =	veq.s32 v6, v2;
	vm4 =	vgt.s32 v6, v2  }
0x9d: {  	[tilespmem:v10+s19+$0x0] =	vst.idx.add.s32.msk vm3, v1;
	v5 =	vnsel vm4, $0x0, v12;
	v6 =	vshrl.u32 v8, $0xF;
	v10 =	vand.u32 $0x7FFF, v8  }
0x9e: {  	v12 =	vld [tilespmem:s28+$0x4020];
	v4 =	vadd.f32 v5, v4;
	vm3 =	veq.s32 v6, v2;
	vm4 =	vgt.s32 v6, v2  }
0x9f: {  	v5 =	vshrl.u32 v14, $0xF;
	v6 =	vand.u32 $0x7FFF, v14;
	[tilespmem:v13+s19+$0x0] =	vst.idx.add.s32.msk vm1, v1;
	v8 =	vnsel vm4, $0x0, v8  }
0xa0: {  	vm1 =	veq.s32 v5, v2;
	vm4 =	vgt.s32 v5, v2;
	v5 =	vld [tilespmem:s28+$0x4030];
	v4 =	vadd.f32 v8, v4  }
0xa1: {  	v8 =	vnsel vm4, $0x0, v14;
	v13 =	vshrl.u32 v9, $0xF;
	v14 =	vand.u32 $0x7FFF, v9;
	[tilespmem:v11+s19+$0x0] =	vst.idx.add.s32.msk vm0, v1  }
0xa2: {  	v4 =	vadd.f32 v8, v4;
	vm0 =	veq.s32 v13, v2;
	vm4 =	vgt.s32 v13, v2;
	v8 =	vld [tilespmem:s28+$0x4040]  }
0xa3: {  	v9 =	vnsel vm4, $0x0, v9;
	v11 =	vshrl.u32 v12, $0xF;
	v13 =	vand.u32 $0x7FFF, v12;
	[tilespmem:v7+s19+$0x0] =	vst.idx.add.s32.msk vm2, v1  }
0xa4: {  	v4 =	vadd.f32 v9, v4;
	vm2 =	veq.s32 v11, v2;
	vm4 =	vgt.s32 v11, v2;
	v7 =	vld [tilespmem:s28+$0x4050]  }
0xa5: {  	v9 =	vnsel vm4, $0x0, v12;
	v11 =	vshrl.u32 v5, $0xF;
	v12 =	vand.u32 $0x7FFF, v5;
	[tilespmem:v10+s19+$0x0] =	vst.idx.add.s32.msk vm3, v1  }
0xa6: {  	v4 =	vadd.f32 v9, v4;
	vm3 =	veq.s32 v11, v2;
	vm4 =	vgt.s32 v11, v2;
	v9 =	vld [tilespmem:s28+$0x4060]  }
0xa7: {  	[tilespmem:v6+s19+$0x0] =	vst.idx.add.s32.msk vm1, v1;
	v5 =	vnsel vm4, $0x0, v5;
	v6 =	vshrl.u32 v8, $0xF;
	v10 =	vand.u32 $0x7FFF, v8  }
0xa8: {  	v4 =	vadd.f32 v5, v4;
	vm1 =	veq.s32 v6, v2;
	vm4 =	vgt.s32 v6, v2;
	v5 =	vld [tilespmem:s28+$0x4070]  }
0xa9: {  	[tilespmem:v14+s19+$0x0] =	vst.idx.add.s32.msk vm0, v1;
	v6 =	vnsel vm4, $0x0, v8;
	v8 =	vshrl.u32 v7, $0xF;
	v11 =	vand.u32 $0x7FFF, v7  }
0xaa: {  	v4 =	vadd.f32 v6, v4;
	vm0 =	veq.s32 v8, v2;
	vm4 =	vgt.s32 v8, v2;
	v14 =	vld [tilespmem:s28+$0x4400]  }
0xab: {  	[tilespmem:v13+s19+$0x0] =	vst.idx.add.s32.msk vm2, v1;
	v6 =	vnsel vm4, $0x0, v7;
	v7 =	vshrl.u32 v9, $0xF;
	v13 =	vand.u32 $0x7FFF, v9  }
0xac: {  	v4 =	vadd.f32 v6, v4;
	vm2 =	veq.s32 v7, v2;
	vm4 =	vgt.s32 v7, v2;
	v15 =	vld [tilespmem:s28+$0x4410]  }
0xad: {  	[tilespmem:v12+s19+$0x0] =	vst.idx.add.s32.msk vm3, v1;
	v6 =	vnsel vm4, $0x0, v9;
	v7 =	vshrl.u32 v5, $0xF;
	v12 =	vand.u32 $0x7FFF, v5  }
0xae: {  	v4 =	vadd.f32 v6, v4;
	vm3 =	veq.s32 v7, v2;
	vm4 =	vgt.s32 v7, v2;
	v16 =	vld [tilespmem:s28+$0x4420]  }
0xaf: {  	[tilespmem:v10+s19+$0x0] =	vst.idx.add.s32.msk vm1, v1;
	v5 =	vnsel vm4, $0x0, v5;
	v6 =	vshrl.u32 v14, $0xF;
	v8 =	vand.u32 $0x7FFF, v14  }
0xb0: {  	v4 =	vadd.f32 v5, v4;
	vm1 =	veq.s32 v6, v2;
	vm4 =	vgt.s32 v6, v2;
	v6 =	vld [tilespmem:s28+$0x4430]  }
.Ltmp2:
0xb1: {  	[tilespmem:v11+s19+$0x0] =	vst.idx.add.s32.msk vm0, v1;
	v5 =	vnsel vm4, $0x0, v14;
	v9 =	vshrl.u32 v15, $0xF;
	v7 =	vand.u32 $0x7FFF, v15;
	(pc) =	sbr.rel @p0 .LBB2_6-.Ltmp2, $4  }
0xb2: {  	v5 =	vadd.f32 v5, v4;
	vm0 =	veq.s32 v9, v2;
	vm4 =	vgt.s32 v9, v2;
	v4 =	vld [tilespmem:s28+$0x4440]  }
0xb3: {  	[tilespmem:v13+s19+$0x0] =	vst.idx.add.s32.msk vm2, v1;
	v10 =	vnsel vm4, $0x0, v15;
	v13 =	vshrl.u32 v16, $0xF;
	v9 =	vand.u32 $0x7FFF, v16  }
0xb4: {  	v11 =	vadd.f32 v10, v5;
	vm2 =	veq.s32 v13, v2;
	vm4 =	vgt.s32 v13, v2;
	v5 =	vld [tilespmem:s28+$0x4450]  }
0xb5: {  	[tilespmem:v12+s19+$0x0] =	vst.idx.add.s32.msk vm3, v1;
	v13 =	vnsel vm4, $0x0, v16;
	v12 =	vshrl.u32 v6, $0xF;
	v10 =	vand.u32 $0x7FFF, v6  }
0xb6: {  	v14 =	vld [tilespmem:s28+$0x4460]  }
0xb7: {  	v15 =	vld [tilespmem:s28+$0x4470];
	_ =	sdelay $0x1  }
0xb8: {  	vm3 =	veq.s32 v12, v2;
	v16 =	vshrl.u32 v4, $0xF  }
0xb9: {  	vm4 =	veq.s32 v16, v2;
	v17 =	vshrl.u32 v5, $0xF  }
0xba: {  	v18 =	vand.u32 $0x7FFF, v4;
	vm5 =	veq.s32 v17, v2;
	v19 =	vshrl.u32 v14, $0xF  }
0xbb: {  	[tilespmem:v8+s19+$0x0] =	vst.idx.add.s32.msk vm1, v1;
	v8 =	vand.u32 $0x7FFF, v5;
	v20 =	vshrl.u32 v15, $0xF;
	vm1 =	veq.s32 v19, v2  }
0xbc: {  	[tilespmem:v7+s19+$0x0] =	vst.idx.add.s32.msk vm0, v1;
	v7 =	vand.u32 $0x7FFF, v14;
	vm0 =	veq.s32 v20, v2  }
0xbd: {  	[tilespmem:v9+s19+$0x0] =	vst.idx.add.s32.msk vm2, v1;
	v9 =	vand.u32 $0x7FFF, v15  }
0xbe: {  	[tilespmem:v10+s19+$0x0] =	vst.idx.add.s32.msk vm3, v1  }
0xbf: {  	[tilespmem:v18+s19+$0x0] =	vst.idx.add.s32.msk vm4, v1  }
0xc0: {  	[tilespmem:v8+s19+$0x0] =	vst.idx.add.s32.msk vm5, v1  }
0xc1: {  	[tilespmem:v7+s19+$0x0] =	vst.idx.add.s32.msk vm1, v1  }
0xc2: {  	s25 =	simm.s32 $0x0;
	s26 =	simm.s32 $0x0;
	[tilespmem:v9+s19+$0x0] =	vst.idx.add.s32.msk vm0, v1;
	v7 =	vadd.f32 v13, v11;
	vm0 =	vgt.s32 v12, v2  }
0xc3: {  	[tilespmem:s18], [sflag:$0x2] =	stream.linear.gather [hbm4b:s8+s25], $0x4000, $0x38;
	v6 =	vnsel vm0, $0x0, v6;
	[tilespmem:$0x10100] =	vst v63  }
0xc4: {  	s1 =	sand.u32 $0x3000, s26;
	s28 =	sand.u32 $0x800, s25;
	vm0 =	vgt.s32 v16, v2;
	v6 =	vadd.f32 v6, v7;
	_ =	swait.ge [sflag:s4], $0x4000  }
0xc5: {  	s29 =	sand.u32 $0x380, s25;
	s1 =	sor.u32 s28, s1;
	v4 =	vnsel vm0, $0x0, v4;
	[sflag:s4] =	ssyncset.done $0x0  }
0xc6: {  	s28 =	sor.u32 s29, s1;
	vm0 =	vgt.s32 v17, v2;
	v4 =	vadd.f32 v4, v6;
	[sflag:s4] =	ssyncadd.s32 $0xFFFFC000  }
0xc7: {  	v5 =	vnsel vm0, $0x0, v5;
	v6 =	vld [tilespmem:s28+$0x0]  }
0xc8: {  	vm0 =	vgt.s32 v19, v2;
	v4 =	vadd.f32 v5, v4  }
0xc9: {  	v7 =	vld [tilespmem:s28+$0x10];
	v5 =	vnsel vm0, $0x0, v14  }
0xca: {  	v8 =	vld [tilespmem:s28+$0x20];
	vm0 =	vgt.s32 v20, v2;
	v4 =	vadd.f32 v5, v4  }
0xcb: {  	v5 =	vnsel vm0, $0x0, v15  }
0xcc: {  	v4 =	vadd.f32 v5, v4;
	v5 =	vimm.f32 $0.0e+00;
	v9 =	vshrl.u32 v6, $0xF  }
0xcd: {  	v10 =	vand.u32 $0x7FFF, v6;
	vm0 =	veq.s32 v9, v2;
	vm1 =	vgt.s32 v9, v2;
	v9 =	vld [tilespmem:s28+$0x30]  }
0xce: {  	v11 =	vshrl.u32 v7, $0xF;
	v12 =	vand.u32 $0x7FFF, v7;
	v6 =	vnsel vm1, $0x0, v6  }
0xcf: {  	v13 =	vand.u32 $0x7FFF, v8;
	vm2 =	vgt.s32 v11, v2;
	v5 =	vadd.f32 v6, v5;
	v6 =	vld [tilespmem:s28+$0x40]  }
0xd0: {  	vm1 =	veq.s32 v11, v2;
	v7 =	vnsel vm2, $0x0, v7;
	v11 =	vshrl.u32 v8, $0xF  }
0xd1: {  	vm2 =	veq.s32 v11, v2;
	vm3 =	vgt.s32 v11, v2;
	v5 =	vadd.f32 v7, v5;
	v7 =	vld [tilespmem:s28+$0x50]  }
0xd2: {  	v8 =	vnsel vm3, $0x0, v8;
	v11 =	vshrl.u32 v9, $0xF;
	v14 =	vand.u32 $0x7FFF, v9  }
0xd3: {  	v5 =	vadd.f32 v8, v5;
	vm3 =	veq.s32 v11, v2;
	vm11 =	vgt.s32 v11, v2;
	v8 =	vld [tilespmem:s28+$0x60]  }
0xd4: {  	[tilespmem:v10+s19+$0x0] =	vst.idx.add.s32.msk vm0, v1;
	v9 =	vnsel vm11, $0x0, v9;
	v10 =	vshrl.u32 v6, $0xF;
	v11 =	vand.u32 $0x7FFF, v6  }
0xd5: {  	v5 =	vadd.f32 v9, v5;
	vm0 =	veq.s32 v10, v2;
	vm12 =	vgt.s32 v10, v2;
	v9 =	vld [tilespmem:s28+$0x70]  }
0xd6: {  	[tilespmem:v12+s19+$0x0] =	vst.idx.add.s32.msk vm1, v1;
	v6 =	vnsel vm12, $0x0, v6;
	v10 =	vshrl.u32 v7, $0xF;
	v12 =	vand.u32 $0x7FFF, v7  }
0xd7: {  	v5 =	vadd.f32 v6, v5;
	vm13 =	veq.s32 v10, v2;
	vm1 =	vgt.s32 v10, v2;
	v6 =	vld [tilespmem:s28+$0x400]  }
0xd8: {  	[tilespmem:v13+s19+$0x0] =	vst.idx.add.s32.msk vm2, v1;
	v7 =	vnsel vm1, $0x0, v7;
	v10 =	vshrl.u32 v8, $0xF;
	v13 =	vand.u32 $0x7FFF, v8  }
0xd9: {  	v5 =	vadd.f32 v7, v5;
	vm2 =	veq.s32 v10, v2;
	vm1 =	vgt.s32 v10, v2;
	v10 =	vld [tilespmem:s28+$0x410]  }
0xda: {  	[tilespmem:v14+s19+$0x0] =	vst.idx.add.s32.msk vm3, v1;
	v7 =	vnsel vm1, $0x0, v8;
	v8 =	vshrl.u32 v9, $0xF;
	v14 =	vand.u32 $0x7FFF, v9  }
0xdb: {  	v15 =	vld [tilespmem:s28+$0x420];
	v5 =	vadd.f32 v7, v5;
	vm3 =	veq.s32 v8, v2;
	vm1 =	vgt.s32 v8, v2  }
0xdc: {  	[tilespmem:v11+s19+$0x0] =	vst.idx.add.s32.msk vm0, v1;
	v7 =	vnsel vm1, $0x0, v9;
	v8 =	vshrl.u32 v6, $0xF;
	v9 =	vand.u32 $0x7FFF, v6  }
0xdd: {  	v5 =	vadd.f32 v7, v5;
	vm1 =	veq.s32 v8, v2;
	vm0 =	vgt.s32 v8, v2;
	v7 =	vld [tilespmem:s28+$0x430]  }
0xde: {  	[tilespmem:v12+s19+$0x0] =	vst.idx.add.s32.msk vm13, v1;
	v6 =	vnsel vm0, $0x0, v6;
	v11 =	vshrl.u32 v10, $0xF;
	v8 =	vand.u32 $0x7FFF, v10  }
0xdf: {  	v6 =	vadd.f32 v6, v5;
	vm0 =	veq.s32 v11, v2;
	vm14 =	vgt.s32 v11, v2;
	v5 =	vld [tilespmem:s28+$0x440]  }
0xe0: {  	[tilespmem:v13+s19+$0x0] =	vst.idx.add.s32.msk vm2, v1;
	v13 =	vshrl.u32 v15, $0xF;
	v11 =	vnsel vm14, $0x0, v10;
	v10 =	vand.u32 $0x7FFF, v15  }
0xe1: {  	vm2 =	veq.s32 v13, v2;
	vm15 =	vgt.s32 v13, v2;
	v12 =	vadd.f32 v11, v6;
	v6 =	vld [tilespmem:s28+$0x450]  }
0xe2: {  	s29 =	simm.s32 $0x0;
	[tilespmem:v14+s19+$0x0] =	vst.idx.add.s32.msk vm3, v1;
	v14 =	vnsel vm15, $0x0, v15;
	v13 =	vshrl.u32 v7, $0xF;
	v11 =	vand.u32 $0x7FFF, v7  }
.LBB2_8:
0xe3: {  	s26 =	sadd.s32 $0x100, s26;
	v12 =	vadd.f32 v14, v12;
	vm3 =	veq.s32 v13, v2;
	vm4 =	vgt.s32 v13, v2;
	v13 =	vld [tilespmem:s28+$0x460];
	s25 =	sadd.s32 $0x800, s25  }
0xe4: {  	s29 =	sadd.s32 $0x40, s29;
	s1 =	sand.u32 $0x3000, s26;
	s30 =	sand.u32 $0x800, s25;
	[tilespmem:v9+s19+$0x0] =	vst.idx.add.s32.msk vm1, v1;
	v7 =	vnsel vm4, $0x0, v7;
	v9 =	vshrl.u32 v5, $0xF;
	v14 =	vand.u32 $0x7FFF, v5  }
0xe5: {  	s31 =	sand.u32 $0x380, s29;
	p0 =	slt.u32 s26, $0x3F00;
	s1 =	sor.u32 s30, s1;
	v7 =	vadd.f32 v7, v12;
	vm1 =	veq.s32 v9, v2;
	vm4 =	vgt.s32 v9, v2;
	v9 =	vld [tilespmem:s28+$0x470]  }
0xe6: {  	s28 =	sor.u32 s31, s1;
	[tilespmem:v8+s19+$0x0] =	vst.idx.add.s32.msk vm0, v1;
	v5 =	vnsel vm4, $0x0, v5;
	v8 =	vshrl.u32 v6, $0xF;
	v12 =	vand.u32 $0x7FFF, v6  }
0xe7: {  	v15 =	vld [tilespmem:s28+$0x0];
	v5 =	vadd.f32 v5, v7;
	vm0 =	veq.s32 v8, v2;
	vm4 =	vgt.s32 v8, v2  }
0xe8: {  	[tilespmem:v10+s19+$0x0] =	vst.idx.add.s32.msk vm2, v1;
	v6 =	vnsel vm4, $0x0, v6;
	v7 =	vshrl.u32 v13, $0xF;
	v8 =	vand.u32 $0x7FFF, v13  }
0xe9: {  	v10 =	vld [tilespmem:s28+$0x10];
	v5 =	vadd.f32 v6, v5;
	vm2 =	veq.s32 v7, v2;
	vm4 =	vgt.s32 v7, v2  }
0xea: {  	[tilespmem:v11+s19+$0x0] =	vst.idx.add.s32.msk vm3, v1;
	v6 =	vnsel vm4, $0x0, v13;
	v7 =	vshrl.u32 v9, $0xF;
	v11 =	vand.u32 $0x7FFF, v9  }
0xeb: {  	v13 =	vld [tilespmem:s28+$0x20];
	v5 =	vadd.f32 v6, v5;
	vm3 =	veq.s32 v7, v2;
	vm4 =	vgt.s32 v7, v2  }
0xec: {  	v6 =	vshrl.u32 v15, $0xF;
	v7 =	vand.u32 $0x7FFF, v15;
	[tilespmem:v14+s19+$0x0] =	vst.idx.add.s32.msk vm1, v1;
	v9 =	vnsel vm4, $0x0, v9  }
0xed: {  	vm1 =	veq.s32 v6, v2;
	vm4 =	vgt.s32 v6, v2;
	v6 =	vld [tilespmem:s28+$0x30];
	v5 =	vadd.f32 v9, v5  }
0xee: {  	v9 =	vnsel vm4, $0x0, v15;
	v14 =	vshrl.u32 v10, $0xF;
	v15 =	vand.u32 $0x7FFF, v10;
	[tilespmem:v12+s19+$0x0] =	vst.idx.add.s32.msk vm0, v1  }
0xef: {  	v5 =	vadd.f32 v9, v5;
	vm0 =	veq.s32 v14, v2;
	vm4 =	vgt.s32 v14, v2;
	v9 =	vld [tilespmem:s28+$0x40]  }
0xf0: {  	v10 =	vnsel vm4, $0x0, v10;
	v12 =	vshrl.u32 v13, $0xF;
	v14 =	vand.u32 $0x7FFF, v13;
	[tilespmem:v8+s19+$0x0] =	vst.idx.add.s32.msk vm2, v1  }
0xf1: {  	v5 =	vadd.f32 v10, v5;
	vm2 =	veq.s32 v12, v2;
	vm4 =	vgt.s32 v12, v2;
	v8 =	vld [tilespmem:s28+$0x50]  }
0xf2: {  	v10 =	vnsel vm4, $0x0, v13;
	v12 =	vshrl.u32 v6, $0xF;
	v13 =	vand.u32 $0x7FFF, v6;
	[tilespmem:v11+s19+$0x0] =	vst.idx.add.s32.msk vm3, v1  }
0xf3: {  	v5 =	vadd.f32 v10, v5;
	vm3 =	veq.s32 v12, v2;
	vm4 =	vgt.s32 v12, v2;
	v10 =	vld [tilespmem:s28+$0x60]  }
0xf4: {  	[tilespmem:v7+s19+$0x0] =	vst.idx.add.s32.msk vm1, v1;
	v6 =	vnsel vm4, $0x0, v6;
	v7 =	vshrl.u32 v9, $0xF;
	v11 =	vand.u32 $0x7FFF, v9  }
0xf5: {  	v5 =	vadd.f32 v6, v5;
	vm1 =	veq.s32 v7, v2;
	vm4 =	vgt.s32 v7, v2;
	v6 =	vld [tilespmem:s28+$0x70]  }
0xf6: {  	[tilespmem:v15+s19+$0x0] =	vst.idx.add.s32.msk vm0, v1;
	v7 =	vnsel vm4, $0x0, v9;
	v9 =	vshrl.u32 v8, $0xF;
	v12 =	vand.u32 $0x7FFF, v8  }
0xf7: {  	v5 =	vadd.f32 v7, v5;
	vm0 =	veq.s32 v9, v2;
	vm4 =	vgt.s32 v9, v2;
	v15 =	vld [tilespmem:s28+$0x400]  }
0xf8: {  	[tilespmem:v14+s19+$0x0] =	vst.idx.add.s32.msk vm2, v1;
	v7 =	vnsel vm4, $0x0, v8;
	v8 =	vshrl.u32 v10, $0xF;
	v14 =	vand.u32 $0x7FFF, v10  }
0xf9: {  	v5 =	vadd.f32 v7, v5;
	vm2 =	veq.s32 v8, v2;
	vm4 =	vgt.s32 v8, v2;
	v16 =	vld [tilespmem:s28+$0x410]  }
0xfa: {  	[tilespmem:v13+s19+$0x0] =	vst.idx.add.s32.msk vm3, v1;
	v7 =	vnsel vm4, $0x0, v10;
	v8 =	vshrl.u32 v6, $0xF;
	v13 =	vand.u32 $0x7FFF, v6  }
0xfb: {  	v5 =	vadd.f32 v7, v5;
	vm3 =	veq.s32 v8, v2;
	vm4 =	vgt.s32 v8, v2;
	v17 =	vld [tilespmem:s28+$0x420]  }
0xfc: {  	[tilespmem:v11+s19+$0x0] =	vst.idx.add.s32.msk vm1, v1;
	v6 =	vnsel vm4, $0x0, v6;
	v7 =	vshrl.u32 v15, $0xF;
	v9 =	vand.u32 $0x7FFF, v15  }
0xfd: {  	v5 =	vadd.f32 v6, v5;
	vm1 =	veq.s32 v7, v2;
	vm4 =	vgt.s32 v7, v2;
	v7 =	vld [tilespmem:s28+$0x430]  }
.Ltmp3:
0xfe: {  	[tilespmem:v12+s19+$0x0] =	vst.idx.add.s32.msk vm0, v1;
	v6 =	vnsel vm4, $0x0, v15;
	v10 =	vshrl.u32 v16, $0xF;
	v8 =	vand.u32 $0x7FFF, v16;
	(pc) =	sbr.rel @p0 .LBB2_8-.Ltmp3, $4  }
0xff: {  	v6 =	vadd.f32 v6, v5;
	vm0 =	veq.s32 v10, v2;
	vm4 =	vgt.s32 v10, v2;
	v5 =	vld [tilespmem:s28+$0x440]  }
0x100: {  	[tilespmem:v14+s19+$0x0] =	vst.idx.add.s32.msk vm2, v1;
	v11 =	vnsel vm4, $0x0, v16;
	v14 =	vshrl.u32 v17, $0xF;
	v10 =	vand.u32 $0x7FFF, v17  }
0x101: {  	v12 =	vadd.f32 v11, v6;
	vm2 =	veq.s32 v14, v2;
	vm4 =	vgt.s32 v14, v2;
	v6 =	vld [tilespmem:s28+$0x450]  }
0x102: {  	[tilespmem:v13+s19+$0x0] =	vst.idx.add.s32.msk vm3, v1;
	v14 =	vnsel vm4, $0x0, v17;
	v13 =	vshrl.u32 v7, $0xF;
	v11 =	vand.u32 $0x7FFF, v7  }
0x103: {  	v15 =	vld [tilespmem:s28+$0x460]  }
0x104: {  	v16 =	vld [tilespmem:s28+$0x470];
	_ =	sdelay $0x1  }
0x105: {  	vm3 =	veq.s32 v13, v2;
	v17 =	vshrl.u32 v5, $0xF  }
0x106: {  	vm4 =	veq.s32 v17, v2;
	v18 =	vshrl.u32 v6, $0xF  }
0x107: {  	v19 =	vand.u32 $0x7FFF, v5;
	vm5 =	veq.s32 v18, v2;
	v20 =	vshrl.u32 v15, $0xF  }
0x108: {  	[tilespmem:v9+s19+$0x0] =	vst.idx.add.s32.msk vm1, v1;
	v9 =	vand.u32 $0x7FFF, v6;
	v21 =	vshrl.u32 v16, $0xF;
	vm1 =	veq.s32 v20, v2  }
0x109: {  	[tilespmem:v8+s19+$0x0] =	vst.idx.add.s32.msk vm0, v1;
	v8 =	vand.u32 $0x7FFF, v15;
	vm0 =	veq.s32 v21, v2  }
0x10a: {  	[tilespmem:v10+s19+$0x0] =	vst.idx.add.s32.msk vm2, v1;
	v10 =	vand.u32 $0x7FFF, v16  }
0x10b: {  	[tilespmem:v11+s19+$0x0] =	vst.idx.add.s32.msk vm3, v1  }
0x10c: {  	[tilespmem:v19+s19+$0x0] =	vst.idx.add.s32.msk vm4, v1  }
0x10d: {  	[tilespmem:v9+s19+$0x0] =	vst.idx.add.s32.msk vm5, v1  }
0x10e: {  	[tilespmem:v8+s19+$0x0] =	vst.idx.add.s32.msk vm1, v1  }
0x10f: {  	s25 =	simm.s32 $0x0;
	s26 =	simm.s32 $0x0;
	[tilespmem:v10+s19+$0x0] =	vst.idx.add.s32.msk vm0, v1;
	v8 =	vadd.f32 v14, v12;
	vm0 =	vgt.s32 v13, v2  }
0x110: {  	[tilespmem:s25], [sflag:$0x1] =	stream.linear.gather [hbm4b:s9+s25], $0x4000, $0x38;
	v7 =	vnsel vm0, $0x0, v7;
	[tilespmem:$0x10100] =	vst v63  }
0x111: {  	s1 =	sand.u32 $0x3000, s26;
	s28 =	sand.u32 $0x800, s25;
	vm0 =	vgt.s32 v17, v2;
	v7 =	vadd.f32 v7, v8;
	_ =	swait.ge [sflag:s20], $0x4000  }
0x112: {  	s29 =	sand.u32 $0x380, s25;
	s1 =	sor.u32 s28, s1;
	v5 =	vnsel vm0, $0x0, v5;
	[sflag:s20] =	ssyncset.done $0x0  }
0x113: {  	s28 =	sor.u32 s29, s1;
	vm0 =	vgt.s32 v18, v2;
	v5 =	vadd.f32 v5, v7;
	[sflag:s20] =	ssyncadd.s32 $0xFFFFC000  }
0x114: {  	v6 =	vnsel vm0, $0x0, v6;
	v7 =	vld [tilespmem:s28+$0x4000]  }
0x115: {  	vm0 =	vgt.s32 v20, v2;
	v5 =	vadd.f32 v6, v5  }
0x116: {  	v8 =	vld [tilespmem:s28+$0x4010];
	v6 =	vnsel vm0, $0x0, v15  }
0x117: {  	v9 =	vld [tilespmem:s28+$0x4020];
	vm0 =	vgt.s32 v21, v2;
	v5 =	vadd.f32 v6, v5  }
0x118: {  	v6 =	vnsel vm0, $0x0, v16  }
0x119: {  	v5 =	vadd.f32 v6, v5;
	v6 =	vimm.f32 $0.0e+00;
	v10 =	vshrl.u32 v7, $0xF  }
0x11a: {  	v11 =	vand.u32 $0x7FFF, v7;
	vm0 =	veq.s32 v10, v2;
	vm1 =	vgt.s32 v10, v2;
	v10 =	vld [tilespmem:s28+$0x4030]  }
0x11b: {  	v12 =	vshrl.u32 v8, $0xF;
	v13 =	vand.u32 $0x7FFF, v8;
	v7 =	vnsel vm1, $0x0, v7  }
0x11c: {  	v14 =	vand.u32 $0x7FFF, v9;
	vm2 =	vgt.s32 v12, v2;
	v6 =	vadd.f32 v7, v6;
	v7 =	vld [tilespmem:s28+$0x4040]  }
0x11d: {  	vm1 =	veq.s32 v12, v2;
	v8 =	vnsel vm2, $0x0, v8;
	v12 =	vshrl.u32 v9, $0xF  }
0x11e: {  	vm2 =	veq.s32 v12, v2;
	vm3 =	vgt.s32 v12, v2;
	v6 =	vadd.f32 v8, v6;
	v8 =	vld [tilespmem:s28+$0x4050]  }
0x11f: {  	v9 =	vnsel vm3, $0x0, v9;
	v12 =	vshrl.u32 v10, $0xF;
	v15 =	vand.u32 $0x7FFF, v10  }
0x120: {  	v6 =	vadd.f32 v9, v6;
	vm3 =	veq.s32 v12, v2;
	vm11 =	vgt.s32 v12, v2;
	v9 =	vld [tilespmem:s28+$0x4060]  }
0x121: {  	[tilespmem:v11+s19+$0x0] =	vst.idx.add.s32.msk vm0, v1;
	v10 =	vnsel vm11, $0x0, v10;
	v11 =	vshrl.u32 v7, $0xF;
	v12 =	vand.u32 $0x7FFF, v7  }
0x122: {  	v6 =	vadd.f32 v10, v6;
	vm0 =	veq.s32 v11, v2;
	vm12 =	vgt.s32 v11, v2;
	v10 =	vld [tilespmem:s28+$0x4070]  }
0x123: {  	[tilespmem:v13+s19+$0x0] =	vst.idx.add.s32.msk vm1, v1;
	v7 =	vnsel vm12, $0x0, v7;
	v11 =	vshrl.u32 v8, $0xF;
	v13 =	vand.u32 $0x7FFF, v8  }
0x124: {  	v6 =	vadd.f32 v7, v6;
	vm13 =	veq.s32 v11, v2;
	vm1 =	vgt.s32 v11, v2;
	v7 =	vld [tilespmem:s28+$0x4400]  }
0x125: {  	[tilespmem:v14+s19+$0x0] =	vst.idx.add.s32.msk vm2, v1;
	v8 =	vnsel vm1, $0x0, v8;
	v11 =	vshrl.u32 v9, $0xF;
	v14 =	vand.u32 $0x7FFF, v9  }
0x126: {  	v6 =	vadd.f32 v8, v6;
	vm2 =	veq.s32 v11, v2;
	vm1 =	vgt.s32 v11, v2;
	v11 =	vld [tilespmem:s28+$0x4410]  }
0x127: {  	[tilespmem:v15+s19+$0x0] =	vst.idx.add.s32.msk vm3, v1;
	v8 =	vnsel vm1, $0x0, v9;
	v9 =	vshrl.u32 v10, $0xF;
	v15 =	vand.u32 $0x7FFF, v10  }
0x128: {  	v16 =	vld [tilespmem:s28+$0x4420];
	v6 =	vadd.f32 v8, v6;
	vm3 =	veq.s32 v9, v2;
	vm1 =	vgt.s32 v9, v2  }
0x129: {  	[tilespmem:v12+s19+$0x0] =	vst.idx.add.s32.msk vm0, v1;
	v8 =	vnsel vm1, $0x0, v10;
	v9 =	vshrl.u32 v7, $0xF;
	v10 =	vand.u32 $0x7FFF, v7  }
0x12a: {  	v6 =	vadd.f32 v8, v6;
	vm1 =	veq.s32 v9, v2;
	vm0 =	vgt.s32 v9, v2;
	v8 =	vld [tilespmem:s28+$0x4430]  }
0x12b: {  	[tilespmem:v13+s19+$0x0] =	vst.idx.add.s32.msk vm13, v1;
	v7 =	vnsel vm0, $0x0, v7;
	v12 =	vshrl.u32 v11, $0xF;
	v9 =	vand.u32 $0x7FFF, v11  }
0x12c: {  	v7 =	vadd.f32 v7, v6;
	vm0 =	veq.s32 v12, v2;
	vm14 =	vgt.s32 v12, v2;
	v6 =	vld [tilespmem:s28+$0x4440]  }
0x12d: {  	[tilespmem:v14+s19+$0x0] =	vst.idx.add.s32.msk vm2, v1;
	v14 =	vshrl.u32 v16, $0xF;
	v12 =	vnsel vm14, $0x0, v11;
	v11 =	vand.u32 $0x7FFF, v16  }
0x12e: {  	vm2 =	veq.s32 v14, v2;
	vm15 =	vgt.s32 v14, v2;
	v13 =	vadd.f32 v12, v7;
	v7 =	vld [tilespmem:s28+$0x4450]  }
0x12f: {  	s29 =	simm.s32 $0x0;
	[tilespmem:v15+s19+$0x0] =	vst.idx.add.s32.msk vm3, v1;
	v15 =	vnsel vm15, $0x0, v16;
	v14 =	vshrl.u32 v8, $0xF;
	v12 =	vand.u32 $0x7FFF, v8  }
.LBB2_10:
0x130: {  	s26 =	sadd.s32 $0x100, s26;
	v13 =	vadd.f32 v15, v13;
	vm3 =	veq.s32 v14, v2;
	vm4 =	vgt.s32 v14, v2;
	v14 =	vld [tilespmem:s28+$0x4460];
	s25 =	sadd.s32 $0x800, s25  }
0x131: {  	s29 =	sadd.s32 $0x40, s29;
	s1 =	sand.u32 $0x3000, s26;
	s30 =	sand.u32 $0x800, s25;
	[tilespmem:v10+s19+$0x0] =	vst.idx.add.s32.msk vm1, v1;
	v8 =	vnsel vm4, $0x0, v8;
	v10 =	vshrl.u32 v6, $0xF;
	v15 =	vand.u32 $0x7FFF, v6  }
0x132: {  	s31 =	sand.u32 $0x380, s29;
	p0 =	slt.u32 s26, $0x3F00;
	s1 =	sor.u32 s30, s1;
	v8 =	vadd.f32 v8, v13;
	vm1 =	veq.s32 v10, v2;
	vm4 =	vgt.s32 v10, v2;
	v10 =	vld [tilespmem:s28+$0x4470]  }
0x133: {  	s28 =	sor.u32 s31, s1;
	[tilespmem:v9+s19+$0x0] =	vst.idx.add.s32.msk vm0, v1;
	v6 =	vnsel vm4, $0x0, v6;
	v9 =	vshrl.u32 v7, $0xF;
	v13 =	vand.u32 $0x7FFF, v7  }
0x134: {  	v16 =	vld [tilespmem:s28+$0x4000];
	v6 =	vadd.f32 v6, v8;
	vm0 =	veq.s32 v9, v2;
	vm4 =	vgt.s32 v9, v2  }
0x135: {  	[tilespmem:v11+s19+$0x0] =	vst.idx.add.s32.msk vm2, v1;
	v7 =	vnsel vm4, $0x0, v7;
	v8 =	vshrl.u32 v14, $0xF;
	v9 =	vand.u32 $0x7FFF, v14  }
0x136: {  	v11 =	vld [tilespmem:s28+$0x4010];
	v6 =	vadd.f32 v7, v6;
	vm2 =	veq.s32 v8, v2;
	vm4 =	vgt.s32 v8, v2  }
0x137: {  	[tilespmem:v12+s19+$0x0] =	vst.idx.add.s32.msk vm3, v1;
	v7 =	vnsel vm4, $0x0, v14;
	v8 =	vshrl.u32 v10, $0xF;
	v12 =	vand.u32 $0x7FFF, v10  }
0x138: {  	v14 =	vld [tilespmem:s28+$0x4020];
	v6 =	vadd.f32 v7, v6;
	vm3 =	veq.s32 v8, v2;
	vm4 =	vgt.s32 v8, v2  }
0x139: {  	v7 =	vshrl.u32 v16, $0xF;
	v8 =	vand.u32 $0x7FFF, v16;
	[tilespmem:v15+s19+$0x0] =	vst.idx.add.s32.msk vm1, v1;
	v10 =	vnsel vm4, $0x0, v10  }
0x13a: {  	vm1 =	veq.s32 v7, v2;
	vm4 =	vgt.s32 v7, v2;
	v7 =	vld [tilespmem:s28+$0x4030];
	v6 =	vadd.f32 v10, v6  }
0x13b: {  	v10 =	vnsel vm4, $0x0, v16;
	v15 =	vshrl.u32 v11, $0xF;
	v16 =	vand.u32 $0x7FFF, v11;
	[tilespmem:v13+s19+$0x0] =	vst.idx.add.s32.msk vm0, v1  }
0x13c: {  	v6 =	vadd.f32 v10, v6;
	vm0 =	veq.s32 v15, v2;
	vm4 =	vgt.s32 v15, v2;
	v10 =	vld [tilespmem:s28+$0x4040]  }
0x13d: {  	v11 =	vnsel vm4, $0x0, v11;
	v13 =	vshrl.u32 v14, $0xF;
	v15 =	vand.u32 $0x7FFF, v14;
	[tilespmem:v9+s19+$0x0] =	vst.idx.add.s32.msk vm2, v1  }
0x13e: {  	v6 =	vadd.f32 v11, v6;
	vm2 =	veq.s32 v13, v2;
	vm4 =	vgt.s32 v13, v2;
	v9 =	vld [tilespmem:s28+$0x4050]  }
0x13f: {  	v11 =	vnsel vm4, $0x0, v14;
	v13 =	vshrl.u32 v7, $0xF;
	v14 =	vand.u32 $0x7FFF, v7;
	[tilespmem:v12+s19+$0x0] =	vst.idx.add.s32.msk vm3, v1  }
0x140: {  	v6 =	vadd.f32 v11, v6;
	vm3 =	veq.s32 v13, v2;
	vm4 =	vgt.s32 v13, v2;
	v11 =	vld [tilespmem:s28+$0x4060]  }
0x141: {  	[tilespmem:v8+s19+$0x0] =	vst.idx.add.s32.msk vm1, v1;
	v7 =	vnsel vm4, $0x0, v7;
	v8 =	vshrl.u32 v10, $0xF;
	v12 =	vand.u32 $0x7FFF, v10  }
0x142: {  	v6 =	vadd.f32 v7, v6;
	vm1 =	veq.s32 v8, v2;
	vm4 =	vgt.s32 v8, v2;
	v7 =	vld [tilespmem:s28+$0x4070]  }
0x143: {  	[tilespmem:v16+s19+$0x0] =	vst.idx.add.s32.msk vm0, v1;
	v8 =	vnsel vm4, $0x0, v10;
	v10 =	vshrl.u32 v9, $0xF;
	v13 =	vand.u32 $0x7FFF, v9  }
0x144: {  	v6 =	vadd.f32 v8, v6;
	vm0 =	veq.s32 v10, v2;
	vm4 =	vgt.s32 v10, v2;
	v16 =	vld [tilespmem:s28+$0x4400]  }
0x145: {  	[tilespmem:v15+s19+$0x0] =	vst.idx.add.s32.msk vm2, v1;
	v8 =	vnsel vm4, $0x0, v9;
	v9 =	vshrl.u32 v11, $0xF;
	v15 =	vand.u32 $0x7FFF, v11  }
0x146: {  	v6 =	vadd.f32 v8, v6;
	vm2 =	veq.s32 v9, v2;
	vm4 =	vgt.s32 v9, v2;
	v17 =	vld [tilespmem:s28+$0x4410]  }
0x147: {  	[tilespmem:v14+s19+$0x0] =	vst.idx.add.s32.msk vm3, v1;
	v8 =	vnsel vm4, $0x0, v11;
	v9 =	vshrl.u32 v7, $0xF;
	v14 =	vand.u32 $0x7FFF, v7  }
0x148: {  	v6 =	vadd.f32 v8, v6;
	vm3 =	veq.s32 v9, v2;
	vm4 =	vgt.s32 v9, v2;
	v18 =	vld [tilespmem:s28+$0x4420]  }
0x149: {  	[tilespmem:v12+s19+$0x0] =	vst.idx.add.s32.msk vm1, v1;
	v7 =	vnsel vm4, $0x0, v7;
	v8 =	vshrl.u32 v16, $0xF;
	v10 =	vand.u32 $0x7FFF, v16  }
0x14a: {  	v6 =	vadd.f32 v7, v6;
	vm1 =	veq.s32 v8, v2;
	vm4 =	vgt.s32 v8, v2;
	v8 =	vld [tilespmem:s28+$0x4430]  }
.Ltmp4:
0x14b: {  	[tilespmem:v13+s19+$0x0] =	vst.idx.add.s32.msk vm0, v1;
	v7 =	vnsel vm4, $0x0, v16;
	v11 =	vshrl.u32 v17, $0xF;
	v9 =	vand.u32 $0x7FFF, v17;
	(pc) =	sbr.rel @p0 .LBB2_10-.Ltmp4, $4  }
0x14c: {  	v7 =	vadd.f32 v7, v6;
	vm0 =	veq.s32 v11, v2;
	vm4 =	vgt.s32 v11, v2;
	v6 =	vld [tilespmem:s28+$0x4440]  }
0x14d: {  	[tilespmem:v15+s19+$0x0] =	vst.idx.add.s32.msk vm2, v1;
	v12 =	vnsel vm4, $0x0, v17;
	v15 =	vshrl.u32 v18, $0xF;
	v11 =	vand.u32 $0x7FFF, v18  }
0x14e: {  	v13 =	vadd.f32 v12, v7;
	vm2 =	veq.s32 v15, v2;
	vm4 =	vgt.s32 v15, v2;
	v7 =	vld [tilespmem:s28+$0x4450]  }
0x14f: {  	[tilespmem:v14+s19+$0x0] =	vst.idx.add.s32.msk vm3, v1;
	v15 =	vnsel vm4, $0x0, v18;
	v14 =	vshrl.u32 v8, $0xF;
	v12 =	vand.u32 $0x7FFF, v8  }
0x150: {  	v16 =	vld [tilespmem:s28+$0x4460]  }
0x151: {  	v17 =	vld [tilespmem:s28+$0x4470];
	_ =	sdelay $0x1  }
0x152: {  	vm3 =	veq.s32 v14, v2;
	v18 =	vshrl.u32 v6, $0xF  }
0x153: {  	vm4 =	veq.s32 v18, v2;
	v19 =	vshrl.u32 v7, $0xF  }
0x154: {  	v20 =	vand.u32 $0x7FFF, v6;
	vm5 =	veq.s32 v19, v2;
	v21 =	vshrl.u32 v16, $0xF  }
0x155: {  	[tilespmem:v10+s19+$0x0] =	vst.idx.add.s32.msk vm1, v1;
	v10 =	vand.u32 $0x7FFF, v7;
	v22 =	vshrl.u32 v17, $0xF;
	vm1 =	veq.s32 v21, v2  }
0x156: {  	[tilespmem:v9+s19+$0x0] =	vst.idx.add.s32.msk vm0, v1;
	v9 =	vand.u32 $0x7FFF, v16;
	vm0 =	veq.s32 v22, v2  }
0x157: {  	[tilespmem:v11+s19+$0x0] =	vst.idx.add.s32.msk vm2, v1;
	v11 =	vand.u32 $0x7FFF, v17  }
0x158: {  	[tilespmem:v12+s19+$0x0] =	vst.idx.add.s32.msk vm3, v1  }
0x159: {  	[tilespmem:v20+s19+$0x0] =	vst.idx.add.s32.msk vm4, v1  }
0x15a: {  	[tilespmem:v10+s19+$0x0] =	vst.idx.add.s32.msk vm5, v1  }
0x15b: {  	[tilespmem:v9+s19+$0x0] =	vst.idx.add.s32.msk vm1, v1  }
0x15c: {  	s25 =	simm.s32 $0x0;
	s26 =	simm.s32 $0x0;
	[tilespmem:v11+s19+$0x0] =	vst.idx.add.s32.msk vm0, v1;
	v9 =	vadd.f32 v15, v13;
	vm0 =	vgt.s32 v14, v2  }
0x15d: {  	[tilespmem:s18], [sflag:$0x2] =	stream.linear.gather [hbm4b:s10+s25], $0x4000, $0x38;
	v8 =	vnsel vm0, $0x0, v8;
	[tilespmem:$0x10100] =	vst v63  }
0x15e: {  	s1 =	sand.u32 $0x3000, s26;
	s28 =	sand.u32 $0x800, s25;
	vm0 =	vgt.s32 v18, v2;
	v8 =	vadd.f32 v8, v9;
	_ =	swait.ge [sflag:s4], $0x4000  }
0x15f: {  	s29 =	sand.u32 $0x380, s25;
	s1 =	sor.u32 s28, s1;
	v6 =	vnsel vm0, $0x0, v6;
	[sflag:s4] =	ssyncset.done $0x0  }
0x160: {  	s28 =	sor.u32 s29, s1;
	vm0 =	vgt.s32 v19, v2;
	v6 =	vadd.f32 v6, v8;
	[sflag:s4] =	ssyncadd.s32 $0xFFFFC000  }
0x161: {  	v7 =	vnsel vm0, $0x0, v7;
	v8 =	vld [tilespmem:s28+$0x0]  }
0x162: {  	vm0 =	vgt.s32 v21, v2;
	v6 =	vadd.f32 v7, v6  }
0x163: {  	v9 =	vld [tilespmem:s28+$0x10];
	v7 =	vnsel vm0, $0x0, v16  }
0x164: {  	v10 =	vld [tilespmem:s28+$0x20];
	vm0 =	vgt.s32 v22, v2;
	v6 =	vadd.f32 v7, v6  }
0x165: {  	v7 =	vnsel vm0, $0x0, v17  }
0x166: {  	v6 =	vadd.f32 v7, v6;
	v7 =	vimm.f32 $0.0e+00;
	v11 =	vshrl.u32 v8, $0xF  }
0x167: {  	v12 =	vand.u32 $0x7FFF, v8;
	vm0 =	veq.s32 v11, v2;
	vm1 =	vgt.s32 v11, v2;
	v11 =	vld [tilespmem:s28+$0x30]  }
0x168: {  	v13 =	vshrl.u32 v9, $0xF;
	v14 =	vand.u32 $0x7FFF, v9;
	v8 =	vnsel vm1, $0x0, v8  }
0x169: {  	v15 =	vand.u32 $0x7FFF, v10;
	vm2 =	vgt.s32 v13, v2;
	v7 =	vadd.f32 v8, v7;
	v8 =	vld [tilespmem:s28+$0x40]  }
0x16a: {  	vm1 =	veq.s32 v13, v2;
	v9 =	vnsel vm2, $0x0, v9;
	v13 =	vshrl.u32 v10, $0xF  }
0x16b: {  	vm2 =	veq.s32 v13, v2;
	vm3 =	vgt.s32 v13, v2;
	v7 =	vadd.f32 v9, v7;
	v9 =	vld [tilespmem:s28+$0x50]  }
0x16c: {  	v10 =	vnsel vm3, $0x0, v10;
	v13 =	vshrl.u32 v11, $0xF;
	v16 =	vand.u32 $0x7FFF, v11  }
0x16d: {  	v7 =	vadd.f32 v10, v7;
	vm3 =	veq.s32 v13, v2;
	vm11 =	vgt.s32 v13, v2;
	v10 =	vld [tilespmem:s28+$0x60]  }
0x16e: {  	[tilespmem:v12+s19+$0x0] =	vst.idx.add.s32.msk vm0, v1;
	v11 =	vnsel vm11, $0x0, v11;
	v12 =	vshrl.u32 v8, $0xF;
	v13 =	vand.u32 $0x7FFF, v8  }
0x16f: {  	v7 =	vadd.f32 v11, v7;
	vm0 =	veq.s32 v12, v2;
	vm12 =	vgt.s32 v12, v2;
	v11 =	vld [tilespmem:s28+$0x70]  }
0x170: {  	[tilespmem:v14+s19+$0x0] =	vst.idx.add.s32.msk vm1, v1;
	v8 =	vnsel vm12, $0x0, v8;
	v12 =	vshrl.u32 v9, $0xF;
	v14 =	vand.u32 $0x7FFF, v9  }
0x171: {  	v7 =	vadd.f32 v8, v7;
	vm13 =	veq.s32 v12, v2;
	vm1 =	vgt.s32 v12, v2;
	v8 =	vld [tilespmem:s28+$0x400]  }
0x172: {  	[tilespmem:v15+s19+$0x0] =	vst.idx.add.s32.msk vm2, v1;
	v9 =	vnsel vm1, $0x0, v9;
	v12 =	vshrl.u32 v10, $0xF;
	v15 =	vand.u32 $0x7FFF, v10  }
0x173: {  	v7 =	vadd.f32 v9, v7;
	vm2 =	veq.s32 v12, v2;
	vm1 =	vgt.s32 v12, v2;
	v12 =	vld [tilespmem:s28+$0x410]  }
0x174: {  	[tilespmem:v16+s19+$0x0] =	vst.idx.add.s32.msk vm3, v1;
	v9 =	vnsel vm1, $0x0, v10;
	v10 =	vshrl.u32 v11, $0xF;
	v16 =	vand.u32 $0x7FFF, v11  }
0x175: {  	v17 =	vld [tilespmem:s28+$0x420];
	v7 =	vadd.f32 v9, v7;
	vm3 =	veq.s32 v10, v2;
	vm1 =	vgt.s32 v10, v2  }
0x176: {  	[tilespmem:v13+s19+$0x0] =	vst.idx.add.s32.msk vm0, v1;
	v9 =	vnsel vm1, $0x0, v11;
	v10 =	vshrl.u32 v8, $0xF;
	v11 =	vand.u32 $0x7FFF, v8  }
0x177: {  	v7 =	vadd.f32 v9, v7;
	vm1 =	veq.s32 v10, v2;
	vm0 =	vgt.s32 v10, v2;
	v9 =	vld [tilespmem:s28+$0x430]  }
0x178: {  	[tilespmem:v14+s19+$0x0] =	vst.idx.add.s32.msk vm13, v1;
	v8 =	vnsel vm0, $0x0, v8;
	v13 =	vshrl.u32 v12, $0xF;
	v10 =	vand.u32 $0x7FFF, v12  }
0x179: {  	v8 =	vadd.f32 v8, v7;
	vm0 =	veq.s32 v13, v2;
	vm14 =	vgt.s32 v13, v2;
	v7 =	vld [tilespmem:s28+$0x440]  }
0x17a: {  	[tilespmem:v15+s19+$0x0] =	vst.idx.add.s32.msk vm2, v1;
	v15 =	vshrl.u32 v17, $0xF;
	v13 =	vnsel vm14, $0x0, v12;
	v12 =	vand.u32 $0x7FFF, v17  }
0x17b: {  	vm2 =	veq.s32 v15, v2;
	vm15 =	vgt.s32 v15, v2;
	v14 =	vadd.f32 v13, v8;
	v8 =	vld [tilespmem:s28+$0x450]  }
0x17c: {  	s29 =	simm.s32 $0x0;
	[tilespmem:v16+s19+$0x0] =	vst.idx.add.s32.msk vm3, v1;
	v16 =	vnsel vm15, $0x0, v17;
	v15 =	vshrl.u32 v9, $0xF;
	v13 =	vand.u32 $0x7FFF, v9  }
.LBB2_12:
0x17d: {  	s26 =	sadd.s32 $0x100, s26;
	v14 =	vadd.f32 v16, v14;
	vm3 =	veq.s32 v15, v2;
	vm4 =	vgt.s32 v15, v2;
	v15 =	vld [tilespmem:s28+$0x460];
	s25 =	sadd.s32 $0x800, s25  }
0x17e: {  	s29 =	sadd.s32 $0x40, s29;
	s1 =	sand.u32 $0x3000, s26;
	s30 =	sand.u32 $0x800, s25;
	[tilespmem:v11+s19+$0x0] =	vst.idx.add.s32.msk vm1, v1;
	v9 =	vnsel vm4, $0x0, v9;
	v11 =	vshrl.u32 v7, $0xF;
	v16 =	vand.u32 $0x7FFF, v7  }
0x17f: {  	s31 =	sand.u32 $0x380, s29;
	p0 =	slt.u32 s26, $0x3F00;
	s1 =	sor.u32 s30, s1;
	v9 =	vadd.f32 v9, v14;
	vm1 =	veq.s32 v11, v2;
	vm4 =	vgt.s32 v11, v2;
	v11 =	vld [tilespmem:s28+$0x470]  }
0x180: {  	s28 =	sor.u32 s31, s1;
	[tilespmem:v10+s19+$0x0] =	vst.idx.add.s32.msk vm0, v1;
	v7 =	vnsel vm4, $0x0, v7;
	v10 =	vshrl.u32 v8, $0xF;
	v14 =	vand.u32 $0x7FFF, v8  }
0x181: {  	v17 =	vld [tilespmem:s28+$0x0];
	v7 =	vadd.f32 v7, v9;
	vm0 =	veq.s32 v10, v2;
	vm4 =	vgt.s32 v10, v2  }
0x182: {  	[tilespmem:v12+s19+$0x0] =	vst.idx.add.s32.msk vm2, v1;
	v8 =	vnsel vm4, $0x0, v8;
	v9 =	vshrl.u32 v15, $0xF;
	v10 =	vand.u32 $0x7FFF, v15  }
0x183: {  	v12 =	vld [tilespmem:s28+$0x10];
	v7 =	vadd.f32 v8, v7;
	vm2 =	veq.s32 v9, v2;
	vm4 =	vgt.s32 v9, v2  }
0x184: {  	[tilespmem:v13+s19+$0x0] =	vst.idx.add.s32.msk vm3, v1;
	v8 =	vnsel vm4, $0x0, v15;
	v9 =	vshrl.u32 v11, $0xF;
	v13 =	vand.u32 $0x7FFF, v11  }
0x185: {  	v15 =	vld [tilespmem:s28+$0x20];
	v7 =	vadd.f32 v8, v7;
	vm3 =	veq.s32 v9, v2;
	vm4 =	vgt.s32 v9, v2  }
0x186: {  	v8 =	vshrl.u32 v17, $0xF;
	v9 =	vand.u32 $0x7FFF, v17;
	[tilespmem:v16+s19+$0x0] =	vst.idx.add.s32.msk vm1, v1;
	v11 =	vnsel vm4, $0x0, v11  }
0x187: {  	vm1 =	veq.s32 v8, v2;
	vm4 =	vgt.s32 v8, v2;
	v8 =	vld [tilespmem:s28+$0x30];
	v7 =	vadd.f32 v11, v7  }
0x188: {  	v11 =	vnsel vm4, $0x0, v17;
	v16 =	vshrl.u32 v12, $0xF;
	v17 =	vand.u32 $0x7FFF, v12;
	[tilespmem:v14+s19+$0x0] =	vst.idx.add.s32.msk vm0, v1  }
0x189: {  	v7 =	vadd.f32 v11, v7;
	vm0 =	veq.s32 v16, v2;
	vm4 =	vgt.s32 v16, v2;
	v11 =	vld [tilespmem:s28+$0x40]  }
0x18a: {  	v12 =	vnsel vm4, $0x0, v12;
	v14 =	vshrl.u32 v15, $0xF;
	v16 =	vand.u32 $0x7FFF, v15;
	[tilespmem:v10+s19+$0x0] =	vst.idx.add.s32.msk vm2, v1  }
0x18b: {  	v7 =	vadd.f32 v12, v7;
	vm2 =	veq.s32 v14, v2;
	vm4 =	vgt.s32 v14, v2;
	v10 =	vld [tilespmem:s28+$0x50]  }
0x18c: {  	v12 =	vnsel vm4, $0x0, v15;
	v14 =	vshrl.u32 v8, $0xF;
	v15 =	vand.u32 $0x7FFF, v8;
	[tilespmem:v13+s19+$0x0] =	vst.idx.add.s32.msk vm3, v1  }
0x18d: {  	v7 =	vadd.f32 v12, v7;
	vm3 =	veq.s32 v14, v2;
	vm4 =	vgt.s32 v14, v2;
	v12 =	vld [tilespmem:s28+$0x60]  }
0x18e: {  	[tilespmem:v9+s19+$0x0] =	vst.idx.add.s32.msk vm1, v1;
	v8 =	vnsel vm4, $0x0, v8;
	v9 =	vshrl.u32 v11, $0xF;
	v13 =	vand.u32 $0x7FFF, v11  }
0x18f: {  	v7 =	vadd.f32 v8, v7;
	vm1 =	veq.s32 v9, v2;
	vm4 =	vgt.s32 v9, v2;
	v8 =	vld [tilespmem:s28+$0x70]  }
0x190: {  	[tilespmem:v17+s19+$0x0] =	vst.idx.add.s32.msk vm0, v1;
	v9 =	vnsel vm4, $0x0, v11;
	v11 =	vshrl.u32 v10, $0xF;
	v14 =	vand.u32 $0x7FFF, v10  }
0x191: {  	v7 =	vadd.f32 v9, v7;
	vm0 =	veq.s32 v11, v2;
	vm4 =	vgt.s32 v11, v2;
	v17 =	vld [tilespmem:s28+$0x400]  }
0x192: {  	[tilespmem:v16+s19+$0x0] =	vst.idx.add.s32.msk vm2, v1;
	v9 =	vnsel vm4, $0x0, v10;
	v10 =	vshrl.u32 v12, $0xF;
	v16 =	vand.u32 $0x7FFF, v12  }
0x193: {  	v7 =	vadd.f32 v9, v7;
	vm2 =	veq.s32 v10, v2;
	vm4 =	vgt.s32 v10, v2;
	v18 =	vld [tilespmem:s28+$0x410]  }
0x194: {  	[tilespmem:v15+s19+$0x0] =	vst.idx.add.s32.msk vm3, v1;
	v9 =	vnsel vm4, $0x0, v12;
	v10 =	vshrl.u32 v8, $0xF;
	v15 =	vand.u32 $0x7FFF, v8  }
0x195: {  	v7 =	vadd.f32 v9, v7;
	vm3 =	veq.s32 v10, v2;
	vm4 =	vgt.s32 v10, v2;
	v19 =	vld [tilespmem:s28+$0x420]  }
0x196: {  	[tilespmem:v13+s19+$0x0] =	vst.idx.add.s32.msk vm1, v1;
	v8 =	vnsel vm4, $0x0, v8;
	v9 =	vshrl.u32 v17, $0xF;
	v11 =	vand.u32 $0x7FFF, v17  }
0x197: {  	v7 =	vadd.f32 v8, v7;
	vm1 =	veq.s32 v9, v2;
	vm4 =	vgt.s32 v9, v2;
	v9 =	vld [tilespmem:s28+$0x430]  }
.Ltmp5:
0x198: {  	[tilespmem:v14+s19+$0x0] =	vst.idx.add.s32.msk vm0, v1;
	v8 =	vnsel vm4, $0x0, v17;
	v12 =	vshrl.u32 v18, $0xF;
	v10 =	vand.u32 $0x7FFF, v18;
	(pc) =	sbr.rel @p0 .LBB2_12-.Ltmp5, $4  }
0x199: {  	v8 =	vadd.f32 v8, v7;
	vm0 =	veq.s32 v12, v2;
	vm4 =	vgt.s32 v12, v2;
	v7 =	vld [tilespmem:s28+$0x440]  }
0x19a: {  	[tilespmem:v16+s19+$0x0] =	vst.idx.add.s32.msk vm2, v1;
	v13 =	vnsel vm4, $0x0, v18;
	v16 =	vshrl.u32 v19, $0xF;
	v12 =	vand.u32 $0x7FFF, v19  }
0x19b: {  	v14 =	vadd.f32 v13, v8;
	vm2 =	veq.s32 v16, v2;
	vm4 =	vgt.s32 v16, v2;
	v8 =	vld [tilespmem:s28+$0x450]  }
0x19c: {  	[tilespmem:v15+s19+$0x0] =	vst.idx.add.s32.msk vm3, v1;
	v16 =	vnsel vm4, $0x0, v19;
	v15 =	vshrl.u32 v9, $0xF;
	v13 =	vand.u32 $0x7FFF, v9  }
0x19d: {  	v17 =	vld [tilespmem:s28+$0x460]  }
0x19e: {  	v18 =	vld [tilespmem:s28+$0x470];
	_ =	sdelay $0x1  }
0x19f: {  	vm3 =	veq.s32 v15, v2;
	v19 =	vshrl.u32 v7, $0xF  }
0x1a0: {  	vm4 =	veq.s32 v19, v2;
	v20 =	vshrl.u32 v8, $0xF  }
0x1a1: {  	v21 =	vand.u32 $0x7FFF, v7;
	vm5 =	veq.s32 v20, v2;
	v22 =	vshrl.u32 v17, $0xF  }
0x1a2: {  	[tilespmem:v11+s19+$0x0] =	vst.idx.add.s32.msk vm1, v1;
	v11 =	vand.u32 $0x7FFF, v8;
	v23 =	vshrl.u32 v18, $0xF;
	vm1 =	veq.s32 v22, v2  }
0x1a3: {  	[tilespmem:v10+s19+$0x0] =	vst.idx.add.s32.msk vm0, v1;
	v10 =	vand.u32 $0x7FFF, v17;
	vm0 =	veq.s32 v23, v2  }
0x1a4: {  	[tilespmem:v12+s19+$0x0] =	vst.idx.add.s32.msk vm2, v1;
	v12 =	vand.u32 $0x7FFF, v18  }
0x1a5: {  	[tilespmem:v13+s19+$0x0] =	vst.idx.add.s32.msk vm3, v1  }
0x1a6: {  	[tilespmem:v21+s19+$0x0] =	vst.idx.add.s32.msk vm4, v1  }
0x1a7: {  	[tilespmem:v11+s19+$0x0] =	vst.idx.add.s32.msk vm5, v1  }
0x1a8: {  	[tilespmem:v10+s19+$0x0] =	vst.idx.add.s32.msk vm1, v1  }
0x1a9: {  	s25 =	simm.s32 $0x0;
	s26 =	simm.s32 $0x0;
	[tilespmem:v12+s19+$0x0] =	vst.idx.add.s32.msk vm0, v1;
	v10 =	vadd.f32 v16, v14;
	vm0 =	vgt.s32 v15, v2  }
0x1aa: {  	[tilespmem:s25], [sflag:$0x1] =	stream.linear.gather [hbm4b:s11+s25], $0x4000, $0x38;
	v9 =	vnsel vm0, $0x0, v9;
	[tilespmem:$0x10100] =	vst v63  }
0x1ab: {  	s1 =	sand.u32 $0x3000, s26;
	s28 =	sand.u32 $0x800, s25;
	vm0 =	vgt.s32 v19, v2;
	v9 =	vadd.f32 v9, v10;
	_ =	swait.ge [sflag:s20], $0x4000  }
0x1ac: {  	s29 =	sand.u32 $0x380, s25;
	s1 =	sor.u32 s28, s1;
	v7 =	vnsel vm0, $0x0, v7;
	[sflag:s20] =	ssyncset.done $0x0  }
0x1ad: {  	s28 =	sor.u32 s29, s1;
	vm0 =	vgt.s32 v20, v2;
	v7 =	vadd.f32 v7, v9;
	[sflag:s20] =	ssyncadd.s32 $0xFFFFC000  }
0x1ae: {  	v8 =	vnsel vm0, $0x0, v8;
	v9 =	vld [tilespmem:s28+$0x4000]  }
0x1af: {  	vm0 =	vgt.s32 v22, v2;
	v7 =	vadd.f32 v8, v7  }
0x1b0: {  	v10 =	vld [tilespmem:s28+$0x4010];
	v8 =	vnsel vm0, $0x0, v17  }
0x1b1: {  	v11 =	vld [tilespmem:s28+$0x4020];
	vm0 =	vgt.s32 v23, v2;
	v7 =	vadd.f32 v8, v7  }
0x1b2: {  	v8 =	vnsel vm0, $0x0, v18  }
0x1b3: {  	v7 =	vadd.f32 v8, v7;
	v8 =	vimm.f32 $0.0e+00;
	v12 =	vshrl.u32 v9, $0xF  }
0x1b4: {  	v13 =	vand.u32 $0x7FFF, v9;
	vm0 =	veq.s32 v12, v2;
	vm1 =	vgt.s32 v12, v2;
	v12 =	vld [tilespmem:s28+$0x4030]  }
0x1b5: {  	v14 =	vshrl.u32 v10, $0xF;
	v15 =	vand.u32 $0x7FFF, v10;
	v9 =	vnsel vm1, $0x0, v9  }
0x1b6: {  	v16 =	vand.u32 $0x7FFF, v11;
	vm2 =	vgt.s32 v14, v2;
	v8 =	vadd.f32 v9, v8;
	v9 =	vld [tilespmem:s28+$0x4040]  }
0x1b7: {  	vm1 =	veq.s32 v14, v2;
	v10 =	vnsel vm2, $0x0, v10;
	v14 =	vshrl.u32 v11, $0xF  }
0x1b8: {  	vm2 =	veq.s32 v14, v2;
	vm3 =	vgt.s32 v14, v2;
	v8 =	vadd.f32 v10, v8;
	v10 =	vld [tilespmem:s28+$0x4050]  }
0x1b9: {  	v11 =	vnsel vm3, $0x0, v11;
	v14 =	vshrl.u32 v12, $0xF;
	v17 =	vand.u32 $0x7FFF, v12  }
0x1ba: {  	v8 =	vadd.f32 v11, v8;
	vm3 =	veq.s32 v14, v2;
	vm11 =	vgt.s32 v14, v2;
	v11 =	vld [tilespmem:s28+$0x4060]  }
0x1bb: {  	[tilespmem:v13+s19+$0x0] =	vst.idx.add.s32.msk vm0, v1;
	v12 =	vnsel vm11, $0x0, v12;
	v13 =	vshrl.u32 v9, $0xF;
	v14 =	vand.u32 $0x7FFF, v9  }
0x1bc: {  	v8 =	vadd.f32 v12, v8;
	vm0 =	veq.s32 v13, v2;
	vm12 =	vgt.s32 v13, v2;
	v12 =	vld [tilespmem:s28+$0x4070]  }
0x1bd: {  	[tilespmem:v15+s19+$0x0] =	vst.idx.add.s32.msk vm1, v1;
	v9 =	vnsel vm12, $0x0, v9;
	v13 =	vshrl.u32 v10, $0xF;
	v15 =	vand.u32 $0x7FFF, v10  }
0x1be: {  	v8 =	vadd.f32 v9, v8;
	vm13 =	veq.s32 v13, v2;
	vm1 =	vgt.s32 v13, v2;
	v9 =	vld [tilespmem:s28+$0x4400]  }
0x1bf: {  	[tilespmem:v16+s19+$0x0] =	vst.idx.add.s32.msk vm2, v1;
	v10 =	vnsel vm1, $0x0, v10;
	v13 =	vshrl.u32 v11, $0xF;
	v16 =	vand.u32 $0x7FFF, v11  }
0x1c0: {  	v8 =	vadd.f32 v10, v8;
	vm2 =	veq.s32 v13, v2;
	vm1 =	vgt.s32 v13, v2;
	v13 =	vld [tilespmem:s28+$0x4410]  }
0x1c1: {  	[tilespmem:v17+s19+$0x0] =	vst.idx.add.s32.msk vm3, v1;
	v10 =	vnsel vm1, $0x0, v11;
	v11 =	vshrl.u32 v12, $0xF;
	v17 =	vand.u32 $0x7FFF, v12  }
0x1c2: {  	v18 =	vld [tilespmem:s28+$0x4420];
	v8 =	vadd.f32 v10, v8;
	vm3 =	veq.s32 v11, v2;
	vm1 =	vgt.s32 v11, v2  }
0x1c3: {  	[tilespmem:v14+s19+$0x0] =	vst.idx.add.s32.msk vm0, v1;
	v10 =	vnsel vm1, $0x0, v12;
	v11 =	vshrl.u32 v9, $0xF;
	v12 =	vand.u32 $0x7FFF, v9  }
0x1c4: {  	v8 =	vadd.f32 v10, v8;
	vm1 =	veq.s32 v11, v2;
	vm0 =	vgt.s32 v11, v2;
	v10 =	vld [tilespmem:s28+$0x4430]  }
0x1c5: {  	[tilespmem:v15+s19+$0x0] =	vst.idx.add.s32.msk vm13, v1;
	v9 =	vnsel vm0, $0x0, v9;
	v14 =	vshrl.u32 v13, $0xF;
	v11 =	vand.u32 $0x7FFF, v13  }
0x1c6: {  	v9 =	vadd.f32 v9, v8;
	vm0 =	veq.s32 v14, v2;
	vm14 =	vgt.s32 v14, v2;
	v8 =	vld [tilespmem:s28+$0x4440]  }
0x1c7: {  	[tilespmem:v16+s19+$0x0] =	vst.idx.add.s32.msk vm2, v1;
	v16 =	vshrl.u32 v18, $0xF;
	v14 =	vnsel vm14, $0x0, v13;
	v13 =	vand.u32 $0x7FFF, v18  }
0x1c8: {  	vm2 =	veq.s32 v16, v2;
	vm15 =	vgt.s32 v16, v2;
	v15 =	vadd.f32 v14, v9;
	v9 =	vld [tilespmem:s28+$0x4450]  }
0x1c9: {  	s29 =	simm.s32 $0x0;
	[tilespmem:v17+s19+$0x0] =	vst.idx.add.s32.msk vm3, v1;
	v17 =	vnsel vm15, $0x0, v18;
	v16 =	vshrl.u32 v10, $0xF;
	v14 =	vand.u32 $0x7FFF, v10  }
.LBB2_14:
0x1ca: {  	s26 =	sadd.s32 $0x100, s26;
	v15 =	vadd.f32 v17, v15;
	vm3 =	veq.s32 v16, v2;
	vm4 =	vgt.s32 v16, v2;
	v16 =	vld [tilespmem:s28+$0x4460];
	s25 =	sadd.s32 $0x800, s25  }
0x1cb: {  	s29 =	sadd.s32 $0x40, s29;
	s1 =	sand.u32 $0x3000, s26;
	s30 =	sand.u32 $0x800, s25;
	[tilespmem:v12+s19+$0x0] =	vst.idx.add.s32.msk vm1, v1;
	v10 =	vnsel vm4, $0x0, v10;
	v12 =	vshrl.u32 v8, $0xF;
	v17 =	vand.u32 $0x7FFF, v8  }
0x1cc: {  	s31 =	sand.u32 $0x380, s29;
	p0 =	slt.u32 s26, $0x3F00;
	s1 =	sor.u32 s30, s1;
	v10 =	vadd.f32 v10, v15;
	vm1 =	veq.s32 v12, v2;
	vm4 =	vgt.s32 v12, v2;
	v12 =	vld [tilespmem:s28+$0x4470]  }
0x1cd: {  	s28 =	sor.u32 s31, s1;
	[tilespmem:v11+s19+$0x0] =	vst.idx.add.s32.msk vm0, v1;
	v8 =	vnsel vm4, $0x0, v8;
	v11 =	vshrl.u32 v9, $0xF;
	v15 =	vand.u32 $0x7FFF, v9  }
0x1ce: {  	v18 =	vld [tilespmem:s28+$0x4000];
	v8 =	vadd.f32 v8, v10;
	vm0 =	veq.s32 v11, v2;
	vm4 =	vgt.s32 v11, v2  }
0x1cf: {  	[tilespmem:v13+s19+$0x0] =	vst.idx.add.s32.msk vm2, v1;
	v9 =	vnsel vm4, $0x0, v9;
	v10 =	vshrl.u32 v16, $0xF;
	v11 =	vand.u32 $0x7FFF, v16  }
0x1d0: {  	v13 =	vld [tilespmem:s28+$0x4010];
	v8 =	vadd.f32 v9, v8;
	vm2 =	veq.s32 v10, v2;
	vm4 =	vgt.s32 v10, v2  }
0x1d1: {  	[tilespmem:v14+s19+$0x0] =	vst.idx.add.s32.msk vm3, v1;
	v9 =	vnsel vm4, $0x0, v16;
	v10 =	vshrl.u32 v12, $0xF;
	v14 =	vand.u32 $0x7FFF, v12  }
0x1d2: {  	v16 =	vld [tilespmem:s28+$0x4020];
	v8 =	vadd.f32 v9, v8;
	vm3 =	veq.s32 v10, v2;
	vm4 =	vgt.s32 v10, v2  }
0x1d3: {  	v9 =	vshrl.u32 v18, $0xF;
	v10 =	vand.u32 $0x7FFF, v18;
	[tilespmem:v17+s19+$0x0] =	vst.idx.add.s32.msk vm1, v1;
	v12 =	vnsel vm4, $0x0, v12  }
0x1d4: {  	vm1 =	veq.s32 v9, v2;
	vm4 =	vgt.s32 v9, v2;
	v9 =	vld [tilespmem:s28+$0x4030];
	v8 =	vadd.f32 v12, v8  }
0x1d5: {  	v12 =	vnsel vm4, $0x0, v18;
	v17 =	vshrl.u32 v13, $0xF;
	v18 =	vand.u32 $0x7FFF, v13;
	[tilespmem:v15+s19+$0x0] =	vst.idx.add.s32.msk vm0, v1  }
0x1d6: {  	v8 =	vadd.f32 v12, v8;
	vm0 =	veq.s32 v17, v2;
	vm4 =	vgt.s32 v17, v2;
	v12 =	vld [tilespmem:s28+$0x4040]  }
0x1d7: {  	v13 =	vnsel vm4, $0x0, v13;
	v15 =	vshrl.u32 v16, $0xF;
	v17 =	vand.u32 $0x7FFF, v16;
	[tilespmem:v11+s19+$0x0] =	vst.idx.add.s32.msk vm2, v1  }
0x1d8: {  	v8 =	vadd.f32 v13, v8;
	vm2 =	veq.s32 v15, v2;
	vm4 =	vgt.s32 v15, v2;
	v11 =	vld [tilespmem:s28+$0x4050]  }
0x1d9: {  	v13 =	vnsel vm4, $0x0, v16;
	v15 =	vshrl.u32 v9, $0xF;
	v16 =	vand.u32 $0x7FFF, v9;
	[tilespmem:v14+s19+$0x0] =	vst.idx.add.s32.msk vm3, v1  }
0x1da: {  	v8 =	vadd.f32 v13, v8;
	vm3 =	veq.s32 v15, v2;
	vm4 =	vgt.s32 v15, v2;
	v13 =	vld [tilespmem:s28+$0x4060]  }
0x1db: {  	[tilespmem:v10+s19+$0x0] =	vst.idx.add.s32.msk vm1, v1;
	v9 =	vnsel vm4, $0x0, v9;
	v10 =	vshrl.u32 v12, $0xF;
	v14 =	vand.u32 $0x7FFF, v12  }
0x1dc: {  	v8 =	vadd.f32 v9, v8;
	vm1 =	veq.s32 v10, v2;
	vm4 =	vgt.s32 v10, v2;
	v9 =	vld [tilespmem:s28+$0x4070]  }
0x1dd: {  	[tilespmem:v18+s19+$0x0] =	vst.idx.add.s32.msk vm0, v1;
	v10 =	vnsel vm4, $0x0, v12;
	v12 =	vshrl.u32 v11, $0xF;
	v15 =	vand.u32 $0x7FFF, v11  }
0x1de: {  	v8 =	vadd.f32 v10, v8;
	vm0 =	veq.s32 v12, v2;
	vm4 =	vgt.s32 v12, v2;
	v18 =	vld [tilespmem:s28+$0x4400]  }
0x1df: {  	[tilespmem:v17+s19+$0x0] =	vst.idx.add.s32.msk vm2, v1;
	v10 =	vnsel vm4, $0x0, v11;
	v11 =	vshrl.u32 v13, $0xF;
	v17 =	vand.u32 $0x7FFF, v13  }
0x1e0: {  	v8 =	vadd.f32 v10, v8;
	vm2 =	veq.s32 v11, v2;
	vm4 =	vgt.s32 v11, v2;
	v19 =	vld [tilespmem:s28+$0x4410]  }
0x1e1: {  	[tilespmem:v16+s19+$0x0] =	vst.idx.add.s32.msk vm3, v1;
	v10 =	vnsel vm4, $0x0, v13;
	v11 =	vshrl.u32 v9, $0xF;
	v16 =	vand.u32 $0x7FFF, v9  }
0x1e2: {  	v8 =	vadd.f32 v10, v8;
	vm3 =	veq.s32 v11, v2;
	vm4 =	vgt.s32 v11, v2;
	v20 =	vld [tilespmem:s28+$0x4420]  }
0x1e3: {  	[tilespmem:v14+s19+$0x0] =	vst.idx.add.s32.msk vm1, v1;
	v9 =	vnsel vm4, $0x0, v9;
	v10 =	vshrl.u32 v18, $0xF;
	v12 =	vand.u32 $0x7FFF, v18  }
0x1e4: {  	v8 =	vadd.f32 v9, v8;
	vm1 =	veq.s32 v10, v2;
	vm4 =	vgt.s32 v10, v2;
	v10 =	vld [tilespmem:s28+$0x4430]  }
.Ltmp6:
0x1e5: {  	[tilespmem:v15+s19+$0x0] =	vst.idx.add.s32.msk vm0, v1;
	v9 =	vnsel vm4, $0x0, v18;
	v13 =	vshrl.u32 v19, $0xF;
	v11 =	vand.u32 $0x7FFF, v19;
	(pc) =	sbr.rel @p0 .LBB2_14-.Ltmp6, $4  }
0x1e6: {  	v9 =	vadd.f32 v9, v8;
	vm0 =	veq.s32 v13, v2;
	vm4 =	vgt.s32 v13, v2;
	v8 =	vld [tilespmem:s28+$0x4440]  }
0x1e7: {  	[tilespmem:v17+s19+$0x0] =	vst.idx.add.s32.msk vm2, v1;
	v14 =	vnsel vm4, $0x0, v19;
	v17 =	vshrl.u32 v20, $0xF;
	v13 =	vand.u32 $0x7FFF, v20  }
0x1e8: {  	v15 =	vadd.f32 v14, v9;
	vm2 =	veq.s32 v17, v2;
	vm4 =	vgt.s32 v17, v2;
	v9 =	vld [tilespmem:s28+$0x4450]  }
0x1e9: {  	[tilespmem:v16+s19+$0x0] =	vst.idx.add.s32.msk vm3, v1;
	v17 =	vnsel vm4, $0x0, v20;
	v16 =	vshrl.u32 v10, $0xF;
	v14 =	vand.u32 $0x7FFF, v10  }
0x1ea: {  	v18 =	vld [tilespmem:s28+$0x4460]  }
0x1eb: {  	v19 =	vld [tilespmem:s28+$0x4470];
	_ =	sdelay $0x1  }
0x1ec: {  	vm3 =	veq.s32 v16, v2;
	v20 =	vshrl.u32 v8, $0xF  }
0x1ed: {  	vm4 =	veq.s32 v20, v2;
	v21 =	vshrl.u32 v9, $0xF  }
0x1ee: {  	v22 =	vand.u32 $0x7FFF, v8;
	vm5 =	veq.s32 v21, v2;
	v23 =	vshrl.u32 v18, $0xF  }
0x1ef: {  	[tilespmem:v12+s19+$0x0] =	vst.idx.add.s32.msk vm1, v1;
	v12 =	vand.u32 $0x7FFF, v9;
	v24 =	vshrl.u32 v19, $0xF;
	vm1 =	veq.s32 v23, v2  }
0x1f0: {  	[tilespmem:v11+s19+$0x0] =	vst.idx.add.s32.msk vm0, v1;
	v11 =	vand.u32 $0x7FFF, v18;
	vm0 =	veq.s32 v24, v2  }
0x1f1: {  	[tilespmem:v13+s19+$0x0] =	vst.idx.add.s32.msk vm2, v1;
	v13 =	vand.u32 $0x7FFF, v19  }
0x1f2: {  	[tilespmem:v14+s19+$0x0] =	vst.idx.add.s32.msk vm3, v1  }
0x1f3: {  	[tilespmem:v22+s19+$0x0] =	vst.idx.add.s32.msk vm4, v1  }
0x1f4: {  	[tilespmem:v12+s19+$0x0] =	vst.idx.add.s32.msk vm5, v1  }
0x1f5: {  	[tilespmem:v11+s19+$0x0] =	vst.idx.add.s32.msk vm1, v1  }
0x1f6: {  	s25 =	simm.s32 $0x0;
	s26 =	simm.s32 $0x0;
	[tilespmem:v13+s19+$0x0] =	vst.idx.add.s32.msk vm0, v1;
	v11 =	vadd.f32 v17, v15;
	vm0 =	vgt.s32 v16, v2  }
0x1f7: {  	[tilespmem:s18], [sflag:$0x2] =	stream.linear.gather [hbm4b:s12+s25], $0x4000, $0x38;
	v10 =	vnsel vm0, $0x0, v10;
	[tilespmem:$0x10100] =	vst v63  }
0x1f8: {  	s1 =	sand.u32 $0x3000, s26;
	s28 =	sand.u32 $0x800, s25;
	vm0 =	vgt.s32 v20, v2;
	v10 =	vadd.f32 v10, v11;
	_ =	swait.ge [sflag:s4], $0x4000  }
0x1f9: {  	s29 =	sand.u32 $0x380, s25;
	s1 =	sor.u32 s28, s1;
	v8 =	vnsel vm0, $0x0, v8;
	[sflag:s4] =	ssyncset.done $0x0  }
0x1fa: {  	s28 =	sor.u32 s29, s1;
	vm0 =	vgt.s32 v21, v2;
	v8 =	vadd.f32 v8, v10;
	[sflag:s4] =	ssyncadd.s32 $0xFFFFC000  }
0x1fb: {  	v9 =	vnsel vm0, $0x0, v9;
	v10 =	vld [tilespmem:s28+$0x0]  }
0x1fc: {  	vm0 =	vgt.s32 v23, v2;
	v8 =	vadd.f32 v9, v8  }
0x1fd: {  	v11 =	vld [tilespmem:s28+$0x10];
	v9 =	vnsel vm0, $0x0, v18  }
0x1fe: {  	v12 =	vld [tilespmem:s28+$0x20];
	vm0 =	vgt.s32 v24, v2;
	v8 =	vadd.f32 v9, v8  }
0x1ff: {  	v9 =	vnsel vm0, $0x0, v19  }
0x200: {  	v8 =	vadd.f32 v9, v8;
	v9 =	vimm.f32 $0.0e+00;
	v13 =	vshrl.u32 v10, $0xF  }
0x201: {  	v14 =	vand.u32 $0x7FFF, v10;
	vm0 =	veq.s32 v13, v2;
	vm1 =	vgt.s32 v13, v2;
	v13 =	vld [tilespmem:s28+$0x30]  }
0x202: {  	v15 =	vshrl.u32 v11, $0xF;
	v16 =	vand.u32 $0x7FFF, v11;
	v10 =	vnsel vm1, $0x0, v10  }
0x203: {  	v17 =	vand.u32 $0x7FFF, v12;
	vm2 =	vgt.s32 v15, v2;
	v9 =	vadd.f32 v10, v9;
	v10 =	vld [tilespmem:s28+$0x40]  }
0x204: {  	vm1 =	veq.s32 v15, v2;
	v11 =	vnsel vm2, $0x0, v11;
	v15 =	vshrl.u32 v12, $0xF  }
0x205: {  	vm2 =	veq.s32 v15, v2;
	vm3 =	vgt.s32 v15, v2;
	v9 =	vadd.f32 v11, v9;
	v11 =	vld [tilespmem:s28+$0x50]  }
0x206: {  	v12 =	vnsel vm3, $0x0, v12;
	v15 =	vshrl.u32 v13, $0xF;
	v18 =	vand.u32 $0x7FFF, v13  }
0x207: {  	v9 =	vadd.f32 v12, v9;
	vm3 =	veq.s32 v15, v2;
	vm11 =	vgt.s32 v15, v2;
	v12 =	vld [tilespmem:s28+$0x60]  }
0x208: {  	[tilespmem:v14+s19+$0x0] =	vst.idx.add.s32.msk vm0, v1;
	v13 =	vnsel vm11, $0x0, v13;
	v14 =	vshrl.u32 v10, $0xF;
	v15 =	vand.u32 $0x7FFF, v10  }
0x209: {  	v9 =	vadd.f32 v13, v9;
	vm0 =	veq.s32 v14, v2;
	vm12 =	vgt.s32 v14, v2;
	v13 =	vld [tilespmem:s28+$0x70]  }
0x20a: {  	[tilespmem:v16+s19+$0x0] =	vst.idx.add.s32.msk vm1, v1;
	v10 =	vnsel vm12, $0x0, v10;
	v14 =	vshrl.u32 v11, $0xF;
	v16 =	vand.u32 $0x7FFF, v11  }
0x20b: {  	v9 =	vadd.f32 v10, v9;
	vm13 =	veq.s32 v14, v2;
	vm1 =	vgt.s32 v14, v2;
	v10 =	vld [tilespmem:s28+$0x400]  }
0x20c: {  	[tilespmem:v17+s19+$0x0] =	vst.idx.add.s32.msk vm2, v1;
	v11 =	vnsel vm1, $0x0, v11;
	v14 =	vshrl.u32 v12, $0xF;
	v17 =	vand.u32 $0x7FFF, v12  }
0x20d: {  	v9 =	vadd.f32 v11, v9;
	vm2 =	veq.s32 v14, v2;
	vm1 =	vgt.s32 v14, v2;
	v14 =	vld [tilespmem:s28+$0x410]  }
0x20e: {  	[tilespmem:v18+s19+$0x0] =	vst.idx.add.s32.msk vm3, v1;
	v11 =	vnsel vm1, $0x0, v12;
	v12 =	vshrl.u32 v13, $0xF;
	v18 =	vand.u32 $0x7FFF, v13  }
0x20f: {  	v19 =	vld [tilespmem:s28+$0x420];
	v9 =	vadd.f32 v11, v9;
	vm3 =	veq.s32 v12, v2;
	vm1 =	vgt.s32 v12, v2  }
0x210: {  	[tilespmem:v15+s19+$0x0] =	vst.idx.add.s32.msk vm0, v1;
	v11 =	vnsel vm1, $0x0, v13;
	v12 =	vshrl.u32 v10, $0xF;
	v13 =	vand.u32 $0x7FFF, v10  }
0x211: {  	v9 =	vadd.f32 v11, v9;
	vm1 =	veq.s32 v12, v2;
	vm0 =	vgt.s32 v12, v2;
	v11 =	vld [tilespmem:s28+$0x430]  }
0x212: {  	[tilespmem:v16+s19+$0x0] =	vst.idx.add.s32.msk vm13, v1;
	v10 =	vnsel vm0, $0x0, v10;
	v15 =	vshrl.u32 v14, $0xF;
	v12 =	vand.u32 $0x7FFF, v14  }
0x213: {  	v10 =	vadd.f32 v10, v9;
	vm0 =	veq.s32 v15, v2;
	vm14 =	vgt.s32 v15, v2;
	v9 =	vld [tilespmem:s28+$0x440]  }
0x214: {  	[tilespmem:v17+s19+$0x0] =	vst.idx.add.s32.msk vm2, v1;
	v17 =	vshrl.u32 v19, $0xF;
	v15 =	vnsel vm14, $0x0, v14;
	v14 =	vand.u32 $0x7FFF, v19  }
0x215: {  	vm2 =	veq.s32 v17, v2;
	vm15 =	vgt.s32 v17, v2;
	v16 =	vadd.f32 v15, v10;
	v10 =	vld [tilespmem:s28+$0x450]  }
0x216: {  	s29 =	simm.s32 $0x0;
	[tilespmem:v18+s19+$0x0] =	vst.idx.add.s32.msk vm3, v1;
	v18 =	vnsel vm15, $0x0, v19;
	v17 =	vshrl.u32 v11, $0xF;
	v15 =	vand.u32 $0x7FFF, v11  }
.LBB2_16:
0x217: {  	s26 =	sadd.s32 $0x100, s26;
	v16 =	vadd.f32 v18, v16;
	vm3 =	veq.s32 v17, v2;
	vm4 =	vgt.s32 v17, v2;
	v17 =	vld [tilespmem:s28+$0x460];
	s25 =	sadd.s32 $0x800, s25  }
0x218: {  	s29 =	sadd.s32 $0x40, s29;
	s1 =	sand.u32 $0x3000, s26;
	s30 =	sand.u32 $0x800, s25;
	[tilespmem:v13+s19+$0x0] =	vst.idx.add.s32.msk vm1, v1;
	v11 =	vnsel vm4, $0x0, v11;
	v13 =	vshrl.u32 v9, $0xF;
	v18 =	vand.u32 $0x7FFF, v9  }
0x219: {  	s31 =	sand.u32 $0x380, s29;
	p0 =	slt.u32 s26, $0x3F00;
	s1 =	sor.u32 s30, s1;
	v11 =	vadd.f32 v11, v16;
	vm1 =	veq.s32 v13, v2;
	vm4 =	vgt.s32 v13, v2;
	v13 =	vld [tilespmem:s28+$0x470]  }
0x21a: {  	s28 =	sor.u32 s31, s1;
	[tilespmem:v12+s19+$0x0] =	vst.idx.add.s32.msk vm0, v1;
	v9 =	vnsel vm4, $0x0, v9;
	v12 =	vshrl.u32 v10, $0xF;
	v16 =	vand.u32 $0x7FFF, v10  }
0x21b: {  	v19 =	vld [tilespmem:s28+$0x0];
	v9 =	vadd.f32 v9, v11;
	vm0 =	veq.s32 v12, v2;
	vm4 =	vgt.s32 v12, v2  }
0x21c: {  	[tilespmem:v14+s19+$0x0] =	vst.idx.add.s32.msk vm2, v1;
	v10 =	vnsel vm4, $0x0, v10;
	v11 =	vshrl.u32 v17, $0xF;
	v12 =	vand.u32 $0x7FFF, v17  }
0x21d: {  	v14 =	vld [tilespmem:s28+$0x10];
	v9 =	vadd.f32 v10, v9;
	vm2 =	veq.s32 v11, v2;
	vm4 =	vgt.s32 v11, v2  }
0x21e: {  	[tilespmem:v15+s19+$0x0] =	vst.idx.add.s32.msk vm3, v1;
	v10 =	vnsel vm4, $0x0, v17;
	v11 =	vshrl.u32 v13, $0xF;
	v15 =	vand.u32 $0x7FFF, v13  }
0x21f: {  	v17 =	vld [tilespmem:s28+$0x20];
	v9 =	vadd.f32 v10, v9;
	vm3 =	veq.s32 v11, v2;
	vm4 =	vgt.s32 v11, v2  }
0x220: {  	v10 =	vshrl.u32 v19, $0xF;
	v11 =	vand.u32 $0x7FFF, v19;
	[tilespmem:v18+s19+$0x0] =	vst.idx.add.s32.msk vm1, v1;
	v13 =	vnsel vm4, $0x0, v13  }
0x221: {  	vm1 =	veq.s32 v10, v2;
	vm4 =	vgt.s32 v10, v2;
	v10 =	vld [tilespmem:s28+$0x30];
	v9 =	vadd.f32 v13, v9  }
0x222: {  	v13 =	vnsel vm4, $0x0, v19;
	v18 =	vshrl.u32 v14, $0xF;
	v19 =	vand.u32 $0x7FFF, v14;
	[tilespmem:v16+s19+$0x0] =	vst.idx.add.s32.msk vm0, v1  }
0x223: {  	v9 =	vadd.f32 v13, v9;
	vm0 =	veq.s32 v18, v2;
	vm4 =	vgt.s32 v18, v2;
	v13 =	vld [tilespmem:s28+$0x40]  }
0x224: {  	v14 =	vnsel vm4, $0x0, v14;
	v16 =	vshrl.u32 v17, $0xF;
	v18 =	vand.u32 $0x7FFF, v17;
	[tilespmem:v12+s19+$0x0] =	vst.idx.add.s32.msk vm2, v1  }
0x225: {  	v9 =	vadd.f32 v14, v9;
	vm2 =	veq.s32 v16, v2;
	vm4 =	vgt.s32 v16, v2;
	v12 =	vld [tilespmem:s28+$0x50]  }
0x226: {  	v14 =	vnsel vm4, $0x0, v17;
	v16 =	vshrl.u32 v10, $0xF;
	v17 =	vand.u32 $0x7FFF, v10;
	[tilespmem:v15+s19+$0x0] =	vst.idx.add.s32.msk vm3, v1  }
0x227: {  	v9 =	vadd.f32 v14, v9;
	vm3 =	veq.s32 v16, v2;
	vm4 =	vgt.s32 v16, v2;
	v14 =	vld [tilespmem:s28+$0x60]  }
0x228: {  	[tilespmem:v11+s19+$0x0] =	vst.idx.add.s32.msk vm1, v1;
	v10 =	vnsel vm4, $0x0, v10;
	v11 =	vshrl.u32 v13, $0xF;
	v15 =	vand.u32 $0x7FFF, v13  }
0x229: {  	v9 =	vadd.f32 v10, v9;
	vm1 =	veq.s32 v11, v2;
	vm4 =	vgt.s32 v11, v2;
	v10 =	vld [tilespmem:s28+$0x70]  }
0x22a: {  	[tilespmem:v19+s19+$0x0] =	vst.idx.add.s32.msk vm0, v1;
	v11 =	vnsel vm4, $0x0, v13;
	v13 =	vshrl.u32 v12, $0xF;
	v16 =	vand.u32 $0x7FFF, v12  }
0x22b: {  	v9 =	vadd.f32 v11, v9;
	vm0 =	veq.s32 v13, v2;
	vm4 =	vgt.s32 v13, v2;
	v19 =	vld [tilespmem:s28+$0x400]  }
0x22c: {  	[tilespmem:v18+s19+$0x0] =	vst.idx.add.s32.msk vm2, v1;
	v11 =	vnsel vm4, $0x0, v12;
	v12 =	vshrl.u32 v14, $0xF;
	v18 =	vand.u32 $0x7FFF, v14  }
0x22d: {  	v9 =	vadd.f32 v11, v9;
	vm2 =	veq.s32 v12, v2;
	vm4 =	vgt.s32 v12, v2;
	v20 =	vld [tilespmem:s28+$0x410]  }
0x22e: {  	[tilespmem:v17+s19+$0x0] =	vst.idx.add.s32.msk vm3, v1;
	v11 =	vnsel vm4, $0x0, v14;
	v12 =	vshrl.u32 v10, $0xF;
	v17 =	vand.u32 $0x7FFF, v10  }
0x22f: {  	v9 =	vadd.f32 v11, v9;
	vm3 =	veq.s32 v12, v2;
	vm4 =	vgt.s32 v12, v2;
	v21 =	vld [tilespmem:s28+$0x420]  }
0x230: {  	[tilespmem:v15+s19+$0x0] =	vst.idx.add.s32.msk vm1, v1;
	v10 =	vnsel vm4, $0x0, v10;
	v11 =	vshrl.u32 v19, $0xF;
	v13 =	vand.u32 $0x7FFF, v19  }
0x231: {  	v9 =	vadd.f32 v10, v9;
	vm1 =	veq.s32 v11, v2;
	vm4 =	vgt.s32 v11, v2;
	v11 =	vld [tilespmem:s28+$0x430]  }
.Ltmp7:
0x232: {  	[tilespmem:v16+s19+$0x0] =	vst.idx.add.s32.msk vm0, v1;
	v10 =	vnsel vm4, $0x0, v19;
	v14 =	vshrl.u32 v20, $0xF;
	v12 =	vand.u32 $0x7FFF, v20;
	(pc) =	sbr.rel @p0 .LBB2_16-.Ltmp7, $4  }
0x233: {  	v10 =	vadd.f32 v10, v9;
	vm0 =	veq.s32 v14, v2;
	vm4 =	vgt.s32 v14, v2;
	v9 =	vld [tilespmem:s28+$0x440]  }
0x234: {  	[tilespmem:v18+s19+$0x0] =	vst.idx.add.s32.msk vm2, v1;
	v15 =	vnsel vm4, $0x0, v20;
	v18 =	vshrl.u32 v21, $0xF;
	v14 =	vand.u32 $0x7FFF, v21  }
0x235: {  	v16 =	vadd.f32 v15, v10;
	vm2 =	veq.s32 v18, v2;
	vm4 =	vgt.s32 v18, v2;
	v10 =	vld [tilespmem:s28+$0x450]  }
0x236: {  	[tilespmem:v17+s19+$0x0] =	vst.idx.add.s32.msk vm3, v1;
	v18 =	vnsel vm4, $0x0, v21;
	v17 =	vshrl.u32 v11, $0xF;
	v15 =	vand.u32 $0x7FFF, v11  }
0x237: {  	v19 =	vld [tilespmem:s28+$0x460]  }
0x238: {  	v20 =	vld [tilespmem:s28+$0x470];
	_ =	sdelay $0x1  }
0x239: {  	vm3 =	veq.s32 v17, v2;
	v21 =	vshrl.u32 v9, $0xF  }
0x23a: {  	vm4 =	veq.s32 v21, v2;
	v22 =	vshrl.u32 v10, $0xF  }
0x23b: {  	v23 =	vand.u32 $0x7FFF, v9;
	vm5 =	veq.s32 v22, v2;
	v24 =	vshrl.u32 v19, $0xF  }
0x23c: {  	[tilespmem:v13+s19+$0x0] =	vst.idx.add.s32.msk vm1, v1;
	v13 =	vand.u32 $0x7FFF, v10;
	v25 =	vshrl.u32 v20, $0xF;
	vm1 =	veq.s32 v24, v2  }
0x23d: {  	[tilespmem:v12+s19+$0x0] =	vst.idx.add.s32.msk vm0, v1;
	v12 =	vand.u32 $0x7FFF, v19;
	vm0 =	veq.s32 v25, v2  }
0x23e: {  	[tilespmem:v14+s19+$0x0] =	vst.idx.add.s32.msk vm2, v1;
	v14 =	vand.u32 $0x7FFF, v20  }
0x23f: {  	[tilespmem:v15+s19+$0x0] =	vst.idx.add.s32.msk vm3, v1  }
0x240: {  	[tilespmem:v23+s19+$0x0] =	vst.idx.add.s32.msk vm4, v1  }
0x241: {  	[tilespmem:v13+s19+$0x0] =	vst.idx.add.s32.msk vm5, v1  }
0x242: {  	vm2 =	vgt.s32 v17, v2;
	v13 =	vadd.f32 v18, v16;
	[tilespmem:v12+s19+$0x0] =	vst.idx.add.s32.msk vm1, v1  }
0x243: {  	s25 =	simm.s32 $0x0;
	s26 =	simm.s32 $0x0;
	v11 =	vnsel vm2, $0x0, v11;
	[tilespmem:v14+s19+$0x0] =	vst.idx.add.s32.msk vm0, v1  }
0x244: {  	s1 =	sand.u32 $0x3000, s26;
	s28 =	sand.u32 $0x800, s25;
	v11 =	vadd.f32 v11, v13;
	vm0 =	vgt.s32 v21, v2;
	_ =	swait.ge [sflag:s20], $0x4000  }
0x245: {  	s29 =	sand.u32 $0x380, s25;
	s1 =	sor.u32 s28, s1;
	v9 =	vnsel vm0, $0x0, v9;
	[sflag:s20] =	ssyncset.done $0x0  }
0x246: {  	s28 =	sor.u32 s29, s1;
	vm0 =	vgt.s32 v22, v2;
	v9 =	vadd.f32 v9, v11;
	[sflag:s20] =	ssyncadd.s32 $0xFFFFC000  }
0x247: {  	v10 =	vnsel vm0, $0x0, v10;
	v11 =	vld [tilespmem:s28+$0x4000]  }
0x248: {  	vm0 =	vgt.s32 v24, v2;
	v9 =	vadd.f32 v10, v9  }
0x249: {  	v10 =	vnsel vm0, $0x0, v19;
	v12 =	vld [tilespmem:s28+$0x4010]  }
0x24a: {  	vm0 =	vgt.s32 v25, v2;
	v13 =	vld [tilespmem:s28+$0x4020];
	v9 =	vadd.f32 v10, v9  }
0x24b: {  	v10 =	vnsel vm0, $0x0, v20  }
0x24c: {  	v9 =	vadd.f32 v10, v9;
	v10 =	vimm.f32 $0.0e+00;
	v14 =	vshrl.u32 v11, $0xF  }
0x24d: {  	v15 =	vand.u32 $0x7FFF, v11;
	vm0 =	veq.s32 v14, v2;
	vm1 =	vgt.s32 v14, v2;
	v14 =	vld [tilespmem:s28+$0x4030]  }
0x24e: {  	v16 =	vshrl.u32 v12, $0xF;
	v17 =	vand.u32 $0x7FFF, v12;
	v11 =	vnsel vm1, $0x0, v11  }
0x24f: {  	v18 =	vand.u32 $0x7FFF, v13;
	vm2 =	vgt.s32 v16, v2;
	v10 =	vadd.f32 v11, v10;
	v11 =	vld [tilespmem:s28+$0x4040]  }
0x250: {  	vm1 =	veq.s32 v16, v2;
	v12 =	vnsel vm2, $0x0, v12;
	v16 =	vshrl.u32 v13, $0xF  }
0x251: {  	vm2 =	veq.s32 v16, v2;
	vm3 =	vgt.s32 v16, v2;
	v10 =	vadd.f32 v12, v10;
	v12 =	vld [tilespmem:s28+$0x4050]  }
0x252: {  	v13 =	vnsel vm3, $0x0, v13;
	v16 =	vshrl.u32 v14, $0xF;
	v19 =	vand.u32 $0x7FFF, v14  }
0x253: {  	v10 =	vadd.f32 v13, v10;
	vm3 =	veq.s32 v16, v2;
	vm11 =	vgt.s32 v16, v2;
	v13 =	vld [tilespmem:s28+$0x4060]  }
0x254: {  	[tilespmem:v15+s19+$0x0] =	vst.idx.add.s32.msk vm0, v1;
	v14 =	vnsel vm11, $0x0, v14;
	v15 =	vshrl.u32 v11, $0xF;
	v16 =	vand.u32 $0x7FFF, v11  }
0x255: {  	v10 =	vadd.f32 v14, v10;
	vm0 =	veq.s32 v15, v2;
	vm12 =	vgt.s32 v15, v2;
	v14 =	vld [tilespmem:s28+$0x4070]  }
0x256: {  	[tilespmem:v17+s19+$0x0] =	vst.idx.add.s32.msk vm1, v1;
	v11 =	vnsel vm12, $0x0, v11;
	v15 =	vshrl.u32 v12, $0xF;
	v17 =	vand.u32 $0x7FFF, v12  }
0x257: {  	v10 =	vadd.f32 v11, v10;
	vm13 =	veq.s32 v15, v2;
	vm1 =	vgt.s32 v15, v2;
	v15 =	vld [tilespmem:s28+$0x4400]  }
0x258: {  	[tilespmem:v18+s19+$0x0] =	vst.idx.add.s32.msk vm2, v1;
	v11 =	vnsel vm1, $0x0, v12;
	v12 =	vshrl.u32 v13, $0xF;
	v18 =	vand.u32 $0x7FFF, v13  }
0x259: {  	v10 =	vadd.f32 v11, v10;
	vm2 =	veq.s32 v12, v2;
	vm1 =	vgt.s32 v12, v2;
	v12 =	vld [tilespmem:s28+$0x4410]  }
0x25a: {  	[tilespmem:v19+s19+$0x0] =	vst.idx.add.s32.msk vm3, v1;
	v11 =	vnsel vm1, $0x0, v13;
	v13 =	vshrl.u32 v14, $0xF;
	v19 =	vand.u32 $0x7FFF, v14  }
0x25b: {  	v10 =	vadd.f32 v11, v10;
	vm3 =	veq.s32 v13, v2;
	vm1 =	vgt.s32 v13, v2;
	v13 =	vld [tilespmem:s28+$0x4420]  }
0x25c: {  	[tilespmem:v16+s19+$0x0] =	vst.idx.add.s32.msk vm0, v1;
	v14 =	vnsel vm1, $0x0, v14;
	v16 =	vshrl.u32 v15, $0xF;
	v11 =	vand.u32 $0x7FFF, v15  }
0x25d: {  	v14 =	vadd.f32 v14, v10;
	vm1 =	veq.s32 v16, v2;
	vm0 =	vgt.s32 v16, v2;
	v16 =	vld [tilespmem:s28+$0x4430]  }
0x25e: {  	[tilespmem:v17+s19+$0x0] =	vst.idx.add.s32.msk vm13, v1;
	v15 =	vnsel vm0, $0x0, v15;
	v17 =	vshrl.u32 v12, $0xF;
	v10 =	vand.u32 $0x7FFF, v12  }
0x25f: {  	v14 =	vadd.f32 v15, v14;
	vm0 =	veq.s32 v17, v2;
	vm14 =	vgt.s32 v17, v2;
	v15 =	vld [tilespmem:s28+$0x4440]  }
0x260: {  	[tilespmem:v18+s19+$0x0] =	vst.idx.add.s32.msk vm2, v1;
	v17 =	vnsel vm14, $0x0, v12;
	v18 =	vshrl.u32 v13, $0xF;
	v12 =	vand.u32 $0x7FFF, v13  }
0x261: {  	v17 =	vadd.f32 v17, v14;
	vm2 =	veq.s32 v18, v2;
	vm15 =	vgt.s32 v18, v2;
	v14 =	vld [tilespmem:s28+$0x4450]  }
0x262: {  	s29 =	simm.s32 $0x0;
	[tilespmem:v19+s19+$0x0] =	vst.idx.add.s32.msk vm3, v1;
	v19 =	vnsel vm15, $0x0, v13;
	v18 =	vshrl.u32 v16, $0xF;
	v13 =	vand.u32 $0x7FFF, v16  }
.LBB2_18:
0x263: {  	s26 =	sadd.s32 $0x100, s26;
	v17 =	vadd.f32 v19, v17;
	vm3 =	veq.s32 v18, v2;
	vm4 =	vgt.s32 v18, v2;
	v18 =	vld [tilespmem:s28+$0x4460];
	s25 =	sadd.s32 $0x800, s25  }
0x264: {  	s29 =	sadd.s32 $0x40, s29;
	s1 =	sand.u32 $0x3000, s26;
	s30 =	sand.u32 $0x800, s25;
	[tilespmem:v11+s19+$0x0] =	vst.idx.add.s32.msk vm1, v1;
	v11 =	vnsel vm4, $0x0, v16;
	v16 =	vshrl.u32 v15, $0xF;
	v19 =	vand.u32 $0x7FFF, v15  }
0x265: {  	s31 =	sand.u32 $0x380, s29;
	p0 =	slt.u32 s26, $0x3F00;
	s1 =	sor.u32 s30, s1;
	v11 =	vadd.f32 v11, v17;
	vm1 =	veq.s32 v16, v2;
	vm4 =	vgt.s32 v16, v2;
	v16 =	vld [tilespmem:s28+$0x4470]  }
0x266: {  	s28 =	sor.u32 s31, s1;
	[tilespmem:v10+s19+$0x0] =	vst.idx.add.s32.msk vm0, v1;
	v10 =	vnsel vm4, $0x0, v15;
	v15 =	vshrl.u32 v14, $0xF;
	v17 =	vand.u32 $0x7FFF, v14  }
0x267: {  	v20 =	vld [tilespmem:s28+$0x4000];
	v10 =	vadd.f32 v10, v11;
	vm0 =	veq.s32 v15, v2;
	vm4 =	vgt.s32 v15, v2  }
0x268: {  	[tilespmem:v12+s19+$0x0] =	vst.idx.add.s32.msk vm2, v1;
	v11 =	vnsel vm4, $0x0, v14;
	v12 =	vshrl.u32 v18, $0xF;
	v14 =	vand.u32 $0x7FFF, v18  }
0x269: {  	v15 =	vld [tilespmem:s28+$0x4010];
	v10 =	vadd.f32 v11, v10;
	vm2 =	veq.s32 v12, v2;
	vm4 =	vgt.s32 v12, v2  }
0x26a: {  	[tilespmem:v13+s19+$0x0] =	vst.idx.add.s32.msk vm3, v1;
	v11 =	vnsel vm4, $0x0, v18;
	v12 =	vshrl.u32 v16, $0xF;
	v13 =	vand.u32 $0x7FFF, v16  }
0x26b: {  	v18 =	vld [tilespmem:s28+$0x4020];
	v10 =	vadd.f32 v11, v10;
	vm3 =	veq.s32 v12, v2;
	vm4 =	vgt.s32 v12, v2  }
0x26c: {  	v11 =	vshrl.u32 v20, $0xF;
	v12 =	vand.u32 $0x7FFF, v20;
	[tilespmem:v19+s19+$0x0] =	vst.idx.add.s32.msk vm1, v1;
	v16 =	vnsel vm4, $0x0, v16  }
0x26d: {  	vm1 =	veq.s32 v11, v2;
	vm4 =	vgt.s32 v11, v2;
	v11 =	vld [tilespmem:s28+$0x4030];
	v10 =	vadd.f32 v16, v10  }
0x26e: {  	v16 =	vnsel vm4, $0x0, v20;
	v19 =	vshrl.u32 v15, $0xF;
	v20 =	vand.u32 $0x7FFF, v15;
	[tilespmem:v17+s19+$0x0] =	vst.idx.add.s32.msk vm0, v1  }
0x26f: {  	v10 =	vadd.f32 v16, v10;
	vm0 =	veq.s32 v19, v2;
	vm4 =	vgt.s32 v19, v2;
	v16 =	vld [tilespmem:s28+$0x4040]  }
0x270: {  	v15 =	vnsel vm4, $0x0, v15;
	v17 =	vshrl.u32 v18, $0xF;
	v19 =	vand.u32 $0x7FFF, v18;
	[tilespmem:v14+s19+$0x0] =	vst.idx.add.s32.msk vm2, v1  }
0x271: {  	v10 =	vadd.f32 v15, v10;
	vm2 =	veq.s32 v17, v2;
	vm4 =	vgt.s32 v17, v2;
	v14 =	vld [tilespmem:s28+$0x4050]  }
0x272: {  	v15 =	vnsel vm4, $0x0, v18;
	v17 =	vshrl.u32 v11, $0xF;
	v18 =	vand.u32 $0x7FFF, v11;
	[tilespmem:v13+s19+$0x0] =	vst.idx.add.s32.msk vm3, v1  }
0x273: {  	v10 =	vadd.f32 v15, v10;
	vm3 =	veq.s32 v17, v2;
	vm4 =	vgt.s32 v17, v2;
	v13 =	vld [tilespmem:s28+$0x4060]  }
0x274: {  	[tilespmem:v12+s19+$0x0] =	vst.idx.add.s32.msk vm1, v1;
	v11 =	vnsel vm4, $0x0, v11;
	v12 =	vshrl.u32 v16, $0xF;
	v15 =	vand.u32 $0x7FFF, v16  }
0x275: {  	v10 =	vadd.f32 v11, v10;
	vm1 =	veq.s32 v12, v2;
	vm4 =	vgt.s32 v12, v2;
	v11 =	vld [tilespmem:s28+$0x4070]  }
0x276: {  	[tilespmem:v20+s19+$0x0] =	vst.idx.add.s32.msk vm0, v1;
	v12 =	vnsel vm4, $0x0, v16;
	v16 =	vshrl.u32 v14, $0xF;
	v17 =	vand.u32 $0x7FFF, v14  }
0x277: {  	v10 =	vadd.f32 v12, v10;
	vm0 =	veq.s32 v16, v2;
	vm4 =	vgt.s32 v16, v2;
	v12 =	vld [tilespmem:s28+$0x4400]  }
0x278: {  	[tilespmem:v19+s19+$0x0] =	vst.idx.add.s32.msk vm2, v1;
	v14 =	vnsel vm4, $0x0, v14;
	v16 =	vshrl.u32 v13, $0xF;
	v19 =	vand.u32 $0x7FFF, v13  }
0x279: {  	v10 =	vadd.f32 v14, v10;
	vm2 =	veq.s32 v16, v2;
	vm4 =	vgt.s32 v16, v2;
	v14 =	vld [tilespmem:s28+$0x4410]  }
0x27a: {  	[tilespmem:v18+s19+$0x0] =	vst.idx.add.s32.msk vm3, v1;
	v13 =	vnsel vm4, $0x0, v13;
	v16 =	vshrl.u32 v11, $0xF;
	v18 =	vand.u32 $0x7FFF, v11  }
0x27b: {  	v10 =	vadd.f32 v13, v10;
	vm3 =	veq.s32 v16, v2;
	vm4 =	vgt.s32 v16, v2;
	v13 =	vld [tilespmem:s28+$0x4420]  }
0x27c: {  	[tilespmem:v15+s19+$0x0] =	vst.idx.add.s32.msk vm1, v1;
	v15 =	vnsel vm4, $0x0, v11;
	v16 =	vshrl.u32 v12, $0xF;
	v11 =	vand.u32 $0x7FFF, v12  }
0x27d: {  	v15 =	vadd.f32 v15, v10;
	vm1 =	veq.s32 v16, v2;
	vm4 =	vgt.s32 v16, v2;
	v16 =	vld [tilespmem:s28+$0x4430]  }
.Ltmp8:
0x27e: {  	[tilespmem:v17+s19+$0x0] =	vst.idx.add.s32.msk vm0, v1;
	v12 =	vnsel vm4, $0x0, v12;
	v17 =	vshrl.u32 v14, $0xF;
	v10 =	vand.u32 $0x7FFF, v14;
	(pc) =	sbr.rel @p0 .LBB2_18-.Ltmp8, $4  }
0x27f: {  	v20 =	vadd.f32 v12, v15;
	vm0 =	veq.s32 v17, v2;
	vm4 =	vgt.s32 v17, v2;
	v15 =	vld [tilespmem:s28+$0x4440]  }
0x280: {  	[tilespmem:v19+s19+$0x0] =	vst.idx.add.s32.msk vm2, v1;
	v14 =	vnsel vm4, $0x0, v14;
	v19 =	vshrl.u32 v13, $0xF;
	v12 =	vand.u32 $0x7FFF, v13  }
0x281: {  	v17 =	vadd.f32 v14, v20;
	vm2 =	veq.s32 v19, v2;
	vm4 =	vgt.s32 v19, v2;
	v14 =	vld [tilespmem:s28+$0x4450]  }
0x282: {  	[tilespmem:v18+s19+$0x0] =	vst.idx.add.s32.msk vm3, v1;
	v19 =	vnsel vm4, $0x0, v13;
	v18 =	vshrl.u32 v16, $0xF;
	v13 =	vand.u32 $0x7FFF, v16  }
0x283: {  	v17 =	vadd.f32 v19, v17;
	vm3 =	vgt.s32 v18, v2;
	v51 =	vld [tilespmem:s28+$0x4460]  }
0x284: {  	vm4 =	veq.s32 v18, v2;
	v20 =	vld [tilespmem:s28+$0x4470];
	v3 =	vadd.f32 $0.0e+00, v3;
	v16 =	vnsel vm3, $0x0, v16  }
0x285: {  	v52 =	vshrl.u32 v15, $0xF;
	v53 =	vand.u32 $0x7FFF, v15;
	v16 =	vadd.f32 v16, v17  }
0x286: {  	vm10 =	vgt.s32 v52, v2;
	vm5 =	veq.s32 v52, v2;
	v3 =	vadd.f32 v4, v3  }
0x287: {  	v54 =	vnsel vm10, $0x0, v15;
	v55 =	vshrl.u32 v14, $0xF;
	v56 =	vand.u32 $0x7FFF, v14  }
0x288: {  	v15 =	vadd.f32 v54, v16;
	vm11 =	veq.s32 v55, v2;
	v57 =	vshrl.u32 v51, $0xF  }
0x289: {  	[tilespmem:v11+s19+$0x0] =	vst.idx.add.s32.msk vm1, v1;
	v3 =	vadd.f32 v5, v3;
	v58 =	vshrl.u32 v20, $0xF;
	vm12 =	veq.s32 v57, v2  }
0x28a: {  	[tilespmem:v10+s19+$0x0] =	vst.idx.add.s32.msk vm0, v1;
	vm13 =	vgt.s32 v55, v2;
	v59 =	vand.u32 $0x7FFF, v51;
	vm6 =	veq.s32 v58, v2  }
0x28b: {  	[tilespmem:v12+s19+$0x0] =	vst.idx.add.s32.msk vm2, v1;
	v60 =	vnsel vm13, $0x0, v14;
	v61 =	vand.u32 $0x7FFF, v20;
	v3 =	vadd.f32 v6, v3  }
0x28c: {  	v62 =	vadd.f32 v60, v15;
	[tilespmem:v13+s19+$0x0] =	vst.idx.add.s32.msk vm4, v1  }
0x28d: {  	vm14 =	vgt.s32 v57, v2;
	[tilespmem:v53+s19+$0x0] =	vst.idx.add.s32.msk vm5, v1;
	v3 =	vadd.f32 v7, v3  }
0x28e: {  	vm15 =	vgt.s32 v58, v2;
	v63 =	vnsel vm14, $0x0, v51;
	[tilespmem:v56+s19+$0x0] =	vst.idx.add.s32.msk vm11, v1  }
0x28f: {  	v6 =	vadd.f32 v63, v62;
	v2 =	vadd.f32 v8, v3;
	[tilespmem:v59+s19+$0x0] =	vst.idx.add.s32.msk vm12, v1  }
0x290: {  	v3 =	vnsel vm15, $0x0, v20;
	[tilespmem:v61+s19+$0x0] =	vst.idx.add.s32.msk vm6, v1  }
0x291: {  	v3 =	vadd.f32 v3, v6;
	v2 =	vadd.f32 v9, v2;
	[hbm4b:s13+s21] =	stream.strided.scatter [tilespmem:s19], [sflag:$0x3], $0x8000, s22, s21, $0x38;
	[tilespmem:$0x10100] =	vst v63  }
0x292: {  	_ =	swait.ge [sflag:s17], $0x8000  }
0x293: {  	s24 =	sadd.s32 $0x1, s24;
	v2 =	vadd.f32 v3, v2;
	[sflag:s17] =	ssyncset.done $0x0  }
0x294: {  	p0 =	sne.s32 s24, s15;
	[sflag:s17] =	ssyncadd.s32 $0xFFFF8000  }
.Ltmp9:
0x295: {  	[tilespmem:$0x10080] =	vst v2;
	(pc) =	sbr.rel @p0 .LBB2_1-.Ltmp9, $4  }
0x296: {  	[hbm4b:s14+s3] =	stream.linear.scatter [tilespmem:s23], [sflag:$0x3], $0x80, $0x38;
	[tilespmem:$0x10100] =	vst v63  }
0x297: {  	_ =	swait.ge [sflag:s17], $0x80  }
0x298: {  	[sflag:s17] =	ssyncset.done $0x0  }
0x299: {  	[sflag:s17] =	ssyncadd.s32 $0xFFFFFF80  }
0x29a: {  	_ =	sfence.sel $0x180000  }
0x29b: {  	[bflag:$0x0] =	sbarrier.arrive $0xFFFF  }
0x29c: {  	_ =	strace $0x9000004A  }
0x29d: {  	[bflag:$0x2] =	sbarrier.arrive $0xFFFF  }
0x29e: {  	p0 =	sne.s32 s0, $0x0;
	s0 =	rddreg [dreg:$0x2]  }
0x29f: {  	s0 =	sadd.s32 @!p0 $0x100000, s0  }
0x2a0: {  	[sflag:s0] =	ssyncadd.tile.s32 @!p0 $0x1;
	_ =	shalt  }
.Lfunc_end2:
_tile_overlayer_lowered:
.L_overlay_start_2:
0x2a1: {  	(tag) =	ssettag $0x2  }
0x2a2: {  	s0 =	rddreg [dreg:$0x0];
	s2 =	stileid.u32  }
0x2a3: {  	s1 =	rddreg [dreg:$0x1];
	p0 =	sne.s32 s2, $0x0  }
0x2a4: {  	s3 =	rddreg [dreg:$0x2];
	[bflag:$0x3] =	sbarrier.arrive $0xFFFF;
	s2 =	simm.s32 @!p0 $0x1C03  }
0x2a5: {  	[timem:s3], [sflag:s2] =	dma.local @!p0 [hbm:s0], s1  }
0x2a6: {  	s0 =	simm.s32 @!p0 $0x3  }
0x2a7: {  	_ =	swait.ge @!p0 [sflag:s0], s1  }
0x2a8: {  	s1 =	ssub.s32 @!p0 $0x0, s1;
	[sflag:s0] =	ssyncset.done @!p0 $0x0  }
0x2a9: {  	[sflag:s0] =	ssyncadd.s32 @!p0 s1  }
0x2aa: {  	[bflag:$0x3] =	sbarrier.arrive $0xFFFF  }
0x2ab: {  	_ =	shalt  }

// kernel: kernel.7.cloned.1.call-start
scs
__scs_entry_jumppad:
0x0: {  	(pc) =	sbr.rel $0x88, $3  }
0x1: {  	(tag) =	ssettag $0x0;
	lr =	simm.s32 $0x1  }
0x2: {  	[smem:$0x3F9F] =	sst lr;
	_ =	strace $0xD0000000  }
0x3: {  	_ = 	snop  }
0x4: {  	_ = 	snop  }
0x5: {  	_ = 	snop  }
0x6: {  	_ = 	snop  }
0x7: {  	_ = 	snop  }
__scs_overlays_trampoline_lowered:
0x8: {  	[smem:$0x3FAE] =	sst s0  }
0x9: {  	[smem:$0x3FAF] =	sst s1  }
0xa: {  	[smem:$0x3FB0] =	sst s2  }
0xb: {  	[smem:$0x3FB1] =	sst s3  }
0xc: {  	[smem:$0x3FB2] =	sst s4  }
0xd: {  	[smem:$0x3FB3] =	sst s5  }
0xe: {  	[smem:$0x3FB4] =	sst s6  }
0xf: {  	[smem:$0x3FB5] =	sst s7  }
0x10: {  	[smem:$0x3FB6] =	sst s8  }
0x11: {  	[smem:$0x3FB7] =	sst s9;
	s0 =	simm.s32 @!p0 $0x0  }
0x12: {  	s1 =	sld [smem:$0x3F9D];
	s0 =	simm.s32 @p0 $0x1  }
0x13: {  	[smem:$0x3FB8] =	sst s0;
	s0 =	simm.s32 @!p1 $0x0  }
0x14: {  	s2 =	sld [smem:$0x3F9C];
	s0 =	simm.s32 @p1 $0x1  }
0x15: {  	[smem:$0x3FB9] =	sst s0;
	s0 =	simm.s32 @!p2 $0x0  }
0x16: {  	s3 =	sld [smem:$0x3FDB];
	s0 =	simm.s32 @p2 $0x1  }
0x17: {  	s4 =	simm.s32 $0x1BF5;
	[smem:$0x3FBB] =	sst s0  }
0x18: {  	s0 =	sld [smem:$0x3F9E];
	_ =	swait.ge [sflag:s4], $0x0  }
0x19: {  	s7 =	sld [smem:$0x3F9F]  }
0x1a: {  	s8 =	sadd.s32 $0xFFFFE003, lr  }
0x1b: {  	s9 =	sadd.s32 $0xFFFFFEF7, lr;
	s5 =	simm.s32 $0xFFFFFFFF;
	p2 =	slt.u32 s8, $0xFFFFF086  }
0x1c: {  	p1 =	slt.u32 s9, $0xF7A;
	s5 =	simm.s32 @!p2 $0x0  }
0x1d: {  	s5 =	simm.s32 @p1 $0x1;
	p0 =	seq.s32 s7, s2  }
0x1e: {  	s7 =	smul.u32 @!p0 $0xF7A, s2;
	p2 =	seq.s32 @!p0 s5, $0x0  }
0x1f: {  	s9 =	smul.u32 $0xF7A, s1;
	s8 =	simm.s32 @!p0 $0x1BF5;
	p2 =	por !p2, p0  }
0x20: {  	[sflag:s8] =	ssyncset.s32 @!p0 $0xFFFFF086;
	s6 =	sadd.s32 @!p0 s3, s7;
	s7 =	simm.s32 @!p0 $0x108  }
0x21: {  	s3 =	sadd.s32 s3, s9;
	s6 =	sadd.s32 @!p0 $0x88, s6;
	s7 =	simm.s32 @p2 $0x1082  }
0x22: {  	[simem:s7], [sflag:s8] =	dma.local @!p0 [hbm:s6], $0xF7A  }
0x23: {  	s9 =	sor.u32 $0xD0000000, s2;
	s6 =	simm.s32 $0x108;
	_ =	swait.ge @!p0 [sflag:s8], $0x0  }
0x24: {  	s3 =	sadd.s32 $0x88, s3;
	s6 =	simm.s32 @!p1 $0x1082;
	[sflag:s4] =	ssyncset.s32 $0xFFFFF086  }
0x25: {  	[simem:s6], [sflag:s4] =	dma.local [hbm:s3], $0xF7A  }
0x26: {  	[smem:$0x3F9F] =	sst s1;
	(tag) =	ssettag s2;
	_ =	strace s9  }
0x27: {  	s1 =	sld [smem:$0x3FAF]  }
0x28: {  	s2 =	sld [smem:$0x3FB0]  }
0x29: {  	s4 =	sld [smem:$0x3FB2]  }
0x2a: {  	p0 =	seq.s32 s5, $0x0;
	s5 =	sld [smem:$0x3FB3]  }
0x2b: {  	s6 =	sld [smem:$0x3FB4]  }
0x2c: {  	s7 =	sld [smem:$0x3FB5]  }
0x2d: {  	s3 =	simm.s32 $0x108;
	s8 =	sld [smem:$0x3FB6]  }
0x2e: {  	s3 =	simm.s32 @!p0 $0x1082;
	s9 =	sld [smem:$0x3FB7]  }
0x2f: {  	lr =	sadd.s32 s0, s3;
	s0 =	sld [smem:$0x3FAE]  }
0x30: {  	s3 =	sld [smem:$0x3FB1]  }
0x31: {  	[smem:$0x3FBA] =	sst s10  }
0x32: {  	s10 =	sld [smem:$0x3FB8];
	_ =	sdelay $0x3  }
0x33: {  	p0 =	seq.s32 s10, $0x1;
	s10 =	sld [smem:$0x3FBA];
	_ =	sdelay $0x3  }
0x34: {  	[smem:$0x3FBA] =	sst s10  }
0x35: {  	s10 =	sld [smem:$0x3FB9];
	_ =	sdelay $0x3  }
0x36: {  	p1 =	seq.s32 s10, $0x1;
	s10 =	sld [smem:$0x3FBA];
	_ =	sdelay $0x3  }
0x37: {  	[smem:$0x3FBA] =	sst s10  }
0x38: {  	s10 =	sld [smem:$0x3FBB]  }
0x39: {  	_ = 	snop;
	(pc) =	sbr.ind lr, $3  }
0x3a: {  	_ = 	snop  }
0x3b: {  	_ = 	snop  }
0x3c: {  	p2 =	seq.s32 s10, $0x1;
	s10 =	sld [smem:$0x3FBA]  }
0x3d: {  	_ =	shalt  }
0x3e: {  	_ =	shalt  }
0x3f: {  	_ =	shalt  }
0x40: {  	_ =	shalt  }
0x41: {  	_ =	shalt  }
0x42: {  	_ =	shalt  }
0x43: {  	_ =	shalt  }
0x44: {  	_ =	shalt  }
0x45: {  	_ =	shalt  }
0x46: {  	_ =	shalt  }
0x47: {  	_ =	shalt  }
0x48: {  	_ =	shalt  }
0x49: {  	_ =	shalt  }
0x4a: {  	_ =	shalt  }
0x4b: {  	_ =	shalt  }
0x4c: {  	_ =	shalt  }
0x4d: {  	_ =	shalt  }
0x4e: {  	_ =	shalt  }
0x4f: {  	_ =	shalt  }
0x50: {  	_ =	shalt  }
0x51: {  	_ =	shalt  }
0x52: {  	_ =	shalt  }
0x53: {  	_ =	shalt  }
0x54: {  	_ =	shalt  }
0x55: {  	_ =	shalt  }
0x56: {  	_ =	shalt  }
0x57: {  	_ =	shalt  }
0x58: {  	_ =	shalt  }
0x59: {  	_ =	shalt  }
0x5a: {  	_ =	shalt  }
0x5b: {  	_ =	shalt  }
0x5c: {  	_ =	shalt  }
0x5d: {  	_ =	shalt  }
0x5e: {  	_ =	shalt  }
0x5f: {  	_ =	shalt  }
0x60: {  	_ =	shalt  }
0x61: {  	_ =	shalt  }
0x62: {  	_ =	shalt  }
0x63: {  	_ =	shalt  }
0x64: {  	_ =	shalt  }
0x65: {  	_ =	shalt  }
0x66: {  	_ =	shalt  }
0x67: {  	_ =	shalt  }
0x68: {  	_ =	shalt  }
0x69: {  	_ =	shalt  }
0x6a: {  	_ =	shalt  }
0x6b: {  	_ =	shalt  }
0x6c: {  	_ =	shalt  }
0x6d: {  	_ =	shalt  }
0x6e: {  	_ =	shalt  }
0x6f: {  	_ =	shalt  }
0x70: {  	_ =	shalt  }
0x71: {  	_ =	shalt  }
0x72: {  	_ =	shalt  }
0x73: {  	_ =	shalt  }
0x74: {  	_ =	shalt  }
0x75: {  	_ =	shalt  }
0x76: {  	_ =	shalt  }
0x77: {  	_ =	shalt  }
0x78: {  	_ =	shalt  }
0x79: {  	_ =	shalt  }
0x7a: {  	_ =	shalt  }
0x7b: {  	_ =	shalt  }
0x7c: {  	_ =	shalt  }
0x7d: {  	_ =	shalt  }
0x7e: {  	_ =	shalt  }
0x7f: {  	_ =	shalt  }
0x80: {  	_ =	shalt  }
0x81: {  	_ =	shalt  }
0x82: {  	_ =	shalt  }
0x83: {  	_ =	shalt  }
0x84: {  	_ =	shalt  }
0x85: {  	_ =	shalt  }
0x86: {  	_ =	shalt  }
0x87: {  	_ =	shalt  }
.Lfunc_end0:
.L_simem_size_0:
called_computation_lowered:
.L_overlay_start_0:
0x88: {  	s2 =	sld [smem:$0x3FD9]  }
0x89: {  	s3 =	sld [smem:$0x3FFE];
	_ =	sdelay $0x1  }
0x8a: {  	s1 =	srdreg.scid  }
0x8b: {  	s0 =	sand.u32 $0x1, s1  }
0x8c: {  	s16 =	sshll.u32 s0, $0xA;
	s2 =	sadd.s32 s3, s2  }
0x8d: {  	s2 =	sadd.s32 s2, s16  }
0x8e: {  	[smem:$0x3FC6] =	sst s2  }
0x8f: {  	_ = 	snop  }
0x90: {  	(tm) =	ssettm $0x1  }
0x91: {  	s17 =	sld [smem:$0x3FFB];
	_ =	sdelay $0x3  }
0x92: {  	_ =	strace s17  }
0x93: {  	s2 =	sld [smem:$0x3FFC];
	_ =	sdelay $0x3  }
0x94: {  	_ =	strace s2  }
0x95: {  	s2 =	sld [smem:$0x3FFD];
	_ =	sdelay $0x3  }
0x96: {  	_ =	strace s2  }
0x97: {  	_ =	strace $0x8FFFFFFF  }
0x98: {  	s18 =	sld [smem:$0x3FDB];
	_ =	sdelay $0x1  }
0x99: {  	s19 =	simm.s32 $_scs_section_size  }
0x9a: {  	s4 =	simm.s32 $_size__tile_overlayer_lowered;
	s5 =	simm.s32 $_tile_overlayer_lowered  }
0x9b: {  	s22 =	simm.s32 $0x1BFF;
	s21 =	sshll.u32 s5, $0x1;
	s2 =	sadd.s32 s19, s18  }
0x9c: {  	s6 =	simm.s32 $0x0;
	s20 =	sshll.u32 s4, $0x1;
	s4 =	sadd.s32 s21, s2  }
0x9d: {  	[timem:s6], [sflag:s22] =	dma.local [hbm:s4], s20  }
0x9e: {  	_ =	swait.ge [sflag:s22], s20  }
0x9f: {  	s3 =	ssub.s32 $0x0, s20;
	[sflag:s22] =	ssyncset.done $0x0  }
0xa0: {  	[sflag:s22] =	ssyncadd.s32 s3;
	_ =	sdelay $0x1  }
0xa1: {  	s23 =	simm.s32 $0x1B8B  }
0xa2: {  	_ =	swait.ge [sflag:s23], $0x1  }
0xa3: {  	[sflag:s23] =	ssyncset.done $0x0  }
0xa4: {  	s25 =	simm.s32 $0x1B8E;
	s24 =	sld [smem:$0x3FFE];
	[sflag:s23] =	ssyncadd.s32 $0xFFFFFFFF  }
0xa5: {  	s26 =	simm.s32 $execute0_lowered;
	[smem:$0x3FD2] =	sst s25  }
0xa6: {  	s4 =	sshll.u32 s26, $0x1;
	_ =	strace $0x80000046;
	[dreg:$0x1] =	wrdreg $0xFFFFFFFF  }
0xa7: {  	s28 =	simm.s32 $_size_execute0_lowered;
	s2 =	sadd.s32 s2, s4;
	[dreg:$0x0] =	wrdreg $0x0  }
0xa8: {  	s4 =	sshll.u32 s28, $0x1;
	[dreg:$0x2] =	wrdreg s2  }
0xa9: {  	[dreg:$0x3] =	wrdreg s4  }
0xaa: {  	[dreg:$0x4] =	wrdreg $0xC0  }
0xab: {  	_ =	task [dreg:s6], $0x5FFFF  }
0xac: {  	[dreg:$0x1] =	wrdreg $0xFFFFFFFF  }
0xad: {  	[dreg:$0x0] =	wrdreg $0x60  }
0xae: {  	[dreg:$0x2] =	wrdreg s24  }
0xaf: {  	[dreg:$0x3] =	wrdreg $0x9  }
0xb0: {  	_ =	task.clear_ibuf [dreg:s6], $0x4FFFF;
	_ =	strace $0x90000046  }
0xb1: {  	s29 =	simm.s32 $0x9;
	_ =	strace $0x80000048  }
0xb2: {  	_ =	swait.ge [sflag:s29], $0x1  }
0xb3: {  	[sflag:s29] =	ssyncadd.s32 $0xFFFFFFFF  }
0xb4: {  	_ =	strace $0x90000048  }
0xb5: {  	_ =	sfence  }
0xb6: {  	s30 =	sld [smem:$0x0];
	_ =	sdelay $0x2  }
0xb7: {  	s31 =	sshll.u32 s1, $0xD;
	s1 =	sshrl.u32 s1, $0x2  }
0xb8: {  	s3 =	sand.u32 $0x4000, s31;
	s1 =	sadd.s32 s1, s30  }
0xb9: {  	s0 =	sor.u32 s3, s0;
	s1 =	sshll.u32 s1, $0x11  }
0xba: {  	s0 =	sor.u32 s1, s0  }
0xbb: {  	s0 =	sadd.s32 $0x8F2B, s0  }
0xbc: {  	[sflag:s0] =	ssyncadd.remote.s32 $0x1  }
0xbd: {  	_ =	sfence.sel $0xFFFF  }
0xbe: {  	[dreg:$0x0] =	wrdreg $0xFFFFFFFF;
	(pc) =	sbr.abs _section_cstart, $3  }
0xbf: {  	[dreg:$0x1] =	wrdreg $0xFFFFFFFF  }
0xc0: {  	_ =	task.clear_ibuf [dreg:s6], $0x2FFFF;
	_ =	strace $0x9FFFFFFF  }
0xc1: {  	(tm) =	ssettm $0x7FFFFFFF  }
tec
execute0_lowered:
.L_overlay_start_1:
0x0: {  	(tag) =	ssettag $0x1  }
0x1: {  	s1 =	srdreg.scid  }
0x2: {  	s0 =	stileid.u32;
	s5 =	rddreg [dreg:$0x0];
	s3 =	simm.s32 $0x1  }
0x3: {  	s2 =	simm.s32 $0x0;
	s15 =	simm.s32 $0x8000;
	s16 =	simm.s32 $0x2  }
0x4: {  	s17 =	simm.s32 $0x80;
	s4 =	sand.u32 $0x1, s1;
	s29 =	sshll.u32 s0, $0x1  }
0x5: {  	s18 =	simm.s32 $0x400;
	s19 =	simm.s32 $0x3;
	s8 =	sor.u32 s4, s29  }
0x6: {  	s1 =	rddreg [dreg:$0x1];
	p1 =	seq.s32 s4, $0x1;
	p0 =	seq.s32 s8, $0x0  }
0x7: {  	s20 =	simm.s32 $0x0;
	[smem:$0x7FF] =	sst s2;
	p0 =	por !p0, !p1  }
0x8: {  	s30 =	sshll.u32 s0, $0xE;
	_ =	strace $0x80000047;
	p0 =	por !p0, !p0  }
0x9: {  	s7 =	sshll.u32 s4, $0x11;
	s4 =	ssub.s32 $0x2, s4;
	s3 =	simm.s32 @!p0 $0x0  }
0xa: {  	s31 =	sshrl.u32 s4, $0x1;
	s10 =	sshll.u32 s8, $0x4;
	s3 =	ssub.s32 s0, s3  }
0xb: {  	s13 =	ssub.s32 s4, s31;
	s14 =	sand.u32 $0x70, s10;
	s6 =	sshll.u32 s3, $0x12  }
0xc: {  	s13 =	smax.u32 s13, $0x1;
	s6 =	sor.u32 s7, s6;
	s7 =	sand.u32 $0x30000, s30  }
0xd: {  	s3 =	simm.s32 $0x1;
	s6 =	sshrl.u32 s6, $0x3;
	s12 =	sadd.s32 s7, s5  }
0xe: {  	s11 =	sadd.s32 s6, s5;
	s12 =	sadd.s32 s14, s12;
	s14 =	simm.s32 $0x4000  }
0xf: {  	s4 =	sadd.s32 $0x1600, s11;
	s5 =	sadd.s32 $0x1E00, s11;
	s6 =	sadd.s32 $0x2600, s11  }
0x10: {  	s7 =	sadd.s32 $0x2E00, s11;
	s8 =	sadd.s32 $0x3600, s11;
	s9 =	sadd.s32 $0x3E00, s11  }
0x11: {  	v0 =	vimm.s32 $0x0;
	v1 =	vimm.s32 $0x1;
	s10 =	sadd.s32 $0x4600, s11;
	s11 =	sadd.s32 $0x4E00, s11;
	s12 =	sadd.s32 $0x81600, s12  }
.LBB2_1:
0x12: {  	[tilespmem:s2], [sflag:$0x1] =	stream.linear.gather [hbm4b:s4+s2], $0x4000, $0x38;
	[tilespmem:$0x18000] =	vst v63  }
0x13: {  	s21 =	simm.s32 $0x8040  }
0x14: {  	[tilespmem:s21+$0xFFFFFFC0] =	vst v0  }
0x15: {  	[tilespmem:s21+$0x30] =	vst v0  }
0x16: {  	[tilespmem:s21+$0x20] =	vst v0  }
0x17: {  	[tilespmem:s21+$0x10] =	vst v0  }
0x18: {  	[tilespmem:s21+$0x0] =	vst v0  }
0x19: {  	[tilespmem:s21+$0xFFFFFFF0] =	vst v0  }
0x1a: {  	s22 =	simm.s32 $0x0;
	[tilespmem:s21+$0xFFFFFFE0] =	vst v0  }
.LBB2_2:
0x1b: {  	s22 =	sadd.s32 $0x80, s22;
	[tilespmem:s21+$0xFFFFFFD0] =	vst v0;
	s21 =	sadd.s32 $0x80, s21  }
0x1c: {  	[tilespmem:s21+$0xFFFFFFC0] =	vst v0;
	p0 =	slt.u32 s22, $0xFF80  }
0x1d: {  	[tilespmem:s21+$0x30] =	vst v0  }
.Ltmp0:
0x1e: {  	[tilespmem:s21+$0x20] =	vst v0;
	(pc) =	sbr.rel @p0 .LBB2_2-.Ltmp0, $4  }
0x1f: {  	[tilespmem:s21+$0x10] =	vst v0  }
0x20: {  	[tilespmem:s21+$0x0] =	vst v0  }
0x21: {  	[tilespmem:s21+$0xFFFFFFF0] =	vst v0  }
0x22: {  	[tilespmem:s21+$0xFFFFFFE0] =	vst v0  }
0x23: {  	[tilespmem:s21+$0xFFFFFFD0] =	vst v0;
	s21 =	simm.s32 $0x0;
	s22 =	simm.s32 $0x0  }
0x24: {  	[tilespmem:s14], [sflag:$0x2] =	stream.linear.gather [hbm4b:s5+s21], $0x4000, $0x38;
	[tilespmem:$0x18000] =	vst v63  }
0x25: {  	s23 =	sand.u32 $0x3000, s22;
	s24 =	sand.u32 $0x800, s21;
	_ =	swait.ge [sflag:s3], $0x4000  }
0x26: {  	s25 =	sand.u32 $0x380, s21;
	s23 =	sor.u32 s24, s23;
	[sflag:s3] =	ssyncset.done $0x0  }
0x27: {  	s23 =	sor.u32 s25, s23;
	[sflag:s3] =	ssyncadd.s32 $0xFFFFC000  }
0x28: {  	v2 =	vld [tilespmem:s23+$0x470]  }
0x29: {  	v3 =	vld [tilespmem:s23+$0x0]  }
0x2a: {  	v4 =	vld [tilespmem:s23+$0x10]  }
0x2b: {  	v5 =	vld [tilespmem:s23+$0x20]  }
0x2c: {  	v6 =	vld [tilespmem:s23+$0x30]  }
0x2d: {  	v7 =	vld [tilespmem:s23+$0x40]  }
0x2e: {  	v8 =	vld [tilespmem:s23+$0x50]  }
0x2f: {  	v9 =	vld [tilespmem:s23+$0x60]  }
0x30: {  	v10 =	vld [tilespmem:s23+$0x70]  }
0x31: {  	v11 =	vld [tilespmem:s23+$0x400];
	v2 =	vshrl.u32 v2, $0xF  }
0x32: {  	v12 =	vld [tilespmem:s23+$0x420]  }
0x33: {  	v13 =	vld [tilespmem:s23+$0x430]  }
0x34: {  	v14 =	vld [tilespmem:s23+$0x440];
	v3 =	vshrl.u32 v3, $0xF  }
0x35: {  	v15 =	vld [tilespmem:s23+$0x450];
	v5 =	vshrl.u32 v5, $0xF  }
0x36: {  	v4 =	vshrl.u32 v4, $0xF;
	[tilespmem:v2+s15+$0x0] =	vst.idx.add.s32.msk $0xffff, v1  }
0x37: {  	v6 =	vshrl.u32 v6, $0xF;
	v2 =	vld [tilespmem:s23+$0x410]  }
0x38: {  	v16 =	vld [tilespmem:s23+$0x460];
	v7 =	vshrl.u32 v7, $0xF  }
0x39: {  	v8 =	vshrl.u32 v8, $0xF;
	[tilespmem:v3+s15+$0x0] =	vst.idx.add.s32.msk $0xffff, v1  }
0x3a: {  	[tilespmem:v5+s15+$0x0] =	vst.idx.add.s32.msk $0xffff, v1;
	v5 =	vshrl.u32 v11, $0xF  }
0x3b: {  	[tilespmem:v4+s15+$0x0] =	vst.idx.add.s32.msk $0xffff, v1;
	v4 =	vshrl.u32 v10, $0xF  }
0x3c: {  	[tilespmem:v6+s15+$0x0] =	vst.idx.add.s32.msk $0xffff, v1;
	v2 =	vshrl.u32 v2, $0xF  }
0x3d: {  	v3 =	vshrl.u32 v9, $0xF;
	[tilespmem:v7+s15+$0x0] =	vst.idx.add.s32.msk $0xffff, v1  }
0x3e: {  	v6 =	vshrl.u32 v12, $0xF;
	[tilespmem:v8+s15+$0x0] =	vst.idx.add.s32.msk $0xffff, v1  }
0x3f: {  	[tilespmem:v5+s15+$0x0] =	vst.idx.add.s32.msk $0xffff, v1;
	v5 =	vshrl.u32 v13, $0xF  }
0x40: {  	[tilespmem:v4+s15+$0x0] =	vst.idx.add.s32.msk $0xffff, v1;
	v4 =	vshrl.u32 v14, $0xF  }
0x41: {  	[tilespmem:v2+s15+$0x0] =	vst.idx.add.s32.msk $0xffff, v1;
	v2 =	vshrl.u32 v15, $0xF  }
0x42: {  	[tilespmem:v3+s15+$0x0] =	vst.idx.add.s32.msk $0xffff, v1;
	v3 =	vshrl.u32 v16, $0xF  }
0x43: {  	s23 =	simm.s32 $0x0;
	[tilespmem:v6+s15+$0x0] =	vst.idx.add.s32.msk $0xffff, v1  }
.LBB2_4:
0x44: {  	s22 =	sadd.s32 $0x100, s22;
	[tilespmem:v5+s15+$0x0] =	vst.idx.add.s32.msk $0xffff, v1;
	s21 =	sadd.s32 $0x800, s21  }
0x45: {  	s23 =	sadd.s32 $0x40, s23;
	s24 =	sand.u32 $0x3000, s22;
	s25 =	sand.u32 $0x800, s21;
	[tilespmem:v4+s15+$0x0] =	vst.idx.add.s32.msk $0xffff, v1  }
0x46: {  	s26 =	sand.u32 $0x380, s23;
	p0 =	slt.u32 s22, $0x3F00;
	s24 =	sor.u32 s25, s24;
	[tilespmem:v2+s15+$0x0] =	vst.idx.add.s32.msk $0xffff, v1  }
0x47: {  	s24 =	sor.u32 s26, s24;
	[tilespmem:v3+s15+$0x0] =	vst.idx.add.s32.msk $0xffff, v1  }
0x48: {  	v2 =	vld [tilespmem:s24+$0x470]  }
0x49: {  	v3 =	vld [tilespmem:s24+$0x0]  }
0x4a: {  	v4 =	vld [tilespmem:s24+$0x10]  }
0x4b: {  	v5 =	vld [tilespmem:s24+$0x20]  }
0x4c: {  	v6 =	vld [tilespmem:s24+$0x30]  }
0x4d: {  	v7 =	vld [tilespmem:s24+$0x40];
	v2 =	vshrl.u32 v2, $0xF  }
0x4e: {  	v3 =	vshrl.u32 v3, $0xF;
	v8 =	vld [tilespmem:s24+$0x50]  }
0x4f: {  	v4 =	vshrl.u32 v4, $0xF;
	v9 =	vld [tilespmem:s24+$0x60]  }
0x50: {  	v10 =	vshrl.u32 v5, $0xF;
	v5 =	vld [tilespmem:s24+$0x70]  }
0x51: {  	v6 =	vshrl.u32 v6, $0xF;
	v11 =	vld [tilespmem:s24+$0x400]  }
0x52: {  	v7 =	vshrl.u32 v7, $0xF;
	[tilespmem:v2+s15+$0x0] =	vst.idx.add.s32.msk $0xffff, v1  }
0x53: {  	v8 =	vshrl.u32 v8, $0xF;
	v2 =	vld [tilespmem:s24+$0x410]  }
0x54: {  	v9 =	vshrl.u32 v9, $0xF;
	v12 =	vld [tilespmem:s24+$0x420]  }
0x55: {  	v13 =	vshrl.u32 v5, $0xF;
	v5 =	vld [tilespmem:s24+$0x430]  }
0x56: {  	v11 =	vshrl.u32 v11, $0xF;
	v14 =	vld [tilespmem:s24+$0x440]  }
0x57: {  	v15 =	vld [tilespmem:s24+$0x450]  }
0x58: {  	v16 =	vshrl.u32 v2, $0xF;
	v17 =	vld [tilespmem:s24+$0x460]  }
0x59: {  	[tilespmem:v3+s15+$0x0] =	vst.idx.add.s32.msk $0xffff, v1;
	v12 =	vshrl.u32 v12, $0xF  }
0x5a: {  	[tilespmem:v4+s15+$0x0] =	vst.idx.add.s32.msk $0xffff, v1;
	v5 =	vshrl.u32 v5, $0xF  }
0x5b: {  	[tilespmem:v10+s15+$0x0] =	vst.idx.add.s32.msk $0xffff, v1;
	v4 =	vshrl.u32 v14, $0xF  }
0x5c: {  	[tilespmem:v6+s15+$0x0] =	vst.idx.add.s32.msk $0xffff, v1;
	v2 =	vshrl.u32 v15, $0xF  }
0x5d: {  	[tilespmem:v7+s15+$0x0] =	vst.idx.add.s32.msk $0xffff, v1;
	v3 =	vshrl.u32 v17, $0xF  }
0x5e: {  	[tilespmem:v8+s15+$0x0] =	vst.idx.add.s32.msk $0xffff, v1  }
.Ltmp1:
0x5f: {  	[tilespmem:v9+s15+$0x0] =	vst.idx.add.s32.msk $0xffff, v1;
	(pc) =	sbr.rel @p0 .LBB2_4-.Ltmp1, $4  }
0x60: {  	[tilespmem:v13+s15+$0x0] =	vst.idx.add.s32.msk $0xffff, v1  }
0x61: {  	[tilespmem:v11+s15+$0x0] =	vst.idx.add.s32.msk $0xffff, v1  }
0x62: {  	[tilespmem:v16+s15+$0x0] =	vst.idx.add.s32.msk $0xffff, v1  }
0x63: {  	[tilespmem:v12+s15+$0x0] =	vst.idx.add.s32.msk $0xffff, v1  }
0x64: {  	_ =	sdelay $0x3  }
0x65: {  	[tilespmem:v5+s15+$0x0] =	vst.idx.add.s32.msk $0xffff, v1  }
0x66: {  	[tilespmem:v4+s15+$0x0] =	vst.idx.add.s32.msk $0xffff, v1  }
0x67: {  	[tilespmem:v2+s15+$0x0] =	vst.idx.add.s32.msk $0xffff, v1  }
0x68: {  	[tilespmem:v3+s15+$0x0] =	vst.idx.add.s32.msk $0xffff, v1;
	s21 =	simm.s32 $0x0;
	s22 =	simm.s32 $0x0  }
0x69: {  	[tilespmem:s21], [sflag:$0x1] =	stream.linear.gather [hbm4b:s6+s21], $0x4000, $0x38;
	[tilespmem:$0x18000] =	vst v63  }
0x6a: {  	s23 =	sand.u32 $0x3000, s22;
	s24 =	sand.u32 $0x800, s21;
	_ =	swait.ge [sflag:s16], $0x4000  }
0x6b: {  	s25 =	sand.u32 $0x380, s21;
	s23 =	sor.u32 s24, s23;
	[sflag:s16] =	ssyncset.done $0x0  }
0x6c: {  	s23 =	sor.u32 s25, s23;
	[sflag:s16] =	ssyncadd.s32 $0xFFFFC000  }
0x6d: {  	v2 =	vld [tilespmem:s23+$0x4470]  }
0x6e: {  	v3 =	vld [tilespmem:s23+$0x4000]  }
0x6f: {  	v4 =	vld [tilespmem:s23+$0x4010]  }
0x70: {  	v5 =	vld [tilespmem:s23+$0x4020]  }
0x71: {  	v6 =	vld [tilespmem:s23+$0x4030]  }
0x72: {  	v7 =	vld [tilespmem:s23+$0x4040]  }
0x73: {  	v8 =	vld [tilespmem:s23+$0x4050]  }
0x74: {  	v9 =	vld [tilespmem:s23+$0x4060]  }
0x75: {  	v10 =	vld [tilespmem:s23+$0x4070]  }
0x76: {  	v11 =	vld [tilespmem:s23+$0x4400];
	v2 =	vshrl.u32 v2, $0xF  }
0x77: {  	v12 =	vld [tilespmem:s23+$0x4420]  }
0x78: {  	v13 =	vld [tilespmem:s23+$0x4430]  }
0x79: {  	v14 =	vld [tilespmem:s23+$0x4440];
	v3 =	vshrl.u32 v3, $0xF  }
0x7a: {  	v15 =	vld [tilespmem:s23+$0x4450];
	v5 =	vshrl.u32 v5, $0xF  }
0x7b: {  	v4 =	vshrl.u32 v4, $0xF;
	[tilespmem:v2+s15+$0x0] =	vst.idx.add.s32.msk $0xffff, v1  }
0x7c: {  	v6 =	vshrl.u32 v6, $0xF;
	v2 =	vld [tilespmem:s23+$0x4410]  }
0x7d: {  	v16 =	vld [tilespmem:s23+$0x4460];
	v7 =	vshrl.u32 v7, $0xF  }
0x7e: {  	v8 =	vshrl.u32 v8, $0xF;
	[tilespmem:v3+s15+$0x0] =	vst.idx.add.s32.msk $0xffff, v1  }
0x7f: {  	[tilespmem:v5+s15+$0x0] =	vst.idx.add.s32.msk $0xffff, v1;
	v5 =	vshrl.u32 v11, $0xF  }
0x80: {  	[tilespmem:v4+s15+$0x0] =	vst.idx.add.s32.msk $0xffff, v1;
	v4 =	vshrl.u32 v10, $0xF  }
0x81: {  	[tilespmem:v6+s15+$0x0] =	vst.idx.add.s32.msk $0xffff, v1;
	v2 =	vshrl.u32 v2, $0xF  }
0x82: {  	v3 =	vshrl.u32 v9, $0xF;
	[tilespmem:v7+s15+$0x0] =	vst.idx.add.s32.msk $0xffff, v1  }
0x83: {  	v6 =	vshrl.u32 v12, $0xF;
	[tilespmem:v8+s15+$0x0] =	vst.idx.add.s32.msk $0xffff, v1  }
0x84: {  	[tilespmem:v5+s15+$0x0] =	vst.idx.add.s32.msk $0xffff, v1;
	v5 =	vshrl.u32 v13, $0xF  }
0x85: {  	[tilespmem:v4+s15+$0x0] =	vst.idx.add.s32.msk $0xffff, v1;
	v4 =	vshrl.u32 v14, $0xF  }
0x86: {  	[tilespmem:v2+s15+$0x0] =	vst.idx.add.s32.msk $0xffff, v1;
	v2 =	vshrl.u32 v15, $0xF  }
0x87: {  	[tilespmem:v3+s15+$0x0] =	vst.idx.add.s32.msk $0xffff, v1;
	v3 =	vshrl.u32 v16, $0xF  }
0x88: {  	s23 =	simm.s32 $0x0;
	[tilespmem:v6+s15+$0x0] =	vst.idx.add.s32.msk $0xffff, v1  }
.LBB2_6:
0x89: {  	s22 =	sadd.s32 $0x100, s22;
	[tilespmem:v5+s15+$0x0] =	vst.idx.add.s32.msk $0xffff, v1;
	s21 =	sadd.s32 $0x800, s21  }
0x8a: {  	s23 =	sadd.s32 $0x40, s23;
	s24 =	sand.u32 $0x3000, s22;
	s25 =	sand.u32 $0x800, s21;
	[tilespmem:v4+s15+$0x0] =	vst.idx.add.s32.msk $0xffff, v1  }
0x8b: {  	s26 =	sand.u32 $0x380, s23;
	p0 =	slt.u32 s22, $0x3F00;
	s24 =	sor.u32 s25, s24;
	[tilespmem:v2+s15+$0x0] =	vst.idx.add.s32.msk $0xffff, v1  }
0x8c: {  	s24 =	sor.u32 s26, s24;
	[tilespmem:v3+s15+$0x0] =	vst.idx.add.s32.msk $0xffff, v1  }
0x8d: {  	v2 =	vld [tilespmem:s24+$0x4470]  }
0x8e: {  	v3 =	vld [tilespmem:s24+$0x4000]  }
0x8f: {  	v4 =	vld [tilespmem:s24+$0x4010]  }
0x90: {  	v5 =	vld [tilespmem:s24+$0x4020]  }
0x91: {  	v6 =	vld [tilespmem:s24+$0x4030]  }
0x92: {  	v7 =	vld [tilespmem:s24+$0x4040];
	v2 =	vshrl.u32 v2, $0xF  }
0x93: {  	v3 =	vshrl.u32 v3, $0xF;
	v8 =	vld [tilespmem:s24+$0x4050]  }
0x94: {  	v4 =	vshrl.u32 v4, $0xF;
	v9 =	vld [tilespmem:s24+$0x4060]  }
0x95: {  	v10 =	vshrl.u32 v5, $0xF;
	v5 =	vld [tilespmem:s24+$0x4070]  }
0x96: {  	v6 =	vshrl.u32 v6, $0xF;
	v11 =	vld [tilespmem:s24+$0x4400]  }
0x97: {  	v7 =	vshrl.u32 v7, $0xF;
	[tilespmem:v2+s15+$0x0] =	vst.idx.add.s32.msk $0xffff, v1  }
0x98: {  	v8 =	vshrl.u32 v8, $0xF;
	v2 =	vld [tilespmem:s24+$0x4410]  }
0x99: {  	v9 =	vshrl.u32 v9, $0xF;
	v12 =	vld [tilespmem:s24+$0x4420]  }
0x9a: {  	v13 =	vshrl.u32 v5, $0xF;
	v5 =	vld [tilespmem:s24+$0x4430]  }
0x9b: {  	v11 =	vshrl.u32 v11, $0xF;
	v14 =	vld [tilespmem:s24+$0x4440]  }
0x9c: {  	v15 =	vld [tilespmem:s24+$0x4450]  }
0x9d: {  	v16 =	vshrl.u32 v2, $0xF;
	v17 =	vld [tilespmem:s24+$0x4460]  }
0x9e: {  	[tilespmem:v3+s15+$0x0] =	vst.idx.add.s32.msk $0xffff, v1;
	v12 =	vshrl.u32 v12, $0xF  }
0x9f: {  	[tilespmem:v4+s15+$0x0] =	vst.idx.add.s32.msk $0xffff, v1;
	v5 =	vshrl.u32 v5, $0xF  }
0xa0: {  	[tilespmem:v10+s15+$0x0] =	vst.idx.add.s32.msk $0xffff, v1;
	v4 =	vshrl.u32 v14, $0xF  }
0xa1: {  	[tilespmem:v6+s15+$0x0] =	vst.idx.add.s32.msk $0xffff, v1;
	v2 =	vshrl.u32 v15, $0xF  }
0xa2: {  	[tilespmem:v7+s15+$0x0] =	vst.idx.add.s32.msk $0xffff, v1;
	v3 =	vshrl.u32 v17, $0xF  }
0xa3: {  	[tilespmem:v8+s15+$0x0] =	vst.idx.add.s32.msk $0xffff, v1  }
.Ltmp2:
0xa4: {  	[tilespmem:v9+s15+$0x0] =	vst.idx.add.s32.msk $0xffff, v1;
	(pc) =	sbr.rel @p0 .LBB2_6-.Ltmp2, $4  }
0xa5: {  	[tilespmem:v13+s15+$0x0] =	vst.idx.add.s32.msk $0xffff, v1  }
0xa6: {  	[tilespmem:v11+s15+$0x0] =	vst.idx.add.s32.msk $0xffff, v1  }
0xa7: {  	[tilespmem:v16+s15+$0x0] =	vst.idx.add.s32.msk $0xffff, v1  }
0xa8: {  	[tilespmem:v12+s15+$0x0] =	vst.idx.add.s32.msk $0xffff, v1  }
0xa9: {  	_ =	sdelay $0x3  }
0xaa: {  	[tilespmem:v5+s15+$0x0] =	vst.idx.add.s32.msk $0xffff, v1  }
0xab: {  	[tilespmem:v4+s15+$0x0] =	vst.idx.add.s32.msk $0xffff, v1  }
0xac: {  	[tilespmem:v2+s15+$0x0] =	vst.idx.add.s32.msk $0xffff, v1  }
0xad: {  	[tilespmem:v3+s15+$0x0] =	vst.idx.add.s32.msk $0xffff, v1;
	s21 =	simm.s32 $0x0;
	s22 =	simm.s32 $0x0  }
0xae: {  	[tilespmem:s14], [sflag:$0x2] =	stream.linear.gather [hbm4b:s7+s21], $0x4000, $0x38;
	[tilespmem:$0x18000] =	vst v63  }
0xaf: {  	s23 =	sand.u32 $0x3000, s22;
	s24 =	sand.u32 $0x800, s21;
	_ =	swait.ge [sflag:s3], $0x4000  }
0xb0: {  	s25 =	sand.u32 $0x380, s21;
	s23 =	sor.u32 s24, s23;
	[sflag:s3] =	ssyncset.done $0x0  }
0xb1: {  	s23 =	sor.u32 s25, s23;
	[sflag:s3] =	ssyncadd.s32 $0xFFFFC000  }
0xb2: {  	v2 =	vld [tilespmem:s23+$0x470]  }
0xb3: {  	v3 =	vld [tilespmem:s23+$0x0]  }
0xb4: {  	v4 =	vld [tilespmem:s23+$0x10]  }
0xb5: {  	v5 =	vld [tilespmem:s23+$0x20]  }
0xb6: {  	v6 =	vld [tilespmem:s23+$0x30]  }
0xb7: {  	v7 =	vld [tilespmem:s23+$0x40]  }
0xb8: {  	v8 =	vld [tilespmem:s23+$0x50]  }
0xb9: {  	v9 =	vld [tilespmem:s23+$0x60]  }
0xba: {  	v10 =	vld [tilespmem:s23+$0x70]  }
0xbb: {  	v11 =	vld [tilespmem:s23+$0x400];
	v2 =	vshrl.u32 v2, $0xF  }
0xbc: {  	v12 =	vld [tilespmem:s23+$0x420]  }
0xbd: {  	v13 =	vld [tilespmem:s23+$0x430]  }
0xbe: {  	v14 =	vld [tilespmem:s23+$0x440];
	v3 =	vshrl.u32 v3, $0xF  }
0xbf: {  	v15 =	vld [tilespmem:s23+$0x450];
	v5 =	vshrl.u32 v5, $0xF  }
0xc0: {  	v4 =	vshrl.u32 v4, $0xF;
	[tilespmem:v2+s15+$0x0] =	vst.idx.add.s32.msk $0xffff, v1  }
0xc1: {  	v6 =	vshrl.u32 v6, $0xF;
	v2 =	vld [tilespmem:s23+$0x410]  }
0xc2: {  	v16 =	vld [tilespmem:s23+$0x460];
	v7 =	vshrl.u32 v7, $0xF  }
0xc3: {  	v8 =	vshrl.u32 v8, $0xF;
	[tilespmem:v3+s15+$0x0] =	vst.idx.add.s32.msk $0xffff, v1  }
0xc4: {  	[tilespmem:v5+s15+$0x0] =	vst.idx.add.s32.msk $0xffff, v1;
	v5 =	vshrl.u32 v11, $0xF  }
0xc5: {  	[tilespmem:v4+s15+$0x0] =	vst.idx.add.s32.msk $0xffff, v1;
	v4 =	vshrl.u32 v10, $0xF  }
0xc6: {  	[tilespmem:v6+s15+$0x0] =	vst.idx.add.s32.msk $0xffff, v1;
	v2 =	vshrl.u32 v2, $0xF  }
0xc7: {  	v3 =	vshrl.u32 v9, $0xF;
	[tilespmem:v7+s15+$0x0] =	vst.idx.add.s32.msk $0xffff, v1  }
0xc8: {  	v6 =	vshrl.u32 v12, $0xF;
	[tilespmem:v8+s15+$0x0] =	vst.idx.add.s32.msk $0xffff, v1  }
0xc9: {  	[tilespmem:v5+s15+$0x0] =	vst.idx.add.s32.msk $0xffff, v1;
	v5 =	vshrl.u32 v13, $0xF  }
0xca: {  	[tilespmem:v4+s15+$0x0] =	vst.idx.add.s32.msk $0xffff, v1;
	v4 =	vshrl.u32 v14, $0xF  }
0xcb: {  	[tilespmem:v2+s15+$0x0] =	vst.idx.add.s32.msk $0xffff, v1;
	v2 =	vshrl.u32 v15, $0xF  }
0xcc: {  	[tilespmem:v3+s15+$0x0] =	vst.idx.add.s32.msk $0xffff, v1;
	v3 =	vshrl.u32 v16, $0xF  }
0xcd: {  	s23 =	simm.s32 $0x0;
	[tilespmem:v6+s15+$0x0] =	vst.idx.add.s32.msk $0xffff, v1  }
.LBB2_8:
0xce: {  	s22 =	sadd.s32 $0x100, s22;
	[tilespmem:v5+s15+$0x0] =	vst.idx.add.s32.msk $0xffff, v1;
	s21 =	sadd.s32 $0x800, s21  }
0xcf: {  	s23 =	sadd.s32 $0x40, s23;
	s24 =	sand.u32 $0x3000, s22;
	s25 =	sand.u32 $0x800, s21;
	[tilespmem:v4+s15+$0x0] =	vst.idx.add.s32.msk $0xffff, v1  }
0xd0: {  	s26 =	sand.u32 $0x380, s23;
	p0 =	slt.u32 s22, $0x3F00;
	s24 =	sor.u32 s25, s24;
	[tilespmem:v2+s15+$0x0] =	vst.idx.add.s32.msk $0xffff, v1  }
0xd1: {  	s24 =	sor.u32 s26, s24;
	[tilespmem:v3+s15+$0x0] =	vst.idx.add.s32.msk $0xffff, v1  }
0xd2: {  	v2 =	vld [tilespmem:s24+$0x470]  }
0xd3: {  	v3 =	vld [tilespmem:s24+$0x0]  }
0xd4: {  	v4 =	vld [tilespmem:s24+$0x10]  }
0xd5: {  	v5 =	vld [tilespmem:s24+$0x20]  }
0xd6: {  	v6 =	vld [tilespmem:s24+$0x30]  }
0xd7: {  	v7 =	vld [tilespmem:s24+$0x40];
	v2 =	vshrl.u32 v2, $0xF  }
0xd8: {  	v3 =	vshrl.u32 v3, $0xF;
	v8 =	vld [tilespmem:s24+$0x50]  }
0xd9: {  	v4 =	vshrl.u32 v4, $0xF;
	v9 =	vld [tilespmem:s24+$0x60]  }
0xda: {  	v10 =	vshrl.u32 v5, $0xF;
	v5 =	vld [tilespmem:s24+$0x70]  }
0xdb: {  	v6 =	vshrl.u32 v6, $0xF;
	v11 =	vld [tilespmem:s24+$0x400]  }
0xdc: {  	v7 =	vshrl.u32 v7, $0xF;
	[tilespmem:v2+s15+$0x0] =	vst.idx.add.s32.msk $0xffff, v1  }
0xdd: {  	v8 =	vshrl.u32 v8, $0xF;
	v2 =	vld [tilespmem:s24+$0x410]  }
0xde: {  	v9 =	vshrl.u32 v9, $0xF;
	v12 =	vld [tilespmem:s24+$0x420]  }
0xdf: {  	v13 =	vshrl.u32 v5, $0xF;
	v5 =	vld [tilespmem:s24+$0x430]  }
0xe0: {  	v11 =	vshrl.u32 v11, $0xF;
	v14 =	vld [tilespmem:s24+$0x440]  }
0xe1: {  	v15 =	vld [tilespmem:s24+$0x450]  }
0xe2: {  	v16 =	vshrl.u32 v2, $0xF;
	v17 =	vld [tilespmem:s24+$0x460]  }
0xe3: {  	[tilespmem:v3+s15+$0x0] =	vst.idx.add.s32.msk $0xffff, v1;
	v12 =	vshrl.u32 v12, $0xF  }
0xe4: {  	[tilespmem:v4+s15+$0x0] =	vst.idx.add.s32.msk $0xffff, v1;
	v5 =	vshrl.u32 v5, $0xF  }
0xe5: {  	[tilespmem:v10+s15+$0x0] =	vst.idx.add.s32.msk $0xffff, v1;
	v4 =	vshrl.u32 v14, $0xF  }
0xe6: {  	[tilespmem:v6+s15+$0x0] =	vst.idx.add.s32.msk $0xffff, v1;
	v2 =	vshrl.u32 v15, $0xF  }
0xe7: {  	[tilespmem:v7+s15+$0x0] =	vst.idx.add.s32.msk $0xffff, v1;
	v3 =	vshrl.u32 v17, $0xF  }
0xe8: {  	[tilespmem:v8+s15+$0x0] =	vst.idx.add.s32.msk $0xffff, v1  }
.Ltmp3:
0xe9: {  	[tilespmem:v9+s15+$0x0] =	vst.idx.add.s32.msk $0xffff, v1;
	(pc) =	sbr.rel @p0 .LBB2_8-.Ltmp3, $4  }
0xea: {  	[tilespmem:v13+s15+$0x0] =	vst.idx.add.s32.msk $0xffff, v1  }
0xeb: {  	[tilespmem:v11+s15+$0x0] =	vst.idx.add.s32.msk $0xffff, v1  }
0xec: {  	[tilespmem:v16+s15+$0x0] =	vst.idx.add.s32.msk $0xffff, v1  }
0xed: {  	[tilespmem:v12+s15+$0x0] =	vst.idx.add.s32.msk $0xffff, v1  }
0xee: {  	_ =	sdelay $0x3  }
0xef: {  	[tilespmem:v5+s15+$0x0] =	vst.idx.add.s32.msk $0xffff, v1  }
0xf0: {  	[tilespmem:v4+s15+$0x0] =	vst.idx.add.s32.msk $0xffff, v1  }
0xf1: {  	[tilespmem:v2+s15+$0x0] =	vst.idx.add.s32.msk $0xffff, v1  }
0xf2: {  	[tilespmem:v3+s15+$0x0] =	vst.idx.add.s32.msk $0xffff, v1;
	s21 =	simm.s32 $0x0;
	s22 =	simm.s32 $0x0  }
0xf3: {  	[tilespmem:s21], [sflag:$0x1] =	stream.linear.gather [hbm4b:s8+s21], $0x4000, $0x38;
	[tilespmem:$0x18000] =	vst v63  }
0xf4: {  	s23 =	sand.u32 $0x3000, s22;
	s24 =	sand.u32 $0x800, s21;
	_ =	swait.ge [sflag:s16], $0x4000  }
0xf5: {  	s25 =	sand.u32 $0x380, s21;
	s23 =	sor.u32 s24, s23;
	[sflag:s16] =	ssyncset.done $0x0  }
0xf6: {  	s23 =	sor.u32 s25, s23;
	[sflag:s16] =	ssyncadd.s32 $0xFFFFC000  }
0xf7: {  	v2 =	vld [tilespmem:s23+$0x4470]  }
0xf8: {  	v3 =	vld [tilespmem:s23+$0x4000]  }
0xf9: {  	v4 =	vld [tilespmem:s23+$0x4010]  }
0xfa: {  	v5 =	vld [tilespmem:s23+$0x4020]  }
0xfb: {  	v6 =	vld [tilespmem:s23+$0x4030]  }
0xfc: {  	v7 =	vld [tilespmem:s23+$0x4040]  }
0xfd: {  	v8 =	vld [tilespmem:s23+$0x4050]  }
0xfe: {  	v9 =	vld [tilespmem:s23+$0x4060]  }
0xff: {  	v10 =	vld [tilespmem:s23+$0x4070]  }
0x100: {  	v11 =	vld [tilespmem:s23+$0x4400];
	v2 =	vshrl.u32 v2, $0xF  }
0x101: {  	v12 =	vld [tilespmem:s23+$0x4420]  }
0x102: {  	v13 =	vld [tilespmem:s23+$0x4430]  }
0x103: {  	v14 =	vld [tilespmem:s23+$0x4440];
	v3 =	vshrl.u32 v3, $0xF  }
0x104: {  	v15 =	vld [tilespmem:s23+$0x4450];
	v5 =	vshrl.u32 v5, $0xF  }
0x105: {  	v4 =	vshrl.u32 v4, $0xF;
	[tilespmem:v2+s15+$0x0] =	vst.idx.add.s32.msk $0xffff, v1  }
0x106: {  	v6 =	vshrl.u32 v6, $0xF;
	v2 =	vld [tilespmem:s23+$0x4410]  }
0x107: {  	v16 =	vld [tilespmem:s23+$0x4460];
	v7 =	vshrl.u32 v7, $0xF  }
0x108: {  	v8 =	vshrl.u32 v8, $0xF;
	[tilespmem:v3+s15+$0x0] =	vst.idx.add.s32.msk $0xffff, v1  }
0x109: {  	[tilespmem:v5+s15+$0x0] =	vst.idx.add.s32.msk $0xffff, v1;
	v5 =	vshrl.u32 v11, $0xF  }
0x10a: {  	[tilespmem:v4+s15+$0x0] =	vst.idx.add.s32.msk $0xffff, v1;
	v4 =	vshrl.u32 v10, $0xF  }
0x10b: {  	[tilespmem:v6+s15+$0x0] =	vst.idx.add.s32.msk $0xffff, v1;
	v2 =	vshrl.u32 v2, $0xF  }
0x10c: {  	v3 =	vshrl.u32 v9, $0xF;
	[tilespmem:v7+s15+$0x0] =	vst.idx.add.s32.msk $0xffff, v1  }
0x10d: {  	v6 =	vshrl.u32 v12, $0xF;
	[tilespmem:v8+s15+$0x0] =	vst.idx.add.s32.msk $0xffff, v1  }
0x10e: {  	[tilespmem:v5+s15+$0x0] =	vst.idx.add.s32.msk $0xffff, v1;
	v5 =	vshrl.u32 v13, $0xF  }
0x10f: {  	[tilespmem:v4+s15+$0x0] =	vst.idx.add.s32.msk $0xffff, v1;
	v4 =	vshrl.u32 v14, $0xF  }
0x110: {  	[tilespmem:v2+s15+$0x0] =	vst.idx.add.s32.msk $0xffff, v1;
	v2 =	vshrl.u32 v15, $0xF  }
0x111: {  	[tilespmem:v3+s15+$0x0] =	vst.idx.add.s32.msk $0xffff, v1;
	v3 =	vshrl.u32 v16, $0xF  }
0x112: {  	s23 =	simm.s32 $0x0;
	[tilespmem:v6+s15+$0x0] =	vst.idx.add.s32.msk $0xffff, v1  }
.LBB2_10:
0x113: {  	s22 =	sadd.s32 $0x100, s22;
	[tilespmem:v5+s15+$0x0] =	vst.idx.add.s32.msk $0xffff, v1;
	s21 =	sadd.s32 $0x800, s21  }
0x114: {  	s23 =	sadd.s32 $0x40, s23;
	s24 =	sand.u32 $0x3000, s22;
	s25 =	sand.u32 $0x800, s21;
	[tilespmem:v4+s15+$0x0] =	vst.idx.add.s32.msk $0xffff, v1  }
0x115: {  	s26 =	sand.u32 $0x380, s23;
	p0 =	slt.u32 s22, $0x3F00;
	s24 =	sor.u32 s25, s24;
	[tilespmem:v2+s15+$0x0] =	vst.idx.add.s32.msk $0xffff, v1  }
0x116: {  	s24 =	sor.u32 s26, s24;
	[tilespmem:v3+s15+$0x0] =	vst.idx.add.s32.msk $0xffff, v1  }
0x117: {  	v2 =	vld [tilespmem:s24+$0x4470]  }
0x118: {  	v3 =	vld [tilespmem:s24+$0x4000]  }
0x119: {  	v4 =	vld [tilespmem:s24+$0x4010]  }
0x11a: {  	v5 =	vld [tilespmem:s24+$0x4020]  }
0x11b: {  	v6 =	vld [tilespmem:s24+$0x4030]  }
0x11c: {  	v7 =	vld [tilespmem:s24+$0x4040];
	v2 =	vshrl.u32 v2, $0xF  }
0x11d: {  	v3 =	vshrl.u32 v3, $0xF;
	v8 =	vld [tilespmem:s24+$0x4050]  }
0x11e: {  	v4 =	vshrl.u32 v4, $0xF;
	v9 =	vld [tilespmem:s24+$0x4060]  }
0x11f: {  	v10 =	vshrl.u32 v5, $0xF;
	v5 =	vld [tilespmem:s24+$0x4070]  }
0x120: {  	v6 =	vshrl.u32 v6, $0xF;
	v11 =	vld [tilespmem:s24+$0x4400]  }
0x121: {  	v7 =	vshrl.u32 v7, $0xF;
	[tilespmem:v2+s15+$0x0] =	vst.idx.add.s32.msk $0xffff, v1  }
0x122: {  	v8 =	vshrl.u32 v8, $0xF;
	v2 =	vld [tilespmem:s24+$0x4410]  }
0x123: {  	v9 =	vshrl.u32 v9, $0xF;
	v12 =	vld [tilespmem:s24+$0x4420]  }
0x124: {  	v13 =	vshrl.u32 v5, $0xF;
	v5 =	vld [tilespmem:s24+$0x4430]  }
0x125: {  	v11 =	vshrl.u32 v11, $0xF;
	v14 =	vld [tilespmem:s24+$0x4440]  }
0x126: {  	v15 =	vld [tilespmem:s24+$0x4450]  }
0x127: {  	v16 =	vshrl.u32 v2, $0xF;
	v17 =	vld [tilespmem:s24+$0x4460]  }
0x128: {  	[tilespmem:v3+s15+$0x0] =	vst.idx.add.s32.msk $0xffff, v1;
	v12 =	vshrl.u32 v12, $0xF  }
0x129: {  	[tilespmem:v4+s15+$0x0] =	vst.idx.add.s32.msk $0xffff, v1;
	v5 =	vshrl.u32 v5, $0xF  }
0x12a: {  	[tilespmem:v10+s15+$0x0] =	vst.idx.add.s32.msk $0xffff, v1;
	v4 =	vshrl.u32 v14, $0xF  }
0x12b: {  	[tilespmem:v6+s15+$0x0] =	vst.idx.add.s32.msk $0xffff, v1;
	v2 =	vshrl.u32 v15, $0xF  }
0x12c: {  	[tilespmem:v7+s15+$0x0] =	vst.idx.add.s32.msk $0xffff, v1;
	v3 =	vshrl.u32 v17, $0xF  }
0x12d: {  	[tilespmem:v8+s15+$0x0] =	vst.idx.add.s32.msk $0xffff, v1  }
.Ltmp4:
0x12e: {  	[tilespmem:v9+s15+$0x0] =	vst.idx.add.s32.msk $0xffff, v1;
	(pc) =	sbr.rel @p0 .LBB2_10-.Ltmp4, $4  }
0x12f: {  	[tilespmem:v13+s15+$0x0] =	vst.idx.add.s32.msk $0xffff, v1  }
0x130: {  	[tilespmem:v11+s15+$0x0] =	vst.idx.add.s32.msk $0xffff, v1  }
0x131: {  	[tilespmem:v16+s15+$0x0] =	vst.idx.add.s32.msk $0xffff, v1  }
0x132: {  	[tilespmem:v12+s15+$0x0] =	vst.idx.add.s32.msk $0xffff, v1  }
0x133: {  	_ =	sdelay $0x3  }
0x134: {  	[tilespmem:v5+s15+$0x0] =	vst.idx.add.s32.msk $0xffff, v1  }
0x135: {  	[tilespmem:v4+s15+$0x0] =	vst.idx.add.s32.msk $0xffff, v1  }
0x136: {  	[tilespmem:v2+s15+$0x0] =	vst.idx.add.s32.msk $0xffff, v1  }
0x137: {  	[tilespmem:v3+s15+$0x0] =	vst.idx.add.s32.msk $0xffff, v1;
	s21 =	simm.s32 $0x0;
	s22 =	simm.s32 $0x0  }
0x138: {  	[tilespmem:s14], [sflag:$0x2] =	stream.linear.gather [hbm4b:s9+s21], $0x4000, $0x38;
	[tilespmem:$0x18000] =	vst v63  }
0x139: {  	s23 =	sand.u32 $0x3000, s22;
	s24 =	sand.u32 $0x800, s21;
	_ =	swait.ge [sflag:s3], $0x4000  }
0x13a: {  	s25 =	sand.u32 $0x380, s21;
	s23 =	sor.u32 s24, s23;
	[sflag:s3] =	ssyncset.done $0x0  }
0x13b: {  	s23 =	sor.u32 s25, s23;
	[sflag:s3] =	ssyncadd.s32 $0xFFFFC000  }
0x13c: {  	v2 =	vld [tilespmem:s23+$0x470]  }
0x13d: {  	v3 =	vld [tilespmem:s23+$0x0]  }
0x13e: {  	v4 =	vld [tilespmem:s23+$0x10]  }
0x13f: {  	v5 =	vld [tilespmem:s23+$0x20]  }
0x140: {  	v6 =	vld [tilespmem:s23+$0x30]  }
0x141: {  	v7 =	vld [tilespmem:s23+$0x40]  }
0x142: {  	v8 =	vld [tilespmem:s23+$0x50]  }
0x143: {  	v9 =	vld [tilespmem:s23+$0x60]  }
0x144: {  	v10 =	vld [tilespmem:s23+$0x70]  }
0x145: {  	v11 =	vld [tilespmem:s23+$0x400];
	v2 =	vshrl.u32 v2, $0xF  }
0x146: {  	v12 =	vld [tilespmem:s23+$0x420]  }
0x147: {  	v13 =	vld [tilespmem:s23+$0x430]  }
0x148: {  	v14 =	vld [tilespmem:s23+$0x440];
	v3 =	vshrl.u32 v3, $0xF  }
0x149: {  	v15 =	vld [tilespmem:s23+$0x450];
	v5 =	vshrl.u32 v5, $0xF  }
0x14a: {  	v4 =	vshrl.u32 v4, $0xF;
	[tilespmem:v2+s15+$0x0] =	vst.idx.add.s32.msk $0xffff, v1  }
0x14b: {  	v6 =	vshrl.u32 v6, $0xF;
	v2 =	vld [tilespmem:s23+$0x410]  }
0x14c: {  	v16 =	vld [tilespmem:s23+$0x460];
	v7 =	vshrl.u32 v7, $0xF  }
0x14d: {  	v8 =	vshrl.u32 v8, $0xF;
	[tilespmem:v3+s15+$0x0] =	vst.idx.add.s32.msk $0xffff, v1  }
0x14e: {  	[tilespmem:v5+s15+$0x0] =	vst.idx.add.s32.msk $0xffff, v1;
	v5 =	vshrl.u32 v11, $0xF  }
0x14f: {  	[tilespmem:v4+s15+$0x0] =	vst.idx.add.s32.msk $0xffff, v1;
	v4 =	vshrl.u32 v10, $0xF  }
0x150: {  	[tilespmem:v6+s15+$0x0] =	vst.idx.add.s32.msk $0xffff, v1;
	v2 =	vshrl.u32 v2, $0xF  }
0x151: {  	v3 =	vshrl.u32 v9, $0xF;
	[tilespmem:v7+s15+$0x0] =	vst.idx.add.s32.msk $0xffff, v1  }
0x152: {  	v6 =	vshrl.u32 v12, $0xF;
	[tilespmem:v8+s15+$0x0] =	vst.idx.add.s32.msk $0xffff, v1  }
0x153: {  	[tilespmem:v5+s15+$0x0] =	vst.idx.add.s32.msk $0xffff, v1;
	v5 =	vshrl.u32 v13, $0xF  }
0x154: {  	[tilespmem:v4+s15+$0x0] =	vst.idx.add.s32.msk $0xffff, v1;
	v4 =	vshrl.u32 v14, $0xF  }
0x155: {  	[tilespmem:v2+s15+$0x0] =	vst.idx.add.s32.msk $0xffff, v1;
	v2 =	vshrl.u32 v15, $0xF  }
0x156: {  	[tilespmem:v3+s15+$0x0] =	vst.idx.add.s32.msk $0xffff, v1;
	v3 =	vshrl.u32 v16, $0xF  }
0x157: {  	s23 =	simm.s32 $0x0;
	[tilespmem:v6+s15+$0x0] =	vst.idx.add.s32.msk $0xffff, v1  }
.LBB2_12:
0x158: {  	s22 =	sadd.s32 $0x100, s22;
	[tilespmem:v5+s15+$0x0] =	vst.idx.add.s32.msk $0xffff, v1;
	s21 =	sadd.s32 $0x800, s21  }
0x159: {  	s23 =	sadd.s32 $0x40, s23;
	s24 =	sand.u32 $0x3000, s22;
	s25 =	sand.u32 $0x800, s21;
	[tilespmem:v4+s15+$0x0] =	vst.idx.add.s32.msk $0xffff, v1  }
0x15a: {  	s26 =	sand.u32 $0x380, s23;
	p0 =	slt.u32 s22, $0x3F00;
	s24 =	sor.u32 s25, s24;
	[tilespmem:v2+s15+$0x0] =	vst.idx.add.s32.msk $0xffff, v1  }
0x15b: {  	s24 =	sor.u32 s26, s24;
	[tilespmem:v3+s15+$0x0] =	vst.idx.add.s32.msk $0xffff, v1  }
0x15c: {  	v2 =	vld [tilespmem:s24+$0x470]  }
0x15d: {  	v3 =	vld [tilespmem:s24+$0x0]  }
0x15e: {  	v4 =	vld [tilespmem:s24+$0x10]  }
0x15f: {  	v5 =	vld [tilespmem:s24+$0x20]  }
0x160: {  	v6 =	vld [tilespmem:s24+$0x30]  }
0x161: {  	v7 =	vld [tilespmem:s24+$0x40];
	v2 =	vshrl.u32 v2, $0xF  }
0x162: {  	v3 =	vshrl.u32 v3, $0xF;
	v8 =	vld [tilespmem:s24+$0x50]  }
0x163: {  	v4 =	vshrl.u32 v4, $0xF;
	v9 =	vld [tilespmem:s24+$0x60]  }
0x164: {  	v10 =	vshrl.u32 v5, $0xF;
	v5 =	vld [tilespmem:s24+$0x70]  }
0x165: {  	v6 =	vshrl.u32 v6, $0xF;
	v11 =	vld [tilespmem:s24+$0x400]  }
0x166: {  	v7 =	vshrl.u32 v7, $0xF;
	[tilespmem:v2+s15+$0x0] =	vst.idx.add.s32.msk $0xffff, v1  }
0x167: {  	v8 =	vshrl.u32 v8, $0xF;
	v2 =	vld [tilespmem:s24+$0x410]  }
0x168: {  	v9 =	vshrl.u32 v9, $0xF;
	v12 =	vld [tilespmem:s24+$0x420]  }
0x169: {  	v13 =	vshrl.u32 v5, $0xF;
	v5 =	vld [tilespmem:s24+$0x430]  }
0x16a: {  	v11 =	vshrl.u32 v11, $0xF;
	v14 =	vld [tilespmem:s24+$0x440]  }
0x16b: {  	v15 =	vld [tilespmem:s24+$0x450]  }
0x16c: {  	v16 =	vshrl.u32 v2, $0xF;
	v17 =	vld [tilespmem:s24+$0x460]  }
0x16d: {  	[tilespmem:v3+s15+$0x0] =	vst.idx.add.s32.msk $0xffff, v1;
	v12 =	vshrl.u32 v12, $0xF  }
0x16e: {  	[tilespmem:v4+s15+$0x0] =	vst.idx.add.s32.msk $0xffff, v1;
	v5 =	vshrl.u32 v5, $0xF  }
0x16f: {  	[tilespmem:v10+s15+$0x0] =	vst.idx.add.s32.msk $0xffff, v1;
	v4 =	vshrl.u32 v14, $0xF  }
0x170: {  	[tilespmem:v6+s15+$0x0] =	vst.idx.add.s32.msk $0xffff, v1;
	v2 =	vshrl.u32 v15, $0xF  }
0x171: {  	[tilespmem:v7+s15+$0x0] =	vst.idx.add.s32.msk $0xffff, v1;
	v3 =	vshrl.u32 v17, $0xF  }
0x172: {  	[tilespmem:v8+s15+$0x0] =	vst.idx.add.s32.msk $0xffff, v1  }
.Ltmp5:
0x173: {  	[tilespmem:v9+s15+$0x0] =	vst.idx.add.s32.msk $0xffff, v1;
	(pc) =	sbr.rel @p0 .LBB2_12-.Ltmp5, $4  }
0x174: {  	[tilespmem:v13+s15+$0x0] =	vst.idx.add.s32.msk $0xffff, v1  }
0x175: {  	[tilespmem:v11+s15+$0x0] =	vst.idx.add.s32.msk $0xffff, v1  }
0x176: {  	[tilespmem:v16+s15+$0x0] =	vst.idx.add.s32.msk $0xffff, v1  }
0x177: {  	[tilespmem:v12+s15+$0x0] =	vst.idx.add.s32.msk $0xffff, v1  }
0x178: {  	_ =	sdelay $0x3  }
0x179: {  	[tilespmem:v5+s15+$0x0] =	vst.idx.add.s32.msk $0xffff, v1  }
0x17a: {  	[tilespmem:v4+s15+$0x0] =	vst.idx.add.s32.msk $0xffff, v1  }
0x17b: {  	[tilespmem:v2+s15+$0x0] =	vst.idx.add.s32.msk $0xffff, v1  }
0x17c: {  	[tilespmem:v3+s15+$0x0] =	vst.idx.add.s32.msk $0xffff, v1;
	s21 =	simm.s32 $0x0;
	s22 =	simm.s32 $0x0  }
0x17d: {  	[tilespmem:s21], [sflag:$0x1] =	stream.linear.gather [hbm4b:s10+s21], $0x4000, $0x38;
	[tilespmem:$0x18000] =	vst v63  }
0x17e: {  	s23 =	sand.u32 $0x3000, s22;
	s24 =	sand.u32 $0x800, s21;
	_ =	swait.ge [sflag:s16], $0x4000  }
0x17f: {  	s25 =	sand.u32 $0x380, s21;
	s23 =	sor.u32 s24, s23;
	[sflag:s16] =	ssyncset.done $0x0  }
0x180: {  	s23 =	sor.u32 s25, s23;
	[sflag:s16] =	ssyncadd.s32 $0xFFFFC000  }
0x181: {  	v2 =	vld [tilespmem:s23+$0x4470]  }
0x182: {  	v3 =	vld [tilespmem:s23+$0x4000]  }
0x183: {  	v4 =	vld [tilespmem:s23+$0x4010]  }
0x184: {  	v5 =	vld [tilespmem:s23+$0x4020]  }
0x185: {  	v6 =	vld [tilespmem:s23+$0x4030]  }
0x186: {  	v7 =	vld [tilespmem:s23+$0x4040]  }
0x187: {  	v8 =	vld [tilespmem:s23+$0x4050]  }
0x188: {  	v9 =	vld [tilespmem:s23+$0x4060]  }
0x189: {  	v10 =	vld [tilespmem:s23+$0x4070]  }
0x18a: {  	v11 =	vld [tilespmem:s23+$0x4400];
	v2 =	vshrl.u32 v2, $0xF  }
0x18b: {  	v12 =	vld [tilespmem:s23+$0x4420]  }
0x18c: {  	v13 =	vld [tilespmem:s23+$0x4430]  }
0x18d: {  	v14 =	vld [tilespmem:s23+$0x4440];
	v3 =	vshrl.u32 v3, $0xF  }
0x18e: {  	v15 =	vld [tilespmem:s23+$0x4450];
	v5 =	vshrl.u32 v5, $0xF  }
0x18f: {  	v4 =	vshrl.u32 v4, $0xF;
	[tilespmem:v2+s15+$0x0] =	vst.idx.add.s32.msk $0xffff, v1  }
0x190: {  	v6 =	vshrl.u32 v6, $0xF;
	v2 =	vld [tilespmem:s23+$0x4410]  }
0x191: {  	v16 =	vld [tilespmem:s23+$0x4460];
	v7 =	vshrl.u32 v7, $0xF  }
0x192: {  	v8 =	vshrl.u32 v8, $0xF;
	[tilespmem:v3+s15+$0x0] =	vst.idx.add.s32.msk $0xffff, v1  }
0x193: {  	[tilespmem:v5+s15+$0x0] =	vst.idx.add.s32.msk $0xffff, v1;
	v5 =	vshrl.u32 v11, $0xF  }
0x194: {  	[tilespmem:v4+s15+$0x0] =	vst.idx.add.s32.msk $0xffff, v1;
	v4 =	vshrl.u32 v10, $0xF  }
0x195: {  	[tilespmem:v6+s15+$0x0] =	vst.idx.add.s32.msk $0xffff, v1;
	v2 =	vshrl.u32 v2, $0xF  }
0x196: {  	v3 =	vshrl.u32 v9, $0xF;
	[tilespmem:v7+s15+$0x0] =	vst.idx.add.s32.msk $0xffff, v1  }
0x197: {  	v6 =	vshrl.u32 v12, $0xF;
	[tilespmem:v8+s15+$0x0] =	vst.idx.add.s32.msk $0xffff, v1  }
0x198: {  	[tilespmem:v5+s15+$0x0] =	vst.idx.add.s32.msk $0xffff, v1;
	v5 =	vshrl.u32 v13, $0xF  }
0x199: {  	[tilespmem:v4+s15+$0x0] =	vst.idx.add.s32.msk $0xffff, v1;
	v4 =	vshrl.u32 v14, $0xF  }
0x19a: {  	[tilespmem:v2+s15+$0x0] =	vst.idx.add.s32.msk $0xffff, v1;
	v2 =	vshrl.u32 v15, $0xF  }
0x19b: {  	[tilespmem:v3+s15+$0x0] =	vst.idx.add.s32.msk $0xffff, v1;
	v3 =	vshrl.u32 v16, $0xF  }
0x19c: {  	s23 =	simm.s32 $0x0;
	[tilespmem:v6+s15+$0x0] =	vst.idx.add.s32.msk $0xffff, v1  }
.LBB2_14:
0x19d: {  	s22 =	sadd.s32 $0x100, s22;
	[tilespmem:v5+s15+$0x0] =	vst.idx.add.s32.msk $0xffff, v1;
	s21 =	sadd.s32 $0x800, s21  }
0x19e: {  	s23 =	sadd.s32 $0x40, s23;
	s24 =	sand.u32 $0x3000, s22;
	s25 =	sand.u32 $0x800, s21;
	[tilespmem:v4+s15+$0x0] =	vst.idx.add.s32.msk $0xffff, v1  }
0x19f: {  	s26 =	sand.u32 $0x380, s23;
	p0 =	slt.u32 s22, $0x3F00;
	s24 =	sor.u32 s25, s24;
	[tilespmem:v2+s15+$0x0] =	vst.idx.add.s32.msk $0xffff, v1  }
0x1a0: {  	s24 =	sor.u32 s26, s24;
	[tilespmem:v3+s15+$0x0] =	vst.idx.add.s32.msk $0xffff, v1  }
0x1a1: {  	v2 =	vld [tilespmem:s24+$0x4470]  }
0x1a2: {  	v3 =	vld [tilespmem:s24+$0x4000]  }
0x1a3: {  	v4 =	vld [tilespmem:s24+$0x4010]  }
0x1a4: {  	v5 =	vld [tilespmem:s24+$0x4020]  }
0x1a5: {  	v6 =	vld [tilespmem:s24+$0x4030]  }
0x1a6: {  	v7 =	vld [tilespmem:s24+$0x4040];
	v2 =	vshrl.u32 v2, $0xF  }
0x1a7: {  	v3 =	vshrl.u32 v3, $0xF;
	v8 =	vld [tilespmem:s24+$0x4050]  }
0x1a8: {  	v4 =	vshrl.u32 v4, $0xF;
	v9 =	vld [tilespmem:s24+$0x4060]  }
0x1a9: {  	v10 =	vshrl.u32 v5, $0xF;
	v5 =	vld [tilespmem:s24+$0x4070]  }
0x1aa: {  	v6 =	vshrl.u32 v6, $0xF;
	v11 =	vld [tilespmem:s24+$0x4400]  }
0x1ab: {  	v7 =	vshrl.u32 v7, $0xF;
	[tilespmem:v2+s15+$0x0] =	vst.idx.add.s32.msk $0xffff, v1  }
0x1ac: {  	v8 =	vshrl.u32 v8, $0xF;
	v2 =	vld [tilespmem:s24+$0x4410]  }
0x1ad: {  	v9 =	vshrl.u32 v9, $0xF;
	v12 =	vld [tilespmem:s24+$0x4420]  }
0x1ae: {  	v13 =	vshrl.u32 v5, $0xF;
	v5 =	vld [tilespmem:s24+$0x4430]  }
0x1af: {  	v11 =	vshrl.u32 v11, $0xF;
	v14 =	vld [tilespmem:s24+$0x4440]  }
0x1b0: {  	v15 =	vld [tilespmem:s24+$0x4450]  }
0x1b1: {  	v16 =	vshrl.u32 v2, $0xF;
	v17 =	vld [tilespmem:s24+$0x4460]  }
0x1b2: {  	[tilespmem:v3+s15+$0x0] =	vst.idx.add.s32.msk $0xffff, v1;
	v12 =	vshrl.u32 v12, $0xF  }
0x1b3: {  	[tilespmem:v4+s15+$0x0] =	vst.idx.add.s32.msk $0xffff, v1;
	v5 =	vshrl.u32 v5, $0xF  }
0x1b4: {  	[tilespmem:v10+s15+$0x0] =	vst.idx.add.s32.msk $0xffff, v1;
	v4 =	vshrl.u32 v14, $0xF  }
0x1b5: {  	[tilespmem:v6+s15+$0x0] =	vst.idx.add.s32.msk $0xffff, v1;
	v2 =	vshrl.u32 v15, $0xF  }
0x1b6: {  	[tilespmem:v7+s15+$0x0] =	vst.idx.add.s32.msk $0xffff, v1;
	v3 =	vshrl.u32 v17, $0xF  }
0x1b7: {  	[tilespmem:v8+s15+$0x0] =	vst.idx.add.s32.msk $0xffff, v1  }
.Ltmp6:
0x1b8: {  	[tilespmem:v9+s15+$0x0] =	vst.idx.add.s32.msk $0xffff, v1;
	(pc) =	sbr.rel @p0 .LBB2_14-.Ltmp6, $4  }
0x1b9: {  	[tilespmem:v13+s15+$0x0] =	vst.idx.add.s32.msk $0xffff, v1  }
0x1ba: {  	[tilespmem:v11+s15+$0x0] =	vst.idx.add.s32.msk $0xffff, v1  }
0x1bb: {  	[tilespmem:v16+s15+$0x0] =	vst.idx.add.s32.msk $0xffff, v1  }
0x1bc: {  	[tilespmem:v12+s15+$0x0] =	vst.idx.add.s32.msk $0xffff, v1  }
0x1bd: {  	_ =	sdelay $0x3  }
0x1be: {  	[tilespmem:v5+s15+$0x0] =	vst.idx.add.s32.msk $0xffff, v1  }
0x1bf: {  	[tilespmem:v4+s15+$0x0] =	vst.idx.add.s32.msk $0xffff, v1  }
0x1c0: {  	[tilespmem:v2+s15+$0x0] =	vst.idx.add.s32.msk $0xffff, v1  }
0x1c1: {  	[tilespmem:v3+s15+$0x0] =	vst.idx.add.s32.msk $0xffff, v1;
	s21 =	simm.s32 $0x0;
	s22 =	simm.s32 $0x0  }
0x1c2: {  	[tilespmem:s14], [sflag:$0x2] =	stream.linear.gather [hbm4b:s11+s21], $0x4000, $0x38;
	[tilespmem:$0x18000] =	vst v63  }
0x1c3: {  	s23 =	sand.u32 $0x3000, s22;
	s24 =	sand.u32 $0x800, s21;
	_ =	swait.ge [sflag:s3], $0x4000  }
0x1c4: {  	s25 =	sand.u32 $0x380, s21;
	s23 =	sor.u32 s24, s23;
	[sflag:s3] =	ssyncset.done $0x0  }
0x1c5: {  	s23 =	sor.u32 s25, s23;
	[sflag:s3] =	ssyncadd.s32 $0xFFFFC000  }
0x1c6: {  	v2 =	vld [tilespmem:s23+$0x470]  }
0x1c7: {  	v3 =	vld [tilespmem:s23+$0x0]  }
0x1c8: {  	v4 =	vld [tilespmem:s23+$0x10]  }
0x1c9: {  	v5 =	vld [tilespmem:s23+$0x20]  }
0x1ca: {  	v6 =	vld [tilespmem:s23+$0x30]  }
0x1cb: {  	v7 =	vld [tilespmem:s23+$0x40]  }
0x1cc: {  	v8 =	vld [tilespmem:s23+$0x50]  }
0x1cd: {  	v9 =	vld [tilespmem:s23+$0x60]  }
0x1ce: {  	v10 =	vld [tilespmem:s23+$0x70]  }
0x1cf: {  	v11 =	vld [tilespmem:s23+$0x400];
	v2 =	vshrl.u32 v2, $0xF  }
0x1d0: {  	v12 =	vld [tilespmem:s23+$0x420]  }
0x1d1: {  	v13 =	vld [tilespmem:s23+$0x430]  }
0x1d2: {  	v14 =	vld [tilespmem:s23+$0x440];
	v3 =	vshrl.u32 v3, $0xF  }
0x1d3: {  	v15 =	vld [tilespmem:s23+$0x450];
	v5 =	vshrl.u32 v5, $0xF  }
0x1d4: {  	v4 =	vshrl.u32 v4, $0xF;
	[tilespmem:v2+s15+$0x0] =	vst.idx.add.s32.msk $0xffff, v1  }
0x1d5: {  	v6 =	vshrl.u32 v6, $0xF;
	v2 =	vld [tilespmem:s23+$0x410]  }
0x1d6: {  	v16 =	vld [tilespmem:s23+$0x460];
	v7 =	vshrl.u32 v7, $0xF  }
0x1d7: {  	v8 =	vshrl.u32 v8, $0xF;
	[tilespmem:v3+s15+$0x0] =	vst.idx.add.s32.msk $0xffff, v1  }
0x1d8: {  	[tilespmem:v5+s15+$0x0] =	vst.idx.add.s32.msk $0xffff, v1;
	v5 =	vshrl.u32 v11, $0xF  }
0x1d9: {  	[tilespmem:v4+s15+$0x0] =	vst.idx.add.s32.msk $0xffff, v1;
	v4 =	vshrl.u32 v10, $0xF  }
0x1da: {  	[tilespmem:v6+s15+$0x0] =	vst.idx.add.s32.msk $0xffff, v1;
	v2 =	vshrl.u32 v2, $0xF  }
0x1db: {  	v3 =	vshrl.u32 v9, $0xF;
	[tilespmem:v7+s15+$0x0] =	vst.idx.add.s32.msk $0xffff, v1  }
0x1dc: {  	v6 =	vshrl.u32 v12, $0xF;
	[tilespmem:v8+s15+$0x0] =	vst.idx.add.s32.msk $0xffff, v1  }
0x1dd: {  	[tilespmem:v5+s15+$0x0] =	vst.idx.add.s32.msk $0xffff, v1;
	v5 =	vshrl.u32 v13, $0xF  }
0x1de: {  	[tilespmem:v4+s15+$0x0] =	vst.idx.add.s32.msk $0xffff, v1;
	v4 =	vshrl.u32 v14, $0xF  }
0x1df: {  	[tilespmem:v2+s15+$0x0] =	vst.idx.add.s32.msk $0xffff, v1;
	v2 =	vshrl.u32 v15, $0xF  }
0x1e0: {  	[tilespmem:v3+s15+$0x0] =	vst.idx.add.s32.msk $0xffff, v1;
	v3 =	vshrl.u32 v16, $0xF  }
0x1e1: {  	s23 =	simm.s32 $0x0;
	[tilespmem:v6+s15+$0x0] =	vst.idx.add.s32.msk $0xffff, v1  }
.LBB2_16:
0x1e2: {  	s22 =	sadd.s32 $0x100, s22;
	[tilespmem:v5+s15+$0x0] =	vst.idx.add.s32.msk $0xffff, v1;
	s21 =	sadd.s32 $0x800, s21  }
0x1e3: {  	s23 =	sadd.s32 $0x40, s23;
	s24 =	sand.u32 $0x3000, s22;
	s25 =	sand.u32 $0x800, s21;
	[tilespmem:v4+s15+$0x0] =	vst.idx.add.s32.msk $0xffff, v1  }
0x1e4: {  	s26 =	sand.u32 $0x380, s23;
	p0 =	slt.u32 s22, $0x3F00;
	s24 =	sor.u32 s25, s24;
	[tilespmem:v2+s15+$0x0] =	vst.idx.add.s32.msk $0xffff, v1  }
0x1e5: {  	s24 =	sor.u32 s26, s24;
	[tilespmem:v3+s15+$0x0] =	vst.idx.add.s32.msk $0xffff, v1  }
0x1e6: {  	v2 =	vld [tilespmem:s24+$0x470]  }
0x1e7: {  	v3 =	vld [tilespmem:s24+$0x0]  }
0x1e8: {  	v4 =	vld [tilespmem:s24+$0x10]  }
0x1e9: {  	v5 =	vld [tilespmem:s24+$0x20]  }
0x1ea: {  	v6 =	vld [tilespmem:s24+$0x30]  }
0x1eb: {  	v7 =	vld [tilespmem:s24+$0x40];
	v2 =	vshrl.u32 v2, $0xF  }
0x1ec: {  	v3 =	vshrl.u32 v3, $0xF;
	v8 =	vld [tilespmem:s24+$0x50]  }
0x1ed: {  	v4 =	vshrl.u32 v4, $0xF;
	v9 =	vld [tilespmem:s24+$0x60]  }
0x1ee: {  	v10 =	vshrl.u32 v5, $0xF;
	v5 =	vld [tilespmem:s24+$0x70]  }
0x1ef: {  	v6 =	vshrl.u32 v6, $0xF;
	v11 =	vld [tilespmem:s24+$0x400]  }
0x1f0: {  	v7 =	vshrl.u32 v7, $0xF;
	[tilespmem:v2+s15+$0x0] =	vst.idx.add.s32.msk $0xffff, v1  }
0x1f1: {  	v8 =	vshrl.u32 v8, $0xF;
	v2 =	vld [tilespmem:s24+$0x410]  }
0x1f2: {  	v9 =	vshrl.u32 v9, $0xF;
	v12 =	vld [tilespmem:s24+$0x420]  }
0x1f3: {  	v13 =	vshrl.u32 v5, $0xF;
	v5 =	vld [tilespmem:s24+$0x430]  }
0x1f4: {  	v11 =	vshrl.u32 v11, $0xF;
	v14 =	vld [tilespmem:s24+$0x440]  }
0x1f5: {  	v15 =	vld [tilespmem:s24+$0x450]  }
0x1f6: {  	v16 =	vshrl.u32 v2, $0xF;
	v17 =	vld [tilespmem:s24+$0x460]  }
0x1f7: {  	[tilespmem:v3+s15+$0x0] =	vst.idx.add.s32.msk $0xffff, v1;
	v12 =	vshrl.u32 v12, $0xF  }
0x1f8: {  	[tilespmem:v4+s15+$0x0] =	vst.idx.add.s32.msk $0xffff, v1;
	v5 =	vshrl.u32 v5, $0xF  }
0x1f9: {  	[tilespmem:v10+s15+$0x0] =	vst.idx.add.s32.msk $0xffff, v1;
	v4 =	vshrl.u32 v14, $0xF  }
0x1fa: {  	[tilespmem:v6+s15+$0x0] =	vst.idx.add.s32.msk $0xffff, v1;
	v2 =	vshrl.u32 v15, $0xF  }
0x1fb: {  	[tilespmem:v7+s15+$0x0] =	vst.idx.add.s32.msk $0xffff, v1;
	v3 =	vshrl.u32 v17, $0xF  }
0x1fc: {  	[tilespmem:v8+s15+$0x0] =	vst.idx.add.s32.msk $0xffff, v1  }
.Ltmp7:
0x1fd: {  	[tilespmem:v9+s15+$0x0] =	vst.idx.add.s32.msk $0xffff, v1;
	(pc) =	sbr.rel @p0 .LBB2_16-.Ltmp7, $4  }
0x1fe: {  	[tilespmem:v13+s15+$0x0] =	vst.idx.add.s32.msk $0xffff, v1  }
0x1ff: {  	[tilespmem:v11+s15+$0x0] =	vst.idx.add.s32.msk $0xffff, v1  }
0x200: {  	[tilespmem:v16+s15+$0x0] =	vst.idx.add.s32.msk $0xffff, v1  }
0x201: {  	[tilespmem:v12+s15+$0x0] =	vst.idx.add.s32.msk $0xffff, v1  }
0x202: {  	_ =	sdelay $0x3  }
0x203: {  	[tilespmem:v5+s15+$0x0] =	vst.idx.add.s32.msk $0xffff, v1  }
0x204: {  	[tilespmem:v4+s15+$0x0] =	vst.idx.add.s32.msk $0xffff, v1  }
0x205: {  	[tilespmem:v2+s15+$0x0] =	vst.idx.add.s32.msk $0xffff, v1  }
0x206: {  	[tilespmem:v3+s15+$0x0] =	vst.idx.add.s32.msk $0xffff, v1;
	s21 =	simm.s32 $0x0;
	s22 =	simm.s32 $0x0  }
0x207: {  	_ =	swait.ge [sflag:s16], $0x4000;
	s23 =	sand.u32 $0x3000, s22;
	s24 =	sand.u32 $0x800, s21  }
0x208: {  	s25 =	sand.u32 $0x380, s21;
	[sflag:s16] =	ssyncset.done $0x0;
	s23 =	sor.u32 s24, s23  }
0x209: {  	[sflag:s16] =	ssyncadd.s32 $0xFFFFC000;
	s23 =	sor.u32 s25, s23  }
0x20a: {  	v2 =	vld [tilespmem:s23+$0x4470]  }
0x20b: {  	v3 =	vld [tilespmem:s23+$0x4000]  }
0x20c: {  	v4 =	vld [tilespmem:s23+$0x4010]  }
0x20d: {  	v5 =	vld [tilespmem:s23+$0x4020]  }
0x20e: {  	v6 =	vld [tilespmem:s23+$0x4030]  }
0x20f: {  	v7 =	vld [tilespmem:s23+$0x4040]  }
0x210: {  	v8 =	vld [tilespmem:s23+$0x4050]  }
0x211: {  	v9 =	vld [tilespmem:s23+$0x4060]  }
0x212: {  	v10 =	vld [tilespmem:s23+$0x4070]  }
0x213: {  	v11 =	vld [tilespmem:s23+$0x4400];
	v2 =	vshrl.u32 v2, $0xF  }
0x214: {  	v12 =	vld [tilespmem:s23+$0x4420]  }
0x215: {  	v13 =	vld [tilespmem:s23+$0x4430]  }
0x216: {  	v14 =	vld [tilespmem:s23+$0x4440];
	v3 =	vshrl.u32 v3, $0xF  }
0x217: {  	v15 =	vld [tilespmem:s23+$0x4450];
	v5 =	vshrl.u32 v5, $0xF  }
0x218: {  	v4 =	vshrl.u32 v4, $0xF;
	[tilespmem:v2+s15+$0x0] =	vst.idx.add.s32.msk $0xffff, v1  }
0x219: {  	v6 =	vshrl.u32 v6, $0xF;
	v2 =	vld [tilespmem:s23+$0x4410]  }
0x21a: {  	v16 =	vld [tilespmem:s23+$0x4460];
	v7 =	vshrl.u32 v7, $0xF  }
0x21b: {  	v8 =	vshrl.u32 v8, $0xF;
	[tilespmem:v3+s15+$0x0] =	vst.idx.add.s32.msk $0xffff, v1  }
0x21c: {  	[tilespmem:v5+s15+$0x0] =	vst.idx.add.s32.msk $0xffff, v1;
	v5 =	vshrl.u32 v11, $0xF  }
0x21d: {  	[tilespmem:v4+s15+$0x0] =	vst.idx.add.s32.msk $0xffff, v1;
	v4 =	vshrl.u32 v10, $0xF  }
0x21e: {  	[tilespmem:v6+s15+$0x0] =	vst.idx.add.s32.msk $0xffff, v1;
	v2 =	vshrl.u32 v2, $0xF  }
0x21f: {  	v3 =	vshrl.u32 v9, $0xF;
	[tilespmem:v7+s15+$0x0] =	vst.idx.add.s32.msk $0xffff, v1  }
0x220: {  	v6 =	vshrl.u32 v12, $0xF;
	[tilespmem:v8+s15+$0x0] =	vst.idx.add.s32.msk $0xffff, v1  }
0x221: {  	[tilespmem:v5+s15+$0x0] =	vst.idx.add.s32.msk $0xffff, v1;
	v5 =	vshrl.u32 v13, $0xF  }
0x222: {  	[tilespmem:v4+s15+$0x0] =	vst.idx.add.s32.msk $0xffff, v1;
	v4 =	vshrl.u32 v14, $0xF  }
0x223: {  	[tilespmem:v2+s15+$0x0] =	vst.idx.add.s32.msk $0xffff, v1;
	v2 =	vshrl.u32 v15, $0xF  }
0x224: {  	[tilespmem:v3+s15+$0x0] =	vst.idx.add.s32.msk $0xffff, v1;
	v3 =	vshrl.u32 v16, $0xF  }
0x225: {  	s23 =	simm.s32 $0x0;
	[tilespmem:v6+s15+$0x0] =	vst.idx.add.s32.msk $0xffff, v1  }
.LBB2_18:
0x226: {  	s22 =	sadd.s32 $0x100, s22;
	[tilespmem:v5+s15+$0x0] =	vst.idx.add.s32.msk $0xffff, v1;
	s21 =	sadd.s32 $0x800, s21  }
0x227: {  	s23 =	sadd.s32 $0x40, s23;
	s24 =	sand.u32 $0x3000, s22;
	s25 =	sand.u32 $0x800, s21;
	[tilespmem:v4+s15+$0x0] =	vst.idx.add.s32.msk $0xffff, v1  }
0x228: {  	s26 =	sand.u32 $0x380, s23;
	p0 =	slt.u32 s22, $0x3F00;
	s24 =	sor.u32 s25, s24;
	[tilespmem:v2+s15+$0x0] =	vst.idx.add.s32.msk $0xffff, v1  }
0x229: {  	s24 =	sor.u32 s26, s24;
	[tilespmem:v3+s15+$0x0] =	vst.idx.add.s32.msk $0xffff, v1  }
0x22a: {  	v2 =	vld [tilespmem:s24+$0x4470]  }
0x22b: {  	v3 =	vld [tilespmem:s24+$0x4000]  }
0x22c: {  	v4 =	vld [tilespmem:s24+$0x4010]  }
0x22d: {  	v5 =	vld [tilespmem:s24+$0x4020]  }
0x22e: {  	v6 =	vld [tilespmem:s24+$0x4030]  }
0x22f: {  	v7 =	vld [tilespmem:s24+$0x4040];
	v2 =	vshrl.u32 v2, $0xF  }
0x230: {  	v3 =	vshrl.u32 v3, $0xF;
	v8 =	vld [tilespmem:s24+$0x4050]  }
0x231: {  	v4 =	vshrl.u32 v4, $0xF;
	v9 =	vld [tilespmem:s24+$0x4060]  }
0x232: {  	v10 =	vshrl.u32 v5, $0xF;
	v5 =	vld [tilespmem:s24+$0x4070]  }
0x233: {  	v6 =	vshrl.u32 v6, $0xF;
	v11 =	vld [tilespmem:s24+$0x4400]  }
0x234: {  	v7 =	vshrl.u32 v7, $0xF;
	[tilespmem:v2+s15+$0x0] =	vst.idx.add.s32.msk $0xffff, v1  }
0x235: {  	v8 =	vshrl.u32 v8, $0xF;
	v2 =	vld [tilespmem:s24+$0x4410]  }
0x236: {  	v9 =	vshrl.u32 v9, $0xF;
	v12 =	vld [tilespmem:s24+$0x4420]  }
0x237: {  	v13 =	vshrl.u32 v5, $0xF;
	v5 =	vld [tilespmem:s24+$0x4430]  }
0x238: {  	v11 =	vshrl.u32 v11, $0xF;
	v14 =	vld [tilespmem:s24+$0x4440]  }
0x239: {  	v15 =	vld [tilespmem:s24+$0x4450]  }
0x23a: {  	v16 =	vshrl.u32 v2, $0xF;
	v17 =	vld [tilespmem:s24+$0x4460]  }
0x23b: {  	[tilespmem:v3+s15+$0x0] =	vst.idx.add.s32.msk $0xffff, v1;
	v12 =	vshrl.u32 v12, $0xF  }
0x23c: {  	[tilespmem:v4+s15+$0x0] =	vst.idx.add.s32.msk $0xffff, v1;
	v5 =	vshrl.u32 v5, $0xF  }
0x23d: {  	[tilespmem:v10+s15+$0x0] =	vst.idx.add.s32.msk $0xffff, v1;
	v4 =	vshrl.u32 v14, $0xF  }
0x23e: {  	[tilespmem:v6+s15+$0x0] =	vst.idx.add.s32.msk $0xffff, v1;
	v2 =	vshrl.u32 v15, $0xF  }
0x23f: {  	[tilespmem:v7+s15+$0x0] =	vst.idx.add.s32.msk $0xffff, v1;
	v3 =	vshrl.u32 v17, $0xF  }
0x240: {  	[tilespmem:v8+s15+$0x0] =	vst.idx.add.s32.msk $0xffff, v1  }
.Ltmp8:
0x241: {  	[tilespmem:v9+s15+$0x0] =	vst.idx.add.s32.msk $0xffff, v1;
	(pc) =	sbr.rel @p0 .LBB2_18-.Ltmp8, $4  }
0x242: {  	[tilespmem:v13+s15+$0x0] =	vst.idx.add.s32.msk $0xffff, v1  }
0x243: {  	[tilespmem:v11+s15+$0x0] =	vst.idx.add.s32.msk $0xffff, v1  }
0x244: {  	[tilespmem:v16+s15+$0x0] =	vst.idx.add.s32.msk $0xffff, v1  }
0x245: {  	[tilespmem:v12+s15+$0x0] =	vst.idx.add.s32.msk $0xffff, v1  }
0x246: {  	_ =	sdelay $0x3  }
0x247: {  	[tilespmem:v5+s15+$0x0] =	vst.idx.add.s32.msk $0xffff, v1  }
0x248: {  	[tilespmem:v4+s15+$0x0] =	vst.idx.add.s32.msk $0xffff, v1;
	s20 =	sadd.s32 $0x1, s20  }
0x249: {  	[tilespmem:v2+s15+$0x0] =	vst.idx.add.s32.msk $0xffff, v1;
	p0 =	sne.s32 s20, s13  }
.Ltmp9:
0x24a: {  	[tilespmem:v3+s15+$0x0] =	vst.idx.add.s32.msk $0xffff, v1;
	(pc) =	sbr.rel @p0 .LBB2_1-.Ltmp9, $4  }
0x24b: {  	[hbm4b:s12+s17] =	stream.strided.scatter [tilespmem:s15], [sflag:$0x3], $0x10000, s18, s17, $0x38;
	[tilespmem:$0x18000] =	vst v63  }
0x24c: {  	_ =	swait.ge [sflag:s19], $0x10000  }
0x24d: {  	[sflag:s19] =	ssyncset.done $0x0  }
0x24e: {  	[sflag:s19] =	ssyncadd.s32 $0xFFFF0000  }
0x24f: {  	_ =	sfence.sel $0x180000  }
0x250: {  	[bflag:$0x0] =	sbarrier.arrive $0xFFFF  }
0x251: {  	p0 =	sne.s32 s0, $0x0;
	_ =	strace $0x90000047  }
0x252: {  	s0 =	sadd.s32 @!p0 $0x100000, s1;
	[bflag:$0x2] =	sbarrier.arrive $0xFFFF  }
0x253: {  	[sflag:s0] =	ssyncadd.tile.s32 @!p0 $0x1;
	_ =	shalt  }
.Lfunc_end2:
_tile_overlayer_lowered:
.L_overlay_start_2:
0x254: {  	(tag) =	ssettag $0x2  }
0x255: {  	s0 =	rddreg [dreg:$0x0];
	s2 =	stileid.u32  }
0x256: {  	s1 =	rddreg [dreg:$0x1];
	p0 =	sne.s32 s2, $0x0  }
0x257: {  	s3 =	rddreg [dreg:$0x2];
	[bflag:$0x3] =	sbarrier.arrive $0xFFFF;
	s2 =	simm.s32 @!p0 $0x1C03  }
0x258: {  	[timem:s3], [sflag:s2] =	dma.local @!p0 [hbm:s0], s1  }
0x259: {  	s0 =	simm.s32 @!p0 $0x3  }
0x25a: {  	_ =	swait.ge @!p0 [sflag:s0], s1  }
0x25b: {  	s1 =	ssub.s32 @!p0 $0x0, s1;
	[sflag:s0] =	ssyncset.done @!p0 $0x0  }
0x25c: {  	[sflag:s0] =	ssyncadd.s32 @!p0 s1  }
0x25d: {  	[bflag:$0x3] =	sbarrier.arrive $0xFFFF  }
0x25e: {  	_ =	shalt  }

</sc_bundles>
